<compile_context>
chip_gen: v7x
topology: tpu7x:2x2x1
jax: 0.10.2.dev20260603
libtpu: 0.0.44.dev20260713+nightly
codegen_flags: <defaults>
</compile_context>

<pallas_src>
import jax
import jax.numpy as jnp
from jax import lax
from jax.experimental import pallas as pl
from jax.experimental.pallas import tpu as pltpu
from jax.experimental.pallas import tpu_sc as plsc

_B = 1024
_C = 19
_NC = 2
_NW = 32
_S = _B + 8
_TBL = 2 * _C * _S
_R = 4


def _sc_body(x_hbm, t_hbm, out_hbm, xs0, ts0, xs1, ts1, sem0, sem1, table):
    n_img, c_img, h_img, w_img = x_hbm.shape
    nvec = (_R * w_img) // 16
    kpr = w_img // 16
    hb_per_img = h_img // _R
    per_w = (n_img * hb_per_img) // _NW
    nhalf = per_w // 2

    wid = lax.axis_index("s") * _NC + lax.axis_index("c")

    def zero(i, carry):
        table[pl.ds(i * 16, 16)] = jnp.zeros((16,), jnp.float32)
        return carry

    lax.fori_loop(0, _TBL // 16, zero, 0)

    ones = jnp.ones((16,), jnp.float32)

    def start_chunk(cid, xs, ts, sem):
        n = cid // hb_per_img
        h0 = (cid % hb_per_img) * _R
        for c in range(_C):
            pltpu.async_copy(x_hbm.at[n, c, pl.ds(h0, _R), :], xs.at[c], sem)
        pltpu.async_copy(t_hbm.at[n, pl.ds(h0, _R), :], ts, sem)

    def drain_chunk(xs, ts, sem):
        for c in range(_C):
            pltpu.make_async_copy(
                x_hbm.at[0, c, pl.ds(0, _R), :], xs.at[c], sem).wait()
        pltpu.make_async_copy(t_hbm.at[0, pl.ds(0, _R), :], ts, sem).wait()

    def process(xs, ts):
        lanes = lax.iota(jnp.int32, 16)

        @plsc.parallel_loop(0, nvec, 1, unroll=1)
        def vb(j):
            r = j // kpr
            k = (j % kpr) * 16
            t = ts[r, pl.ds(k, 16)]
            es = []
            s = None
            for c in range(_C):
                e = jnp.exp(xs[c, r, pl.ds(k, 16)])
                es.append(e)
                s = e if s is None else s + e
            rs = 1.0 / s
            for c in range(_C):
                p = es[c] * rs
                isfg = t == c
                e = jnp.where(isfg, 1.0 - p, p)
                b = (e * _B).astype(jnp.int32)
                plsc.addupdate_scatter(table, [b + (c * _S)], ones)
            xt = plsc.load_gather(xs, [t, jnp.full((16,), r, jnp.int32),
                                       k + lanes])
            pt = jnp.exp(xt) * rs
            bfg = ((1.0 - pt) * _B).astype(jnp.int32)
            plsc.addupdate_scatter(table, [bfg + t * _S + (_C * _S)], ones)

    base = wid * per_w
    start_chunk(base, xs0, ts0, sem0)

    def pair(i, carry):
        c0 = base + 2 * i
        start_chunk(c0 + 1, xs1, ts1, sem1)
        drain_chunk(xs0, ts0, sem0)
        process(xs0, ts0)

        @pl.when(i + 1 < nhalf)
        def _():
            start_chunk(c0 + 2, xs0, ts0, sem0)

        drain_chunk(xs1, ts1, sem1)
        process(xs1, ts1)
        return carry

    lax.fori_loop(0, nhalf, pair, 0)
    pltpu.sync_copy(table, out_hbm.at[wid])


def _histogram(x4, t3):
    mesh = plsc.VectorSubcoreMesh(core_axis_name="c", subcore_axis_name="s")
    return pl.kernel(
        _sc_body,
        out_type=jax.ShapeDtypeStruct((_NW, _TBL), jnp.float32),
        mesh=mesh,
        scratch_types=[
            pltpu.VMEM((_C, _R, x4.shape[3]), jnp.float32),
            pltpu.VMEM((_R, x4.shape[3]), jnp.int32),
            pltpu.VMEM((_C, _R, x4.shape[3]), jnp.float32),
            pltpu.VMEM((_R, x4.shape[3]), jnp.int32),
            pltpu.SemaphoreType.DMA,
            pltpu.SemaphoreType.DMA,
            pltpu.VMEM((_TBL,), jnp.float32),
        ],
        compiler_params=pltpu.CompilerParams(needs_layout_passes=False),
    )(x4, t3)


def _post_body(h_ref, tri_ref, out_ref):
    h = jnp.sum(h_ref[...], axis=0)
    h = jnp.concatenate([h[:, :_B - 1], h[:, _B - 1:_B] + h[:, _B:_B + 1]],
                        axis=1)
    cnt = h[:_C]
    fgc = h[_C:]
    tri = tri_ref[...]
    r = lax.dot(cnt, tri, precision=lax.Precision.HIGHEST)
    f = lax.dot(fgc, tri, precision=lax.Precision.HIGHEST)
    g = f[:, 0:1]
    u = g + r - f
    jac = 1.0 - (g - f) / jnp.maximum(u, 1.0)
    jnext = jnp.concatenate([jac[:, 1:], jnp.zeros((_C, 1), jnp.float32)],
                            axis=1)
    dj = jac - jnext
    mid = ((lax.broadcasted_iota(jnp.int32, (_C, _B), 1)
            .astype(jnp.float32)) + 0.5) / _B
    losses = jnp.sum(mid * dj, axis=1)
    present = (g[:, 0] > 0.0).astype(jnp.float32)
    loss = jnp.sum(losses * present) / jnp.maximum(jnp.sum(present), 1.0)
    out_ref[...] = jnp.reshape(loss, (1, 1))


def _post(hist3, tri):
    return pl.pallas_call(
        _post_body,
        out_shape=jax.ShapeDtypeStruct((1, 1), jnp.float32),
    )(hist3, tri)


def kernel(input, target):
    hist = _histogram(input, target.astype(jnp.int32))
    hist3 = hist.reshape(_NW, 2 * _C, _S)
    tri = jnp.tri(_B, dtype=jnp.float32)
    out = _post(hist3, tri)
    return out[0, 0]

# --- scband reference (transcript-rebuilt; emitter-appended) ---
"""Pipeline reference for scband-lovasz-loss-16406775071095 (READ-ONLY COPY).

The authoritative reference and input builder live on the scoring server;
editing this copy changes nothing except your own understanding.
"""

import jax, jax.numpy as jnp
import numpy as np


def setup_inputs(seed: int = 0) -> dict:
    key = jax.random.key(seed)
    k1, k2 = jax.random.split(key)
    inp = jax.random.normal(k1, (8, 19, 512, 512), dtype=jnp.float32)
    tgt = jax.random.randint(k2, (8, 512, 512), 0, 19, dtype=jnp.int64)
    return {"input": inp, "target": tgt}


def _lovasz_grad(fg_sorted):
    gts = fg_sorted.sum()
    intersection = gts - jnp.cumsum(fg_sorted)
    union = gts + jnp.cumsum(1.0 - fg_sorted)
    jaccard = 1.0 - intersection / union
    jaccard = jnp.concatenate([jaccard[:1], jaccard[1:] - jaccard[:-1]])
    return jaccard


def reference(input, target):
    # softmax over class dim
    probas = jax.nn.softmax(input, axis=1)
    C = probas.shape[1]
    # flatten (N, C, H, W) -> (N*H*W, C); ignore_index = -100 < 0 so no masking
    probas_flat = jnp.transpose(probas, (0, 2, 3, 1)).reshape(-1, C)
    target_flat = target.reshape(-1)
    losses = []
    present = []
    for c in range(C):
        fg = (target_flat == c).astype(jnp.float32)
        class_pred = probas_flat[:, c]
        errors = jnp.abs(fg - class_pred)
        order = jnp.argsort(-errors)  # descending sort
        errors_sorted = errors[order]
        fg_sorted = fg[order]
        grad = _lovasz_grad(fg_sorted)
        losses.append(jnp.dot(errors_sorted, grad))
        present.append(fg.sum() > 0)
    losses = jnp.stack(losses)
    present_f = jnp.stack(present).astype(jnp.float32)
    # torch code averages only over classes present in the batch
    loss = jnp.sum(losses * present_f) / jnp.maximum(jnp.sum(present_f), 1.0)
    return loss

if __name__ == "__main__":
    import jax
    _d = setup_inputs()
    print(jax.jit(kernel)(*tuple(_d.values())))

</pallas_src>

<mosaic_0001>
#map = affine_map<(d0, d1) -> (0, 0, 0, 0)>
#map1 = affine_map<(d0, d1) -> (0, 0, 0)>
#map2 = affine_map<(d0, d1) -> (0, 0)>
module attributes {stable_mosaic.version = 14 : i64} {
  func.func @_sc_body(%arg0: i32, %arg1: i32, %arg2: memref<8x19x512x512xf32, #tpu.memory_space<hbm>>, %arg3: memref<8x512x512xi32, #tpu.memory_space<hbm>>, %arg4: memref<32x39216xf32, #tpu.memory_space<hbm>>, %arg5: memref<19x4x512xf32, #tpu.memory_space<vmem>>, %arg6: memref<4x512xi32, #tpu.memory_space<vmem>>, %arg7: memref<19x4x512xf32, #tpu.memory_space<vmem>>, %arg8: memref<4x512xi32, #tpu.memory_space<vmem>>, %arg9: memref<!tpu.dma_semaphore, #tpu.memory_space<semaphore_mem>>, %arg10: memref<!tpu.dma_semaphore, #tpu.memory_space<semaphore_mem>>, %arg11: memref<39216xf32, #tpu.memory_space<vmem>>) attributes {dimension_semantics = [#tpu.dimension_semantics<core_parallel>, #tpu.dimension_semantics<subcore_parallel>], iteration_bounds = array<i64: 2, 16>, scalar_prefetch = 0 : i64, scratch_operands = 7 : i64, tpu.core_type = #tpu.core_type<sc_vector_subcore>, window_params = [{transform_indices = #map}, {transform_indices = #map1}, {transform_indices = #map2}]} {
    %mul3A = arith.constant 2 : i32
    %mul3A_0 = arith.muli %arg1, %mul3A : i32
    %add3A = arith.addi %mul3A_0, %arg0 : i32
    %scan3A = arith.constant 0 : i32
    %scan3A_1 = arith.constant 0 : i32
    %scan3A_2 = arith.constant 2451 : i32
    %scan3A_3 = arith.addi %scan3A_1, %scan3A_2 : i32
    %scan3A_4 = arith.constant 1 : i32
    scf.for %scan3A_356 = %scan3A_1 to %scan3A_3 step %scan3A_4  : i32 {
      %broadcast_in_dim3A_357 = arith.constant 0.000000e+00 : f32
      %broadcast_in_dim3A_358 = vector.broadcast %broadcast_in_dim3A_357 : f32 to vector<16xf32>
      %mul3A_359 = arith.constant 16 : i32
      %mul3A_360 = arith.muli %scan3A_356, %mul3A_359 : i32
      %swap3A = arith.index_cast %mul3A_360 : i32 to index
      %swap3A_361 = tpu.vector_load %arg11[%swap3A] {strides = array<i32>} : memref<39216xf32, #tpu.memory_space<vmem>>, vector<16xf32>,
      tpu.vector_store %arg11[%swap3A], %broadcast_in_dim3A_358 {strides = array<i32>} : memref<39216xf32, #tpu.memory_space<vmem>>, vector<16xf32>,
    }
    %scan3A_5 = arith.constant 2451 : i32
    %broadcast_in_dim3A = arith.constant 1.000000e+00 : f32
    %broadcast_in_dim3A_6 = vector.broadcast %broadcast_in_dim3A : f32 to vector<16xf32>
    %mul3A_7 = arith.constant 32 : i32
    %mul3A_8 = arith.muli %add3A, %mul3A_7 : i32
    %jit3A = arith.constant 128 : i32
    %div3A = arith.divsi %mul3A_8, %jit3A : i32
    %sign3A = arith.constant 0 : i32
    %sign3A_9 = arith.cmpi sgt, %mul3A_8, %sign3A : i32
    %sign3A_10 = arith.extui %sign3A_9 : i1 to i32
    %sign3A_11 = arith.constant 0 : i32
    %sign3A_12 = arith.cmpi slt, %mul3A_8, %sign3A_11 : i32
    %sign3A_13 = arith.extui %sign3A_12 : i1 to i32
    %sign3A_14 = arith.subi %sign3A_10, %sign3A_13 : i32
    %sign3A_15 = arith.constant 0 : i32
    %sign3A_16 = arith.cmpi sgt, %jit3A, %sign3A_15 : i32
    %sign3A_17 = arith.extui %sign3A_16 : i1 to i32
    %sign3A_18 = arith.constant 0 : i32
    %sign3A_19 = arith.cmpi slt, %jit3A, %sign3A_18 : i32
    %sign3A_20 = arith.extui %sign3A_19 : i1 to i32
    %sign3A_21 = arith.subi %sign3A_17, %sign3A_20 : i32
    %ne3A = arith.cmpi ne, %sign3A_14, %sign3A_21 : i32
    %rem3A = arith.remsi %mul3A_8, %jit3A : i32
    %ne3A_22 = arith.constant 0 : i32
    %ne3A_23 = arith.cmpi ne, %rem3A, %ne3A_22 : i32
    %and3A = arith.andi %ne3A, %ne3A_23 : i1
    %sub3A = arith.constant 1 : i32
    %sub3A_24 = arith.subi %div3A, %sub3A : i32
    %select_n3A = arith.select %and3A, %sub3A_24, %div3A : i32
    %jit3A_25 = arith.constant 128 : i32
    %eq3A = arith.constant 0 : i32
    %eq3A_26 = arith.cmpi eq, %jit3A_25, %eq3A : i32
    %jit3A_27 = arith.constant 1 : i32
    %select_n3A_28 = arith.select %eq3A_26, %jit3A_27, %jit3A_25 : i32
    %rem3A_29 = arith.remsi %mul3A_8, %select_n3A_28 : i32
    %ne3A_30 = arith.constant 0 : i32
    %ne3A_31 = arith.cmpi ne, %rem3A_29, %ne3A_30 : i32
    %lt3A = arith.constant 0 : i32
    %lt3A_32 = arith.cmpi slt, %rem3A_29, %lt3A : i32
    %lt3A_33 = arith.constant 0 : i32
    %lt3A_34 = arith.cmpi slt, %select_n3A_28, %lt3A_33 : i32
    %ne3A_35 = arith.xori %lt3A_32, %lt3A_34 : i1
    %and3A_36 = arith.andi %ne3A_35, %ne3A_31 : i1
    %add3A_37 = arith.addi %rem3A_29, %select_n3A_28 : i32
    %select_n3A_38 = arith.select %and3A_36, %add3A_37, %rem3A_29 : i32
    %mul3A_39 = arith.constant 4 : i32
    %mul3A_40 = arith.muli %select_n3A_38, %mul3A_39 : i32
    %dma_start3A = arith.constant 0 : i32
    %dma_start3A_41 = arith.constant 0 : i32
    %dma_start3A_42 = arith.constant 0 : i32
    %dma_start3A_43 = arith.constant 0 : i32
    %dma_start3A_44 = tpu.memref_slice %arg5[%dma_start3A_41, %dma_start3A_42, %dma_start3A_43] : memref<19x4x512xf32, #tpu.memory_space<vmem>> -> memref<1x4x512xf32, #tpu.memory_space<vmem>>
    %dma_start3A_45 = tpu.memref_squeeze %dma_start3A_44 : memref<1x4x512xf32, #tpu.memory_space<vmem>> -> memref<4x512xf32, #tpu.memory_space<vmem>>
    %dma_start3A_46 = arith.constant 0 : i32
    %dma_start3A_47 = tpu.memref_slice %arg2[%select_n3A, %dma_start3A, %mul3A_40, %dma_start3A_46] : memref<8x19x512x512xf32, #tpu.memory_space<hbm>> -> memref<1x1x4x512xf32, #tpu.memory_space<hbm>>
    %dma_start3A_48 = tpu.memref_squeeze %dma_start3A_47 : memref<1x1x4x512xf32, #tpu.memory_space<hbm>> -> memref<4x512xf32, #tpu.memory_space<hbm>>
    %dma_start3A_49 = arith.constant 0 : i32
    %dma_start3A_50 = arith.constant 0 : i32
    %dma_start3A_51 = tpu.memref_slice %arg5[%dma_start3A_41, %dma_start3A_49, %dma_start3A_50] : memref<19x4x512xf32, #tpu.memory_space<vmem>> -> memref<1x4x512xf32, #tpu.memory_space<vmem>>
    %dma_start3A_52 = tpu.memref_squeeze %dma_start3A_51 : memref<1x4x512xf32, #tpu.memory_space<vmem>> -> memref<4x512xf32, #tpu.memory_space<vmem>>
    %dma_start3A_53 = arith.constant 0 : i32
    %dma_start3A_54 = tpu.memref_slice %arg2[%select_n3A, %dma_start3A, %mul3A_40, %dma_start3A_53] : memref<8x19x512x512xf32, #tpu.memory_space<hbm>> -> memref<1x1x4x512xf32, #tpu.memory_space<hbm>>
    %dma_start3A_55 = tpu.memref_squeeze %dma_start3A_54 : memref<1x1x4x512xf32, #tpu.memory_space<hbm>> -> memref<4x512xf32, #tpu.memory_space<hbm>>
    tpu.enqueue_dma source(%dma_start3A_55 : memref<4x512xf32, #tpu.memory_space<hbm>>) target(%dma_start3A_52 : memref<4x512xf32, #tpu.memory_space<vmem>>) target_semaphore(%arg9 : memref<!tpu.dma_semaphore, #tpu.memory_space<semaphore_mem>>)
    %dma_start3A_56 = arith.constant 1 : i32
    %dma_start3A_57 = arith.constant 1 : i32
    %dma_start3A_58 = arith.constant 0 : i32
    %dma_start3A_59 = arith.constant 0 : i32
    %dma_start3A_60 = tpu.memref_slice %arg5[%dma_start3A_57, %dma_start3A_58, %dma_start3A_59] : memref<19x4x512xf32, #tpu.memory_space<vmem>> -> memref<1x4x512xf32, #tpu.memory_space<vmem>>
    %dma_start3A_61 = tpu.memref_squeeze %dma_start3A_60 : memref<1x4x512xf32, #tpu.memory_space<vmem>> -> memref<4x512xf32, #tpu.memory_space<vmem>>
    %dma_start3A_62 = arith.constant 0 : i32
    %dma_start3A_63 = tpu.memref_slice %arg2[%select_n3A, %dma_start3A_56, %mul3A_40, %dma_start3A_62] : memref<8x19x512x512xf32, #tpu.memory_space<hbm>> -> memref<1x1x4x512xf32, #tpu.memory_space<hbm>>
    %dma_start3A_64 = tpu.memref_squeeze %dma_start3A_63 : memref<1x1x4x512xf32, #tpu.memory_space<hbm>> -> memref<4x512xf32, #tpu.memory_space<hbm>>
    %dma_start3A_65 = arith.constant 0 : i32
    %dma_start3A_66 = arith.constant 0 : i32
    %dma_start3A_67 = tpu.memref_slice %arg5[%dma_start3A_57, %dma_start3A_65, %dma_start3A_66] : memref<19x4x512xf32, #tpu.memory_space<vmem>> -> memref<1x4x512xf32, #tpu.memory_space<vmem>>
    %dma_start3A_68 = tpu.memref_squeeze %dma_start3A_67 : memref<1x4x512xf32, #tpu.memory_space<vmem>> -> memref<4x512xf32, #tpu.memory_space<vmem>>
    %dma_start3A_69 = arith.constant 0 : i32
    %dma_start3A_70 = tpu.memref_slice %arg2[%select_n3A, %dma_start3A_56, %mul3A_40, %dma_start3A_69] : memref<8x19x512x512xf32, #tpu.memory_space<hbm>> -> memref<1x1x4x512xf32, #tpu.memory_space<hbm>>
    %dma_start3A_71 = tpu.memref_squeeze %dma_start3A_70 : memref<1x1x4x512xf32, #tpu.memory_space<hbm>> -> memref<4x512xf32, #tpu.memory_space<hbm>>
    tpu.enqueue_dma source(%dma_start3A_71 : memref<4x512xf32, #tpu.memory_space<hbm>>) target(%dma_start3A_68 : memref<4x512xf32, #tpu.memory_space<vmem>>) target_semaphore(%arg9 : memref<!tpu.dma_semaphore, #tpu.memory_space<semaphore_mem>>)
    %dma_start3A_72 = arith.constant 2 : i32
    %dma_start3A_73 = arith.constant 2 : i32
    %dma_start3A_74 = arith.constant 0 : i32
    %dma_start3A_75 = arith.constant 0 : i32
    %dma_start3A_76 = tpu.memref_slice %arg5[%dma_start3A_73, %dma_start3A_74, %dma_start3A_75] : memref<19x4x512xf32, #tpu.memory_space<vmem>> -> memref<1x4x512xf32, #tpu.memory_space<vmem>>
    %dma_start3A_77 = tpu.memref_squeeze %dma_start3A_76 : memref<1x4x512xf32, #tpu.memory_space<vmem>> -> memref<4x512xf32, #tpu.memory_space<vmem>>
    %dma_start3A_78 = arith.constant 0 : i32
    %dma_start3A_79 = tpu.memref_slice %arg2[%select_n3A, %dma_start3A_72, %mul3A_40, %dma_start3A_78] : memref<8x19x512x512xf32, #tpu.memory_space<hbm>> -> memref<1x1x4x512xf32, #tpu.memory_space<hbm>>
    %dma_start3A_80 = tpu.memref_squeeze %dma_start3A_79 : memref<1x1x4x512xf32, #tpu.memory_space<hbm>> -> memref<4x512xf32, #tpu.memory_space<hbm>>
    %dma_start3A_81 = arith.constant 0 : i32
    %dma_start3A_82 = arith.constant 0 : i32
    %dma_start3A_83 = tpu.memref_slice %arg5[%dma_start3A_73, %dma_start3A_81, %dma_start3A_82] : memref<19x4x512xf32, #tpu.memory_space<vmem>> -> memref<1x4x512xf32, #tpu.memory_space<vmem>>
    %dma_start3A_84 = tpu.memref_squeeze %dma_start3A_83 : memref<1x4x512xf32, #tpu.memory_space<vmem>> -> memref<4x512xf32, #tpu.memory_space<vmem>>
    %dma_start3A_85 = arith.constant 0 : i32
    %dma_start3A_86 = tpu.memref_slice %arg2[%select_n3A, %dma_start3A_72, %mul3A_40, %dma_start3A_85] : memref<8x19x512x512xf32, #tpu.memory_space<hbm>> -> memref<1x1x4x512xf32, #tpu.memory_space<hbm>>
    %dma_start3A_87 = tpu.memref_squeeze %dma_start3A_86 : memref<1x1x4x512xf32, #tpu.memory_space<hbm>> -> memref<4x512xf32, #tpu.memory_space<hbm>>
    tpu.enqueue_dma source(%dma_start3A_87 : memref<4x512xf32, #tpu.memory_space<hbm>>) target(%dma_start3A_84 : memref<4x512xf32, #tpu.memory_space<vmem>>) target_semaphore(%arg9 : memref<!tpu.dma_semaphore, #tpu.memory_space<semaphore_mem>>)
    %dma_start3A_88 = arith.constant 3 : i32
    %dma_start3A_89 = arith.constant 3 : i32
    %dma_start3A_90 = arith.constant 0 : i32
    %dma_start3A_91 = arith.constant 0 : i32
    %dma_start3A_92 = tpu.memref_slice %arg5[%dma_start3A_89, %dma_start3A_90, %dma_start3A_91] : memref<19x4x512xf32, #tpu.memory_space<vmem>> -> memref<1x4x512xf32, #tpu.memory_space<vmem>>
    %dma_start3A_93 = tpu.memref_squeeze %dma_start3A_92 : memref<1x4x512xf32, #tpu.memory_space<vmem>> -> memref<4x512xf32, #tpu.memory_space<vmem>>
    %dma_start3A_94 = arith.constant 0 : i32
    %dma_start3A_95 = tpu.memref_slice %arg2[%select_n3A, %dma_start3A_88, %mul3A_40, %dma_start3A_94] : memref<8x19x512x512xf32, #tpu.memory_space<hbm>> -> memref<1x1x4x512xf32, #tpu.memory_space<hbm>>
    %dma_start3A_96 = tpu.memref_squeeze %dma_start3A_95 : memref<1x1x4x512xf32, #tpu.memory_space<hbm>> -> memref<4x512xf32, #tpu.memory_space<hbm>>
    %dma_start3A_97 = arith.constant 0 : i32
    %dma_start3A_98 = arith.constant 0 : i32
    %dma_start3A_99 = tpu.memref_slice %arg5[%dma_start3A_89, %dma_start3A_97, %dma_start3A_98] : memref<19x4x512xf32, #tpu.memory_space<vmem>> -> memref<1x4x512xf32, #tpu.memory_space<vmem>>
    %dma_start3A_100 = tpu.memref_squeeze %dma_start3A_99 : memref<1x4x512xf32, #tpu.memory_space<vmem>> -> memref<4x512xf32, #tpu.memory_space<vmem>>
    %dma_start3A_101 = arith.constant 0 : i32
    %dma_start3A_102 = tpu.memref_slice %arg2[%select_n3A, %dma_start3A_88, %mul3A_40, %dma_start3A_101] : memref<8x19x512x512xf32, #tpu.memory_space<hbm>> -> memref<1x1x4x512xf32, #tpu.memory_space<hbm>>
    %dma_start3A_103 = tpu.memref_squeeze %dma_start3A_102 : memref<1x1x4x512xf32, #tpu.memory_space<hbm>> -> memref<4x512xf32, #tpu.memory_space<hbm>>
    tpu.enqueue_dma source(%dma_start3A_103 : memref<4x512xf32, #tpu.memory_space<hbm>>) target(%dma_start3A_100 : memref<4x512xf32, #tpu.memory_space<vmem>>) target_semaphore(%arg9 : memref<!tpu.dma_semaphore, #tpu.memory_space<semaphore_mem>>)
    %dma_start3A_104 = arith.constant 4 : i32
    %dma_start3A_105 = arith.constant 4 : i32
    %dma_start3A_106 = arith.constant 0 : i32
    %dma_start3A_107 = arith.constant 0 : i32
    %dma_start3A_108 = tpu.memref_slice %arg5[%dma_start3A_105, %dma_start3A_106, %dma_start3A_107] : memref<19x4x512xf32, #tpu.memory_space<vmem>> -> memref<1x4x512xf32, #tpu.memory_space<vmem>>
    %dma_start3A_109 = tpu.memref_squeeze %dma_start3A_108 : memref<1x4x512xf32, #tpu.memory_space<vmem>> -> memref<4x512xf32, #tpu.memory_space<vmem>>
    %dma_start3A_110 = arith.constant 0 : i32
    %dma_start3A_111 = tpu.memref_slice %arg2[%select_n3A, %dma_start3A_104, %mul3A_40, %dma_start3A_110] : memref<8x19x512x512xf32, #tpu.memory_space<hbm>> -> memref<1x1x4x512xf32, #tpu.memory_space<hbm>>
    %dma_start3A_112 = tpu.memref_squeeze %dma_start3A_111 : memref<1x1x4x512xf32, #tpu.memory_space<hbm>> -> memref<4x512xf32, #tpu.memory_space<hbm>>
    %dma_start3A_113 = arith.constant 0 : i32
    %dma_start3A_114 = arith.constant 0 : i32
    %dma_start3A_115 = tpu.memref_slice %arg5[%dma_start3A_105, %dma_start3A_113, %dma_start3A_114] : memref<19x4x512xf32, #tpu.memory_space<vmem>> -> memref<1x4x512xf32, #tpu.memory_space<vmem>>
    %dma_start3A_116 = tpu.memref_squeeze %dma_start3A_115 : memref<1x4x512xf32, #tpu.memory_space<vmem>> -> memref<4x512xf32, #tpu.memory_space<vmem>>
    %dma_start3A_117 = arith.constant 0 : i32
    %dma_start3A_118 = tpu.memref_slice %arg2[%select_n3A, %dma_start3A_104, %mul3A_40, %dma_start3A_117] : memref<8x19x512x512xf32, #tpu.memory_space<hbm>> -> memref<1x1x4x512xf32, #tpu.memory_space<hbm>>
    %dma_start3A_119 = tpu.memref_squeeze %dma_start3A_118 : memref<1x1x4x512xf32, #tpu.memory_space<hbm>> -> memref<4x512xf32, #tpu.memory_space<hbm>>
    tpu.enqueue_dma source(%dma_start3A_119 : memref<4x512xf32, #tpu.memory_space<hbm>>) target(%dma_start3A_116 : memref<4x512xf32, #tpu.memory_space<vmem>>) target_semaphore(%arg9 : memref<!tpu.dma_semaphore, #tpu.memory_space<semaphore_mem>>)
    %dma_start3A_120 = arith.constant 5 : i32
    %dma_start3A_121 = arith.constant 5 : i32
    %dma_start3A_122 = arith.constant 0 : i32
    %dma_start3A_123 = arith.constant 0 : i32
    %dma_start3A_124 = tpu.memref_slice %arg5[%dma_start3A_121, %dma_start3A_122, %dma_start3A_123] : memref<19x4x512xf32, #tpu.memory_space<vmem>> -> memref<1x4x512xf32, #tpu.memory_space<vmem>>
    %dma_start3A_125 = tpu.memref_squeeze %dma_start3A_124 : memref<1x4x512xf32, #tpu.memory_space<vmem>> -> memref<4x512xf32, #tpu.memory_space<vmem>>
    %dma_start3A_126 = arith.constant 0 : i32
    %dma_start3A_127 = tpu.memref_slice %arg2[%select_n3A, %dma_start3A_120, %mul3A_40, %dma_start3A_126] : memref<8x19x512x512xf32, #tpu.memory_space<hbm>> -> memref<1x1x4x512xf32, #tpu.memory_space<hbm>>
    %dma_start3A_128 = tpu.memref_squeeze %dma_start3A_127 : memref<1x1x4x512xf32, #tpu.memory_space<hbm>> -> memref<4x512xf32, #tpu.memory_space<hbm>>
    %dma_start3A_129 = arith.constant 0 : i32
    %dma_start3A_130 = arith.constant 0 : i32
    %dma_start3A_131 = tpu.memref_slice %arg5[%dma_start3A_121, %dma_start3A_129, %dma_start3A_130] : memref<19x4x512xf32, #tpu.memory_space<vmem>> -> memref<1x4x512xf32, #tpu.memory_space<vmem>>
    %dma_start3A_132 = tpu.memref_squeeze %dma_start3A_131 : memref<1x4x512xf32, #tpu.memory_space<vmem>> -> memref<4x512xf32, #tpu.memory_space<vmem>>
    %dma_start3A_133 = arith.constant 0 : i32
    %dma_start3A_134 = tpu.memref_slice %arg2[%select_n3A, %dma_start3A_120, %mul3A_40, %dma_start3A_133] : memref<8x19x512x512xf32, #tpu.memory_space<hbm>> -> memref<1x1x4x512xf32, #tpu.memory_space<hbm>>
    %dma_start3A_135 = tpu.memref_squeeze %dma_start3A_134 : memref<1x1x4x512xf32, #tpu.memory_space<hbm>> -> memref<4x512xf32, #tpu.memory_space<hbm>>
    tpu.enqueue_dma source(%dma_start3A_135 : memref<4x512xf32, #tpu.memory_space<hbm>>) target(%dma_start3A_132 : memref<4x512xf32, #tpu.memory_space<vmem>>) target_semaphore(%arg9 : memref<!tpu.dma_semaphore, #tpu.memory_space<semaphore_mem>>)
    %dma_start3A_136 = arith.constant 6 : i32
    %dma_start3A_137 = arith.constant 6 : i32
    %dma_start3A_138 = arith.constant 0 : i32
    %dma_start3A_139 = arith.constant 0 : i32
    %dma_start3A_140 = tpu.memref_slice %arg5[%dma_start3A_137, %dma_start3A_138, %dma_start3A_139] : memref<19x4x512xf32, #tpu.memory_space<vmem>> -> memref<1x4x512xf32, #tpu.memory_space<vmem>>
    %dma_start3A_141 = tpu.memref_squeeze %dma_start3A_140 : memref<1x4x512xf32, #tpu.memory_space<vmem>> -> memref<4x512xf32, #tpu.memory_space<vmem>>
    %dma_start3A_142 = arith.constant 0 : i32
    %dma_start3A_143 = tpu.memref_slice %arg2[%select_n3A, %dma_start3A_136, %mul3A_40, %dma_start3A_142] : memref<8x19x512x512xf32, #tpu.memory_space<hbm>> -> memref<1x1x4x512xf32, #tpu.memory_space<hbm>>
    %dma_start3A_144 = tpu.memref_squeeze %dma_start3A_143 : memref<1x1x4x512xf32, #tpu.memory_space<hbm>> -> memref<4x512xf32, #tpu.memory_space<hbm>>
    %dma_start3A_145 = arith.constant 0 : i32
    %dma_start3A_146 = arith.constant 0 : i32
    %dma_start3A_147 = tpu.memref_slice %arg5[%dma_start3A_137, %dma_start3A_145, %dma_start3A_146] : memref<19x4x512xf32, #tpu.memory_space<vmem>> -> memref<1x4x512xf32, #tpu.memory_space<vmem>>
    %dma_start3A_148 = tpu.memref_squeeze %dma_start3A_147 : memref<1x4x512xf32, #tpu.memory_space<vmem>> -> memref<4x512xf32, #tpu.memory_space<vmem>>
    %dma_start3A_149 = arith.constant 0 : i32
    %dma_start3A_150 = tpu.memref_slice %arg2[%select_n3A, %dma_start3A_136, %mul3A_40, %dma_start3A_149] : memref<8x19x512x512xf32, #tpu.memory_space<hbm>> -> memref<1x1x4x512xf32, #tpu.memory_space<hbm>>
    %dma_start3A_151 = tpu.memref_squeeze %dma_start3A_150 : memref<1x1x4x512xf32, #tpu.memory_space<hbm>> -> memref<4x512xf32, #tpu.memory_space<hbm>>
    tpu.enqueue_dma source(%dma_start3A_151 : memref<4x512xf32, #tpu.memory_space<hbm>>) target(%dma_start3A_148 : memref<4x512xf32, #tpu.memory_space<vmem>>) target_semaphore(%arg9 : memref<!tpu.dma_semaphore, #tpu.memory_space<semaphore_mem>>)
    %dma_start3A_152 = arith.constant 7 : i32
    %dma_start3A_153 = arith.constant 7 : i32
    %dma_start3A_154 = arith.constant 0 : i32
    %dma_start3A_155 = arith.constant 0 : i32
    %dma_start3A_156 = tpu.memref_slice %arg5[%dma_start3A_153, %dma_start3A_154, %dma_start3A_155] : memref<19x4x512xf32, #tpu.memory_space<vmem>> -> memref<1x4x512xf32, #tpu.memory_space<vmem>>
    %dma_start3A_157 = tpu.memref_squeeze %dma_start3A_156 : memref<1x4x512xf32, #tpu.memory_space<vmem>> -> memref<4x512xf32, #tpu.memory_space<vmem>>
    %dma_start3A_158 = arith.constant 0 : i32
    %dma_start3A_159 = tpu.memref_slice %arg2[%select_n3A, %dma_start3A_152, %mul3A_40, %dma_start3A_158] : memref<8x19x512x512xf32, #tpu.memory_space<hbm>> -> memref<1x1x4x512xf32, #tpu.memory_space<hbm>>
    %dma_start3A_160 = tpu.memref_squeeze %dma_start3A_159 : memref<1x1x4x512xf32, #tpu.memory_space<hbm>> -> memref<4x512xf32, #tpu.memory_space<hbm>>
    %dma_start3A_161 = arith.constant 0 : i32
    %dma_start3A_162 = arith.constant 0 : i32
    %dma_start3A_163 = tpu.memref_slice %arg5[%dma_start3A_153, %dma_start3A_161, %dma_start3A_162] : memref<19x4x512xf32, #tpu.memory_space<vmem>> -> memref<1x4x512xf32, #tpu.memory_space<vmem>>
    %dma_start3A_164 = tpu.memref_squeeze %dma_start3A_163 : memref<1x4x512xf32, #tpu.memory_space<vmem>> -> memref<4x512xf32, #tpu.memory_space<vmem>>
    %dma_start3A_165 = arith.constant 0 : i32
    %dma_start3A_166 = tpu.memref_slice %arg2[%select_n3A, %dma_start3A_152, %mul3A_40, %dma_start3A_165] : memref<8x19x512x512xf32, #tpu.memory_space<hbm>> -> memref<1x1x4x512xf32, #tpu.memory_space<hbm>>
    %dma_start3A_167 = tpu.memref_squeeze %dma_start3A_166 : memref<1x1x4x512xf32, #tpu.memory_space<hbm>> -> memref<4x512xf32, #tpu.memory_space<hbm>>
    tpu.enqueue_dma source(%dma_start3A_167 : memref<4x512xf32, #tpu.memory_space<hbm>>) target(%dma_start3A_164 : memref<4x512xf32, #tpu.memory_space<vmem>>) target_semaphore(%arg9 : memref<!tpu.dma_semaphore, #tpu.memory_space<semaphore_mem>>)
    %dma_start3A_168 = arith.constant 8 : i32
    %dma_start3A_169 = arith.constant 8 : i32
    %dma_start3A_170 = arith.constant 0 : i32
    %dma_start3A_171 = arith.constant 0 : i32
    %dma_start3A_172 = tpu.memref_slice %arg5[%dma_start3A_169, %dma_start3A_170, %dma_start3A_171] : memref<19x4x512xf32, #tpu.memory_space<vmem>> -> memref<1x4x512xf32, #tpu.memory_space<vmem>>
    %dma_start3A_173 = tpu.memref_squeeze %dma_start3A_172 : memref<1x4x512xf32, #tpu.memory_space<vmem>> -> memref<4x512xf32, #tpu.memory_space<vmem>>
    %dma_start3A_174 = arith.constant 0 : i32
    %dma_start3A_175 = tpu.memref_slice %arg2[%select_n3A, %dma_start3A_168, %mul3A_40, %dma_start3A_174] : memref<8x19x512x512xf32, #tpu.memory_space<hbm>> -> memref<1x1x4x512xf32, #tpu.memory_space<hbm>>
    %dma_start3A_176 = tpu.memref_squeeze %dma_start3A_175 : memref<1x1x4x512xf32, #tpu.memory_space<hbm>> -> memref<4x512xf32, #tpu.memory_space<hbm>>
    %dma_start3A_177 = arith.constant 0 : i32
    %dma_start3A_178 = arith.constant 0 : i32
    %dma_start3A_179 = tpu.memref_slice %arg5[%dma_start3A_169, %dma_start3A_177, %dma_start3A_178] : memref<19x4x512xf32, #tpu.memory_space<vmem>> -> memref<1x4x512xf32, #tpu.memory_space<vmem>>
    %dma_start3A_180 = tpu.memref_squeeze %dma_start3A_179 : memref<1x4x512xf32, #tpu.memory_space<vmem>> -> memref<4x512xf32, #tpu.memory_space<vmem>>
    %dma_start3A_181 = arith.constant 0 : i32
    %dma_start3A_182 = tpu.memref_slice %arg2[%select_n3A, %dma_start3A_168, %mul3A_40, %dma_start3A_181] : memref<8x19x512x512xf32, #tpu.memory_space<hbm>> -> memref<1x1x4x512xf32, #tpu.memory_space<hbm>>
    %dma_start3A_183 = tpu.memref_squeeze %dma_start3A_182 : memref<1x1x4x512xf32, #tpu.memory_space<hbm>> -> memref<4x512xf32, #tpu.memory_space<hbm>>
    tpu.enqueue_dma source(%dma_start3A_183 : memref<4x512xf32, #tpu.memory_space<hbm>>) target(%dma_start3A_180 : memref<4x512xf32, #tpu.memory_space<vmem>>) target_semaphore(%arg9 : memref<!tpu.dma_semaphore, #tpu.memory_space<semaphore_mem>>)
    %dma_start3A_184 = arith.constant 9 : i32
    %dma_start3A_185 = arith.constant 9 : i32
    %dma_start3A_186 = arith.constant 0 : i32
    %dma_start3A_187 = arith.constant 0 : i32
    %dma_start3A_188 = tpu.memref_slice %arg5[%dma_start3A_185, %dma_start3A_186, %dma_start3A_187] : memref<19x4x512xf32, #tpu.memory_space<vmem>> -> memref<1x4x512xf32, #tpu.memory_space<vmem>>
    %dma_start3A_189 = tpu.memref_squeeze %dma_start3A_188 : memref<1x4x512xf32, #tpu.memory_space<vmem>> -> memref<4x512xf32, #tpu.memory_space<vmem>>
    %dma_start3A_190 = arith.constant 0 : i32
    %dma_start3A_191 = tpu.memref_slice %arg2[%select_n3A, %dma_start3A_184, %mul3A_40, %dma_start3A_190] : memref<8x19x512x512xf32, #tpu.memory_space<hbm>> -> memref<1x1x4x512xf32, #tpu.memory_space<hbm>>
    %dma_start3A_192 = tpu.memref_squeeze %dma_start3A_191 : memref<1x1x4x512xf32, #tpu.memory_space<hbm>> -> memref<4x512xf32, #tpu.memory_space<hbm>>
    %dma_start3A_193 = arith.constant 0 : i32
    %dma_start3A_194 = arith.constant 0 : i32
    %dma_start3A_195 = tpu.memref_slice %arg5[%dma_start3A_185, %dma_start3A_193, %dma_start3A_194] : memref<19x4x512xf32, #tpu.memory_space<vmem>> -> memref<1x4x512xf32, #tpu.memory_space<vmem>>
    %dma_start3A_196 = tpu.memref_squeeze %dma_start3A_195 : memref<1x4x512xf32, #tpu.memory_space<vmem>> -> memref<4x512xf32, #tpu.memory_space<vmem>>
    %dma_start3A_197 = arith.constant 0 : i32
    %dma_start3A_198 = tpu.memref_slice %arg2[%select_n3A, %dma_start3A_184, %mul3A_40, %dma_start3A_197] : memref<8x19x512x512xf32, #tpu.memory_space<hbm>> -> memref<1x1x4x512xf32, #tpu.memory_space<hbm>>
    %dma_start3A_199 = tpu.memref_squeeze %dma_start3A_198 : memref<1x1x4x512xf32, #tpu.memory_space<hbm>> -> memref<4x512xf32, #tpu.memory_space<hbm>>
    tpu.enqueue_dma source(%dma_start3A_199 : memref<4x512xf32, #tpu.memory_space<hbm>>) target(%dma_start3A_196 : memref<4x512xf32, #tpu.memory_space<vmem>>) target_semaphore(%arg9 : memref<!tpu.dma_semaphore, #tpu.memory_space<semaphore_mem>>)
    %dma_start3A_200 = arith.constant 10 : i32
    %dma_start3A_201 = arith.constant 10 : i32
    %dma_start3A_202 = arith.constant 0 : i32
    %dma_start3A_203 = arith.constant 0 : i32
    %dma_start3A_204 = tpu.memref_slice %arg5[%dma_start3A_201, %dma_start3A_202, %dma_start3A_203] : memref<19x4x512xf32, #tpu.memory_space<vmem>> -> memref<1x4x512xf32, #tpu.memory_space<vmem>>
    %dma_start3A_205 = tpu.memref_squeeze %dma_start3A_204 : memref<1x4x512xf32, #tpu.memory_space<vmem>> -> memref<4x512xf32, #tpu.memory_space<vmem>>
    %dma_start3A_206 = arith.constant 0 : i32
    %dma_start3A_207 = tpu.memref_slice %arg2[%select_n3A, %dma_start3A_200, %mul3A_40, %dma_start3A_206] : memref<8x19x512x512xf32, #tpu.memory_space<hbm>> -> memref<1x1x4x512xf32, #tpu.memory_space<hbm>>
    %dma_start3A_208 = tpu.memref_squeeze %dma_start3A_207 : memref<1x1x4x512xf32, #tpu.memory_space<hbm>> -> memref<4x512xf32, #tpu.memory_space<hbm>>
    %dma_start3A_209 = arith.constant 0 : i32
    %dma_start3A_210 = arith.constant 0 : i32
    %dma_start3A_211 = tpu.memref_slice %arg5[%dma_start3A_201, %dma_start3A_209, %dma_start3A_210] : memref<19x4x512xf32, #tpu.memory_space<vmem>> -> memref<1x4x512xf32, #tpu.memory_space<vmem>>
    %dma_start3A_212 = tpu.memref_squeeze %dma_start3A_211 : memref<1x4x512xf32, #tpu.memory_space<vmem>> -> memref<4x512xf32, #tpu.memory_space<vmem>>
    %dma_start3A_213 = arith.constant 0 : i32
    %dma_start3A_214 = tpu.memref_slice %arg2[%select_n3A, %dma_start3A_200, %mul3A_40, %dma_start3A_213] : memref<8x19x512x512xf32, #tpu.memory_space<hbm>> -> memref<1x1x4x512xf32, #tpu.memory_space<hbm>>
    %dma_start3A_215 = tpu.memref_squeeze %dma_start3A_214 : memref<1x1x4x512xf32, #tpu.memory_space<hbm>> -> memref<4x512xf32, #tpu.memory_space<hbm>>
    tpu.enqueue_dma source(%dma_start3A_215 : memref<4x512xf32, #tpu.memory_space<hbm>>) target(%dma_start3A_212 : memref<4x512xf32, #tpu.memory_space<vmem>>) target_semaphore(%arg9 : memref<!tpu.dma_semaphore, #tpu.memory_space<semaphore_mem>>)
    %dma_start3A_216 = arith.constant 11 : i32
    %dma_start3A_217 = arith.constant 11 : i32
    %dma_start3A_218 = arith.constant 0 : i32
    %dma_start3A_219 = arith.constant 0 : i32
    %dma_start3A_220 = tpu.memref_slice %arg5[%dma_start3A_217, %dma_start3A_218, %dma_start3A_219] : memref<19x4x512xf32, #tpu.memory_space<vmem>> -> memref<1x4x512xf32, #tpu.memory_space<vmem>>
    %dma_start3A_221 = tpu.memref_squeeze %dma_start3A_220 : memref<1x4x512xf32, #tpu.memory_space<vmem>> -> memref<4x512xf32, #tpu.memory_space<vmem>>
    %dma_start3A_222 = arith.constant 0 : i32
    %dma_start3A_223 = tpu.memref_slice %arg2[%select_n3A, %dma_start3A_216, %mul3A_40, %dma_start3A_222] : memref<8x19x512x512xf32, #tpu.memory_space<hbm>> -> memref<1x1x4x512xf32, #tpu.memory_space<hbm>>
    %dma_start3A_224 = tpu.memref_squeeze %dma_start3A_223 : memref<1x1x4x512xf32, #tpu.memory_space<hbm>> -> memref<4x512xf32, #tpu.memory_space<hbm>>
    %dma_start3A_225 = arith.constant 0 : i32
    %dma_start3A_226 = arith.constant 0 : i32
    %dma_start3A_227 = tpu.memref_slice %arg5[%dma_start3A_217, %dma_start3A_225, %dma_start3A_226] : memref<19x4x512xf32, #tpu.memory_space<vmem>> -> memref<1x4x512xf32, #tpu.memory_space<vmem>>
    %dma_start3A_228 = tpu.memref_squeeze %dma_start3A_227 : memref<1x4x512xf32, #tpu.memory_space<vmem>> -> memref<4x512xf32, #tpu.memory_space<vmem>>
    %dma_start3A_229 = arith.constant 0 : i32
    %dma_start3A_230 = tpu.memref_slice %arg2[%select_n3A, %dma_start3A_216, %mul3A_40, %dma_start3A_229] : memref<8x19x512x512xf32, #tpu.memory_space<hbm>> -> memref<1x1x4x512xf32, #tpu.memory_space<hbm>>
    %dma_start3A_231 = tpu.memref_squeeze %dma_start3A_230 : memref<1x1x4x512xf32, #tpu.memory_space<hbm>> -> memref<4x512xf32, #tpu.memory_space<hbm>>
    tpu.enqueue_dma source(%dma_start3A_231 : memref<4x512xf32, #tpu.memory_space<hbm>>) target(%dma_start3A_228 : memref<4x512xf32, #tpu.memory_space<vmem>>) target_semaphore(%arg9 : memref<!tpu.dma_semaphore, #tpu.memory_space<semaphore_mem>>)
    %dma_start3A_232 = arith.constant 12 : i32
    %dma_start3A_233 = arith.constant 12 : i32
    %dma_start3A_234 = arith.constant 0 : i32
    %dma_start3A_235 = arith.constant 0 : i32
    %dma_start3A_236 = tpu.memref_slice %arg5[%dma_start3A_233, %dma_start3A_234, %dma_start3A_235] : memref<19x4x512xf32, #tpu.memory_space<vmem>> -> memref<1x4x512xf32, #tpu.memory_space<vmem>>
    %dma_start3A_237 = tpu.memref_squeeze %dma_start3A_236 : memref<1x4x512xf32, #tpu.memory_space<vmem>> -> memref<4x512xf32, #tpu.memory_space<vmem>>
    %dma_start3A_238 = arith.constant 0 : i32
    %dma_start3A_239 = tpu.memref_slice %arg2[%select_n3A, %dma_start3A_232, %mul3A_40, %dma_start3A_238] : memref<8x19x512x512xf32, #tpu.memory_space<hbm>> -> memref<1x1x4x512xf32, #tpu.memory_space<hbm>>
    %dma_start3A_240 = tpu.memref_squeeze %dma_start3A_239 : memref<1x1x4x512xf32, #tpu.memory_space<hbm>> -> memref<4x512xf32, #tpu.memory_space<hbm>>
    %dma_start3A_241 = arith.constant 0 : i32
    %dma_start3A_242 = arith.constant 0 : i32
    %dma_start3A_243 = tpu.memref_slice %arg5[%dma_start3A_233, %dma_start3A_241, %dma_start3A_242] : memref<19x4x512xf32, #tpu.memory_space<vmem>> -> memref<1x4x512xf32, #tpu.memory_space<vmem>>
    %dma_start3A_244 = tpu.memref_squeeze %dma_start3A_243 : memref<1x4x512xf32, #tpu.memory_space<vmem>> -> memref<4x512xf32, #tpu.memory_space<vmem>>
    %dma_start3A_245 = arith.constant 0 : i32
    %dma_start3A_246 = tpu.memref_slice %arg2[%select_n3A, %dma_start3A_232, %mul3A_40, %dma_start3A_245] : memref<8x19x512x512xf32, #tpu.memory_space<hbm>> -> memref<1x1x4x512xf32, #tpu.memory_space<hbm>>
    %dma_start3A_247 = tpu.memref_squeeze %dma_start3A_246 : memref<1x1x4x512xf32, #tpu.memory_space<hbm>> -> memref<4x512xf32, #tpu.memory_space<hbm>>
    tpu.enqueue_dma source(%dma_start3A_247 : memref<4x512xf32, #tpu.memory_space<hbm>>) target(%dma_start3A_244 : memref<4x512xf32, #tpu.memory_space<vmem>>) target_semaphore(%arg9 : memref<!tpu.dma_semaphore, #tpu.memory_space<semaphore_mem>>)
    %dma_start3A_248 = arith.constant 13 : i32
    %dma_start3A_249 = arith.constant 13 : i32
    %dma_start3A_250 = arith.constant 0 : i32
    %dma_start3A_251 = arith.constant 0 : i32
    %dma_start3A_252 = tpu.memref_slice %arg5[%dma_start3A_249, %dma_start3A_250, %dma_start3A_251] : memref<19x4x512xf32, #tpu.memory_space<vmem>> -> memref<1x4x512xf32, #tpu.memory_space<vmem>>
    %dma_start3A_253 = tpu.memref_squeeze %dma_start3A_252 : memref<1x4x512xf32, #tpu.memory_space<vmem>> -> memref<4x512xf32, #tpu.memory_space<vmem>>
    %dma_start3A_254 = arith.constant 0 : i32
    %dma_start3A_255 = tpu.memref_slice %arg2[%select_n3A, %dma_start3A_248, %mul3A_40, %dma_start3A_254] : memref<8x19x512x512xf32, #tpu.memory_space<hbm>> -> memref<1x1x4x512xf32, #tpu.memory_space<hbm>>
    %dma_start3A_256 = tpu.memref_squeeze %dma_start3A_255 : memref<1x1x4x512xf32, #tpu.memory_space<hbm>> -> memref<4x512xf32, #tpu.memory_space<hbm>>
    %dma_start3A_257 = arith.constant 0 : i32
    %dma_start3A_258 = arith.constant 0 : i32
    %dma_start3A_259 = tpu.memref_slice %arg5[%dma_start3A_249, %dma_start3A_257, %dma_start3A_258] : memref<19x4x512xf32, #tpu.memory_space<vmem>> -> memref<1x4x512xf32, #tpu.memory_space<vmem>>
    %dma_start3A_260 = tpu.memref_squeeze %dma_start3A_259 : memref<1x4x512xf32, #tpu.memory_space<vmem>> -> memref<4x512xf32, #tpu.memory_space<vmem>>
    %dma_start3A_261 = arith.constant 0 : i32
    %dma_start3A_262 = tpu.memref_slice %arg2[%select_n3A, %dma_start3A_248, %mul3A_40, %dma_start3A_261] : memref<8x19x512x512xf32, #tpu.memory_space<hbm>> -> memref<1x1x4x512xf32, #tpu.memory_space<hbm>>
    %dma_start3A_263 = tpu.memref_squeeze %dma_start3A_262 : memref<1x1x4x512xf32, #tpu.memory_space<hbm>> -> memref<4x512xf32, #tpu.memory_space<hbm>>
    tpu.enqueue_dma source(%dma_start3A_263 : memref<4x512xf32, #tpu.memory_space<hbm>>) target(%dma_start3A_260 : memref<4x512xf32, #tpu.memory_space<vmem>>) target_semaphore(%arg9 : memref<!tpu.dma_semaphore, #tpu.memory_space<semaphore_mem>>)
    %dma_start3A_264 = arith.constant 14 : i32
    %dma_start3A_265 = arith.constant 14 : i32
    %dma_start3A_266 = arith.constant 0 : i32
    %dma_start3A_267 = arith.constant 0 : i32
    %dma_start3A_268 = tpu.memref_slice %arg5[%dma_start3A_265, %dma_start3A_266, %dma_start3A_267] : memref<19x4x512xf32, #tpu.memory_space<vmem>> -> memref<1x4x512xf32, #tpu.memory_space<vmem>>
    %dma_start3A_269 = tpu.memref_squeeze %dma_start3A_268 : memref<1x4x512xf32, #tpu.memory_space<vmem>> -> memref<4x512xf32, #tpu.memory_space<vmem>>
    %dma_start3A_270 = arith.constant 0 : i32
    %dma_start3A_271 = tpu.memref_slice %arg2[%select_n3A, %dma_start3A_264, %mul3A_40, %dma_start3A_270] : memref<8x19x512x512xf32, #tpu.memory_space<hbm>> -> memref<1x1x4x512xf32, #tpu.memory_space<hbm>>
    %dma_start3A_272 = tpu.memref_squeeze %dma_start3A_271 : memref<1x1x4x512xf32, #tpu.memory_space<hbm>> -> memref<4x512xf32, #tpu.memory_space<hbm>>
    %dma_start3A_273 = arith.constant 0 : i32
    %dma_start3A_274 = arith.constant 0 : i32
    %dma_start3A_275 = tpu.memref_slice %arg5[%dma_start3A_265, %dma_start3A_273, %dma_start3A_274] : memref<19x4x512xf32, #tpu.memory_space<vmem>> -> memref<1x4x512xf32, #tpu.memory_space<vmem>>
    %dma_start3A_276 = tpu.memref_squeeze %dma_start3A_275 : memref<1x4x512xf32, #tpu.memory_space<vmem>> -> memref<4x512xf32, #tpu.memory_space<vmem>>
    %dma_start3A_277 = arith.constant 0 : i32
    %dma_start3A_278 = tpu.memref_slice %arg2[%select_n3A, %dma_start3A_264, %mul3A_40, %dma_start3A_277] : memref<8x19x512x512xf32, #tpu.memory_space<hbm>> -> memref<1x1x4x512xf32, #tpu.memory_space<hbm>>
    %dma_start3A_279 = tpu.memref_squeeze %dma_start3A_278 : memref<1x1x4x512xf32, #tpu.memory_space<hbm>> -> memref<4x512xf32, #tpu.memory_space<hbm>>
    tpu.enqueue_dma source(%dma_start3A_279 : memref<4x512xf32, #tpu.memory_space<hbm>>) target(%dma_start3A_276 : memref<4x512xf32, #tpu.memory_space<vmem>>) target_semaphore(%arg9 : memref<!tpu.dma_semaphore, #tpu.memory_space<semaphore_mem>>)
    %dma_start3A_280 = arith.constant 15 : i32
    %dma_start3A_281 = arith.constant 15 : i32
    %dma_start3A_282 = arith.constant 0 : i32
    %dma_start3A_283 = arith.constant 0 : i32
    %dma_start3A_284 = tpu.memref_slice %arg5[%dma_start3A_281, %dma_start3A_282, %dma_start3A_283] : memref<19x4x512xf32, #tpu.memory_space<vmem>> -> memref<1x4x512xf32, #tpu.memory_space<vmem>>
    %dma_start3A_285 = tpu.memref_squeeze %dma_start3A_284 : memref<1x4x512xf32, #tpu.memory_space<vmem>> -> memref<4x512xf32, #tpu.memory_space<vmem>>
    %dma_start3A_286 = arith.constant 0 : i32
    %dma_start3A_287 = tpu.memref_slice %arg2[%select_n3A, %dma_start3A_280, %mul3A_40, %dma_start3A_286] : memref<8x19x512x512xf32, #tpu.memory_space<hbm>> -> memref<1x1x4x512xf32, #tpu.memory_space<hbm>>
    %dma_start3A_288 = tpu.memref_squeeze %dma_start3A_287 : memref<1x1x4x512xf32, #tpu.memory_space<hbm>> -> memref<4x512xf32, #tpu.memory_space<hbm>>
    %dma_start3A_289 = arith.constant 0 : i32
    %dma_start3A_290 = arith.constant 0 : i32
    %dma_start3A_291 = tpu.memref_slice %arg5[%dma_start3A_281, %dma_start3A_289, %dma_start3A_290] : memref<19x4x512xf32, #tpu.memory_space<vmem>> -> memref<1x4x512xf32, #tpu.memory_space<vmem>>
    %dma_start3A_292 = tpu.memref_squeeze %dma_start3A_291 : memref<1x4x512xf32, #tpu.memory_space<vmem>> -> memref<4x512xf32, #tpu.memory_space<vmem>>
    %dma_start3A_293 = arith.constant 0 : i32
    %dma_start3A_294 = tpu.memref_slice %arg2[%select_n3A, %dma_start3A_280, %mul3A_40, %dma_start3A_293] : memref<8x19x512x512xf32, #tpu.memory_space<hbm>> -> memref<1x1x4x512xf32, #tpu.memory_space<hbm>>
    %dma_start3A_295 = tpu.memref_squeeze %dma_start3A_294 : memref<1x1x4x512xf32, #tpu.memory_space<hbm>> -> memref<4x512xf32, #tpu.memory_space<hbm>>
    tpu.enqueue_dma source(%dma_start3A_295 : memref<4x512xf32, #tpu.memory_space<hbm>>) target(%dma_start3A_292 : memref<4x512xf32, #tpu.memory_space<vmem>>) target_semaphore(%arg9 : memref<!tpu.dma_semaphore, #tpu.memory_space<semaphore_mem>>)
    %dma_start3A_296 = arith.constant 16 : i32
    %dma_start3A_297 = arith.constant 16 : i32
    %dma_start3A_298 = arith.constant 0 : i32
    %dma_start3A_299 = arith.constant 0 : i32
    %dma_start3A_300 = tpu.memref_slice %arg5[%dma_start3A_297, %dma_start3A_298, %dma_start3A_299] : memref<19x4x512xf32, #tpu.memory_space<vmem>> -> memref<1x4x512xf32, #tpu.memory_space<vmem>>
    %dma_start3A_301 = tpu.memref_squeeze %dma_start3A_300 : memref<1x4x512xf32, #tpu.memory_space<vmem>> -> memref<4x512xf32, #tpu.memory_space<vmem>>
    %dma_start3A_302 = arith.constant 0 : i32
    %dma_start3A_303 = tpu.memref_slice %arg2[%select_n3A, %dma_start3A_296, %mul3A_40, %dma_start3A_302] : memref<8x19x512x512xf32, #tpu.memory_space<hbm>> -> memref<1x1x4x512xf32, #tpu.memory_space<hbm>>
    %dma_start3A_304 = tpu.memref_squeeze %dma_start3A_303 : memref<1x1x4x512xf32, #tpu.memory_space<hbm>> -> memref<4x512xf32, #tpu.memory_space<hbm>>
    %dma_start3A_305 = arith.constant 0 : i32
    %dma_start3A_306 = arith.constant 0 : i32
    %dma_start3A_307 = tpu.memref_slice %arg5[%dma_start3A_297, %dma_start3A_305, %dma_start3A_306] : memref<19x4x512xf32, #tpu.memory_space<vmem>> -> memref<1x4x512xf32, #tpu.memory_space<vmem>>
    %dma_start3A_308 = tpu.memref_squeeze %dma_start3A_307 : memref<1x4x512xf32, #tpu.memory_space<vmem>> -> memref<4x512xf32, #tpu.memory_space<vmem>>
    %dma_start3A_309 = arith.constant 0 : i32
    %dma_start3A_310 = tpu.memref_slice %arg2[%select_n3A, %dma_start3A_296, %mul3A_40, %dma_start3A_309] : memref<8x19x512x512xf32, #tpu.memory_space<hbm>> -> memref<1x1x4x512xf32, #tpu.memory_space<hbm>>
    %dma_start3A_311 = tpu.memref_squeeze %dma_start3A_310 : memref<1x1x4x512xf32, #tpu.memory_space<hbm>> -> memref<4x512xf32, #tpu.memory_space<hbm>>
    tpu.enqueue_dma source(%dma_start3A_311 : memref<4x512xf32, #tpu.memory_space<hbm>>) target(%dma_start3A_308 : memref<4x512xf32, #tpu.memory_space<vmem>>) target_semaphore(%arg9 : memref<!tpu.dma_semaphore, #tpu.memory_space<semaphore_mem>>)
    %dma_start3A_312 = arith.constant 17 : i32
    %dma_start3A_313 = arith.constant 17 : i32
    %dma_start3A_314 = arith.constant 0 : i32
    %dma_start3A_315 = arith.constant 0 : i32
    %dma_start3A_316 = tpu.memref_slice %arg5[%dma_start3A_313, %dma_start3A_314, %dma_start3A_315] : memref<19x4x512xf32, #tpu.memory_space<vmem>> -> memref<1x4x512xf32, #tpu.memory_space<vmem>>
    %dma_start3A_317 = tpu.memref_squeeze %dma_start3A_316 : memref<1x4x512xf32, #tpu.memory_space<vmem>> -> memref<4x512xf32, #tpu.memory_space<vmem>>
    %dma_start3A_318 = arith.constant 0 : i32
    %dma_start3A_319 = tpu.memref_slice %arg2[%select_n3A, %dma_start3A_312, %mul3A_40, %dma_start3A_318] : memref<8x19x512x512xf32, #tpu.memory_space<hbm>> -> memref<1x1x4x512xf32, #tpu.memory_space<hbm>>
    %dma_start3A_320 = tpu.memref_squeeze %dma_start3A_319 : memref<1x1x4x512xf32, #tpu.memory_space<hbm>> -> memref<4x512xf32, #tpu.memory_space<hbm>>
    %dma_start3A_321 = arith.constant 0 : i32
    %dma_start3A_322 = arith.constant 0 : i32
    %dma_start3A_323 = tpu.memref_slice %arg5[%dma_start3A_313, %dma_start3A_321, %dma_start3A_322] : memref<19x4x512xf32, #tpu.memory_space<vmem>> -> memref<1x4x512xf32, #tpu.memory_space<vmem>>
    %dma_start3A_324 = tpu.memref_squeeze %dma_start3A_323 : memref<1x4x512xf32, #tpu.memory_space<vmem>> -> memref<4x512xf32, #tpu.memory_space<vmem>>
    %dma_start3A_325 = arith.constant 0 : i32
    %dma_start3A_326 = tpu.memref_slice %arg2[%select_n3A, %dma_start3A_312, %mul3A_40, %dma_start3A_325] : memref<8x19x512x512xf32, #tpu.memory_space<hbm>> -> memref<1x1x4x512xf32, #tpu.memory_space<hbm>>
    %dma_start3A_327 = tpu.memref_squeeze %dma_start3A_326 : memref<1x1x4x512xf32, #tpu.memory_space<hbm>> -> memref<4x512xf32, #tpu.memory_space<hbm>>
    tpu.enqueue_dma source(%dma_start3A_327 : memref<4x512xf32, #tpu.memory_space<hbm>>) target(%dma_start3A_324 : memref<4x512xf32, #tpu.memory_space<vmem>>) target_semaphore(%arg9 : memref<!tpu.dma_semaphore, #tpu.memory_space<semaphore_mem>>)
    %dma_start3A_328 = arith.constant 18 : i32
    %dma_start3A_329 = arith.constant 18 : i32
    %dma_start3A_330 = arith.constant 0 : i32
    %dma_start3A_331 = arith.constant 0 : i32
    %dma_start3A_332 = tpu.memref_slice %arg5[%dma_start3A_329, %dma_start3A_330, %dma_start3A_331] : memref<19x4x512xf32, #tpu.memory_space<vmem>> -> memref<1x4x512xf32, #tpu.memory_space<vmem>>
    %dma_start3A_333 = tpu.memref_squeeze %dma_start3A_332 : memref<1x4x512xf32, #tpu.memory_space<vmem>> -> memref<4x512xf32, #tpu.memory_space<vmem>>
    %dma_start3A_334 = arith.constant 0 : i32
    %dma_start3A_335 = tpu.memref_slice %arg2[%select_n3A, %dma_start3A_328, %mul3A_40, %dma_start3A_334] : memref<8x19x512x512xf32, #tpu.memory_space<hbm>> -> memref<1x1x4x512xf32, #tpu.memory_space<hbm>>
    %dma_start3A_336 = tpu.memref_squeeze %dma_start3A_335 : memref<1x1x4x512xf32, #tpu.memory_space<hbm>> -> memref<4x512xf32, #tpu.memory_space<hbm>>
    %dma_start3A_337 = arith.constant 0 : i32
    %dma_start3A_338 = arith.constant 0 : i32
    %dma_start3A_339 = tpu.memref_slice %arg5[%dma_start3A_329, %dma_start3A_337, %dma_start3A_338] : memref<19x4x512xf32, #tpu.memory_space<vmem>> -> memref<1x4x512xf32, #tpu.memory_space<vmem>>
    %dma_start3A_340 = tpu.memref_squeeze %dma_start3A_339 : memref<1x4x512xf32, #tpu.memory_space<vmem>> -> memref<4x512xf32, #tpu.memory_space<vmem>>
    %dma_start3A_341 = arith.constant 0 : i32
    %dma_start3A_342 = tpu.memref_slice %arg2[%select_n3A, %dma_start3A_328, %mul3A_40, %dma_start3A_341] : memref<8x19x512x512xf32, #tpu.memory_space<hbm>> -> memref<1x1x4x512xf32, #tpu.memory_space<hbm>>
    %dma_start3A_343 = tpu.memref_squeeze %dma_start3A_342 : memref<1x1x4x512xf32, #tpu.memory_space<hbm>> -> memref<4x512xf32, #tpu.memory_space<hbm>>
    tpu.enqueue_dma source(%dma_start3A_343 : memref<4x512xf32, #tpu.memory_space<hbm>>) target(%dma_start3A_340 : memref<4x512xf32, #tpu.memory_space<vmem>>) target_semaphore(%arg9 : memref<!tpu.dma_semaphore, #tpu.memory_space<semaphore_mem>>)
    %dma_start3A_344 = arith.constant 0 : i32
    %dma_start3A_345 = tpu.memref_slice %arg3[%select_n3A, %mul3A_40, %dma_start3A_344] : memref<8x512x512xi32, #tpu.memory_space<hbm>> -> memref<1x4x512xi32, #tpu.memory_space<hbm>>
    %dma_start3A_346 = tpu.memref_squeeze %dma_start3A_345 : memref<1x4x512xi32, #tpu.memory_space<hbm>> -> memref<4x512xi32, #tpu.memory_space<hbm>>
    %dma_start3A_347 = arith.constant 0 : i32
    %dma_start3A_348 = tpu.memref_slice %arg3[%select_n3A, %mul3A_40, %dma_start3A_347] : memref<8x512x512xi32, #tpu.memory_space<hbm>> -> memref<1x4x512xi32, #tpu.memory_space<hbm>>
    %dma_start3A_349 = tpu.memref_squeeze %dma_start3A_348 : memref<1x4x512xi32, #tpu.memory_space<hbm>> -> memref<4x512xi32, #tpu.memory_space<hbm>>
    tpu.enqueue_dma source(%dma_start3A_349 : memref<4x512xi32, #tpu.memory_space<hbm>>) target(%arg6 : memref<4x512xi32, #tpu.memory_space<vmem>>) target_semaphore(%arg9 : memref<!tpu.dma_semaphore, #tpu.memory_space<semaphore_mem>>)
    %scan3A_350 = arith.constant 0 : i32
    %scan3A_351 = arith.constant 0 : i32
    %scan3A_352 = arith.constant 16 : i32
    %scan3A_353 = arith.addi %scan3A_351, %scan3A_352 : i32
    %scan3A_354 = arith.constant 1 : i32
    scf.for %scan3A_356 = %scan3A_351 to %scan3A_353 step %scan3A_354  : i32 {
      %mul3A_357 = arith.constant 2 : i32
      %mul3A_358 = arith.muli %mul3A_357, %scan3A_356 : i32
      %add3A_359 = arith.addi %mul3A_8, %mul3A_358 : i32
      %add3A_360 = arith.constant 1 : i32
      %add3A_361 = arith.addi %add3A_359, %add3A_360 : i32
      %jit3A_362 = arith.constant 128 : i32
      %div3A_363 = arith.divsi %add3A_361, %jit3A_362 : i32
      %sign3A_364 = arith.constant 0 : i32
      %sign3A_365 = arith.cmpi sgt, %add3A_361, %sign3A_364 : i32
      %sign3A_366 = arith.extui %sign3A_365 : i1 to i32
      %sign3A_367 = arith.constant 0 : i32
      %sign3A_368 = arith.cmpi slt, %add3A_361, %sign3A_367 : i32
      %sign3A_369 = arith.extui %sign3A_368 : i1 to i32
      %sign3A_370 = arith.subi %sign3A_366, %sign3A_369 : i32
      %sign3A_371 = arith.constant 0 : i32
      %sign3A_372 = arith.cmpi sgt, %jit3A_362, %sign3A_371 : i32
      %sign3A_373 = arith.extui %sign3A_372 : i1 to i32
      %sign3A_374 = arith.constant 0 : i32
      %sign3A_375 = arith.cmpi slt, %jit3A_362, %sign3A_374 : i32
      %sign3A_376 = arith.extui %sign3A_375 : i1 to i32
      %sign3A_377 = arith.subi %sign3A_373, %sign3A_376 : i32
      %ne3A_378 = arith.cmpi ne, %sign3A_370, %sign3A_377 : i32
      %rem3A_379 = arith.remsi %add3A_361, %jit3A_362 : i32
      %ne3A_380 = arith.constant 0 : i32
      %ne3A_381 = arith.cmpi ne, %rem3A_379, %ne3A_380 : i32
      %and3A_382 = arith.andi %ne3A_378, %ne3A_381 : i1
      %sub3A_383 = arith.constant 1 : i32
      %sub3A_384 = arith.subi %div3A_363, %sub3A_383 : i32
      %select_n3A_385 = arith.select %and3A_382, %sub3A_384, %div3A_363 : i32
      %jit3A_386 = arith.constant 128 : i32
      %eq3A_387 = arith.constant 0 : i32
      %eq3A_388 = arith.cmpi eq, %jit3A_386, %eq3A_387 : i32
      %jit3A_389 = arith.constant 1 : i32
      %select_n3A_390 = arith.select %eq3A_388, %jit3A_389, %jit3A_386 : i32
      %rem3A_391 = arith.remsi %add3A_361, %select_n3A_390 : i32
      %ne3A_392 = arith.constant 0 : i32
      %ne3A_393 = arith.cmpi ne, %rem3A_391, %ne3A_392 : i32
      %lt3A_394 = arith.constant 0 : i32
      %lt3A_395 = arith.cmpi slt, %rem3A_391, %lt3A_394 : i32
      %lt3A_396 = arith.constant 0 : i32
      %lt3A_397 = arith.cmpi slt, %select_n3A_390, %lt3A_396 : i32
      %ne3A_398 = arith.xori %lt3A_395, %lt3A_397 : i1
      %and3A_399 = arith.andi %ne3A_398, %ne3A_393 : i1
      %add3A_400 = arith.addi %rem3A_391, %select_n3A_390 : i32
      %select_n3A_401 = arith.select %and3A_399, %add3A_400, %rem3A_391 : i32
      %mul3A_402 = arith.constant 4 : i32
      %mul3A_403 = arith.muli %select_n3A_401, %mul3A_402 : i32
      %dma_start3A_404 = arith.constant 0 : i32
      %dma_start3A_405 = arith.constant 0 : i32
      %dma_start3A_406 = arith.constant 0 : i32
      %dma_start3A_407 = arith.constant 0 : i32
      %dma_start3A_408 = tpu.memref_slice %arg7[%dma_start3A_405, %dma_start3A_406, %dma_start3A_407] : memref<19x4x512xf32, #tpu.memory_space<vmem>> -> memref<1x4x512xf32, #tpu.memory_space<vmem>>
      %dma_start3A_409 = tpu.memref_squeeze %dma_start3A_408 : memref<1x4x512xf32, #tpu.memory_space<vmem>> -> memref<4x512xf32, #tpu.memory_space<vmem>>
      %dma_start3A_410 = arith.constant 0 : i32
      %dma_start3A_411 = tpu.memref_slice %arg2[%select_n3A_385, %dma_start3A_404, %mul3A_403, %dma_start3A_410] : memref<8x19x512x512xf32, #tpu.memory_space<hbm>> -> memref<1x1x4x512xf32, #tpu.memory_space<hbm>>
      %dma_start3A_412 = tpu.memref_squeeze %dma_start3A_411 : memref<1x1x4x512xf32, #tpu.memory_space<hbm>> -> memref<4x512xf32, #tpu.memory_space<hbm>>
      %dma_start3A_413 = arith.constant 0 : i32
      %dma_start3A_414 = arith.constant 0 : i32
      %dma_start3A_415 = tpu.memref_slice %arg7[%dma_start3A_405, %dma_start3A_413, %dma_start3A_414] : memref<19x4x512xf32, #tpu.memory_space<vmem>> -> memref<1x4x512xf32, #tpu.memory_space<vmem>>
      %dma_start3A_416 = tpu.memref_squeeze %dma_start3A_415 : memref<1x4x512xf32, #tpu.memory_space<vmem>> -> memref<4x512xf32, #tpu.memory_space<vmem>>
      %dma_start3A_417 = arith.constant 0 : i32
      %dma_start3A_418 = tpu.memref_slice %arg2[%select_n3A_385, %dma_start3A_404, %mul3A_403, %dma_start3A_417] : memref<8x19x512x512xf32, #tpu.memory_space<hbm>> -> memref<1x1x4x512xf32, #tpu.memory_space<hbm>>
      %dma_start3A_419 = tpu.memref_squeeze %dma_start3A_418 : memref<1x1x4x512xf32, #tpu.memory_space<hbm>> -> memref<4x512xf32, #tpu.memory_space<hbm>>
      tpu.enqueue_dma source(%dma_start3A_419 : memref<4x512xf32, #tpu.memory_space<hbm>>) target(%dma_start3A_416 : memref<4x512xf32, #tpu.memory_space<vmem>>) target_semaphore(%arg10 : memref<!tpu.dma_semaphore, #tpu.memory_space<semaphore_mem>>)
      %dma_start3A_420 = arith.constant 1 : i32
      %dma_start3A_421 = arith.constant 1 : i32
      %dma_start3A_422 = arith.constant 0 : i32
      %dma_start3A_423 = arith.constant 0 : i32
      %dma_start3A_424 = tpu.memref_slice %arg7[%dma_start3A_421, %dma_start3A_422, %dma_start3A_423] : memref<19x4x512xf32, #tpu.memory_space<vmem>> -> memref<1x4x512xf32, #tpu.memory_space<vmem>>
      %dma_start3A_425 = tpu.memref_squeeze %dma_start3A_424 : memref<1x4x512xf32, #tpu.memory_space<vmem>> -> memref<4x512xf32, #tpu.memory_space<vmem>>
      %dma_start3A_426 = arith.constant 0 : i32
      %dma_start3A_427 = tpu.memref_slice %arg2[%select_n3A_385, %dma_start3A_420, %mul3A_403, %dma_start3A_426] : memref<8x19x512x512xf32, #tpu.memory_space<hbm>> -> memref<1x1x4x512xf32, #tpu.memory_space<hbm>>
      %dma_start3A_428 = tpu.memref_squeeze %dma_start3A_427 : memref<1x1x4x512xf32, #tpu.memory_space<hbm>> -> memref<4x512xf32, #tpu.memory_space<hbm>>
      %dma_start3A_429 = arith.constant 0 : i32
      %dma_start3A_430 = arith.constant 0 : i32
      %dma_start3A_431 = tpu.memref_slice %arg7[%dma_start3A_421, %dma_start3A_429, %dma_start3A_430] : memref<19x4x512xf32, #tpu.memory_space<vmem>> -> memref<1x4x512xf32, #tpu.memory_space<vmem>>
      %dma_start3A_432 = tpu.memref_squeeze %dma_start3A_431 : memref<1x4x512xf32, #tpu.memory_space<vmem>> -> memref<4x512xf32, #tpu.memory_space<vmem>>
      %dma_start3A_433 = arith.constant 0 : i32
      %dma_start3A_434 = tpu.memref_slice %arg2[%select_n3A_385, %dma_start3A_420, %mul3A_403, %dma_start3A_433] : memref<8x19x512x512xf32, #tpu.memory_space<hbm>> -> memref<1x1x4x512xf32, #tpu.memory_space<hbm>>
      %dma_start3A_435 = tpu.memref_squeeze %dma_start3A_434 : memref<1x1x4x512xf32, #tpu.memory_space<hbm>> -> memref<4x512xf32, #tpu.memory_space<hbm>>
      tpu.enqueue_dma source(%dma_start3A_435 : memref<4x512xf32, #tpu.memory_space<hbm>>) target(%dma_start3A_432 : memref<4x512xf32, #tpu.memory_space<vmem>>) target_semaphore(%arg10 : memref<!tpu.dma_semaphore, #tpu.memory_space<semaphore_mem>>)
      %dma_start3A_436 = arith.constant 2 : i32
      %dma_start3A_437 = arith.constant 2 : i32
      %dma_start3A_438 = arith.constant 0 : i32
      %dma_start3A_439 = arith.constant 0 : i32
      %dma_start3A_440 = tpu.memref_slice %arg7[%dma_start3A_437, %dma_start3A_438, %dma_start3A_439] : memref<19x4x512xf32, #tpu.memory_space<vmem>> -> memref<1x4x512xf32, #tpu.memory_space<vmem>>
      %dma_start3A_441 = tpu.memref_squeeze %dma_start3A_440 : memref<1x4x512xf32, #tpu.memory_space<vmem>> -> memref<4x512xf32, #tpu.memory_space<vmem>>
      %dma_start3A_442 = arith.constant 0 : i32
      %dma_start3A_443 = tpu.memref_slice %arg2[%select_n3A_385, %dma_start3A_436, %mul3A_403, %dma_start3A_442] : memref<8x19x512x512xf32, #tpu.memory_space<hbm>> -> memref<1x1x4x512xf32, #tpu.memory_space<hbm>>
      %dma_start3A_444 = tpu.memref_squeeze %dma_start3A_443 : memref<1x1x4x512xf32, #tpu.memory_space<hbm>> -> memref<4x512xf32, #tpu.memory_space<hbm>>
      %dma_start3A_445 = arith.constant 0 : i32
      %dma_start3A_446 = arith.constant 0 : i32
      %dma_start3A_447 = tpu.memref_slice %arg7[%dma_start3A_437, %dma_start3A_445, %dma_start3A_446] : memref<19x4x512xf32, #tpu.memory_space<vmem>> -> memref<1x4x512xf32, #tpu.memory_space<vmem>>
      %dma_start3A_448 = tpu.memref_squeeze %dma_start3A_447 : memref<1x4x512xf32, #tpu.memory_space<vmem>> -> memref<4x512xf32, #tpu.memory_space<vmem>>
      %dma_start3A_449 = arith.constant 0 : i32
      %dma_start3A_450 = tpu.memref_slice %arg2[%select_n3A_385, %dma_start3A_436, %mul3A_403, %dma_start3A_449] : memref<8x19x512x512xf32, #tpu.memory_space<hbm>> -> memref<1x1x4x512xf32, #tpu.memory_space<hbm>>
      %dma_start3A_451 = tpu.memref_squeeze %dma_start3A_450 : memref<1x1x4x512xf32, #tpu.memory_space<hbm>> -> memref<4x512xf32, #tpu.memory_space<hbm>>
      tpu.enqueue_dma source(%dma_start3A_451 : memref<4x512xf32, #tpu.memory_space<hbm>>) target(%dma_start3A_448 : memref<4x512xf32, #tpu.memory_space<vmem>>) target_semaphore(%arg10 : memref<!tpu.dma_semaphore, #tpu.memory_space<semaphore_mem>>)
      %dma_start3A_452 = arith.constant 3 : i32
      %dma_start3A_453 = arith.constant 3 : i32
      %dma_start3A_454 = arith.constant 0 : i32
      %dma_start3A_455 = arith.constant 0 : i32
      %dma_start3A_456 = tpu.memref_slice %arg7[%dma_start3A_453, %dma_start3A_454, %dma_start3A_455] : memref<19x4x512xf32, #tpu.memory_space<vmem>> -> memref<1x4x512xf32, #tpu.memory_space<vmem>>
      %dma_start3A_457 = tpu.memref_squeeze %dma_start3A_456 : memref<1x4x512xf32, #tpu.memory_space<vmem>> -> memref<4x512xf32, #tpu.memory_space<vmem>>
      %dma_start3A_458 = arith.constant 0 : i32
      %dma_start3A_459 = tpu.memref_slice %arg2[%select_n3A_385, %dma_start3A_452, %mul3A_403, %dma_start3A_458] : memref<8x19x512x512xf32, #tpu.memory_space<hbm>> -> memref<1x1x4x512xf32, #tpu.memory_space<hbm>>
      %dma_start3A_460 = tpu.memref_squeeze %dma_start3A_459 : memref<1x1x4x512xf32, #tpu.memory_space<hbm>> -> memref<4x512xf32, #tpu.memory_space<hbm>>
      %dma_start3A_461 = arith.constant 0 : i32
      %dma_start3A_462 = arith.constant 0 : i32
      %dma_start3A_463 = tpu.memref_slice %arg7[%dma_start3A_453, %dma_start3A_461, %dma_start3A_462] : memref<19x4x512xf32, #tpu.memory_space<vmem>> -> memref<1x4x512xf32, #tpu.memory_space<vmem>>
      %dma_start3A_464 = tpu.memref_squeeze %dma_start3A_463 : memref<1x4x512xf32, #tpu.memory_space<vmem>> -> memref<4x512xf32, #tpu.memory_space<vmem>>
      %dma_start3A_465 = arith.constant 0 : i32
      %dma_start3A_466 = tpu.memref_slice %arg2[%select_n3A_385, %dma_start3A_452, %mul3A_403, %dma_start3A_465] : memref<8x19x512x512xf32, #tpu.memory_space<hbm>> -> memref<1x1x4x512xf32, #tpu.memory_space<hbm>>
      %dma_start3A_467 = tpu.memref_squeeze %dma_start3A_466 : memref<1x1x4x512xf32, #tpu.memory_space<hbm>> -> memref<4x512xf32, #tpu.memory_space<hbm>>
      tpu.enqueue_dma source(%dma_start3A_467 : memref<4x512xf32, #tpu.memory_space<hbm>>) target(%dma_start3A_464 : memref<4x512xf32, #tpu.memory_space<vmem>>) target_semaphore(%arg10 : memref<!tpu.dma_semaphore, #tpu.memory_space<semaphore_mem>>)
      %dma_start3A_468 = arith.constant 4 : i32
      %dma_start3A_469 = arith.constant 4 : i32
      %dma_start3A_470 = arith.constant 0 : i32
      %dma_start3A_471 = arith.constant 0 : i32
      %dma_start3A_472 = tpu.memref_slice %arg7[%dma_start3A_469, %dma_start3A_470, %dma_start3A_471] : memref<19x4x512xf32, #tpu.memory_space<vmem>> -> memref<1x4x512xf32, #tpu.memory_space<vmem>>
      %dma_start3A_473 = tpu.memref_squeeze %dma_start3A_472 : memref<1x4x512xf32, #tpu.memory_space<vmem>> -> memref<4x512xf32, #tpu.memory_space<vmem>>
      %dma_start3A_474 = arith.constant 0 : i32
      %dma_start3A_475 = tpu.memref_slice %arg2[%select_n3A_385, %dma_start3A_468, %mul3A_403, %dma_start3A_474] : memref<8x19x512x512xf32, #tpu.memory_space<hbm>> -> memref<1x1x4x512xf32, #tpu.memory_space<hbm>>
      %dma_start3A_476 = tpu.memref_squeeze %dma_start3A_475 : memref<1x1x4x512xf32, #tpu.memory_space<hbm>> -> memref<4x512xf32, #tpu.memory_space<hbm>>
      %dma_start3A_477 = arith.constant 0 : i32
      %dma_start3A_478 = arith.constant 0 : i32
      %dma_start3A_479 = tpu.memref_slice %arg7[%dma_start3A_469, %dma_start3A_477, %dma_start3A_478] : memref<19x4x512xf32, #tpu.memory_space<vmem>> -> memref<1x4x512xf32, #tpu.memory_space<vmem>>
      %dma_start3A_480 = tpu.memref_squeeze %dma_start3A_479 : memref<1x4x512xf32, #tpu.memory_space<vmem>> -> memref<4x512xf32, #tpu.memory_space<vmem>>
      %dma_start3A_481 = arith.constant 0 : i32
      %dma_start3A_482 = tpu.memref_slice %arg2[%select_n3A_385, %dma_start3A_468, %mul3A_403, %dma_start3A_481] : memref<8x19x512x512xf32, #tpu.memory_space<hbm>> -> memref<1x1x4x512xf32, #tpu.memory_space<hbm>>
      %dma_start3A_483 = tpu.memref_squeeze %dma_start3A_482 : memref<1x1x4x512xf32, #tpu.memory_space<hbm>> -> memref<4x512xf32, #tpu.memory_space<hbm>>
      tpu.enqueue_dma source(%dma_start3A_483 : memref<4x512xf32, #tpu.memory_space<hbm>>) target(%dma_start3A_480 : memref<4x512xf32, #tpu.memory_space<vmem>>) target_semaphore(%arg10 : memref<!tpu.dma_semaphore, #tpu.memory_space<semaphore_mem>>)
      %dma_start3A_484 = arith.constant 5 : i32
      %dma_start3A_485 = arith.constant 5 : i32
      %dma_start3A_486 = arith.constant 0 : i32
      %dma_start3A_487 = arith.constant 0 : i32
      %dma_start3A_488 = tpu.memref_slice %arg7[%dma_start3A_485, %dma_start3A_486, %dma_start3A_487] : memref<19x4x512xf32, #tpu.memory_space<vmem>> -> memref<1x4x512xf32, #tpu.memory_space<vmem>>
      %dma_start3A_489 = tpu.memref_squeeze %dma_start3A_488 : memref<1x4x512xf32, #tpu.memory_space<vmem>> -> memref<4x512xf32, #tpu.memory_space<vmem>>
      %dma_start3A_490 = arith.constant 0 : i32
      %dma_start3A_491 = tpu.memref_slice %arg2[%select_n3A_385, %dma_start3A_484, %mul3A_403, %dma_start3A_490] : memref<8x19x512x512xf32, #tpu.memory_space<hbm>> -> memref<1x1x4x512xf32, #tpu.memory_space<hbm>>
      %dma_start3A_492 = tpu.memref_squeeze %dma_start3A_491 : memref<1x1x4x512xf32, #tpu.memory_space<hbm>> -> memref<4x512xf32, #tpu.memory_space<hbm>>
      %dma_start3A_493 = arith.constant 0 : i32
      %dma_start3A_494 = arith.constant 0 : i32
      %dma_start3A_495 = tpu.memref_slice %arg7[%dma_start3A_485, %dma_start3A_493, %dma_start3A_494] : memref<19x4x512xf32, #tpu.memory_space<vmem>> -> memref<1x4x512xf32, #tpu.memory_space<vmem>>
      %dma_start3A_496 = tpu.memref_squeeze %dma_start3A_495 : memref<1x4x512xf32, #tpu.memory_space<vmem>> -> memref<4x512xf32, #tpu.memory_space<vmem>>
      %dma_start3A_497 = arith.constant 0 : i32
      %dma_start3A_498 = tpu.memref_slice %arg2[%select_n3A_385, %dma_start3A_484, %mul3A_403, %dma_start3A_497] : memref<8x19x512x512xf32, #tpu.memory_space<hbm>> -> memref<1x1x4x512xf32, #tpu.memory_space<hbm>>
      %dma_start3A_499 = tpu.memref_squeeze %dma_start3A_498 : memref<1x1x4x512xf32, #tpu.memory_space<hbm>> -> memref<4x512xf32, #tpu.memory_space<hbm>>
      tpu.enqueue_dma source(%dma_start3A_499 : memref<4x512xf32, #tpu.memory_space<hbm>>) target(%dma_start3A_496 : memref<4x512xf32, #tpu.memory_space<vmem>>) target_semaphore(%arg10 : memref<!tpu.dma_semaphore, #tpu.memory_space<semaphore_mem>>)
      %dma_start3A_500 = arith.constant 6 : i32
      %dma_start3A_501 = arith.constant 6 : i32
      %dma_start3A_502 = arith.constant 0 : i32
      %dma_start3A_503 = arith.constant 0 : i32
      %dma_start3A_504 = tpu.memref_slice %arg7[%dma_start3A_501, %dma_start3A_502, %dma_start3A_503] : memref<19x4x512xf32, #tpu.memory_space<vmem>> -> memref<1x4x512xf32, #tpu.memory_space<vmem>>
      %dma_start3A_505 = tpu.memref_squeeze %dma_start3A_504 : memref<1x4x512xf32, #tpu.memory_space<vmem>> -> memref<4x512xf32, #tpu.memory_space<vmem>>
      %dma_start3A_506 = arith.constant 0 : i32
      %dma_start3A_507 = tpu.memref_slice %arg2[%select_n3A_385, %dma_start3A_500, %mul3A_403, %dma_start3A_506] : memref<8x19x512x512xf32, #tpu.memory_space<hbm>> -> memref<1x1x4x512xf32, #tpu.memory_space<hbm>>
      %dma_start3A_508 = tpu.memref_squeeze %dma_start3A_507 : memref<1x1x4x512xf32, #tpu.memory_space<hbm>> -> memref<4x512xf32, #tpu.memory_space<hbm>>
      %dma_start3A_509 = arith.constant 0 : i32
      %dma_start3A_510 = arith.constant 0 : i32
      %dma_start3A_511 = tpu.memref_slice %arg7[%dma_start3A_501, %dma_start3A_509, %dma_start3A_510] : memref<19x4x512xf32, #tpu.memory_space<vmem>> -> memref<1x4x512xf32, #tpu.memory_space<vmem>>
      %dma_start3A_512 = tpu.memref_squeeze %dma_start3A_511 : memref<1x4x512xf32, #tpu.memory_space<vmem>> -> memref<4x512xf32, #tpu.memory_space<vmem>>
      %dma_start3A_513 = arith.constant 0 : i32
      %dma_start3A_514 = tpu.memref_slice %arg2[%select_n3A_385, %dma_start3A_500, %mul3A_403, %dma_start3A_513] : memref<8x19x512x512xf32, #tpu.memory_space<hbm>> -> memref<1x1x4x512xf32, #tpu.memory_space<hbm>>
      %dma_start3A_515 = tpu.memref_squeeze %dma_start3A_514 : memref<1x1x4x512xf32, #tpu.memory_space<hbm>> -> memref<4x512xf32, #tpu.memory_space<hbm>>
      tpu.enqueue_dma source(%dma_start3A_515 : memref<4x512xf32, #tpu.memory_space<hbm>>) target(%dma_start3A_512 : memref<4x512xf32, #tpu.memory_space<vmem>>) target_semaphore(%arg10 : memref<!tpu.dma_semaphore, #tpu.memory_space<semaphore_mem>>)
      %dma_start3A_516 = arith.constant 7 : i32
      %dma_start3A_517 = arith.constant 7 : i32
      %dma_start3A_518 = arith.constant 0 : i32
      %dma_start3A_519 = arith.constant 0 : i32
      %dma_start3A_520 = tpu.memref_slice %arg7[%dma_start3A_517, %dma_start3A_518, %dma_start3A_519] : memref<19x4x512xf32, #tpu.memory_space<vmem>> -> memref<1x4x512xf32, #tpu.memory_space<vmem>>
      %dma_start3A_521 = tpu.memref_squeeze %dma_start3A_520 : memref<1x4x512xf32, #tpu.memory_space<vmem>> -> memref<4x512xf32, #tpu.memory_space<vmem>>
      %dma_start3A_522 = arith.constant 0 : i32
      %dma_start3A_523 = tpu.memref_slice %arg2[%select_n3A_385, %dma_start3A_516, %mul3A_403, %dma_start3A_522] : memref<8x19x512x512xf32, #tpu.memory_space<hbm>> -> memref<1x1x4x512xf32, #tpu.memory_space<hbm>>
      %dma_start3A_524 = tpu.memref_squeeze %dma_start3A_523 : memref<1x1x4x512xf32, #tpu.memory_space<hbm>> -> memref<4x512xf32, #tpu.memory_space<hbm>>
      %dma_start3A_525 = arith.constant 0 : i32
      %dma_start3A_526 = arith.constant 0 : i32
      %dma_start3A_527 = tpu.memref_slice %arg7[%dma_start3A_517, %dma_start3A_525, %dma_start3A_526] : memref<19x4x512xf32, #tpu.memory_space<vmem>> -> memref<1x4x512xf32, #tpu.memory_space<vmem>>
      %dma_start3A_528 = tpu.memref_squeeze %dma_start3A_527 : memref<1x4x512xf32, #tpu.memory_space<vmem>> -> memref<4x512xf32, #tpu.memory_space<vmem>>
      %dma_start3A_529 = arith.constant 0 : i32
      %dma_start3A_530 = tpu.memref_slice %arg2[%select_n3A_385, %dma_start3A_516, %mul3A_403, %dma_start3A_529] : memref<8x19x512x512xf32, #tpu.memory_space<hbm>> -> memref<1x1x4x512xf32, #tpu.memory_space<hbm>>
      %dma_start3A_531 = tpu.memref_squeeze %dma_start3A_530 : memref<1x1x4x512xf32, #tpu.memory_space<hbm>> -> memref<4x512xf32, #tpu.memory_space<hbm>>
      tpu.enqueue_dma source(%dma_start3A_531 : memref<4x512xf32, #tpu.memory_space<hbm>>) target(%dma_start3A_528 : memref<4x512xf32, #tpu.memory_space<vmem>>) target_semaphore(%arg10 : memref<!tpu.dma_semaphore, #tpu.memory_space<semaphore_mem>>)
      %dma_start3A_532 = arith.constant 8 : i32
      %dma_start3A_533 = arith.constant 8 : i32
      %dma_start3A_534 = arith.constant 0 : i32
      %dma_start3A_535 = arith.constant 0 : i32
      %dma_start3A_536 = tpu.memref_slice %arg7[%dma_start3A_533, %dma_start3A_534, %dma_start3A_535] : memref<19x4x512xf32, #tpu.memory_space<vmem>> -> memref<1x4x512xf32, #tpu.memory_space<vmem>>
      %dma_start3A_537 = tpu.memref_squeeze %dma_start3A_536 : memref<1x4x512xf32, #tpu.memory_space<vmem>> -> memref<4x512xf32, #tpu.memory_space<vmem>>
      %dma_start3A_538 = arith.constant 0 : i32
      %dma_start3A_539 = tpu.memref_slice %arg2[%select_n3A_385, %dma_start3A_532, %mul3A_403, %dma_start3A_538] : memref<8x19x512x512xf32, #tpu.memory_space<hbm>> -> memref<1x1x4x512xf32, #tpu.memory_space<hbm>>
      %dma_start3A_540 = tpu.memref_squeeze %dma_start3A_539 : memref<1x1x4x512xf32, #tpu.memory_space<hbm>> -> memref<4x512xf32, #tpu.memory_space<hbm>>
      %dma_start3A_541 = arith.constant 0 : i32
      %dma_start3A_542 = arith.constant 0 : i32
      %dma_start3A_543 = tpu.memref_slice %arg7[%dma_start3A_533, %dma_start3A_541, %dma_start3A_542] : memref<19x4x512xf32, #tpu.memory_space<vmem>> -> memref<1x4x512xf32, #tpu.memory_space<vmem>>
      %dma_start3A_544 = tpu.memref_squeeze %dma_start3A_543 : memref<1x4x512xf32, #tpu.memory_space<vmem>> -> memref<4x512xf32, #tpu.memory_space<vmem>>
      %dma_start3A_545 = arith.constant 0 : i32
      %dma_start3A_546 = tpu.memref_slice %arg2[%select_n3A_385, %dma_start3A_532, %mul3A_403, %dma_start3A_545] : memref<8x19x512x512xf32, #tpu.memory_space<hbm>> -> memref<1x1x4x512xf32, #tpu.memory_space<hbm>>
      %dma_start3A_547 = tpu.memref_squeeze %dma_start3A_546 : memref<1x1x4x512xf32, #tpu.memory_space<hbm>> -> memref<4x512xf32, #tpu.memory_space<hbm>>
      tpu.enqueue_dma source(%dma_start3A_547 : memref<4x512xf32, #tpu.memory_space<hbm>>) target(%dma_start3A_544 : memref<4x512xf32, #tpu.memory_space<vmem>>) target_semaphore(%arg10 : memref<!tpu.dma_semaphore, #tpu.memory_space<semaphore_mem>>)
      %dma_start3A_548 = arith.constant 9 : i32
      %dma_start3A_549 = arith.constant 9 : i32
      %dma_start3A_550 = arith.constant 0 : i32
      %dma_start3A_551 = arith.constant 0 : i32
      %dma_start3A_552 = tpu.memref_slice %arg7[%dma_start3A_549, %dma_start3A_550, %dma_start3A_551] : memref<19x4x512xf32, #tpu.memory_space<vmem>> -> memref<1x4x512xf32, #tpu.memory_space<vmem>>
      %dma_start3A_553 = tpu.memref_squeeze %dma_start3A_552 : memref<1x4x512xf32, #tpu.memory_space<vmem>> -> memref<4x512xf32, #tpu.memory_space<vmem>>
      %dma_start3A_554 = arith.constant 0 : i32
      %dma_start3A_555 = tpu.memref_slice %arg2[%select_n3A_385, %dma_start3A_548, %mul3A_403, %dma_start3A_554] : memref<8x19x512x512xf32, #tpu.memory_space<hbm>> -> memref<1x1x4x512xf32, #tpu.memory_space<hbm>>
      %dma_start3A_556 = tpu.memref_squeeze %dma_start3A_555 : memref<1x1x4x512xf32, #tpu.memory_space<hbm>> -> memref<4x512xf32, #tpu.memory_space<hbm>>
      %dma_start3A_557 = arith.constant 0 : i32
      %dma_start3A_558 = arith.constant 0 : i32
      %dma_start3A_559 = tpu.memref_slice %arg7[%dma_start3A_549, %dma_start3A_557, %dma_start3A_558] : memref<19x4x512xf32, #tpu.memory_space<vmem>> -> memref<1x4x512xf32, #tpu.memory_space<vmem>>
      %dma_start3A_560 = tpu.memref_squeeze %dma_start3A_559 : memref<1x4x512xf32, #tpu.memory_space<vmem>> -> memref<4x512xf32, #tpu.memory_space<vmem>>
      %dma_start3A_561 = arith.constant 0 : i32
      %dma_start3A_562 = tpu.memref_slice %arg2[%select_n3A_385, %dma_start3A_548, %mul3A_403, %dma_start3A_561] : memref<8x19x512x512xf32, #tpu.memory_space<hbm>> -> memref<1x1x4x512xf32, #tpu.memory_space<hbm>>
      %dma_start3A_563 = tpu.memref_squeeze %dma_start3A_562 : memref<1x1x4x512xf32, #tpu.memory_space<hbm>> -> memref<4x512xf32, #tpu.memory_space<hbm>>
      tpu.enqueue_dma source(%dma_start3A_563 : memref<4x512xf32, #tpu.memory_space<hbm>>) target(%dma_start3A_560 : memref<4x512xf32, #tpu.memory_space<vmem>>) target_semaphore(%arg10 : memref<!tpu.dma_semaphore, #tpu.memory_space<semaphore_mem>>)
      %dma_start3A_564 = arith.constant 10 : i32
      %dma_start3A_565 = arith.constant 10 : i32
      %dma_start3A_566 = arith.constant 0 : i32
      %dma_start3A_567 = arith.constant 0 : i32
      %dma_start3A_568 = tpu.memref_slice %arg7[%dma_start3A_565, %dma_start3A_566, %dma_start3A_567] : memref<19x4x512xf32, #tpu.memory_space<vmem>> -> memref<1x4x512xf32, #tpu.memory_space<vmem>>
      %dma_start3A_569 = tpu.memref_squeeze %dma_start3A_568 : memref<1x4x512xf32, #tpu.memory_space<vmem>> -> memref<4x512xf32, #tpu.memory_space<vmem>>
      %dma_start3A_570 = arith.constant 0 : i32
      %dma_start3A_571 = tpu.memref_slice %arg2[%select_n3A_385, %dma_start3A_564, %mul3A_403, %dma_start3A_570] : memref<8x19x512x512xf32, #tpu.memory_space<hbm>> -> memref<1x1x4x512xf32, #tpu.memory_space<hbm>>
      %dma_start3A_572 = tpu.memref_squeeze %dma_start3A_571 : memref<1x1x4x512xf32, #tpu.memory_space<hbm>> -> memref<4x512xf32, #tpu.memory_space<hbm>>
      %dma_start3A_573 = arith.constant 0 : i32
      %dma_start3A_574 = arith.constant 0 : i32
      %dma_start3A_575 = tpu.memref_slice %arg7[%dma_start3A_565, %dma_start3A_573, %dma_start3A_574] : memref<19x4x512xf32, #tpu.memory_space<vmem>> -> memref<1x4x512xf32, #tpu.memory_space<vmem>>
      %dma_start3A_576 = tpu.memref_squeeze %dma_start3A_575 : memref<1x4x512xf32, #tpu.memory_space<vmem>> -> memref<4x512xf32, #tpu.memory_space<vmem>>
      %dma_start3A_577 = arith.constant 0 : i32
      %dma_start3A_578 = tpu.memref_slice %arg2[%select_n3A_385, %dma_start3A_564, %mul3A_403, %dma_start3A_577] : memref<8x19x512x512xf32, #tpu.memory_space<hbm>> -> memref<1x1x4x512xf32, #tpu.memory_space<hbm>>
      %dma_start3A_579 = tpu.memref_squeeze %dma_start3A_578 : memref<1x1x4x512xf32, #tpu.memory_space<hbm>> -> memref<4x512xf32, #tpu.memory_space<hbm>>
      tpu.enqueue_dma source(%dma_start3A_579 : memref<4x512xf32, #tpu.memory_space<hbm>>) target(%dma_start3A_576 : memref<4x512xf32, #tpu.memory_space<vmem>>) target_semaphore(%arg10 : memref<!tpu.dma_semaphore, #tpu.memory_space<semaphore_mem>>)
      %dma_start3A_580 = arith.constant 11 : i32
      %dma_start3A_581 = arith.constant 11 : i32
      %dma_start3A_582 = arith.constant 0 : i32
      %dma_start3A_583 = arith.constant 0 : i32
      %dma_start3A_584 = tpu.memref_slice %arg7[%dma_start3A_581, %dma_start3A_582, %dma_start3A_583] : memref<19x4x512xf32, #tpu.memory_space<vmem>> -> memref<1x4x512xf32, #tpu.memory_space<vmem>>
      %dma_start3A_585 = tpu.memref_squeeze %dma_start3A_584 : memref<1x4x512xf32, #tpu.memory_space<vmem>> -> memref<4x512xf32, #tpu.memory_space<vmem>>
      %dma_start3A_586 = arith.constant 0 : i32
      %dma_start3A_587 = tpu.memref_slice %arg2[%select_n3A_385, %dma_start3A_580, %mul3A_403, %dma_start3A_586] : memref<8x19x512x512xf32, #tpu.memory_space<hbm>> -> memref<1x1x4x512xf32, #tpu.memory_space<hbm>>
      %dma_start3A_588 = tpu.memref_squeeze %dma_start3A_587 : memref<1x1x4x512xf32, #tpu.memory_space<hbm>> -> memref<4x512xf32, #tpu.memory_space<hbm>>
      %dma_start3A_589 = arith.constant 0 : i32
      %dma_start3A_590 = arith.constant 0 : i32
      %dma_start3A_591 = tpu.memref_slice %arg7[%dma_start3A_581, %dma_start3A_589, %dma_start3A_590] : memref<19x4x512xf32, #tpu.memory_space<vmem>> -> memref<1x4x512xf32, #tpu.memory_space<vmem>>
      %dma_start3A_592 = tpu.memref_squeeze %dma_start3A_591 : memref<1x4x512xf32, #tpu.memory_space<vmem>> -> memref<4x512xf32, #tpu.memory_space<vmem>>
      %dma_start3A_593 = arith.constant 0 : i32
      %dma_start3A_594 = tpu.memref_slice %arg2[%select_n3A_385, %dma_start3A_580, %mul3A_403, %dma_start3A_593] : memref<8x19x512x512xf32, #tpu.memory_space<hbm>> -> memref<1x1x4x512xf32, #tpu.memory_space<hbm>>
      %dma_start3A_595 = tpu.memref_squeeze %dma_start3A_594 : memref<1x1x4x512xf32, #tpu.memory_space<hbm>> -> memref<4x512xf32, #tpu.memory_space<hbm>>
      tpu.enqueue_dma source(%dma_start3A_595 : memref<4x512xf32, #tpu.memory_space<hbm>>) target(%dma_start3A_592 : memref<4x512xf32, #tpu.memory_space<vmem>>) target_semaphore(%arg10 : memref<!tpu.dma_semaphore, #tpu.memory_space<semaphore_mem>>)
      %dma_start3A_596 = arith.constant 12 : i32
      %dma_start3A_597 = arith.constant 12 : i32
      %dma_start3A_598 = arith.constant 0 : i32
      %dma_start3A_599 = arith.constant 0 : i32
      %dma_start3A_600 = tpu.memref_slice %arg7[%dma_start3A_597, %dma_start3A_598, %dma_start3A_599] : memref<19x4x512xf32, #tpu.memory_space<vmem>> -> memref<1x4x512xf32, #tpu.memory_space<vmem>>
      %dma_start3A_601 = tpu.memref_squeeze %dma_start3A_600 : memref<1x4x512xf32, #tpu.memory_space<vmem>> -> memref<4x512xf32, #tpu.memory_space<vmem>>
      %dma_start3A_602 = arith.constant 0 : i32
      %dma_start3A_603 = tpu.memref_slice %arg2[%select_n3A_385, %dma_start3A_596, %mul3A_403, %dma_start3A_602] : memref<8x19x512x512xf32, #tpu.memory_space<hbm>> -> memref<1x1x4x512xf32, #tpu.memory_space<hbm>>
      %dma_start3A_604 = tpu.memref_squeeze %dma_start3A_603 : memref<1x1x4x512xf32, #tpu.memory_space<hbm>> -> memref<4x512xf32, #tpu.memory_space<hbm>>
      %dma_start3A_605 = arith.constant 0 : i32
      %dma_start3A_606 = arith.constant 0 : i32
      %dma_start3A_607 = tpu.memref_slice %arg7[%dma_start3A_597, %dma_start3A_605, %dma_start3A_606] : memref<19x4x512xf32, #tpu.memory_space<vmem>> -> memref<1x4x512xf32, #tpu.memory_space<vmem>>
      %dma_start3A_608 = tpu.memref_squeeze %dma_start3A_607 : memref<1x4x512xf32, #tpu.memory_space<vmem>> -> memref<4x512xf32, #tpu.memory_space<vmem>>
      %dma_start3A_609 = arith.constant 0 : i32
      %dma_start3A_610 = tpu.memref_slice %arg2[%select_n3A_385, %dma_start3A_596, %mul3A_403, %dma_start3A_609] : memref<8x19x512x512xf32, #tpu.memory_space<hbm>> -> memref<1x1x4x512xf32, #tpu.memory_space<hbm>>
      %dma_start3A_611 = tpu.memref_squeeze %dma_start3A_610 : memref<1x1x4x512xf32, #tpu.memory_space<hbm>> -> memref<4x512xf32, #tpu.memory_space<hbm>>
      tpu.enqueue_dma source(%dma_start3A_611 : memref<4x512xf32, #tpu.memory_space<hbm>>) target(%dma_start3A_608 : memref<4x512xf32, #tpu.memory_space<vmem>>) target_semaphore(%arg10 : memref<!tpu.dma_semaphore, #tpu.memory_space<semaphore_mem>>)
      %dma_start3A_612 = arith.constant 13 : i32
      %dma_start3A_613 = arith.constant 13 : i32
      %dma_start3A_614 = arith.constant 0 : i32
      %dma_start3A_615 = arith.constant 0 : i32
      %dma_start3A_616 = tpu.memref_slice %arg7[%dma_start3A_613, %dma_start3A_614, %dma_start3A_615] : memref<19x4x512xf32, #tpu.memory_space<vmem>> -> memref<1x4x512xf32, #tpu.memory_space<vmem>>
      %dma_start3A_617 = tpu.memref_squeeze %dma_start3A_616 : memref<1x4x512xf32, #tpu.memory_space<vmem>> -> memref<4x512xf32, #tpu.memory_space<vmem>>
      %dma_start3A_618 = arith.constant 0 : i32
      %dma_start3A_619 = tpu.memref_slice %arg2[%select_n3A_385, %dma_start3A_612, %mul3A_403, %dma_start3A_618] : memref<8x19x512x512xf32, #tpu.memory_space<hbm>> -> memref<1x1x4x512xf32, #tpu.memory_space<hbm>>
      %dma_start3A_620 = tpu.memref_squeeze %dma_start3A_619 : memref<1x1x4x512xf32, #tpu.memory_space<hbm>> -> memref<4x512xf32, #tpu.memory_space<hbm>>
      %dma_start3A_621 = arith.constant 0 : i32
      %dma_start3A_622 = arith.constant 0 : i32
      %dma_start3A_623 = tpu.memref_slice %arg7[%dma_start3A_613, %dma_start3A_621, %dma_start3A_622] : memref<19x4x512xf32, #tpu.memory_space<vmem>> -> memref<1x4x512xf32, #tpu.memory_space<vmem>>
      %dma_start3A_624 = tpu.memref_squeeze %dma_start3A_623 : memref<1x4x512xf32, #tpu.memory_space<vmem>> -> memref<4x512xf32, #tpu.memory_space<vmem>>
      %dma_start3A_625 = arith.constant 0 : i32
      %dma_start3A_626 = tpu.memref_slice %arg2[%select_n3A_385, %dma_start3A_612, %mul3A_403, %dma_start3A_625] : memref<8x19x512x512xf32, #tpu.memory_space<hbm>> -> memref<1x1x4x512xf32, #tpu.memory_space<hbm>>
      %dma_start3A_627 = tpu.memref_squeeze %dma_start3A_626 : memref<1x1x4x512xf32, #tpu.memory_space<hbm>> -> memref<4x512xf32, #tpu.memory_space<hbm>>
      tpu.enqueue_dma source(%dma_start3A_627 : memref<4x512xf32, #tpu.memory_space<hbm>>) target(%dma_start3A_624 : memref<4x512xf32, #tpu.memory_space<vmem>>) target_semaphore(%arg10 : memref<!tpu.dma_semaphore, #tpu.memory_space<semaphore_mem>>)
      %dma_start3A_628 = arith.constant 14 : i32
      %dma_start3A_629 = arith.constant 14 : i32
      %dma_start3A_630 = arith.constant 0 : i32
      %dma_start3A_631 = arith.constant 0 : i32
      %dma_start3A_632 = tpu.memref_slice %arg7[%dma_start3A_629, %dma_start3A_630, %dma_start3A_631] : memref<19x4x512xf32, #tpu.memory_space<vmem>> -> memref<1x4x512xf32, #tpu.memory_space<vmem>>
      %dma_start3A_633 = tpu.memref_squeeze %dma_start3A_632 : memref<1x4x512xf32, #tpu.memory_space<vmem>> -> memref<4x512xf32, #tpu.memory_space<vmem>>
      %dma_start3A_634 = arith.constant 0 : i32
      %dma_start3A_635 = tpu.memref_slice %arg2[%select_n3A_385, %dma_start3A_628, %mul3A_403, %dma_start3A_634] : memref<8x19x512x512xf32, #tpu.memory_space<hbm>> -> memref<1x1x4x512xf32, #tpu.memory_space<hbm>>
      %dma_start3A_636 = tpu.memref_squeeze %dma_start3A_635 : memref<1x1x4x512xf32, #tpu.memory_space<hbm>> -> memref<4x512xf32, #tpu.memory_space<hbm>>
      %dma_start3A_637 = arith.constant 0 : i32
      %dma_start3A_638 = arith.constant 0 : i32
      %dma_start3A_639 = tpu.memref_slice %arg7[%dma_start3A_629, %dma_start3A_637, %dma_start3A_638] : memref<19x4x512xf32, #tpu.memory_space<vmem>> -> memref<1x4x512xf32, #tpu.memory_space<vmem>>
      %dma_start3A_640 = tpu.memref_squeeze %dma_start3A_639 : memref<1x4x512xf32, #tpu.memory_space<vmem>> -> memref<4x512xf32, #tpu.memory_space<vmem>>
      %dma_start3A_641 = arith.constant 0 : i32
      %dma_start3A_642 = tpu.memref_slice %arg2[%select_n3A_385, %dma_start3A_628, %mul3A_403, %dma_start3A_641] : memref<8x19x512x512xf32, #tpu.memory_space<hbm>> -> memref<1x1x4x512xf32, #tpu.memory_space<hbm>>
      %dma_start3A_643 = tpu.memref_squeeze %dma_start3A_642 : memref<1x1x4x512xf32, #tpu.memory_space<hbm>> -> memref<4x512xf32, #tpu.memory_space<hbm>>
      tpu.enqueue_dma source(%dma_start3A_643 : memref<4x512xf32, #tpu.memory_space<hbm>>) target(%dma_start3A_640 : memref<4x512xf32, #tpu.memory_space<vmem>>) target_semaphore(%arg10 : memref<!tpu.dma_semaphore, #tpu.memory_space<semaphore_mem>>)
      %dma_start3A_644 = arith.constant 15 : i32
      %dma_start3A_645 = arith.constant 15 : i32
      %dma_start3A_646 = arith.constant 0 : i32
      %dma_start3A_647 = arith.constant 0 : i32
      %dma_start3A_648 = tpu.memref_slice %arg7[%dma_start3A_645, %dma_start3A_646, %dma_start3A_647] : memref<19x4x512xf32, #tpu.memory_space<vmem>> -> memref<1x4x512xf32, #tpu.memory_space<vmem>>
      %dma_start3A_649 = tpu.memref_squeeze %dma_start3A_648 : memref<1x4x512xf32, #tpu.memory_space<vmem>> -> memref<4x512xf32, #tpu.memory_space<vmem>>
      %dma_start3A_650 = arith.constant 0 : i32
      %dma_start3A_651 = tpu.memref_slice %arg2[%select_n3A_385, %dma_start3A_644, %mul3A_403, %dma_start3A_650] : memref<8x19x512x512xf32, #tpu.memory_space<hbm>> -> memref<1x1x4x512xf32, #tpu.memory_space<hbm>>
      %dma_start3A_652 = tpu.memref_squeeze %dma_start3A_651 : memref<1x1x4x512xf32, #tpu.memory_space<hbm>> -> memref<4x512xf32, #tpu.memory_space<hbm>>
      %dma_start3A_653 = arith.constant 0 : i32
      %dma_start3A_654 = arith.constant 0 : i32
      %dma_start3A_655 = tpu.memref_slice %arg7[%dma_start3A_645, %dma_start3A_653, %dma_start3A_654] : memref<19x4x512xf32, #tpu.memory_space<vmem>> -> memref<1x4x512xf32, #tpu.memory_space<vmem>>
      %dma_start3A_656 = tpu.memref_squeeze %dma_start3A_655 : memref<1x4x512xf32, #tpu.memory_space<vmem>> -> memref<4x512xf32, #tpu.memory_space<vmem>>
      %dma_start3A_657 = arith.constant 0 : i32
      %dma_start3A_658 = tpu.memref_slice %arg2[%select_n3A_385, %dma_start3A_644, %mul3A_403, %dma_start3A_657] : memref<8x19x512x512xf32, #tpu.memory_space<hbm>> -> memref<1x1x4x512xf32, #tpu.memory_space<hbm>>
      %dma_start3A_659 = tpu.memref_squeeze %dma_start3A_658 : memref<1x1x4x512xf32, #tpu.memory_space<hbm>> -> memref<4x512xf32, #tpu.memory_space<hbm>>
      tpu.enqueue_dma source(%dma_start3A_659 : memref<4x512xf32, #tpu.memory_space<hbm>>) target(%dma_start3A_656 : memref<4x512xf32, #tpu.memory_space<vmem>>) target_semaphore(%arg10 : memref<!tpu.dma_semaphore, #tpu.memory_space<semaphore_mem>>)
      %dma_start3A_660 = arith.constant 16 : i32
      %dma_start3A_661 = arith.constant 16 : i32
      %dma_start3A_662 = arith.constant 0 : i32
      %dma_start3A_663 = arith.constant 0 : i32
      %dma_start3A_664 = tpu.memref_slice %arg7[%dma_start3A_661, %dma_start3A_662, %dma_start3A_663] : memref<19x4x512xf32, #tpu.memory_space<vmem>> -> memref<1x4x512xf32, #tpu.memory_space<vmem>>
      %dma_start3A_665 = tpu.memref_squeeze %dma_start3A_664 : memref<1x4x512xf32, #tpu.memory_space<vmem>> -> memref<4x512xf32, #tpu.memory_space<vmem>>
      %dma_start3A_666 = arith.constant 0 : i32
      %dma_start3A_667 = tpu.memref_slice %arg2[%select_n3A_385, %dma_start3A_660, %mul3A_403, %dma_start3A_666] : memref<8x19x512x512xf32, #tpu.memory_space<hbm>> -> memref<1x1x4x512xf32, #tpu.memory_space<hbm>>
      %dma_start3A_668 = tpu.memref_squeeze %dma_start3A_667 : memref<1x1x4x512xf32, #tpu.memory_space<hbm>> -> memref<4x512xf32, #tpu.memory_space<hbm>>
      %dma_start3A_669 = arith.constant 0 : i32
      %dma_start3A_670 = arith.constant 0 : i32
      %dma_start3A_671 = tpu.memref_slice %arg7[%dma_start3A_661, %dma_start3A_669, %dma_start3A_670] : memref<19x4x512xf32, #tpu.memory_space<vmem>> -> memref<1x4x512xf32, #tpu.memory_space<vmem>>
      %dma_start3A_672 = tpu.memref_squeeze %dma_start3A_671 : memref<1x4x512xf32, #tpu.memory_space<vmem>> -> memref<4x512xf32, #tpu.memory_space<vmem>>
      %dma_start3A_673 = arith.constant 0 : i32
      %dma_start3A_674 = tpu.memref_slice %arg2[%select_n3A_385, %dma_start3A_660, %mul3A_403, %dma_start3A_673] : memref<8x19x512x512xf32, #tpu.memory_space<hbm>> -> memref<1x1x4x512xf32, #tpu.memory_space<hbm>>
      %dma_start3A_675 = tpu.memref_squeeze %dma_start3A_674 : memref<1x1x4x512xf32, #tpu.memory_space<hbm>> -> memref<4x512xf32, #tpu.memory_space<hbm>>
      tpu.enqueue_dma source(%dma_start3A_675 : memref<4x512xf32, #tpu.memory_space<hbm>>) target(%dma_start3A_672 : memref<4x512xf32, #tpu.memory_space<vmem>>) target_semaphore(%arg10 : memref<!tpu.dma_semaphore, #tpu.memory_space<semaphore_mem>>)
      %dma_start3A_676 = arith.constant 17 : i32
      %dma_start3A_677 = arith.constant 17 : i32
      %dma_start3A_678 = arith.constant 0 : i32
      %dma_start3A_679 = arith.constant 0 : i32
      %dma_start3A_680 = tpu.memref_slice %arg7[%dma_start3A_677, %dma_start3A_678, %dma_start3A_679] : memref<19x4x512xf32, #tpu.memory_space<vmem>> -> memref<1x4x512xf32, #tpu.memory_space<vmem>>
      %dma_start3A_681 = tpu.memref_squeeze %dma_start3A_680 : memref<1x4x512xf32, #tpu.memory_space<vmem>> -> memref<4x512xf32, #tpu.memory_space<vmem>>
      %dma_start3A_682 = arith.constant 0 : i32
      %dma_start3A_683 = tpu.memref_slice %arg2[%select_n3A_385, %dma_start3A_676, %mul3A_403, %dma_start3A_682] : memref<8x19x512x512xf32, #tpu.memory_space<hbm>> -> memref<1x1x4x512xf32, #tpu.memory_space<hbm>>
      %dma_start3A_684 = tpu.memref_squeeze %dma_start3A_683 : memref<1x1x4x512xf32, #tpu.memory_space<hbm>> -> memref<4x512xf32, #tpu.memory_space<hbm>>
      %dma_start3A_685 = arith.constant 0 : i32
      %dma_start3A_686 = arith.constant 0 : i32
      %dma_start3A_687 = tpu.memref_slice %arg7[%dma_start3A_677, %dma_start3A_685, %dma_start3A_686] : memref<19x4x512xf32, #tpu.memory_space<vmem>> -> memref<1x4x512xf32, #tpu.memory_space<vmem>>
      %dma_start3A_688 = tpu.memref_squeeze %dma_start3A_687 : memref<1x4x512xf32, #tpu.memory_space<vmem>> -> memref<4x512xf32, #tpu.memory_space<vmem>>
      %dma_start3A_689 = arith.constant 0 : i32
      %dma_start3A_690 = tpu.memref_slice %arg2[%select_n3A_385, %dma_start3A_676, %mul3A_403, %dma_start3A_689] : memref<8x19x512x512xf32, #tpu.memory_space<hbm>> -> memref<1x1x4x512xf32, #tpu.memory_space<hbm>>
      %dma_start3A_691 = tpu.memref_squeeze %dma_start3A_690 : memref<1x1x4x512xf32, #tpu.memory_space<hbm>> -> memref<4x512xf32, #tpu.memory_space<hbm>>
      tpu.enqueue_dma source(%dma_start3A_691 : memref<4x512xf32, #tpu.memory_space<hbm>>) target(%dma_start3A_688 : memref<4x512xf32, #tpu.memory_space<vmem>>) target_semaphore(%arg10 : memref<!tpu.dma_semaphore, #tpu.memory_space<semaphore_mem>>)
      %dma_start3A_692 = arith.constant 18 : i32
      %dma_start3A_693 = arith.constant 18 : i32
      %dma_start3A_694 = arith.constant 0 : i32
      %dma_start3A_695 = arith.constant 0 : i32
      %dma_start3A_696 = tpu.memref_slice %arg7[%dma_start3A_693, %dma_start3A_694, %dma_start3A_695] : memref<19x4x512xf32, #tpu.memory_space<vmem>> -> memref<1x4x512xf32, #tpu.memory_space<vmem>>
      %dma_start3A_697 = tpu.memref_squeeze %dma_start3A_696 : memref<1x4x512xf32, #tpu.memory_space<vmem>> -> memref<4x512xf32, #tpu.memory_space<vmem>>
      %dma_start3A_698 = arith.constant 0 : i32
      %dma_start3A_699 = tpu.memref_slice %arg2[%select_n3A_385, %dma_start3A_692, %mul3A_403, %dma_start3A_698] : memref<8x19x512x512xf32, #tpu.memory_space<hbm>> -> memref<1x1x4x512xf32, #tpu.memory_space<hbm>>
      %dma_start3A_700 = tpu.memref_squeeze %dma_start3A_699 : memref<1x1x4x512xf32, #tpu.memory_space<hbm>> -> memref<4x512xf32, #tpu.memory_space<hbm>>
      %dma_start3A_701 = arith.constant 0 : i32
      %dma_start3A_702 = arith.constant 0 : i32
      %dma_start3A_703 = tpu.memref_slice %arg7[%dma_start3A_693, %dma_start3A_701, %dma_start3A_702] : memref<19x4x512xf32, #tpu.memory_space<vmem>> -> memref<1x4x512xf32, #tpu.memory_space<vmem>>
      %dma_start3A_704 = tpu.memref_squeeze %dma_start3A_703 : memref<1x4x512xf32, #tpu.memory_space<vmem>> -> memref<4x512xf32, #tpu.memory_space<vmem>>
      %dma_start3A_705 = arith.constant 0 : i32
      %dma_start3A_706 = tpu.memref_slice %arg2[%select_n3A_385, %dma_start3A_692, %mul3A_403, %dma_start3A_705] : memref<8x19x512x512xf32, #tpu.memory_space<hbm>> -> memref<1x1x4x512xf32, #tpu.memory_space<hbm>>
      %dma_start3A_707 = tpu.memref_squeeze %dma_start3A_706 : memref<1x1x4x512xf32, #tpu.memory_space<hbm>> -> memref<4x512xf32, #tpu.memory_space<hbm>>
      tpu.enqueue_dma source(%dma_start3A_707 : memref<4x512xf32, #tpu.memory_space<hbm>>) target(%dma_start3A_704 : memref<4x512xf32, #tpu.memory_space<vmem>>) target_semaphore(%arg10 : memref<!tpu.dma_semaphore, #tpu.memory_space<semaphore_mem>>)
      %dma_start3A_708 = arith.constant 0 : i32
      %dma_start3A_709 = tpu.memref_slice %arg3[%select_n3A_385, %mul3A_403, %dma_start3A_708] : memref<8x512x512xi32, #tpu.memory_space<hbm>> -> memref<1x4x512xi32, #tpu.memory_space<hbm>>
      %dma_start3A_710 = tpu.memref_squeeze %dma_start3A_709 : memref<1x4x512xi32, #tpu.memory_space<hbm>> -> memref<4x512xi32, #tpu.memory_space<hbm>>
      %dma_start3A_711 = arith.constant 0 : i32
      %dma_start3A_712 = tpu.memref_slice %arg3[%select_n3A_385, %mul3A_403, %dma_start3A_711] : memref<8x512x512xi32, #tpu.memory_space<hbm>> -> memref<1x4x512xi32, #tpu.memory_space<hbm>>
      %dma_start3A_713 = tpu.memref_squeeze %dma_start3A_712 : memref<1x4x512xi32, #tpu.memory_space<hbm>> -> memref<4x512xi32, #tpu.memory_space<hbm>>
      tpu.enqueue_dma source(%dma_start3A_713 : memref<4x512xi32, #tpu.memory_space<hbm>>) target(%arg8 : memref<4x512xi32, #tpu.memory_space<vmem>>) target_semaphore(%arg10 : memref<!tpu.dma_semaphore, #tpu.memory_space<semaphore_mem>>)
      %dma_wait3A = arith.constant 0 : i32
      %dma_wait3A_714 = arith.constant 0 : i32
      %dma_wait3A_715 = arith.constant 0 : i32
      %dma_wait3A_716 = arith.constant 0 : i32
      %dma_wait3A_717 = arith.constant 0 : i32
      %dma_wait3A_718 = tpu.memref_slice %arg5[%dma_wait3A_715, %dma_wait3A_716, %dma_wait3A_717] : memref<19x4x512xf32, #tpu.memory_space<vmem>> -> memref<1x4x512xf32, #tpu.memory_space<vmem>>
      %dma_wait3A_719 = tpu.memref_squeeze %dma_wait3A_718 : memref<1x4x512xf32, #tpu.memory_space<vmem>> -> memref<4x512xf32, #tpu.memory_space<vmem>>
      %dma_wait3A_720 = arith.constant 0 : i32
      %dma_wait3A_721 = arith.constant 0 : i32
      %dma_wait3A_722 = tpu.memref_slice %arg2[%dma_wait3A, %dma_wait3A_714, %dma_wait3A_720, %dma_wait3A_721] : memref<8x19x512x512xf32, #tpu.memory_space<hbm>> -> memref<1x1x4x512xf32, #tpu.memory_space<hbm>>
      %dma_wait3A_723 = tpu.memref_squeeze %dma_wait3A_722 : memref<1x1x4x512xf32, #tpu.memory_space<hbm>> -> memref<4x512xf32, #tpu.memory_space<hbm>>
      %dma_wait3A_724 = arith.constant 0 : i32
      %dma_wait3A_725 = arith.constant 0 : i32
      %dma_wait3A_726 = tpu.memref_slice %arg5[%dma_wait3A_715, %dma_wait3A_724, %dma_wait3A_725] : memref<19x4x512xf32, #tpu.memory_space<vmem>> -> memref<1x4x512xf32, #tpu.memory_space<vmem>>
      %dma_wait3A_727 = tpu.memref_squeeze %dma_wait3A_726 : memref<1x4x512xf32, #tpu.memory_space<vmem>> -> memref<4x512xf32, #tpu.memory_space<vmem>>
      %dma_wait3A_728 = arith.constant 0 : i32
      %dma_wait3A_729 = arith.constant 0 : i32
      %dma_wait3A_730 = tpu.memref_slice %arg2[%dma_wait3A, %dma_wait3A_714, %dma_wait3A_728, %dma_wait3A_729] : memref<8x19x512x512xf32, #tpu.memory_space<hbm>> -> memref<1x1x4x512xf32, #tpu.memory_space<hbm>>
      %dma_wait3A_731 = tpu.memref_squeeze %dma_wait3A_730 : memref<1x1x4x512xf32, #tpu.memory_space<hbm>> -> memref<4x512xf32, #tpu.memory_space<hbm>>
      tpu.wait_dma2 semaphore(%arg9 : memref<!tpu.dma_semaphore, #tpu.memory_space<semaphore_mem>>) src(%dma_wait3A_731 : memref<4x512xf32, #tpu.memory_space<hbm>>) dst(%dma_wait3A_727 : memref<4x512xf32, #tpu.memory_space<vmem>>)
      %dma_wait3A_732 = arith.constant 0 : i32
      %dma_wait3A_733 = arith.constant 1 : i32
      %dma_wait3A_734 = arith.constant 1 : i32
      %dma_wait3A_735 = arith.constant 0 : i32
      %dma_wait3A_736 = arith.constant 0 : i32
      %dma_wait3A_737 = tpu.memref_slice %arg5[%dma_wait3A_734, %dma_wait3A_735, %dma_wait3A_736] : memref<19x4x512xf32, #tpu.memory_space<vmem>> -> memref<1x4x512xf32, #tpu.memory_space<vmem>>
      %dma_wait3A_738 = tpu.memref_squeeze %dma_wait3A_737 : memref<1x4x512xf32, #tpu.memory_space<vmem>> -> memref<4x512xf32, #tpu.memory_space<vmem>>
      %dma_wait3A_739 = arith.constant 0 : i32
      %dma_wait3A_740 = arith.constant 0 : i32
      %dma_wait3A_741 = tpu.memref_slice %arg2[%dma_wait3A_732, %dma_wait3A_733, %dma_wait3A_739, %dma_wait3A_740] : memref<8x19x512x512xf32, #tpu.memory_space<hbm>> -> memref<1x1x4x512xf32, #tpu.memory_space<hbm>>
      %dma_wait3A_742 = tpu.memref_squeeze %dma_wait3A_741 : memref<1x1x4x512xf32, #tpu.memory_space<hbm>> -> memref<4x512xf32, #tpu.memory_space<hbm>>
      %dma_wait3A_743 = arith.constant 0 : i32
      %dma_wait3A_744 = arith.constant 0 : i32
      %dma_wait3A_745 = tpu.memref_slice %arg5[%dma_wait3A_734, %dma_wait3A_743, %dma_wait3A_744] : memref<19x4x512xf32, #tpu.memory_space<vmem>> -> memref<1x4x512xf32, #tpu.memory_space<vmem>>
      %dma_wait3A_746 = tpu.memref_squeeze %dma_wait3A_745 : memref<1x4x512xf32, #tpu.memory_space<vmem>> -> memref<4x512xf32, #tpu.memory_space<vmem>>
      %dma_wait3A_747 = arith.constant 0 : i32
      %dma_wait3A_748 = arith.constant 0 : i32
      %dma_wait3A_749 = tpu.memref_slice %arg2[%dma_wait3A_732, %dma_wait3A_733, %dma_wait3A_747, %dma_wait3A_748] : memref<8x19x512x512xf32, #tpu.memory_space<hbm>> -> memref<1x1x4x512xf32, #tpu.memory_space<hbm>>
      %dma_wait3A_750 = tpu.memref_squeeze %dma_wait3A_749 : memref<1x1x4x512xf32, #tpu.memory_space<hbm>> -> memref<4x512xf32, #tpu.memory_space<hbm>>
      tpu.wait_dma2 semaphore(%arg9 : memref<!tpu.dma_semaphore, #tpu.memory_space<semaphore_mem>>) src(%dma_wait3A_750 : memref<4x512xf32, #tpu.memory_space<hbm>>) dst(%dma_wait3A_746 : memref<4x512xf32, #tpu.memory_space<vmem>>)
      %dma_wait3A_751 = arith.constant 0 : i32
      %dma_wait3A_752 = arith.constant 2 : i32
      %dma_wait3A_753 = arith.constant 2 : i32
      %dma_wait3A_754 = arith.constant 0 : i32
      %dma_wait3A_755 = arith.constant 0 : i32
      %dma_wait3A_756 = tpu.memref_slice %arg5[%dma_wait3A_753, %dma_wait3A_754, %dma_wait3A_755] : memref<19x4x512xf32, #tpu.memory_space<vmem>> -> memref<1x4x512xf32, #tpu.memory_space<vmem>>
      %dma_wait3A_757 = tpu.memref_squeeze %dma_wait3A_756 : memref<1x4x512xf32, #tpu.memory_space<vmem>> -> memref<4x512xf32, #tpu.memory_space<vmem>>
      %dma_wait3A_758 = arith.constant 0 : i32
      %dma_wait3A_759 = arith.constant 0 : i32
      %dma_wait3A_760 = tpu.memref_slice %arg2[%dma_wait3A_751, %dma_wait3A_752, %dma_wait3A_758, %dma_wait3A_759] : memref<8x19x512x512xf32, #tpu.memory_space<hbm>> -> memref<1x1x4x512xf32, #tpu.memory_space<hbm>>
      %dma_wait3A_761 = tpu.memref_squeeze %dma_wait3A_760 : memref<1x1x4x512xf32, #tpu.memory_space<hbm>> -> memref<4x512xf32, #tpu.memory_space<hbm>>
      %dma_wait3A_762 = arith.constant 0 : i32
      %dma_wait3A_763 = arith.constant 0 : i32
      %dma_wait3A_764 = tpu.memref_slice %arg5[%dma_wait3A_753, %dma_wait3A_762, %dma_wait3A_763] : memref<19x4x512xf32, #tpu.memory_space<vmem>> -> memref<1x4x512xf32, #tpu.memory_space<vmem>>
      %dma_wait3A_765 = tpu.memref_squeeze %dma_wait3A_764 : memref<1x4x512xf32, #tpu.memory_space<vmem>> -> memref<4x512xf32, #tpu.memory_space<vmem>>
      %dma_wait3A_766 = arith.constant 0 : i32
      %dma_wait3A_767 = arith.constant 0 : i32
      %dma_wait3A_768 = tpu.memref_slice %arg2[%dma_wait3A_751, %dma_wait3A_752, %dma_wait3A_766, %dma_wait3A_767] : memref<8x19x512x512xf32, #tpu.memory_space<hbm>> -> memref<1x1x4x512xf32, #tpu.memory_space<hbm>>
      %dma_wait3A_769 = tpu.memref_squeeze %dma_wait3A_768 : memref<1x1x4x512xf32, #tpu.memory_space<hbm>> -> memref<4x512xf32, #tpu.memory_space<hbm>>
      tpu.wait_dma2 semaphore(%arg9 : memref<!tpu.dma_semaphore, #tpu.memory_space<semaphore_mem>>) src(%dma_wait3A_769 : memref<4x512xf32, #tpu.memory_space<hbm>>) dst(%dma_wait3A_765 : memref<4x512xf32, #tpu.memory_space<vmem>>)
      %dma_wait3A_770 = arith.constant 0 : i32
      %dma_wait3A_771 = arith.constant 3 : i32
      %dma_wait3A_772 = arith.constant 3 : i32
      %dma_wait3A_773 = arith.constant 0 : i32
      %dma_wait3A_774 = arith.constant 0 : i32
      %dma_wait3A_775 = tpu.memref_slice %arg5[%dma_wait3A_772, %dma_wait3A_773, %dma_wait3A_774] : memref<19x4x512xf32, #tpu.memory_space<vmem>> -> memref<1x4x512xf32, #tpu.memory_space<vmem>>
      %dma_wait3A_776 = tpu.memref_squeeze %dma_wait3A_775 : memref<1x4x512xf32, #tpu.memory_space<vmem>> -> memref<4x512xf32, #tpu.memory_space<vmem>>
      %dma_wait3A_777 = arith.constant 0 : i32
      %dma_wait3A_778 = arith.constant 0 : i32
      %dma_wait3A_779 = tpu.memref_slice %arg2[%dma_wait3A_770, %dma_wait3A_771, %dma_wait3A_777, %dma_wait3A_778] : memref<8x19x512x512xf32, #tpu.memory_space<hbm>> -> memref<1x1x4x512xf32, #tpu.memory_space<hbm>>
      %dma_wait3A_780 = tpu.memref_squeeze %dma_wait3A_779 : memref<1x1x4x512xf32, #tpu.memory_space<hbm>> -> memref<4x512xf32, #tpu.memory_space<hbm>>
      %dma_wait3A_781 = arith.constant 0 : i32
      %dma_wait3A_782 = arith.constant 0 : i32
      %dma_wait3A_783 = tpu.memref_slice %arg5[%dma_wait3A_772, %dma_wait3A_781, %dma_wait3A_782] : memref<19x4x512xf32, #tpu.memory_space<vmem>> -> memref<1x4x512xf32, #tpu.memory_space<vmem>>
      %dma_wait3A_784 = tpu.memref_squeeze %dma_wait3A_783 : memref<1x4x512xf32, #tpu.memory_space<vmem>> -> memref<4x512xf32, #tpu.memory_space<vmem>>
      %dma_wait3A_785 = arith.constant 0 : i32
      %dma_wait3A_786 = arith.constant 0 : i32
      %dma_wait3A_787 = tpu.memref_slice %arg2[%dma_wait3A_770, %dma_wait3A_771, %dma_wait3A_785, %dma_wait3A_786] : memref<8x19x512x512xf32, #tpu.memory_space<hbm>> -> memref<1x1x4x512xf32, #tpu.memory_space<hbm>>
      %dma_wait3A_788 = tpu.memref_squeeze %dma_wait3A_787 : memref<1x1x4x512xf32, #tpu.memory_space<hbm>> -> memref<4x512xf32, #tpu.memory_space<hbm>>
      tpu.wait_dma2 semaphore(%arg9 : memref<!tpu.dma_semaphore, #tpu.memory_space<semaphore_mem>>) src(%dma_wait3A_788 : memref<4x512xf32, #tpu.memory_space<hbm>>) dst(%dma_wait3A_784 : memref<4x512xf32, #tpu.memory_space<vmem>>)
      %dma_wait3A_789 = arith.constant 0 : i32
      %dma_wait3A_790 = arith.constant 4 : i32
      %dma_wait3A_791 = arith.constant 4 : i32
      %dma_wait3A_792 = arith.constant 0 : i32
      %dma_wait3A_793 = arith.constant 0 : i32
      %dma_wait3A_794 = tpu.memref_slice %arg5[%dma_wait3A_791, %dma_wait3A_792, %dma_wait3A_793] : memref<19x4x512xf32, #tpu.memory_space<vmem>> -> memref<1x4x512xf32, #tpu.memory_space<vmem>>
      %dma_wait3A_795 = tpu.memref_squeeze %dma_wait3A_794 : memref<1x4x512xf32, #tpu.memory_space<vmem>> -> memref<4x512xf32, #tpu.memory_space<vmem>>
      %dma_wait3A_796 = arith.constant 0 : i32
      %dma_wait3A_797 = arith.constant 0 : i32
      %dma_wait3A_798 = tpu.memref_slice %arg2[%dma_wait3A_789, %dma_wait3A_790, %dma_wait3A_796, %dma_wait3A_797] : memref<8x19x512x512xf32, #tpu.memory_space<hbm>> -> memref<1x1x4x512xf32, #tpu.memory_space<hbm>>
      %dma_wait3A_799 = tpu.memref_squeeze %dma_wait3A_798 : memref<1x1x4x512xf32, #tpu.memory_space<hbm>> -> memref<4x512xf32, #tpu.memory_space<hbm>>
      %dma_wait3A_800 = arith.constant 0 : i32
      %dma_wait3A_801 = arith.constant 0 : i32
      %dma_wait3A_802 = tpu.memref_slice %arg5[%dma_wait3A_791, %dma_wait3A_800, %dma_wait3A_801] : memref<19x4x512xf32, #tpu.memory_space<vmem>> -> memref<1x4x512xf32, #tpu.memory_space<vmem>>
      %dma_wait3A_803 = tpu.memref_squeeze %dma_wait3A_802 : memref<1x4x512xf32, #tpu.memory_space<vmem>> -> memref<4x512xf32, #tpu.memory_space<vmem>>
      %dma_wait3A_804 = arith.constant 0 : i32
      %dma_wait3A_805 = arith.constant 0 : i32
      %dma_wait3A_806 = tpu.memref_slice %arg2[%dma_wait3A_789, %dma_wait3A_790, %dma_wait3A_804, %dma_wait3A_805] : memref<8x19x512x512xf32, #tpu.memory_space<hbm>> -> memref<1x1x4x512xf32, #tpu.memory_space<hbm>>
      %dma_wait3A_807 = tpu.memref_squeeze %dma_wait3A_806 : memref<1x1x4x512xf32, #tpu.memory_space<hbm>> -> memref<4x512xf32, #tpu.memory_space<hbm>>
      tpu.wait_dma2 semaphore(%arg9 : memref<!tpu.dma_semaphore, #tpu.memory_space<semaphore_mem>>) src(%dma_wait3A_807 : memref<4x512xf32, #tpu.memory_space<hbm>>) dst(%dma_wait3A_803 : memref<4x512xf32, #tpu.memory_space<vmem>>)
      %dma_wait3A_808 = arith.constant 0 : i32
      %dma_wait3A_809 = arith.constant 5 : i32
      %dma_wait3A_810 = arith.constant 5 : i32
      %dma_wait3A_811 = arith.constant 0 : i32
      %dma_wait3A_812 = arith.constant 0 : i32
      %dma_wait3A_813 = tpu.memref_slice %arg5[%dma_wait3A_810, %dma_wait3A_811, %dma_wait3A_812] : memref<19x4x512xf32, #tpu.memory_space<vmem>> -> memref<1x4x512xf32, #tpu.memory_space<vmem>>
      %dma_wait3A_814 = tpu.memref_squeeze %dma_wait3A_813 : memref<1x4x512xf32, #tpu.memory_space<vmem>> -> memref<4x512xf32, #tpu.memory_space<vmem>>
      %dma_wait3A_815 = arith.constant 0 : i32
      %dma_wait3A_816 = arith.constant 0 : i32
      %dma_wait3A_817 = tpu.memref_slice %arg2[%dma_wait3A_808, %dma_wait3A_809, %dma_wait3A_815, %dma_wait3A_816] : memref<8x19x512x512xf32, #tpu.memory_space<hbm>> -> memref<1x1x4x512xf32, #tpu.memory_space<hbm>>
      %dma_wait3A_818 = tpu.memref_squeeze %dma_wait3A_817 : memref<1x1x4x512xf32, #tpu.memory_space<hbm>> -> memref<4x512xf32, #tpu.memory_space<hbm>>
      %dma_wait3A_819 = arith.constant 0 : i32
      %dma_wait3A_820 = arith.constant 0 : i32
      %dma_wait3A_821 = tpu.memref_slice %arg5[%dma_wait3A_810, %dma_wait3A_819, %dma_wait3A_820] : memref<19x4x512xf32, #tpu.memory_space<vmem>> -> memref<1x4x512xf32, #tpu.memory_space<vmem>>
      %dma_wait3A_822 = tpu.memref_squeeze %dma_wait3A_821 : memref<1x4x512xf32, #tpu.memory_space<vmem>> -> memref<4x512xf32, #tpu.memory_space<vmem>>
      %dma_wait3A_823 = arith.constant 0 : i32
      %dma_wait3A_824 = arith.constant 0 : i32
      %dma_wait3A_825 = tpu.memref_slice %arg2[%dma_wait3A_808, %dma_wait3A_809, %dma_wait3A_823, %dma_wait3A_824] : memref<8x19x512x512xf32, #tpu.memory_space<hbm>> -> memref<1x1x4x512xf32, #tpu.memory_space<hbm>>
      %dma_wait3A_826 = tpu.memref_squeeze %dma_wait3A_825 : memref<1x1x4x512xf32, #tpu.memory_space<hbm>> -> memref<4x512xf32, #tpu.memory_space<hbm>>
      tpu.wait_dma2 semaphore(%arg9 : memref<!tpu.dma_semaphore, #tpu.memory_space<semaphore_mem>>) src(%dma_wait3A_826 : memref<4x512xf32, #tpu.memory_space<hbm>>) dst(%dma_wait3A_822 : memref<4x512xf32, #tpu.memory_space<vmem>>)
      %dma_wait3A_827 = arith.constant 0 : i32
      %dma_wait3A_828 = arith.constant 6 : i32
      %dma_wait3A_829 = arith.constant 6 : i32
      %dma_wait3A_830 = arith.constant 0 : i32
      %dma_wait3A_831 = arith.constant 0 : i32
      %dma_wait3A_832 = tpu.memref_slice %arg5[%dma_wait3A_829, %dma_wait3A_830, %dma_wait3A_831] : memref<19x4x512xf32, #tpu.memory_space<vmem>> -> memref<1x4x512xf32, #tpu.memory_space<vmem>>
      %dma_wait3A_833 = tpu.memref_squeeze %dma_wait3A_832 : memref<1x4x512xf32, #tpu.memory_space<vmem>> -> memref<4x512xf32, #tpu.memory_space<vmem>>
      %dma_wait3A_834 = arith.constant 0 : i32
      %dma_wait3A_835 = arith.constant 0 : i32
      %dma_wait3A_836 = tpu.memref_slice %arg2[%dma_wait3A_827, %dma_wait3A_828, %dma_wait3A_834, %dma_wait3A_835] : memref<8x19x512x512xf32, #tpu.memory_space<hbm>> -> memref<1x1x4x512xf32, #tpu.memory_space<hbm>>
      %dma_wait3A_837 = tpu.memref_squeeze %dma_wait3A_836 : memref<1x1x4x512xf32, #tpu.memory_space<hbm>> -> memref<4x512xf32, #tpu.memory_space<hbm>>
      %dma_wait3A_838 = arith.constant 0 : i32
      %dma_wait3A_839 = arith.constant 0 : i32
      %dma_wait3A_840 = tpu.memref_slice %arg5[%dma_wait3A_829, %dma_wait3A_838, %dma_wait3A_839] : memref<19x4x512xf32, #tpu.memory_space<vmem>> -> memref<1x4x512xf32, #tpu.memory_space<vmem>>
      %dma_wait3A_841 = tpu.memref_squeeze %dma_wait3A_840 : memref<1x4x512xf32, #tpu.memory_space<vmem>> -> memref<4x512xf32, #tpu.memory_space<vmem>>
      %dma_wait3A_842 = arith.constant 0 : i32
      %dma_wait3A_843 = arith.constant 0 : i32
      %dma_wait3A_844 = tpu.memref_slice %arg2[%dma_wait3A_827, %dma_wait3A_828, %dma_wait3A_842, %dma_wait3A_843] : memref<8x19x512x512xf32, #tpu.memory_space<hbm>> -> memref<1x1x4x512xf32, #tpu.memory_space<hbm>>
      %dma_wait3A_845 = tpu.memref_squeeze %dma_wait3A_844 : memref<1x1x4x512xf32, #tpu.memory_space<hbm>> -> memref<4x512xf32, #tpu.memory_space<hbm>>
      tpu.wait_dma2 semaphore(%arg9 : memref<!tpu.dma_semaphore, #tpu.memory_space<semaphore_mem>>) src(%dma_wait3A_845 : memref<4x512xf32, #tpu.memory_space<hbm>>) dst(%dma_wait3A_841 : memref<4x512xf32, #tpu.memory_space<vmem>>)
      %dma_wait3A_846 = arith.constant 0 : i32
      %dma_wait3A_847 = arith.constant 7 : i32
      %dma_wait3A_848 = arith.constant 7 : i32
      %dma_wait3A_849 = arith.constant 0 : i32
      %dma_wait3A_850 = arith.constant 0 : i32
      %dma_wait3A_851 = tpu.memref_slice %arg5[%dma_wait3A_848, %dma_wait3A_849, %dma_wait3A_850] : memref<19x4x512xf32, #tpu.memory_space<vmem>> -> memref<1x4x512xf32, #tpu.memory_space<vmem>>
      %dma_wait3A_852 = tpu.memref_squeeze %dma_wait3A_851 : memref<1x4x512xf32, #tpu.memory_space<vmem>> -> memref<4x512xf32, #tpu.memory_space<vmem>>
      %dma_wait3A_853 = arith.constant 0 : i32
      %dma_wait3A_854 = arith.constant 0 : i32
      %dma_wait3A_855 = tpu.memref_slice %arg2[%dma_wait3A_846, %dma_wait3A_847, %dma_wait3A_853, %dma_wait3A_854] : memref<8x19x512x512xf32, #tpu.memory_space<hbm>> -> memref<1x1x4x512xf32, #tpu.memory_space<hbm>>
      %dma_wait3A_856 = tpu.memref_squeeze %dma_wait3A_855 : memref<1x1x4x512xf32, #tpu.memory_space<hbm>> -> memref<4x512xf32, #tpu.memory_space<hbm>>
      %dma_wait3A_857 = arith.constant 0 : i32
      %dma_wait3A_858 = arith.constant 0 : i32
      %dma_wait3A_859 = tpu.memref_slice %arg5[%dma_wait3A_848, %dma_wait3A_857, %dma_wait3A_858] : memref<19x4x512xf32, #tpu.memory_space<vmem>> -> memref<1x4x512xf32, #tpu.memory_space<vmem>>
      %dma_wait3A_860 = tpu.memref_squeeze %dma_wait3A_859 : memref<1x4x512xf32, #tpu.memory_space<vmem>> -> memref<4x512xf32, #tpu.memory_space<vmem>>
      %dma_wait3A_861 = arith.constant 0 : i32
      %dma_wait3A_862 = arith.constant 0 : i32
      %dma_wait3A_863 = tpu.memref_slice %arg2[%dma_wait3A_846, %dma_wait3A_847, %dma_wait3A_861, %dma_wait3A_862] : memref<8x19x512x512xf32, #tpu.memory_space<hbm>> -> memref<1x1x4x512xf32, #tpu.memory_space<hbm>>
      %dma_wait3A_864 = tpu.memref_squeeze %dma_wait3A_863 : memref<1x1x4x512xf32, #tpu.memory_space<hbm>> -> memref<4x512xf32, #tpu.memory_space<hbm>>
      tpu.wait_dma2 semaphore(%arg9 : memref<!tpu.dma_semaphore, #tpu.memory_space<semaphore_mem>>) src(%dma_wait3A_864 : memref<4x512xf32, #tpu.memory_space<hbm>>) dst(%dma_wait3A_860 : memref<4x512xf32, #tpu.memory_space<vmem>>)
      %dma_wait3A_865 = arith.constant 0 : i32
      %dma_wait3A_866 = arith.constant 8 : i32
      %dma_wait3A_867 = arith.constant 8 : i32
      %dma_wait3A_868 = arith.constant 0 : i32
      %dma_wait3A_869 = arith.constant 0 : i32
      %dma_wait3A_870 = tpu.memref_slice %arg5[%dma_wait3A_867, %dma_wait3A_868, %dma_wait3A_869] : memref<19x4x512xf32, #tpu.memory_space<vmem>> -> memref<1x4x512xf32, #tpu.memory_space<vmem>>
      %dma_wait3A_871 = tpu.memref_squeeze %dma_wait3A_870 : memref<1x4x512xf32, #tpu.memory_space<vmem>> -> memref<4x512xf32, #tpu.memory_space<vmem>>
      %dma_wait3A_872 = arith.constant 0 : i32
      %dma_wait3A_873 = arith.constant 0 : i32
      %dma_wait3A_874 = tpu.memref_slice %arg2[%dma_wait3A_865, %dma_wait3A_866, %dma_wait3A_872, %dma_wait3A_873] : memref<8x19x512x512xf32, #tpu.memory_space<hbm>> -> memref<1x1x4x512xf32, #tpu.memory_space<hbm>>
      %dma_wait3A_875 = tpu.memref_squeeze %dma_wait3A_874 : memref<1x1x4x512xf32, #tpu.memory_space<hbm>> -> memref<4x512xf32, #tpu.memory_space<hbm>>
      %dma_wait3A_876 = arith.constant 0 : i32
      %dma_wait3A_877 = arith.constant 0 : i32
      %dma_wait3A_878 = tpu.memref_slice %arg5[%dma_wait3A_867, %dma_wait3A_876, %dma_wait3A_877] : memref<19x4x512xf32, #tpu.memory_space<vmem>> -> memref<1x4x512xf32, #tpu.memory_space<vmem>>
      %dma_wait3A_879 = tpu.memref_squeeze %dma_wait3A_878 : memref<1x4x512xf32, #tpu.memory_space<vmem>> -> memref<4x512xf32, #tpu.memory_space<vmem>>
      %dma_wait3A_880 = arith.constant 0 : i32
      %dma_wait3A_881 = arith.constant 0 : i32
      %dma_wait3A_882 = tpu.memref_slice %arg2[%dma_wait3A_865, %dma_wait3A_866, %dma_wait3A_880, %dma_wait3A_881] : memref<8x19x512x512xf32, #tpu.memory_space<hbm>> -> memref<1x1x4x512xf32, #tpu.memory_space<hbm>>
      %dma_wait3A_883 = tpu.memref_squeeze %dma_wait3A_882 : memref<1x1x4x512xf32, #tpu.memory_space<hbm>> -> memref<4x512xf32, #tpu.memory_space<hbm>>
      tpu.wait_dma2 semaphore(%arg9 : memref<!tpu.dma_semaphore, #tpu.memory_space<semaphore_mem>>) src(%dma_wait3A_883 : memref<4x512xf32, #tpu.memory_space<hbm>>) dst(%dma_wait3A_879 : memref<4x512xf32, #tpu.memory_space<vmem>>)
      %dma_wait3A_884 = arith.constant 0 : i32
      %dma_wait3A_885 = arith.constant 9 : i32
      %dma_wait3A_886 = arith.constant 9 : i32
      %dma_wait3A_887 = arith.constant 0 : i32
      %dma_wait3A_888 = arith.constant 0 : i32
      %dma_wait3A_889 = tpu.memref_slice %arg5[%dma_wait3A_886, %dma_wait3A_887, %dma_wait3A_888] : memref<19x4x512xf32, #tpu.memory_space<vmem>> -> memref<1x4x512xf32, #tpu.memory_space<vmem>>
      %dma_wait3A_890 = tpu.memref_squeeze %dma_wait3A_889 : memref<1x4x512xf32, #tpu.memory_space<vmem>> -> memref<4x512xf32, #tpu.memory_space<vmem>>
      %dma_wait3A_891 = arith.constant 0 : i32
      %dma_wait3A_892 = arith.constant 0 : i32
      %dma_wait3A_893 = tpu.memref_slice %arg2[%dma_wait3A_884, %dma_wait3A_885, %dma_wait3A_891, %dma_wait3A_892] : memref<8x19x512x512xf32, #tpu.memory_space<hbm>> -> memref<1x1x4x512xf32, #tpu.memory_space<hbm>>
      %dma_wait3A_894 = tpu.memref_squeeze %dma_wait3A_893 : memref<1x1x4x512xf32, #tpu.memory_space<hbm>> -> memref<4x512xf32, #tpu.memory_space<hbm>>
      %dma_wait3A_895 = arith.constant 0 : i32
      %dma_wait3A_896 = arith.constant 0 : i32
      %dma_wait3A_897 = tpu.memref_slice %arg5[%dma_wait3A_886, %dma_wait3A_895, %dma_wait3A_896] : memref<19x4x512xf32, #tpu.memory_space<vmem>> -> memref<1x4x512xf32, #tpu.memory_space<vmem>>
      %dma_wait3A_898 = tpu.memref_squeeze %dma_wait3A_897 : memref<1x4x512xf32, #tpu.memory_space<vmem>> -> memref<4x512xf32, #tpu.memory_space<vmem>>
      %dma_wait3A_899 = arith.constant 0 : i32
      %dma_wait3A_900 = arith.constant 0 : i32
      %dma_wait3A_901 = tpu.memref_slice %arg2[%dma_wait3A_884, %dma_wait3A_885, %dma_wait3A_899, %dma_wait3A_900] : memref<8x19x512x512xf32, #tpu.memory_space<hbm>> -> memref<1x1x4x512xf32, #tpu.memory_space<hbm>>
      %dma_wait3A_902 = tpu.memref_squeeze %dma_wait3A_901 : memref<1x1x4x512xf32, #tpu.memory_space<hbm>> -> memref<4x512xf32, #tpu.memory_space<hbm>>
      tpu.wait_dma2 semaphore(%arg9 : memref<!tpu.dma_semaphore, #tpu.memory_space<semaphore_mem>>) src(%dma_wait3A_902 : memref<4x512xf32, #tpu.memory_space<hbm>>) dst(%dma_wait3A_898 : memref<4x512xf32, #tpu.memory_space<vmem>>)
      %dma_wait3A_903 = arith.constant 0 : i32
      %dma_wait3A_904 = arith.constant 10 : i32
      %dma_wait3A_905 = arith.constant 10 : i32
      %dma_wait3A_906 = arith.constant 0 : i32
      %dma_wait3A_907 = arith.constant 0 : i32
      %dma_wait3A_908 = tpu.memref_slice %arg5[%dma_wait3A_905, %dma_wait3A_906, %dma_wait3A_907] : memref<19x4x512xf32, #tpu.memory_space<vmem>> -> memref<1x4x512xf32, #tpu.memory_space<vmem>>
      %dma_wait3A_909 = tpu.memref_squeeze %dma_wait3A_908 : memref<1x4x512xf32, #tpu.memory_space<vmem>> -> memref<4x512xf32, #tpu.memory_space<vmem>>
      %dma_wait3A_910 = arith.constant 0 : i32
      %dma_wait3A_911 = arith.constant 0 : i32
      %dma_wait3A_912 = tpu.memref_slice %arg2[%dma_wait3A_903, %dma_wait3A_904, %dma_wait3A_910, %dma_wait3A_911] : memref<8x19x512x512xf32, #tpu.memory_space<hbm>> -> memref<1x1x4x512xf32, #tpu.memory_space<hbm>>
      %dma_wait3A_913 = tpu.memref_squeeze %dma_wait3A_912 : memref<1x1x4x512xf32, #tpu.memory_space<hbm>> -> memref<4x512xf32, #tpu.memory_space<hbm>>
      %dma_wait3A_914 = arith.constant 0 : i32
      %dma_wait3A_915 = arith.constant 0 : i32
      %dma_wait3A_916 = tpu.memref_slice %arg5[%dma_wait3A_905, %dma_wait3A_914, %dma_wait3A_915] : memref<19x4x512xf32, #tpu.memory_space<vmem>> -> memref<1x4x512xf32, #tpu.memory_space<vmem>>
      %dma_wait3A_917 = tpu.memref_squeeze %dma_wait3A_916 : memref<1x4x512xf32, #tpu.memory_space<vmem>> -> memref<4x512xf32, #tpu.memory_space<vmem>>
      %dma_wait3A_918 = arith.constant 0 : i32
      %dma_wait3A_919 = arith.constant 0 : i32
      %dma_wait3A_920 = tpu.memref_slice %arg2[%dma_wait3A_903, %dma_wait3A_904, %dma_wait3A_918, %dma_wait3A_919] : memref<8x19x512x512xf32, #tpu.memory_space<hbm>> -> memref<1x1x4x512xf32, #tpu.memory_space<hbm>>
      %dma_wait3A_921 = tpu.memref_squeeze %dma_wait3A_920 : memref<1x1x4x512xf32, #tpu.memory_space<hbm>> -> memref<4x512xf32, #tpu.memory_space<hbm>>
      tpu.wait_dma2 semaphore(%arg9 : memref<!tpu.dma_semaphore, #tpu.memory_space<semaphore_mem>>) src(%dma_wait3A_921 : memref<4x512xf32, #tpu.memory_space<hbm>>) dst(%dma_wait3A_917 : memref<4x512xf32, #tpu.memory_space<vmem>>)
      %dma_wait3A_922 = arith.constant 0 : i32
      %dma_wait3A_923 = arith.constant 11 : i32
      %dma_wait3A_924 = arith.constant 11 : i32
      %dma_wait3A_925 = arith.constant 0 : i32
      %dma_wait3A_926 = arith.constant 0 : i32
      %dma_wait3A_927 = tpu.memref_slice %arg5[%dma_wait3A_924, %dma_wait3A_925, %dma_wait3A_926] : memref<19x4x512xf32, #tpu.memory_space<vmem>> -> memref<1x4x512xf32, #tpu.memory_space<vmem>>
      %dma_wait3A_928 = tpu.memref_squeeze %dma_wait3A_927 : memref<1x4x512xf32, #tpu.memory_space<vmem>> -> memref<4x512xf32, #tpu.memory_space<vmem>>
      %dma_wait3A_929 = arith.constant 0 : i32
      %dma_wait3A_930 = arith.constant 0 : i32
      %dma_wait3A_931 = tpu.memref_slice %arg2[%dma_wait3A_922, %dma_wait3A_923, %dma_wait3A_929, %dma_wait3A_930] : memref<8x19x512x512xf32, #tpu.memory_space<hbm>> -> memref<1x1x4x512xf32, #tpu.memory_space<hbm>>
      %dma_wait3A_932 = tpu.memref_squeeze %dma_wait3A_931 : memref<1x1x4x512xf32, #tpu.memory_space<hbm>> -> memref<4x512xf32, #tpu.memory_space<hbm>>
      %dma_wait3A_933 = arith.constant 0 : i32
      %dma_wait3A_934 = arith.constant 0 : i32
      %dma_wait3A_935 = tpu.memref_slice %arg5[%dma_wait3A_924, %dma_wait3A_933, %dma_wait3A_934] : memref<19x4x512xf32, #tpu.memory_space<vmem>> -> memref<1x4x512xf32, #tpu.memory_space<vmem>>
      %dma_wait3A_936 = tpu.memref_squeeze %dma_wait3A_935 : memref<1x4x512xf32, #tpu.memory_space<vmem>> -> memref<4x512xf32, #tpu.memory_space<vmem>>
      %dma_wait3A_937 = arith.constant 0 : i32
      %dma_wait3A_938 = arith.constant 0 : i32
      %dma_wait3A_939 = tpu.memref_slice %arg2[%dma_wait3A_922, %dma_wait3A_923, %dma_wait3A_937, %dma_wait3A_938] : memref<8x19x512x512xf32, #tpu.memory_space<hbm>> -> memref<1x1x4x512xf32, #tpu.memory_space<hbm>>
      %dma_wait3A_940 = tpu.memref_squeeze %dma_wait3A_939 : memref<1x1x4x512xf32, #tpu.memory_space<hbm>> -> memref<4x512xf32, #tpu.memory_space<hbm>>
      tpu.wait_dma2 semaphore(%arg9 : memref<!tpu.dma_semaphore, #tpu.memory_space<semaphore_mem>>) src(%dma_wait3A_940 : memref<4x512xf32, #tpu.memory_space<hbm>>) dst(%dma_wait3A_936 : memref<4x512xf32, #tpu.memory_space<vmem>>)
      %dma_wait3A_941 = arith.constant 0 : i32
      %dma_wait3A_942 = arith.constant 12 : i32
      %dma_wait3A_943 = arith.constant 12 : i32
      %dma_wait3A_944 = arith.constant 0 : i32
      %dma_wait3A_945 = arith.constant 0 : i32
      %dma_wait3A_946 = tpu.memref_slice %arg5[%dma_wait3A_943, %dma_wait3A_944, %dma_wait3A_945] : memref<19x4x512xf32, #tpu.memory_space<vmem>> -> memref<1x4x512xf32, #tpu.memory_space<vmem>>
      %dma_wait3A_947 = tpu.memref_squeeze %dma_wait3A_946 : memref<1x4x512xf32, #tpu.memory_space<vmem>> -> memref<4x512xf32, #tpu.memory_space<vmem>>
      %dma_wait3A_948 = arith.constant 0 : i32
      %dma_wait3A_949 = arith.constant 0 : i32
      %dma_wait3A_950 = tpu.memref_slice %arg2[%dma_wait3A_941, %dma_wait3A_942, %dma_wait3A_948, %dma_wait3A_949] : memref<8x19x512x512xf32, #tpu.memory_space<hbm>> -> memref<1x1x4x512xf32, #tpu.memory_space<hbm>>
      %dma_wait3A_951 = tpu.memref_squeeze %dma_wait3A_950 : memref<1x1x4x512xf32, #tpu.memory_space<hbm>> -> memref<4x512xf32, #tpu.memory_space<hbm>>
      %dma_wait3A_952 = arith.constant 0 : i32
      %dma_wait3A_953 = arith.constant 0 : i32
      %dma_wait3A_954 = tpu.memref_slice %arg5[%dma_wait3A_943, %dma_wait3A_952, %dma_wait3A_953] : memref<19x4x512xf32, #tpu.memory_space<vmem>> -> memref<1x4x512xf32, #tpu.memory_space<vmem>>
      %dma_wait3A_955 = tpu.memref_squeeze %dma_wait3A_954 : memref<1x4x512xf32, #tpu.memory_space<vmem>> -> memref<4x512xf32, #tpu.memory_space<vmem>>
      %dma_wait3A_956 = arith.constant 0 : i32
      %dma_wait3A_957 = arith.constant 0 : i32
      %dma_wait3A_958 = tpu.memref_slice %arg2[%dma_wait3A_941, %dma_wait3A_942, %dma_wait3A_956, %dma_wait3A_957] : memref<8x19x512x512xf32, #tpu.memory_space<hbm>> -> memref<1x1x4x512xf32, #tpu.memory_space<hbm>>
      %dma_wait3A_959 = tpu.memref_squeeze %dma_wait3A_958 : memref<1x1x4x512xf32, #tpu.memory_space<hbm>> -> memref<4x512xf32, #tpu.memory_space<hbm>>
      tpu.wait_dma2 semaphore(%arg9 : memref<!tpu.dma_semaphore, #tpu.memory_space<semaphore_mem>>) src(%dma_wait3A_959 : memref<4x512xf32, #tpu.memory_space<hbm>>) dst(%dma_wait3A_955 : memref<4x512xf32, #tpu.memory_space<vmem>>)
      %dma_wait3A_960 = arith.constant 0 : i32
      %dma_wait3A_961 = arith.constant 13 : i32
      %dma_wait3A_962 = arith.constant 13 : i32
      %dma_wait3A_963 = arith.constant 0 : i32
      %dma_wait3A_964 = arith.constant 0 : i32
      %dma_wait3A_965 = tpu.memref_slice %arg5[%dma_wait3A_962, %dma_wait3A_963, %dma_wait3A_964] : memref<19x4x512xf32, #tpu.memory_space<vmem>> -> memref<1x4x512xf32, #tpu.memory_space<vmem>>
      %dma_wait3A_966 = tpu.memref_squeeze %dma_wait3A_965 : memref<1x4x512xf32, #tpu.memory_space<vmem>> -> memref<4x512xf32, #tpu.memory_space<vmem>>
      %dma_wait3A_967 = arith.constant 0 : i32
      %dma_wait3A_968 = arith.constant 0 : i32
      %dma_wait3A_969 = tpu.memref_slice %arg2[%dma_wait3A_960, %dma_wait3A_961, %dma_wait3A_967, %dma_wait3A_968] : memref<8x19x512x512xf32, #tpu.memory_space<hbm>> -> memref<1x1x4x512xf32, #tpu.memory_space<hbm>>
      %dma_wait3A_970 = tpu.memref_squeeze %dma_wait3A_969 : memref<1x1x4x512xf32, #tpu.memory_space<hbm>> -> memref<4x512xf32, #tpu.memory_space<hbm>>
      %dma_wait3A_971 = arith.constant 0 : i32
      %dma_wait3A_972 = arith.constant 0 : i32
      %dma_wait3A_973 = tpu.memref_slice %arg5[%dma_wait3A_962, %dma_wait3A_971, %dma_wait3A_972] : memref<19x4x512xf32, #tpu.memory_space<vmem>> -> memref<1x4x512xf32, #tpu.memory_space<vmem>>
      %dma_wait3A_974 = tpu.memref_squeeze %dma_wait3A_973 : memref<1x4x512xf32, #tpu.memory_space<vmem>> -> memref<4x512xf32, #tpu.memory_space<vmem>>
      %dma_wait3A_975 = arith.constant 0 : i32
      %dma_wait3A_976 = arith.constant 0 : i32
      %dma_wait3A_977 = tpu.memref_slice %arg2[%dma_wait3A_960, %dma_wait3A_961, %dma_wait3A_975, %dma_wait3A_976] : memref<8x19x512x512xf32, #tpu.memory_space<hbm>> -> memref<1x1x4x512xf32, #tpu.memory_space<hbm>>
      %dma_wait3A_978 = tpu.memref_squeeze %dma_wait3A_977 : memref<1x1x4x512xf32, #tpu.memory_space<hbm>> -> memref<4x512xf32, #tpu.memory_space<hbm>>
      tpu.wait_dma2 semaphore(%arg9 : memref<!tpu.dma_semaphore, #tpu.memory_space<semaphore_mem>>) src(%dma_wait3A_978 : memref<4x512xf32, #tpu.memory_space<hbm>>) dst(%dma_wait3A_974 : memref<4x512xf32, #tpu.memory_space<vmem>>)
      %dma_wait3A_979 = arith.constant 0 : i32
      %dma_wait3A_980 = arith.constant 14 : i32
      %dma_wait3A_981 = arith.constant 14 : i32
      %dma_wait3A_982 = arith.constant 0 : i32
      %dma_wait3A_983 = arith.constant 0 : i32
      %dma_wait3A_984 = tpu.memref_slice %arg5[%dma_wait3A_981, %dma_wait3A_982, %dma_wait3A_983] : memref<19x4x512xf32, #tpu.memory_space<vmem>> -> memref<1x4x512xf32, #tpu.memory_space<vmem>>
      %dma_wait3A_985 = tpu.memref_squeeze %dma_wait3A_984 : memref<1x4x512xf32, #tpu.memory_space<vmem>> -> memref<4x512xf32, #tpu.memory_space<vmem>>
      %dma_wait3A_986 = arith.constant 0 : i32
      %dma_wait3A_987 = arith.constant 0 : i32
      %dma_wait3A_988 = tpu.memref_slice %arg2[%dma_wait3A_979, %dma_wait3A_980, %dma_wait3A_986, %dma_wait3A_987] : memref<8x19x512x512xf32, #tpu.memory_space<hbm>> -> memref<1x1x4x512xf32, #tpu.memory_space<hbm>>
      %dma_wait3A_989 = tpu.memref_squeeze %dma_wait3A_988 : memref<1x1x4x512xf32, #tpu.memory_space<hbm>> -> memref<4x512xf32, #tpu.memory_space<hbm>>
      %dma_wait3A_990 = arith.constant 0 : i32
      %dma_wait3A_991 = arith.constant 0 : i32
      %dma_wait3A_992 = tpu.memref_slice %arg5[%dma_wait3A_981, %dma_wait3A_990, %dma_wait3A_991] : memref<19x4x512xf32, #tpu.memory_space<vmem>> -> memref<1x4x512xf32, #tpu.memory_space<vmem>>
      %dma_wait3A_993 = tpu.memref_squeeze %dma_wait3A_992 : memref<1x4x512xf32, #tpu.memory_space<vmem>> -> memref<4x512xf32, #tpu.memory_space<vmem>>
      %dma_wait3A_994 = arith.constant 0 : i32
      %dma_wait3A_995 = arith.constant 0 : i32
      %dma_wait3A_996 = tpu.memref_slice %arg2[%dma_wait3A_979, %dma_wait3A_980, %dma_wait3A_994, %dma_wait3A_995] : memref<8x19x512x512xf32, #tpu.memory_space<hbm>> -> memref<1x1x4x512xf32, #tpu.memory_space<hbm>>
      %dma_wait3A_997 = tpu.memref_squeeze %dma_wait3A_996 : memref<1x1x4x512xf32, #tpu.memory_space<hbm>> -> memref<4x512xf32, #tpu.memory_space<hbm>>
      tpu.wait_dma2 semaphore(%arg9 : memref<!tpu.dma_semaphore, #tpu.memory_space<semaphore_mem>>) src(%dma_wait3A_997 : memref<4x512xf32, #tpu.memory_space<hbm>>) dst(%dma_wait3A_993 : memref<4x512xf32, #tpu.memory_space<vmem>>)
      %dma_wait3A_998 = arith.constant 0 : i32
      %dma_wait3A_999 = arith.constant 15 : i32
      %dma_wait3A_1000 = arith.constant 15 : i32
      %dma_wait3A_1001 = arith.constant 0 : i32
      %dma_wait3A_1002 = arith.constant 0 : i32
      %dma_wait3A_1003 = tpu.memref_slice %arg5[%dma_wait3A_1000, %dma_wait3A_1001, %dma_wait3A_1002] : memref<19x4x512xf32, #tpu.memory_space<vmem>> -> memref<1x4x512xf32, #tpu.memory_space<vmem>>
      %dma_wait3A_1004 = tpu.memref_squeeze %dma_wait3A_1003 : memref<1x4x512xf32, #tpu.memory_space<vmem>> -> memref<4x512xf32, #tpu.memory_space<vmem>>
      %dma_wait3A_1005 = arith.constant 0 : i32
      %dma_wait3A_1006 = arith.constant 0 : i32
      %dma_wait3A_1007 = tpu.memref_slice %arg2[%dma_wait3A_998, %dma_wait3A_999, %dma_wait3A_1005, %dma_wait3A_1006] : memref<8x19x512x512xf32, #tpu.memory_space<hbm>> -> memref<1x1x4x512xf32, #tpu.memory_space<hbm>>
      %dma_wait3A_1008 = tpu.memref_squeeze %dma_wait3A_1007 : memref<1x1x4x512xf32, #tpu.memory_space<hbm>> -> memref<4x512xf32, #tpu.memory_space<hbm>>
      %dma_wait3A_1009 = arith.constant 0 : i32
      %dma_wait3A_1010 = arith.constant 0 : i32
      %dma_wait3A_1011 = tpu.memref_slice %arg5[%dma_wait3A_1000, %dma_wait3A_1009, %dma_wait3A_1010] : memref<19x4x512xf32, #tpu.memory_space<vmem>> -> memref<1x4x512xf32, #tpu.memory_space<vmem>>
      %dma_wait3A_1012 = tpu.memref_squeeze %dma_wait3A_1011 : memref<1x4x512xf32, #tpu.memory_space<vmem>> -> memref<4x512xf32, #tpu.memory_space<vmem>>
      %dma_wait3A_1013 = arith.constant 0 : i32
      %dma_wait3A_1014 = arith.constant 0 : i32
      %dma_wait3A_1015 = tpu.memref_slice %arg2[%dma_wait3A_998, %dma_wait3A_999, %dma_wait3A_1013, %dma_wait3A_1014] : memref<8x19x512x512xf32, #tpu.memory_space<hbm>> -> memref<1x1x4x512xf32, #tpu.memory_space<hbm>>
      %dma_wait3A_1016 = tpu.memref_squeeze %dma_wait3A_1015 : memref<1x1x4x512xf32, #tpu.memory_space<hbm>> -> memref<4x512xf32, #tpu.memory_space<hbm>>
      tpu.wait_dma2 semaphore(%arg9 : memref<!tpu.dma_semaphore, #tpu.memory_space<semaphore_mem>>) src(%dma_wait3A_1016 : memref<4x512xf32, #tpu.memory_space<hbm>>) dst(%dma_wait3A_1012 : memref<4x512xf32, #tpu.memory_space<vmem>>)
      %dma_wait3A_1017 = arith.constant 0 : i32
      %dma_wait3A_1018 = arith.constant 16 : i32
      %dma_wait3A_1019 = arith.constant 16 : i32
      %dma_wait3A_1020 = arith.constant 0 : i32
      %dma_wait3A_1021 = arith.constant 0 : i32
      %dma_wait3A_1022 = tpu.memref_slice %arg5[%dma_wait3A_1019, %dma_wait3A_1020, %dma_wait3A_1021] : memref<19x4x512xf32, #tpu.memory_space<vmem>> -> memref<1x4x512xf32, #tpu.memory_space<vmem>>
      %dma_wait3A_1023 = tpu.memref_squeeze %dma_wait3A_1022 : memref<1x4x512xf32, #tpu.memory_space<vmem>> -> memref<4x512xf32, #tpu.memory_space<vmem>>
      %dma_wait3A_1024 = arith.constant 0 : i32
      %dma_wait3A_1025 = arith.constant 0 : i32
      %dma_wait3A_1026 = tpu.memref_slice %arg2[%dma_wait3A_1017, %dma_wait3A_1018, %dma_wait3A_1024, %dma_wait3A_1025] : memref<8x19x512x512xf32, #tpu.memory_space<hbm>> -> memref<1x1x4x512xf32, #tpu.memory_space<hbm>>
      %dma_wait3A_1027 = tpu.memref_squeeze %dma_wait3A_1026 : memref<1x1x4x512xf32, #tpu.memory_space<hbm>> -> memref<4x512xf32, #tpu.memory_space<hbm>>
      %dma_wait3A_1028 = arith.constant 0 : i32
      %dma_wait3A_1029 = arith.constant 0 : i32
      %dma_wait3A_1030 = tpu.memref_slice %arg5[%dma_wait3A_1019, %dma_wait3A_1028, %dma_wait3A_1029] : memref<19x4x512xf32, #tpu.memory_space<vmem>> -> memref<1x4x512xf32, #tpu.memory_space<vmem>>
      %dma_wait3A_1031 = tpu.memref_squeeze %dma_wait3A_1030 : memref<1x4x512xf32, #tpu.memory_space<vmem>> -> memref<4x512xf32, #tpu.memory_space<vmem>>
      %dma_wait3A_1032 = arith.constant 0 : i32
      %dma_wait3A_1033 = arith.constant 0 : i32
      %dma_wait3A_1034 = tpu.memref_slice %arg2[%dma_wait3A_1017, %dma_wait3A_1018, %dma_wait3A_1032, %dma_wait3A_1033] : memref<8x19x512x512xf32, #tpu.memory_space<hbm>> -> memref<1x1x4x512xf32, #tpu.memory_space<hbm>>
      %dma_wait3A_1035 = tpu.memref_squeeze %dma_wait3A_1034 : memref<1x1x4x512xf32, #tpu.memory_space<hbm>> -> memref<4x512xf32, #tpu.memory_space<hbm>>
      tpu.wait_dma2 semaphore(%arg9 : memref<!tpu.dma_semaphore, #tpu.memory_space<semaphore_mem>>) src(%dma_wait3A_1035 : memref<4x512xf32, #tpu.memory_space<hbm>>) dst(%dma_wait3A_1031 : memref<4x512xf32, #tpu.memory_space<vmem>>)
      %dma_wait3A_1036 = arith.constant 0 : i32
      %dma_wait3A_1037 = arith.constant 17 : i32
      %dma_wait3A_1038 = arith.constant 17 : i32
      %dma_wait3A_1039 = arith.constant 0 : i32
      %dma_wait3A_1040 = arith.constant 0 : i32
      %dma_wait3A_1041 = tpu.memref_slice %arg5[%dma_wait3A_1038, %dma_wait3A_1039, %dma_wait3A_1040] : memref<19x4x512xf32, #tpu.memory_space<vmem>> -> memref<1x4x512xf32, #tpu.memory_space<vmem>>
      %dma_wait3A_1042 = tpu.memref_squeeze %dma_wait3A_1041 : memref<1x4x512xf32, #tpu.memory_space<vmem>> -> memref<4x512xf32, #tpu.memory_space<vmem>>
      %dma_wait3A_1043 = arith.constant 0 : i32
      %dma_wait3A_1044 = arith.constant 0 : i32
      %dma_wait3A_1045 = tpu.memref_slice %arg2[%dma_wait3A_1036, %dma_wait3A_1037, %dma_wait3A_1043, %dma_wait3A_1044] : memref<8x19x512x512xf32, #tpu.memory_space<hbm>> -> memref<1x1x4x512xf32, #tpu.memory_space<hbm>>
      %dma_wait3A_1046 = tpu.memref_squeeze %dma_wait3A_1045 : memref<1x1x4x512xf32, #tpu.memory_space<hbm>> -> memref<4x512xf32, #tpu.memory_space<hbm>>
      %dma_wait3A_1047 = arith.constant 0 : i32
      %dma_wait3A_1048 = arith.constant 0 : i32
      %dma_wait3A_1049 = tpu.memref_slice %arg5[%dma_wait3A_1038, %dma_wait3A_1047, %dma_wait3A_1048] : memref<19x4x512xf32, #tpu.memory_space<vmem>> -> memref<1x4x512xf32, #tpu.memory_space<vmem>>
      %dma_wait3A_1050 = tpu.memref_squeeze %dma_wait3A_1049 : memref<1x4x512xf32, #tpu.memory_space<vmem>> -> memref<4x512xf32, #tpu.memory_space<vmem>>
      %dma_wait3A_1051 = arith.constant 0 : i32
      %dma_wait3A_1052 = arith.constant 0 : i32
      %dma_wait3A_1053 = tpu.memref_slice %arg2[%dma_wait3A_1036, %dma_wait3A_1037, %dma_wait3A_1051, %dma_wait3A_1052] : memref<8x19x512x512xf32, #tpu.memory_space<hbm>> -> memref<1x1x4x512xf32, #tpu.memory_space<hbm>>
      %dma_wait3A_1054 = tpu.memref_squeeze %dma_wait3A_1053 : memref<1x1x4x512xf32, #tpu.memory_space<hbm>> -> memref<4x512xf32, #tpu.memory_space<hbm>>
      tpu.wait_dma2 semaphore(%arg9 : memref<!tpu.dma_semaphore, #tpu.memory_space<semaphore_mem>>) src(%dma_wait3A_1054 : memref<4x512xf32, #tpu.memory_space<hbm>>) dst(%dma_wait3A_1050 : memref<4x512xf32, #tpu.memory_space<vmem>>)
      %dma_wait3A_1055 = arith.constant 0 : i32
      %dma_wait3A_1056 = arith.constant 18 : i32
      %dma_wait3A_1057 = arith.constant 18 : i32
      %dma_wait3A_1058 = arith.constant 0 : i32
      %dma_wait3A_1059 = arith.constant 0 : i32
      %dma_wait3A_1060 = tpu.memref_slice %arg5[%dma_wait3A_1057, %dma_wait3A_1058, %dma_wait3A_1059] : memref<19x4x512xf32, #tpu.memory_space<vmem>> -> memref<1x4x512xf32, #tpu.memory_space<vmem>>
      %dma_wait3A_1061 = tpu.memref_squeeze %dma_wait3A_1060 : memref<1x4x512xf32, #tpu.memory_space<vmem>> -> memref<4x512xf32, #tpu.memory_space<vmem>>
      %dma_wait3A_1062 = arith.constant 0 : i32
      %dma_wait3A_1063 = arith.constant 0 : i32
      %dma_wait3A_1064 = tpu.memref_slice %arg2[%dma_wait3A_1055, %dma_wait3A_1056, %dma_wait3A_1062, %dma_wait3A_1063] : memref<8x19x512x512xf32, #tpu.memory_space<hbm>> -> memref<1x1x4x512xf32, #tpu.memory_space<hbm>>
      %dma_wait3A_1065 = tpu.memref_squeeze %dma_wait3A_1064 : memref<1x1x4x512xf32, #tpu.memory_space<hbm>> -> memref<4x512xf32, #tpu.memory_space<hbm>>
      %dma_wait3A_1066 = arith.constant 0 : i32
      %dma_wait3A_1067 = arith.constant 0 : i32
      %dma_wait3A_1068 = tpu.memref_slice %arg5[%dma_wait3A_1057, %dma_wait3A_1066, %dma_wait3A_1067] : memref<19x4x512xf32, #tpu.memory_space<vmem>> -> memref<1x4x512xf32, #tpu.memory_space<vmem>>
      %dma_wait3A_1069 = tpu.memref_squeeze %dma_wait3A_1068 : memref<1x4x512xf32, #tpu.memory_space<vmem>> -> memref<4x512xf32, #tpu.memory_space<vmem>>
      %dma_wait3A_1070 = arith.constant 0 : i32
      %dma_wait3A_1071 = arith.constant 0 : i32
      %dma_wait3A_1072 = tpu.memref_slice %arg2[%dma_wait3A_1055, %dma_wait3A_1056, %dma_wait3A_1070, %dma_wait3A_1071] : memref<8x19x512x512xf32, #tpu.memory_space<hbm>> -> memref<1x1x4x512xf32, #tpu.memory_space<hbm>>
      %dma_wait3A_1073 = tpu.memref_squeeze %dma_wait3A_1072 : memref<1x1x4x512xf32, #tpu.memory_space<hbm>> -> memref<4x512xf32, #tpu.memory_space<hbm>>
      tpu.wait_dma2 semaphore(%arg9 : memref<!tpu.dma_semaphore, #tpu.memory_space<semaphore_mem>>) src(%dma_wait3A_1073 : memref<4x512xf32, #tpu.memory_space<hbm>>) dst(%dma_wait3A_1069 : memref<4x512xf32, #tpu.memory_space<vmem>>)
      %dma_wait3A_1074 = arith.constant 0 : i32
      %dma_wait3A_1075 = arith.constant 0 : i32
      %dma_wait3A_1076 = arith.constant 0 : i32
      %dma_wait3A_1077 = tpu.memref_slice %arg3[%dma_wait3A_1074, %dma_wait3A_1075, %dma_wait3A_1076] : memref<8x512x512xi32, #tpu.memory_space<hbm>> -> memref<1x4x512xi32, #tpu.memory_space<hbm>>
      %dma_wait3A_1078 = tpu.memref_squeeze %dma_wait3A_1077 : memref<1x4x512xi32, #tpu.memory_space<hbm>> -> memref<4x512xi32, #tpu.memory_space<hbm>>
      %dma_wait3A_1079 = arith.constant 0 : i32
      %dma_wait3A_1080 = arith.constant 0 : i32
      %dma_wait3A_1081 = tpu.memref_slice %arg3[%dma_wait3A_1074, %dma_wait3A_1079, %dma_wait3A_1080] : memref<8x512x512xi32, #tpu.memory_space<hbm>> -> memref<1x4x512xi32, #tpu.memory_space<hbm>>
      %dma_wait3A_1082 = tpu.memref_squeeze %dma_wait3A_1081 : memref<1x4x512xi32, #tpu.memory_space<hbm>> -> memref<4x512xi32, #tpu.memory_space<hbm>>
      tpu.wait_dma2 semaphore(%arg9 : memref<!tpu.dma_semaphore, #tpu.memory_space<semaphore_mem>>) src(%dma_wait3A_1082 : memref<4x512xi32, #tpu.memory_space<hbm>>) dst(%arg6 : memref<4x512xi32, #tpu.memory_space<vmem>>)
      %iota3A = tpu.iota {dimensions = array<i32: 0>} : vector<16xi32>
      %parallel_loop3A = arith.constant 0 : i32
      %parallel_loop3A_1083 = arith.constant 128 : i32
      %parallel_loop3A_1084 = arith.constant 1 : i32
      scf.for %parallel_loop3A_1464 = %parallel_loop3A to %parallel_loop3A_1083 step %parallel_loop3A_1084  : i32 {
        %parallel_loop3A_1465 = arith.constant 32 : i32
        %parallel_loop3A_1466 = arith.divsi %parallel_loop3A_1464, %parallel_loop3A_1465 : i32
        %parallel_loop3A_1467 = arith.constant 0 : i32
        %parallel_loop3A_1468 = arith.cmpi sgt, %parallel_loop3A_1464, %parallel_loop3A_1467 : i32
        %parallel_loop3A_1469 = arith.extui %parallel_loop3A_1468 : i1 to i32
        %parallel_loop3A_1470 = arith.constant 0 : i32
        %parallel_loop3A_1471 = arith.cmpi slt, %parallel_loop3A_1464, %parallel_loop3A_1470 : i32
        %parallel_loop3A_1472 = arith.extui %parallel_loop3A_1471 : i1 to i32
        %parallel_loop3A_1473 = arith.subi %parallel_loop3A_1469, %parallel_loop3A_1472 : i32
        %parallel_loop3A_1474 = arith.constant 0 : i32
        %parallel_loop3A_1475 = arith.cmpi sgt, %parallel_loop3A_1465, %parallel_loop3A_1474 : i32
        %parallel_loop3A_1476 = arith.extui %parallel_loop3A_1475 : i1 to i32
        %parallel_loop3A_1477 = arith.constant 0 : i32
        %parallel_loop3A_1478 = arith.cmpi slt, %parallel_loop3A_1465, %parallel_loop3A_1477 : i32
        %parallel_loop3A_1479 = arith.extui %parallel_loop3A_1478 : i1 to i32
        %parallel_loop3A_1480 = arith.subi %parallel_loop3A_1476, %parallel_loop3A_1479 : i32
        %parallel_loop3A_1481 = arith.cmpi ne, %parallel_loop3A_1473, %parallel_loop3A_1480 : i32
        %parallel_loop3A_1482 = arith.remsi %parallel_loop3A_1464, %parallel_loop3A_1465 : i32
        %parallel_loop3A_1483 = arith.constant 0 : i32
        %parallel_loop3A_1484 = arith.cmpi ne, %parallel_loop3A_1482, %parallel_loop3A_1483 : i32
        %parallel_loop3A_1485 = arith.andi %parallel_loop3A_1481, %parallel_loop3A_1484 : i1
        %parallel_loop3A_1486 = arith.constant 1 : i32
        %parallel_loop3A_1487 = arith.subi %parallel_loop3A_1466, %parallel_loop3A_1486 : i32
        %parallel_loop3A_1488 = arith.select %parallel_loop3A_1485, %parallel_loop3A_1487, %parallel_loop3A_1466 : i32
        %parallel_loop3A_1489 = arith.constant 32 : i32
        %parallel_loop3A_1490 = arith.constant 0 : i32
        %parallel_loop3A_1491 = arith.cmpi eq, %parallel_loop3A_1489, %parallel_loop3A_1490 : i32
        %parallel_loop3A_1492 = arith.constant 1 : i32
        %parallel_loop3A_1493 = arith.select %parallel_loop3A_1491, %parallel_loop3A_1492, %parallel_loop3A_1489 : i32
        %parallel_loop3A_1494 = arith.remsi %parallel_loop3A_1464, %parallel_loop3A_1493 : i32
        %parallel_loop3A_1495 = arith.constant 0 : i32
        %parallel_loop3A_1496 = arith.cmpi ne, %parallel_loop3A_1494, %parallel_loop3A_1495 : i32
        %parallel_loop3A_1497 = arith.constant 0 : i32
        %parallel_loop3A_1498 = arith.cmpi slt, %parallel_loop3A_1494, %parallel_loop3A_1497 : i32
        %parallel_loop3A_1499 = arith.constant 0 : i32
        %parallel_loop3A_1500 = arith.cmpi slt, %parallel_loop3A_1493, %parallel_loop3A_1499 : i32
        %parallel_loop3A_1501 = arith.xori %parallel_loop3A_1498, %parallel_loop3A_1500 : i1
        %parallel_loop3A_1502 = arith.andi %parallel_loop3A_1501, %parallel_loop3A_1496 : i1
        %parallel_loop3A_1503 = arith.addi %parallel_loop3A_1494, %parallel_loop3A_1493 : i32
        %parallel_loop3A_1504 = arith.select %parallel_loop3A_1502, %parallel_loop3A_1503, %parallel_loop3A_1494 : i32
        %parallel_loop3A_1505 = arith.constant 16 : i32
        %parallel_loop3A_1506 = arith.muli %parallel_loop3A_1504, %parallel_loop3A_1505 : i32
        %parallel_loop3A_1507 = arith.index_cast %parallel_loop3A_1488 : i32 to index
        %parallel_loop3A_1508 = arith.index_cast %parallel_loop3A_1506 : i32 to index
        %parallel_loop3A_1509 = tpu.vector_load %arg6[%parallel_loop3A_1507, %parallel_loop3A_1508] {strides = array<i32>} : memref<4x512xi32, #tpu.memory_space<vmem>>, vector<16xi32>,
        %parallel_loop3A_1510 = arith.constant 0 : i32
        %parallel_loop3A_1511 = arith.index_cast %parallel_loop3A_1510 : i32 to index
        %parallel_loop3A_1512 = arith.index_cast %parallel_loop3A_1488 : i32 to index
        %parallel_loop3A_1513 = arith.index_cast %parallel_loop3A_1506 : i32 to index
        %parallel_loop3A_1514 = tpu.vector_load %arg5[%parallel_loop3A_1511, %parallel_loop3A_1512, %parallel_loop3A_1513] {strides = array<i32>} : memref<19x4x512xf32, #tpu.memory_space<vmem>>, vector<16xf32>,
        %parallel_loop3A_1515 = math.exp %parallel_loop3A_1514 : vector<16xf32>
        %parallel_loop3A_1516 = arith.constant 1 : i32
        %parallel_loop3A_1517 = arith.index_cast %parallel_loop3A_1516 : i32 to index
        %parallel_loop3A_1518 = arith.index_cast %parallel_loop3A_1488 : i32 to index
        %parallel_loop3A_1519 = arith.index_cast %parallel_loop3A_1506 : i32 to index
        %parallel_loop3A_1520 = tpu.vector_load %arg5[%parallel_loop3A_1517, %parallel_loop3A_1518, %parallel_loop3A_1519] {strides = array<i32>} : memref<19x4x512xf32, #tpu.memory_space<vmem>>, vector<16xf32>,
        %parallel_loop3A_1521 = math.exp %parallel_loop3A_1520 : vector<16xf32>
        %parallel_loop3A_1522 = arith.addf %parallel_loop3A_1515, %parallel_loop3A_1521 : vector<16xf32>
        %parallel_loop3A_1523 = arith.constant 2 : i32
        %parallel_loop3A_1524 = arith.index_cast %parallel_loop3A_1523 : i32 to index
        %parallel_loop3A_1525 = arith.index_cast %parallel_loop3A_1488 : i32 to index
        %parallel_loop3A_1526 = arith.index_cast %parallel_loop3A_1506 : i32 to index
        %parallel_loop3A_1527 = tpu.vector_load %arg5[%parallel_loop3A_1524, %parallel_loop3A_1525, %parallel_loop3A_1526] {strides = array<i32>} : memref<19x4x512xf32, #tpu.memory_space<vmem>>, vector<16xf32>,
        %parallel_loop3A_1528 = math.exp %parallel_loop3A_1527 : vector<16xf32>
        %parallel_loop3A_1529 = arith.addf %parallel_loop3A_1522, %parallel_loop3A_1528 : vector<16xf32>
        %parallel_loop3A_1530 = arith.constant 3 : i32
        %parallel_loop3A_1531 = arith.index_cast %parallel_loop3A_1530 : i32 to index
        %parallel_loop3A_1532 = arith.index_cast %parallel_loop3A_1488 : i32 to index
        %parallel_loop3A_1533 = arith.index_cast %parallel_loop3A_1506 : i32 to index
        %parallel_loop3A_1534 = tpu.vector_load %arg5[%parallel_loop3A_1531, %parallel_loop3A_1532, %parallel_loop3A_1533] {strides = array<i32>} : memref<19x4x512xf32, #tpu.memory_space<vmem>>, vector<16xf32>,
        %parallel_loop3A_1535 = math.exp %parallel_loop3A_1534 : vector<16xf32>
        %parallel_loop3A_1536 = arith.addf %parallel_loop3A_1529, %parallel_loop3A_1535 : vector<16xf32>
        %parallel_loop3A_1537 = arith.constant 4 : i32
        %parallel_loop3A_1538 = arith.index_cast %parallel_loop3A_1537 : i32 to index
        %parallel_loop3A_1539 = arith.index_cast %parallel_loop3A_1488 : i32 to index
        %parallel_loop3A_1540 = arith.index_cast %parallel_loop3A_1506 : i32 to index
        %parallel_loop3A_1541 = tpu.vector_load %arg5[%parallel_loop3A_1538, %parallel_loop3A_1539, %parallel_loop3A_1540] {strides = array<i32>} : memref<19x4x512xf32, #tpu.memory_space<vmem>>, vector<16xf32>,
        %parallel_loop3A_1542 = math.exp %parallel_loop3A_1541 : vector<16xf32>
        %parallel_loop3A_1543 = arith.addf %parallel_loop3A_1536, %parallel_loop3A_1542 : vector<16xf32>
        %parallel_loop3A_1544 = arith.constant 5 : i32
        %parallel_loop3A_1545 = arith.index_cast %parallel_loop3A_1544 : i32 to index
        %parallel_loop3A_1546 = arith.index_cast %parallel_loop3A_1488 : i32 to index
        %parallel_loop3A_1547 = arith.index_cast %parallel_loop3A_1506 : i32 to index
        %parallel_loop3A_1548 = tpu.vector_load %arg5[%parallel_loop3A_1545, %parallel_loop3A_1546, %parallel_loop3A_1547] {strides = array<i32>} : memref<19x4x512xf32, #tpu.memory_space<vmem>>, vector<16xf32>,
        %parallel_loop3A_1549 = math.exp %parallel_loop3A_1548 : vector<16xf32>
        %parallel_loop3A_1550 = arith.addf %parallel_loop3A_1543, %parallel_loop3A_1549 : vector<16xf32>
        %parallel_loop3A_1551 = arith.constant 6 : i32
        %parallel_loop3A_1552 = arith.index_cast %parallel_loop3A_1551 : i32 to index
        %parallel_loop3A_1553 = arith.index_cast %parallel_loop3A_1488 : i32 to index
        %parallel_loop3A_1554 = arith.index_cast %parallel_loop3A_1506 : i32 to index
        %parallel_loop3A_1555 = tpu.vector_load %arg5[%parallel_loop3A_1552, %parallel_loop3A_1553, %parallel_loop3A_1554] {strides = array<i32>} : memref<19x4x512xf32, #tpu.memory_space<vmem>>, vector<16xf32>,
        %parallel_loop3A_1556 = math.exp %parallel_loop3A_1555 : vector<16xf32>
        %parallel_loop3A_1557 = arith.addf %parallel_loop3A_1550, %parallel_loop3A_1556 : vector<16xf32>
        %parallel_loop3A_1558 = arith.constant 7 : i32
        %parallel_loop3A_1559 = arith.index_cast %parallel_loop3A_1558 : i32 to index
        %parallel_loop3A_1560 = arith.index_cast %parallel_loop3A_1488 : i32 to index
        %parallel_loop3A_1561 = arith.index_cast %parallel_loop3A_1506 : i32 to index
        %parallel_loop3A_1562 = tpu.vector_load %arg5[%parallel_loop3A_1559, %parallel_loop3A_1560, %parallel_loop3A_1561] {strides = array<i32>} : memref<19x4x512xf32, #tpu.memory_space<vmem>>, vector<16xf32>,
        %parallel_loop3A_1563 = math.exp %parallel_loop3A_1562 : vector<16xf32>
        %parallel_loop3A_1564 = arith.addf %parallel_loop3A_1557, %parallel_loop3A_1563 : vector<16xf32>
        %parallel_loop3A_1565 = arith.constant 8 : i32
        %parallel_loop3A_1566 = arith.index_cast %parallel_loop3A_1565 : i32 to index
        %parallel_loop3A_1567 = arith.index_cast %parallel_loop3A_1488 : i32 to index
        %parallel_loop3A_1568 = arith.index_cast %parallel_loop3A_1506 : i32 to index
        %parallel_loop3A_1569 = tpu.vector_load %arg5[%parallel_loop3A_1566, %parallel_loop3A_1567, %parallel_loop3A_1568] {strides = array<i32>} : memref<19x4x512xf32, #tpu.memory_space<vmem>>, vector<16xf32>,
        %parallel_loop3A_1570 = math.exp %parallel_loop3A_1569 : vector<16xf32>
        %parallel_loop3A_1571 = arith.addf %parallel_loop3A_1564, %parallel_loop3A_1570 : vector<16xf32>
        %parallel_loop3A_1572 = arith.constant 9 : i32
        %parallel_loop3A_1573 = arith.index_cast %parallel_loop3A_1572 : i32 to index
        %parallel_loop3A_1574 = arith.index_cast %parallel_loop3A_1488 : i32 to index
        %parallel_loop3A_1575 = arith.index_cast %parallel_loop3A_1506 : i32 to index
        %parallel_loop3A_1576 = tpu.vector_load %arg5[%parallel_loop3A_1573, %parallel_loop3A_1574, %parallel_loop3A_1575] {strides = array<i32>} : memref<19x4x512xf32, #tpu.memory_space<vmem>>, vector<16xf32>,
        %parallel_loop3A_1577 = math.exp %parallel_loop3A_1576 : vector<16xf32>
        %parallel_loop3A_1578 = arith.addf %parallel_loop3A_1571, %parallel_loop3A_1577 : vector<16xf32>
        %parallel_loop3A_1579 = arith.constant 10 : i32
        %parallel_loop3A_1580 = arith.index_cast %parallel_loop3A_1579 : i32 to index
        %parallel_loop3A_1581 = arith.index_cast %parallel_loop3A_1488 : i32 to index
        %parallel_loop3A_1582 = arith.index_cast %parallel_loop3A_1506 : i32 to index
        %parallel_loop3A_1583 = tpu.vector_load %arg5[%parallel_loop3A_1580, %parallel_loop3A_1581, %parallel_loop3A_1582] {strides = array<i32>} : memref<19x4x512xf32, #tpu.memory_space<vmem>>, vector<16xf32>,
        %parallel_loop3A_1584 = math.exp %parallel_loop3A_1583 : vector<16xf32>
        %parallel_loop3A_1585 = arith.addf %parallel_loop3A_1578, %parallel_loop3A_1584 : vector<16xf32>
        %parallel_loop3A_1586 = arith.constant 11 : i32
        %parallel_loop3A_1587 = arith.index_cast %parallel_loop3A_1586 : i32 to index
        %parallel_loop3A_1588 = arith.index_cast %parallel_loop3A_1488 : i32 to index
        %parallel_loop3A_1589 = arith.index_cast %parallel_loop3A_1506 : i32 to index
        %parallel_loop3A_1590 = tpu.vector_load %arg5[%parallel_loop3A_1587, %parallel_loop3A_1588, %parallel_loop3A_1589] {strides = array<i32>} : memref<19x4x512xf32, #tpu.memory_space<vmem>>, vector<16xf32>,
        %parallel_loop3A_1591 = math.exp %parallel_loop3A_1590 : vector<16xf32>
        %parallel_loop3A_1592 = arith.addf %parallel_loop3A_1585, %parallel_loop3A_1591 : vector<16xf32>
        %parallel_loop3A_1593 = arith.constant 12 : i32
        %parallel_loop3A_1594 = arith.index_cast %parallel_loop3A_1593 : i32 to index
        %parallel_loop3A_1595 = arith.index_cast %parallel_loop3A_1488 : i32 to index
        %parallel_loop3A_1596 = arith.index_cast %parallel_loop3A_1506 : i32 to index
        %parallel_loop3A_1597 = tpu.vector_load %arg5[%parallel_loop3A_1594, %parallel_loop3A_1595, %parallel_loop3A_1596] {strides = array<i32>} : memref<19x4x512xf32, #tpu.memory_space<vmem>>, vector<16xf32>,
        %parallel_loop3A_1598 = math.exp %parallel_loop3A_1597 : vector<16xf32>
        %parallel_loop3A_1599 = arith.addf %parallel_loop3A_1592, %parallel_loop3A_1598 : vector<16xf32>
        %parallel_loop3A_1600 = arith.constant 13 : i32
        %parallel_loop3A_1601 = arith.index_cast %parallel_loop3A_1600 : i32 to index
        %parallel_loop3A_1602 = arith.index_cast %parallel_loop3A_1488 : i32 to index
        %parallel_loop3A_1603 = arith.index_cast %parallel_loop3A_1506 : i32 to index
        %parallel_loop3A_1604 = tpu.vector_load %arg5[%parallel_loop3A_1601, %parallel_loop3A_1602, %parallel_loop3A_1603] {strides = array<i32>} : memref<19x4x512xf32, #tpu.memory_space<vmem>>, vector<16xf32>,
        %parallel_loop3A_1605 = math.exp %parallel_loop3A_1604 : vector<16xf32>
        %parallel_loop3A_1606 = arith.addf %parallel_loop3A_1599, %parallel_loop3A_1605 : vector<16xf32>
        %parallel_loop3A_1607 = arith.constant 14 : i32
        %parallel_loop3A_1608 = arith.index_cast %parallel_loop3A_1607 : i32 to index
        %parallel_loop3A_1609 = arith.index_cast %parallel_loop3A_1488 : i32 to index
        %parallel_loop3A_1610 = arith.index_cast %parallel_loop3A_1506 : i32 to index
        %parallel_loop3A_1611 = tpu.vector_load %arg5[%parallel_loop3A_1608, %parallel_loop3A_1609, %parallel_loop3A_1610] {strides = array<i32>} : memref<19x4x512xf32, #tpu.memory_space<vmem>>, vector<16xf32>,
        %parallel_loop3A_1612 = math.exp %parallel_loop3A_1611 : vector<16xf32>
        %parallel_loop3A_1613 = arith.addf %parallel_loop3A_1606, %parallel_loop3A_1612 : vector<16xf32>
        %parallel_loop3A_1614 = arith.constant 15 : i32
        %parallel_loop3A_1615 = arith.index_cast %parallel_loop3A_1614 : i32 to index
        %parallel_loop3A_1616 = arith.index_cast %parallel_loop3A_1488 : i32 to index
        %parallel_loop3A_1617 = arith.index_cast %parallel_loop3A_1506 : i32 to index
        %parallel_loop3A_1618 = tpu.vector_load %arg5[%parallel_loop3A_1615, %parallel_loop3A_1616, %parallel_loop3A_1617] {strides = array<i32>} : memref<19x4x512xf32, #tpu.memory_space<vmem>>, vector<16xf32>,
        %parallel_loop3A_1619 = math.exp %parallel_loop3A_1618 : vector<16xf32>
        %parallel_loop3A_1620 = arith.addf %parallel_loop3A_1613, %parallel_loop3A_1619 : vector<16xf32>
        %parallel_loop3A_1621 = arith.constant 16 : i32
        %parallel_loop3A_1622 = arith.index_cast %parallel_loop3A_1621 : i32 to index
        %parallel_loop3A_1623 = arith.index_cast %parallel_loop3A_1488 : i32 to index
        %parallel_loop3A_1624 = arith.index_cast %parallel_loop3A_1506 : i32 to index
        %parallel_loop3A_1625 = tpu.vector_load %arg5[%parallel_loop3A_1622, %parallel_loop3A_1623, %parallel_loop3A_1624] {strides = array<i32>} : memref<19x4x512xf32, #tpu.memory_space<vmem>>, vector<16xf32>,
        %parallel_loop3A_1626 = math.exp %parallel_loop3A_1625 : vector<16xf32>
        %parallel_loop3A_1627 = arith.addf %parallel_loop3A_1620, %parallel_loop3A_1626 : vector<16xf32>
        %parallel_loop3A_1628 = arith.constant 17 : i32
        %parallel_loop3A_1629 = arith.index_cast %parallel_loop3A_1628 : i32 to index
        %parallel_loop3A_1630 = arith.index_cast %parallel_loop3A_1488 : i32 to index
        %parallel_loop3A_1631 = arith.index_cast %parallel_loop3A_1506 : i32 to index
        %parallel_loop3A_1632 = tpu.vector_load %arg5[%parallel_loop3A_1629, %parallel_loop3A_1630, %parallel_loop3A_1631] {strides = array<i32>} : memref<19x4x512xf32, #tpu.memory_space<vmem>>, vector<16xf32>,
        %parallel_loop3A_1633 = math.exp %parallel_loop3A_1632 : vector<16xf32>
        %parallel_loop3A_1634 = arith.addf %parallel_loop3A_1627, %parallel_loop3A_1633 : vector<16xf32>
        %parallel_loop3A_1635 = arith.constant 18 : i32
        %parallel_loop3A_1636 = arith.index_cast %parallel_loop3A_1635 : i32 to index
        %parallel_loop3A_1637 = arith.index_cast %parallel_loop3A_1488 : i32 to index
        %parallel_loop3A_1638 = arith.index_cast %parallel_loop3A_1506 : i32 to index
        %parallel_loop3A_1639 = tpu.vector_load %arg5[%parallel_loop3A_1636, %parallel_loop3A_1637, %parallel_loop3A_1638] {strides = array<i32>} : memref<19x4x512xf32, #tpu.memory_space<vmem>>, vector<16xf32>,
        %parallel_loop3A_1640 = math.exp %parallel_loop3A_1639 : vector<16xf32>
        %parallel_loop3A_1641 = arith.addf %parallel_loop3A_1634, %parallel_loop3A_1640 : vector<16xf32>
        %parallel_loop3A_1642 = arith.constant 1.000000e+00 : f32
        %parallel_loop3A_1643 = vector.broadcast %parallel_loop3A_1642 : f32 to vector<16xf32>
        %parallel_loop3A_1644 = arith.divf %parallel_loop3A_1643, %parallel_loop3A_1641 : vector<16xf32>
        %parallel_loop3A_1645 = arith.mulf %parallel_loop3A_1515, %parallel_loop3A_1644 : vector<16xf32>
        %parallel_loop3A_1646 = arith.constant 0 : i32
        %parallel_loop3A_1647 = vector.broadcast %parallel_loop3A_1646 : i32 to vector<16xi32>
        %parallel_loop3A_1648 = arith.cmpi eq, %parallel_loop3A_1509, %parallel_loop3A_1647 : vector<16xi32>
        %parallel_loop3A_1649 = arith.constant 1.000000e+00 : f32
        %parallel_loop3A_1650 = vector.broadcast %parallel_loop3A_1649 : f32 to vector<16xf32>
        %parallel_loop3A_1651 = arith.subf %parallel_loop3A_1650, %parallel_loop3A_1645 : vector<16xf32>
        %parallel_loop3A_1652 = arith.select %parallel_loop3A_1648, %parallel_loop3A_1651, %parallel_loop3A_1645 : vector<16xi1>, vector<16xf32>
        %parallel_loop3A_1653 = arith.constant 1.024000e+03 : f32
        %parallel_loop3A_1654 = vector.broadcast %parallel_loop3A_1653 : f32 to vector<16xf32>
        %parallel_loop3A_1655 = arith.mulf %parallel_loop3A_1652, %parallel_loop3A_1654 : vector<16xf32>
        %parallel_loop3A_1656 = arith.fptosi %parallel_loop3A_1655 : vector<16xf32> to vector<16xi32>
        %parallel_loop3A_1657 = arith.constant 0 : i32
        %parallel_loop3A_1658 = vector.broadcast %parallel_loop3A_1657 : i32 to vector<16xi32>
        %parallel_loop3A_1659 = arith.addi %parallel_loop3A_1656, %parallel_loop3A_1658 : vector<16xi32>
        tpu.vector_store_idx %arg11[%parallel_loop3A_1659], %broadcast_in_dim3A_6 {add = true} : memref<39216xf32, #tpu.memory_space<vmem>>[vector<16xi32>], vector<16xf32>,
        %parallel_loop3A_1660 = arith.mulf %parallel_loop3A_1521, %parallel_loop3A_1644 : vector<16xf32>
        %parallel_loop3A_1661 = arith.constant 1 : i32
        %parallel_loop3A_1662 = vector.broadcast %parallel_loop3A_1661 : i32 to vector<16xi32>
        %parallel_loop3A_1663 = arith.cmpi eq, %parallel_loop3A_1509, %parallel_loop3A_1662 : vector<16xi32>
        %parallel_loop3A_1664 = arith.constant 1.000000e+00 : f32
        %parallel_loop3A_1665 = vector.broadcast %parallel_loop3A_1664 : f32 to vector<16xf32>
        %parallel_loop3A_1666 = arith.subf %parallel_loop3A_1665, %parallel_loop3A_1660 : vector<16xf32>
        %parallel_loop3A_1667 = arith.select %parallel_loop3A_1663, %parallel_loop3A_1666, %parallel_loop3A_1660 : vector<16xi1>, vector<16xf32>
        %parallel_loop3A_1668 = arith.constant 1.024000e+03 : f32
        %parallel_loop3A_1669 = vector.broadcast %parallel_loop3A_1668 : f32 to vector<16xf32>
        %parallel_loop3A_1670 = arith.mulf %parallel_loop3A_1667, %parallel_loop3A_1669 : vector<16xf32>
        %parallel_loop3A_1671 = arith.fptosi %parallel_loop3A_1670 : vector<16xf32> to vector<16xi32>
        %parallel_loop3A_1672 = arith.constant 1032 : i32
        %parallel_loop3A_1673 = vector.broadcast %parallel_loop3A_1672 : i32 to vector<16xi32>
        %parallel_loop3A_1674 = arith.addi %parallel_loop3A_1671, %parallel_loop3A_1673 : vector<16xi32>
        tpu.vector_store_idx %arg11[%parallel_loop3A_1674], %broadcast_in_dim3A_6 {add = true} : memref<39216xf32, #tpu.memory_space<vmem>>[vector<16xi32>], vector<16xf32>,
        %parallel_loop3A_1675 = arith.mulf %parallel_loop3A_1528, %parallel_loop3A_1644 : vector<16xf32>
        %parallel_loop3A_1676 = arith.constant 2 : i32
        %parallel_loop3A_1677 = vector.broadcast %parallel_loop3A_1676 : i32 to vector<16xi32>
        %parallel_loop3A_1678 = arith.cmpi eq, %parallel_loop3A_1509, %parallel_loop3A_1677 : vector<16xi32>
        %parallel_loop3A_1679 = arith.constant 1.000000e+00 : f32
        %parallel_loop3A_1680 = vector.broadcast %parallel_loop3A_1679 : f32 to vector<16xf32>
        %parallel_loop3A_1681 = arith.subf %parallel_loop3A_1680, %parallel_loop3A_1675 : vector<16xf32>
        %parallel_loop3A_1682 = arith.select %parallel_loop3A_1678, %parallel_loop3A_1681, %parallel_loop3A_1675 : vector<16xi1>, vector<16xf32>
        %parallel_loop3A_1683 = arith.constant 1.024000e+03 : f32
        %parallel_loop3A_1684 = vector.broadcast %parallel_loop3A_1683 : f32 to vector<16xf32>
        %parallel_loop3A_1685 = arith.mulf %parallel_loop3A_1682, %parallel_loop3A_1684 : vector<16xf32>
        %parallel_loop3A_1686 = arith.fptosi %parallel_loop3A_1685 : vector<16xf32> to vector<16xi32>
        %parallel_loop3A_1687 = arith.constant 2064 : i32
        %parallel_loop3A_1688 = vector.broadcast %parallel_loop3A_1687 : i32 to vector<16xi32>
        %parallel_loop3A_1689 = arith.addi %parallel_loop3A_1686, %parallel_loop3A_1688 : vector<16xi32>
        tpu.vector_store_idx %arg11[%parallel_loop3A_1689], %broadcast_in_dim3A_6 {add = true} : memref<39216xf32, #tpu.memory_space<vmem>>[vector<16xi32>], vector<16xf32>,
        %parallel_loop3A_1690 = arith.mulf %parallel_loop3A_1535, %parallel_loop3A_1644 : vector<16xf32>
        %parallel_loop3A_1691 = arith.constant 3 : i32
        %parallel_loop3A_1692 = vector.broadcast %parallel_loop3A_1691 : i32 to vector<16xi32>
        %parallel_loop3A_1693 = arith.cmpi eq, %parallel_loop3A_1509, %parallel_loop3A_1692 : vector<16xi32>
        %parallel_loop3A_1694 = arith.constant 1.000000e+00 : f32
        %parallel_loop3A_1695 = vector.broadcast %parallel_loop3A_1694 : f32 to vector<16xf32>
        %parallel_loop3A_1696 = arith.subf %parallel_loop3A_1695, %parallel_loop3A_1690 : vector<16xf32>
        %parallel_loop3A_1697 = arith.select %parallel_loop3A_1693, %parallel_loop3A_1696, %parallel_loop3A_1690 : vector<16xi1>, vector<16xf32>
        %parallel_loop3A_1698 = arith.constant 1.024000e+03 : f32
        %parallel_loop3A_1699 = vector.broadcast %parallel_loop3A_1698 : f32 to vector<16xf32>
        %parallel_loop3A_1700 = arith.mulf %parallel_loop3A_1697, %parallel_loop3A_1699 : vector<16xf32>
        %parallel_loop3A_1701 = arith.fptosi %parallel_loop3A_1700 : vector<16xf32> to vector<16xi32>
        %parallel_loop3A_1702 = arith.constant 3096 : i32
        %parallel_loop3A_1703 = vector.broadcast %parallel_loop3A_1702 : i32 to vector<16xi32>
        %parallel_loop3A_1704 = arith.addi %parallel_loop3A_1701, %parallel_loop3A_1703 : vector<16xi32>
        tpu.vector_store_idx %arg11[%parallel_loop3A_1704], %broadcast_in_dim3A_6 {add = true} : memref<39216xf32, #tpu.memory_space<vmem>>[vector<16xi32>], vector<16xf32>,
        %parallel_loop3A_1705 = arith.mulf %parallel_loop3A_1542, %parallel_loop3A_1644 : vector<16xf32>
        %parallel_loop3A_1706 = arith.constant 4 : i32
        %parallel_loop3A_1707 = vector.broadcast %parallel_loop3A_1706 : i32 to vector<16xi32>
        %parallel_loop3A_1708 = arith.cmpi eq, %parallel_loop3A_1509, %parallel_loop3A_1707 : vector<16xi32>
        %parallel_loop3A_1709 = arith.constant 1.000000e+00 : f32
        %parallel_loop3A_1710 = vector.broadcast %parallel_loop3A_1709 : f32 to vector<16xf32>
        %parallel_loop3A_1711 = arith.subf %parallel_loop3A_1710, %parallel_loop3A_1705 : vector<16xf32>
        %parallel_loop3A_1712 = arith.select %parallel_loop3A_1708, %parallel_loop3A_1711, %parallel_loop3A_1705 : vector<16xi1>, vector<16xf32>
        %parallel_loop3A_1713 = arith.constant 1.024000e+03 : f32
        %parallel_loop3A_1714 = vector.broadcast %parallel_loop3A_1713 : f32 to vector<16xf32>
        %parallel_loop3A_1715 = arith.mulf %parallel_loop3A_1712, %parallel_loop3A_1714 : vector<16xf32>
        %parallel_loop3A_1716 = arith.fptosi %parallel_loop3A_1715 : vector<16xf32> to vector<16xi32>
        %parallel_loop3A_1717 = arith.constant 4128 : i32
        %parallel_loop3A_1718 = vector.broadcast %parallel_loop3A_1717 : i32 to vector<16xi32>
        %parallel_loop3A_1719 = arith.addi %parallel_loop3A_1716, %parallel_loop3A_1718 : vector<16xi32>
        tpu.vector_store_idx %arg11[%parallel_loop3A_1719], %broadcast_in_dim3A_6 {add = true} : memref<39216xf32, #tpu.memory_space<vmem>>[vector<16xi32>], vector<16xf32>,
        %parallel_loop3A_1720 = arith.mulf %parallel_loop3A_1549, %parallel_loop3A_1644 : vector<16xf32>
        %parallel_loop3A_1721 = arith.constant 5 : i32
        %parallel_loop3A_1722 = vector.broadcast %parallel_loop3A_1721 : i32 to vector<16xi32>
        %parallel_loop3A_1723 = arith.cmpi eq, %parallel_loop3A_1509, %parallel_loop3A_1722 : vector<16xi32>
        %parallel_loop3A_1724 = arith.constant 1.000000e+00 : f32
        %parallel_loop3A_1725 = vector.broadcast %parallel_loop3A_1724 : f32 to vector<16xf32>
        %parallel_loop3A_1726 = arith.subf %parallel_loop3A_1725, %parallel_loop3A_1720 : vector<16xf32>
        %parallel_loop3A_1727 = arith.select %parallel_loop3A_1723, %parallel_loop3A_1726, %parallel_loop3A_1720 : vector<16xi1>, vector<16xf32>
        %parallel_loop3A_1728 = arith.constant 1.024000e+03 : f32
        %parallel_loop3A_1729 = vector.broadcast %parallel_loop3A_1728 : f32 to vector<16xf32>
        %parallel_loop3A_1730 = arith.mulf %parallel_loop3A_1727, %parallel_loop3A_1729 : vector<16xf32>
        %parallel_loop3A_1731 = arith.fptosi %parallel_loop3A_1730 : vector<16xf32> to vector<16xi32>
        %parallel_loop3A_1732 = arith.constant 5160 : i32
        %parallel_loop3A_1733 = vector.broadcast %parallel_loop3A_1732 : i32 to vector<16xi32>
        %parallel_loop3A_1734 = arith.addi %parallel_loop3A_1731, %parallel_loop3A_1733 : vector<16xi32>
        tpu.vector_store_idx %arg11[%parallel_loop3A_1734], %broadcast_in_dim3A_6 {add = true} : memref<39216xf32, #tpu.memory_space<vmem>>[vector<16xi32>], vector<16xf32>,
        %parallel_loop3A_1735 = arith.mulf %parallel_loop3A_1556, %parallel_loop3A_1644 : vector<16xf32>
        %parallel_loop3A_1736 = arith.constant 6 : i32
        %parallel_loop3A_1737 = vector.broadcast %parallel_loop3A_1736 : i32 to vector<16xi32>
        %parallel_loop3A_1738 = arith.cmpi eq, %parallel_loop3A_1509, %parallel_loop3A_1737 : vector<16xi32>
        %parallel_loop3A_1739 = arith.constant 1.000000e+00 : f32
        %parallel_loop3A_1740 = vector.broadcast %parallel_loop3A_1739 : f32 to vector<16xf32>
        %parallel_loop3A_1741 = arith.subf %parallel_loop3A_1740, %parallel_loop3A_1735 : vector<16xf32>
        %parallel_loop3A_1742 = arith.select %parallel_loop3A_1738, %parallel_loop3A_1741, %parallel_loop3A_1735 : vector<16xi1>, vector<16xf32>
        %parallel_loop3A_1743 = arith.constant 1.024000e+03 : f32
        %parallel_loop3A_1744 = vector.broadcast %parallel_loop3A_1743 : f32 to vector<16xf32>
        %parallel_loop3A_1745 = arith.mulf %parallel_loop3A_1742, %parallel_loop3A_1744 : vector<16xf32>
        %parallel_loop3A_1746 = arith.fptosi %parallel_loop3A_1745 : vector<16xf32> to vector<16xi32>
        %parallel_loop3A_1747 = arith.constant 6192 : i32
        %parallel_loop3A_1748 = vector.broadcast %parallel_loop3A_1747 : i32 to vector<16xi32>
        %parallel_loop3A_1749 = arith.addi %parallel_loop3A_1746, %parallel_loop3A_1748 : vector<16xi32>
        tpu.vector_store_idx %arg11[%parallel_loop3A_1749], %broadcast_in_dim3A_6 {add = true} : memref<39216xf32, #tpu.memory_space<vmem>>[vector<16xi32>], vector<16xf32>,
        %parallel_loop3A_1750 = arith.mulf %parallel_loop3A_1563, %parallel_loop3A_1644 : vector<16xf32>
        %parallel_loop3A_1751 = arith.constant 7 : i32
        %parallel_loop3A_1752 = vector.broadcast %parallel_loop3A_1751 : i32 to vector<16xi32>
        %parallel_loop3A_1753 = arith.cmpi eq, %parallel_loop3A_1509, %parallel_loop3A_1752 : vector<16xi32>
        %parallel_loop3A_1754 = arith.constant 1.000000e+00 : f32
        %parallel_loop3A_1755 = vector.broadcast %parallel_loop3A_1754 : f32 to vector<16xf32>
        %parallel_loop3A_1756 = arith.subf %parallel_loop3A_1755, %parallel_loop3A_1750 : vector<16xf32>
        %parallel_loop3A_1757 = arith.select %parallel_loop3A_1753, %parallel_loop3A_1756, %parallel_loop3A_1750 : vector<16xi1>, vector<16xf32>
        %parallel_loop3A_1758 = arith.constant 1.024000e+03 : f32
        %parallel_loop3A_1759 = vector.broadcast %parallel_loop3A_1758 : f32 to vector<16xf32>
        %parallel_loop3A_1760 = arith.mulf %parallel_loop3A_1757, %parallel_loop3A_1759 : vector<16xf32>
        %parallel_loop3A_1761 = arith.fptosi %parallel_loop3A_1760 : vector<16xf32> to vector<16xi32>
        %parallel_loop3A_1762 = arith.constant 7224 : i32
        %parallel_loop3A_1763 = vector.broadcast %parallel_loop3A_1762 : i32 to vector<16xi32>
        %parallel_loop3A_1764 = arith.addi %parallel_loop3A_1761, %parallel_loop3A_1763 : vector<16xi32>
        tpu.vector_store_idx %arg11[%parallel_loop3A_1764], %broadcast_in_dim3A_6 {add = true} : memref<39216xf32, #tpu.memory_space<vmem>>[vector<16xi32>], vector<16xf32>,
        %parallel_loop3A_1765 = arith.mulf %parallel_loop3A_1570, %parallel_loop3A_1644 : vector<16xf32>
        %parallel_loop3A_1766 = arith.constant 8 : i32
        %parallel_loop3A_1767 = vector.broadcast %parallel_loop3A_1766 : i32 to vector<16xi32>
        %parallel_loop3A_1768 = arith.cmpi eq, %parallel_loop3A_1509, %parallel_loop3A_1767 : vector<16xi32>
        %parallel_loop3A_1769 = arith.constant 1.000000e+00 : f32
        %parallel_loop3A_1770 = vector.broadcast %parallel_loop3A_1769 : f32 to vector<16xf32>
        %parallel_loop3A_1771 = arith.subf %parallel_loop3A_1770, %parallel_loop3A_1765 : vector<16xf32>
        %parallel_loop3A_1772 = arith.select %parallel_loop3A_1768, %parallel_loop3A_1771, %parallel_loop3A_1765 : vector<16xi1>, vector<16xf32>
        %parallel_loop3A_1773 = arith.constant 1.024000e+03 : f32
        %parallel_loop3A_1774 = vector.broadcast %parallel_loop3A_1773 : f32 to vector<16xf32>
        %parallel_loop3A_1775 = arith.mulf %parallel_loop3A_1772, %parallel_loop3A_1774 : vector<16xf32>
        %parallel_loop3A_1776 = arith.fptosi %parallel_loop3A_1775 : vector<16xf32> to vector<16xi32>
        %parallel_loop3A_1777 = arith.constant 8256 : i32
        %parallel_loop3A_1778 = vector.broadcast %parallel_loop3A_1777 : i32 to vector<16xi32>
        %parallel_loop3A_1779 = arith.addi %parallel_loop3A_1776, %parallel_loop3A_1778 : vector<16xi32>
        tpu.vector_store_idx %arg11[%parallel_loop3A_1779], %broadcast_in_dim3A_6 {add = true} : memref<39216xf32, #tpu.memory_space<vmem>>[vector<16xi32>], vector<16xf32>,
        %parallel_loop3A_1780 = arith.mulf %parallel_loop3A_1577, %parallel_loop3A_1644 : vector<16xf32>
        %parallel_loop3A_1781 = arith.constant 9 : i32
        %parallel_loop3A_1782 = vector.broadcast %parallel_loop3A_1781 : i32 to vector<16xi32>
        %parallel_loop3A_1783 = arith.cmpi eq, %parallel_loop3A_1509, %parallel_loop3A_1782 : vector<16xi32>
        %parallel_loop3A_1784 = arith.constant 1.000000e+00 : f32
        %parallel_loop3A_1785 = vector.broadcast %parallel_loop3A_1784 : f32 to vector<16xf32>
        %parallel_loop3A_1786 = arith.subf %parallel_loop3A_1785, %parallel_loop3A_1780 : vector<16xf32>
        %parallel_loop3A_1787 = arith.select %parallel_loop3A_1783, %parallel_loop3A_1786, %parallel_loop3A_1780 : vector<16xi1>, vector<16xf32>
        %parallel_loop3A_1788 = arith.constant 1.024000e+03 : f32
        %parallel_loop3A_1789 = vector.broadcast %parallel_loop3A_1788 : f32 to vector<16xf32>
        %parallel_loop3A_1790 = arith.mulf %parallel_loop3A_1787, %parallel_loop3A_1789 : vector<16xf32>
        %parallel_loop3A_1791 = arith.fptosi %parallel_loop3A_1790 : vector<16xf32> to vector<16xi32>
        %parallel_loop3A_1792 = arith.constant 9288 : i32
        %parallel_loop3A_1793 = vector.broadcast %parallel_loop3A_1792 : i32 to vector<16xi32>
        %parallel_loop3A_1794 = arith.addi %parallel_loop3A_1791, %parallel_loop3A_1793 : vector<16xi32>
        tpu.vector_store_idx %arg11[%parallel_loop3A_1794], %broadcast_in_dim3A_6 {add = true} : memref<39216xf32, #tpu.memory_space<vmem>>[vector<16xi32>], vector<16xf32>,
        %parallel_loop3A_1795 = arith.mulf %parallel_loop3A_1584, %parallel_loop3A_1644 : vector<16xf32>
        %parallel_loop3A_1796 = arith.constant 10 : i32
        %parallel_loop3A_1797 = vector.broadcast %parallel_loop3A_1796 : i32 to vector<16xi32>
        %parallel_loop3A_1798 = arith.cmpi eq, %parallel_loop3A_1509, %parallel_loop3A_1797 : vector<16xi32>
        %parallel_loop3A_1799 = arith.constant 1.000000e+00 : f32
        %parallel_loop3A_1800 = vector.broadcast %parallel_loop3A_1799 : f32 to vector<16xf32>
        %parallel_loop3A_1801 = arith.subf %parallel_loop3A_1800, %parallel_loop3A_1795 : vector<16xf32>
        %parallel_loop3A_1802 = arith.select %parallel_loop3A_1798, %parallel_loop3A_1801, %parallel_loop3A_1795 : vector<16xi1>, vector<16xf32>
        %parallel_loop3A_1803 = arith.constant 1.024000e+03 : f32
        %parallel_loop3A_1804 = vector.broadcast %parallel_loop3A_1803 : f32 to vector<16xf32>
        %parallel_loop3A_1805 = arith.mulf %parallel_loop3A_1802, %parallel_loop3A_1804 : vector<16xf32>
        %parallel_loop3A_1806 = arith.fptosi %parallel_loop3A_1805 : vector<16xf32> to vector<16xi32>
        %parallel_loop3A_1807 = arith.constant 10320 : i32
        %parallel_loop3A_1808 = vector.broadcast %parallel_loop3A_1807 : i32 to vector<16xi32>
        %parallel_loop3A_1809 = arith.addi %parallel_loop3A_1806, %parallel_loop3A_1808 : vector<16xi32>
        tpu.vector_store_idx %arg11[%parallel_loop3A_1809], %broadcast_in_dim3A_6 {add = true} : memref<39216xf32, #tpu.memory_space<vmem>>[vector<16xi32>], vector<16xf32>,
        %parallel_loop3A_1810 = arith.mulf %parallel_loop3A_1591, %parallel_loop3A_1644 : vector<16xf32>
        %parallel_loop3A_1811 = arith.constant 11 : i32
        %parallel_loop3A_1812 = vector.broadcast %parallel_loop3A_1811 : i32 to vector<16xi32>
        %parallel_loop3A_1813 = arith.cmpi eq, %parallel_loop3A_1509, %parallel_loop3A_1812 : vector<16xi32>
        %parallel_loop3A_1814 = arith.constant 1.000000e+00 : f32
        %parallel_loop3A_1815 = vector.broadcast %parallel_loop3A_1814 : f32 to vector<16xf32>
        %parallel_loop3A_1816 = arith.subf %parallel_loop3A_1815, %parallel_loop3A_1810 : vector<16xf32>
        %parallel_loop3A_1817 = arith.select %parallel_loop3A_1813, %parallel_loop3A_1816, %parallel_loop3A_1810 : vector<16xi1>, vector<16xf32>
        %parallel_loop3A_1818 = arith.constant 1.024000e+03 : f32
        %parallel_loop3A_1819 = vector.broadcast %parallel_loop3A_1818 : f32 to vector<16xf32>
        %parallel_loop3A_1820 = arith.mulf %parallel_loop3A_1817, %parallel_loop3A_1819 : vector<16xf32>
        %parallel_loop3A_1821 = arith.fptosi %parallel_loop3A_1820 : vector<16xf32> to vector<16xi32>
        %parallel_loop3A_1822 = arith.constant 11352 : i32
        %parallel_loop3A_1823 = vector.broadcast %parallel_loop3A_1822 : i32 to vector<16xi32>
        %parallel_loop3A_1824 = arith.addi %parallel_loop3A_1821, %parallel_loop3A_1823 : vector<16xi32>
        tpu.vector_store_idx %arg11[%parallel_loop3A_1824], %broadcast_in_dim3A_6 {add = true} : memref<39216xf32, #tpu.memory_space<vmem>>[vector<16xi32>], vector<16xf32>,
        %parallel_loop3A_1825 = arith.mulf %parallel_loop3A_1598, %parallel_loop3A_1644 : vector<16xf32>
        %parallel_loop3A_1826 = arith.constant 12 : i32
        %parallel_loop3A_1827 = vector.broadcast %parallel_loop3A_1826 : i32 to vector<16xi32>
        %parallel_loop3A_1828 = arith.cmpi eq, %parallel_loop3A_1509, %parallel_loop3A_1827 : vector<16xi32>
        %parallel_loop3A_1829 = arith.constant 1.000000e+00 : f32
        %parallel_loop3A_1830 = vector.broadcast %parallel_loop3A_1829 : f32 to vector<16xf32>
        %parallel_loop3A_1831 = arith.subf %parallel_loop3A_1830, %parallel_loop3A_1825 : vector<16xf32>
        %parallel_loop3A_1832 = arith.select %parallel_loop3A_1828, %parallel_loop3A_1831, %parallel_loop3A_1825 : vector<16xi1>, vector<16xf32>
        %parallel_loop3A_1833 = arith.constant 1.024000e+03 : f32
        %parallel_loop3A_1834 = vector.broadcast %parallel_loop3A_1833 : f32 to vector<16xf32>
        %parallel_loop3A_1835 = arith.mulf %parallel_loop3A_1832, %parallel_loop3A_1834 : vector<16xf32>
        %parallel_loop3A_1836 = arith.fptosi %parallel_loop3A_1835 : vector<16xf32> to vector<16xi32>
        %parallel_loop3A_1837 = arith.constant 12384 : i32
        %parallel_loop3A_1838 = vector.broadcast %parallel_loop3A_1837 : i32 to vector<16xi32>
        %parallel_loop3A_1839 = arith.addi %parallel_loop3A_1836, %parallel_loop3A_1838 : vector<16xi32>
        tpu.vector_store_idx %arg11[%parallel_loop3A_1839], %broadcast_in_dim3A_6 {add = true} : memref<39216xf32, #tpu.memory_space<vmem>>[vector<16xi32>], vector<16xf32>,
        %parallel_loop3A_1840 = arith.mulf %parallel_loop3A_1605, %parallel_loop3A_1644 : vector<16xf32>
        %parallel_loop3A_1841 = arith.constant 13 : i32
        %parallel_loop3A_1842 = vector.broadcast %parallel_loop3A_1841 : i32 to vector<16xi32>
        %parallel_loop3A_1843 = arith.cmpi eq, %parallel_loop3A_1509, %parallel_loop3A_1842 : vector<16xi32>
        %parallel_loop3A_1844 = arith.constant 1.000000e+00 : f32
        %parallel_loop3A_1845 = vector.broadcast %parallel_loop3A_1844 : f32 to vector<16xf32>
        %parallel_loop3A_1846 = arith.subf %parallel_loop3A_1845, %parallel_loop3A_1840 : vector<16xf32>
        %parallel_loop3A_1847 = arith.select %parallel_loop3A_1843, %parallel_loop3A_1846, %parallel_loop3A_1840 : vector<16xi1>, vector<16xf32>
        %parallel_loop3A_1848 = arith.constant 1.024000e+03 : f32
        %parallel_loop3A_1849 = vector.broadcast %parallel_loop3A_1848 : f32 to vector<16xf32>
        %parallel_loop3A_1850 = arith.mulf %parallel_loop3A_1847, %parallel_loop3A_1849 : vector<16xf32>
        %parallel_loop3A_1851 = arith.fptosi %parallel_loop3A_1850 : vector<16xf32> to vector<16xi32>
        %parallel_loop3A_1852 = arith.constant 13416 : i32
        %parallel_loop3A_1853 = vector.broadcast %parallel_loop3A_1852 : i32 to vector<16xi32>
        %parallel_loop3A_1854 = arith.addi %parallel_loop3A_1851, %parallel_loop3A_1853 : vector<16xi32>
        tpu.vector_store_idx %arg11[%parallel_loop3A_1854], %broadcast_in_dim3A_6 {add = true} : memref<39216xf32, #tpu.memory_space<vmem>>[vector<16xi32>], vector<16xf32>,
        %parallel_loop3A_1855 = arith.mulf %parallel_loop3A_1612, %parallel_loop3A_1644 : vector<16xf32>
        %parallel_loop3A_1856 = arith.constant 14 : i32
        %parallel_loop3A_1857 = vector.broadcast %parallel_loop3A_1856 : i32 to vector<16xi32>
        %parallel_loop3A_1858 = arith.cmpi eq, %parallel_loop3A_1509, %parallel_loop3A_1857 : vector<16xi32>
        %parallel_loop3A_1859 = arith.constant 1.000000e+00 : f32
        %parallel_loop3A_1860 = vector.broadcast %parallel_loop3A_1859 : f32 to vector<16xf32>
        %parallel_loop3A_1861 = arith.subf %parallel_loop3A_1860, %parallel_loop3A_1855 : vector<16xf32>
        %parallel_loop3A_1862 = arith.select %parallel_loop3A_1858, %parallel_loop3A_1861, %parallel_loop3A_1855 : vector<16xi1>, vector<16xf32>
        %parallel_loop3A_1863 = arith.constant 1.024000e+03 : f32
        %parallel_loop3A_1864 = vector.broadcast %parallel_loop3A_1863 : f32 to vector<16xf32>
        %parallel_loop3A_1865 = arith.mulf %parallel_loop3A_1862, %parallel_loop3A_1864 : vector<16xf32>
        %parallel_loop3A_1866 = arith.fptosi %parallel_loop3A_1865 : vector<16xf32> to vector<16xi32>
        %parallel_loop3A_1867 = arith.constant 14448 : i32
        %parallel_loop3A_1868 = vector.broadcast %parallel_loop3A_1867 : i32 to vector<16xi32>
        %parallel_loop3A_1869 = arith.addi %parallel_loop3A_1866, %parallel_loop3A_1868 : vector<16xi32>
        tpu.vector_store_idx %arg11[%parallel_loop3A_1869], %broadcast_in_dim3A_6 {add = true} : memref<39216xf32, #tpu.memory_space<vmem>>[vector<16xi32>], vector<16xf32>,
        %parallel_loop3A_1870 = arith.mulf %parallel_loop3A_1619, %parallel_loop3A_1644 : vector<16xf32>
        %parallel_loop3A_1871 = arith.constant 15 : i32
        %parallel_loop3A_1872 = vector.broadcast %parallel_loop3A_1871 : i32 to vector<16xi32>
        %parallel_loop3A_1873 = arith.cmpi eq, %parallel_loop3A_1509, %parallel_loop3A_1872 : vector<16xi32>
        %parallel_loop3A_1874 = arith.constant 1.000000e+00 : f32
        %parallel_loop3A_1875 = vector.broadcast %parallel_loop3A_1874 : f32 to vector<16xf32>
        %parallel_loop3A_1876 = arith.subf %parallel_loop3A_1875, %parallel_loop3A_1870 : vector<16xf32>
        %parallel_loop3A_1877 = arith.select %parallel_loop3A_1873, %parallel_loop3A_1876, %parallel_loop3A_1870 : vector<16xi1>, vector<16xf32>
        %parallel_loop3A_1878 = arith.constant 1.024000e+03 : f32
        %parallel_loop3A_1879 = vector.broadcast %parallel_loop3A_1878 : f32 to vector<16xf32>
        %parallel_loop3A_1880 = arith.mulf %parallel_loop3A_1877, %parallel_loop3A_1879 : vector<16xf32>
        %parallel_loop3A_1881 = arith.fptosi %parallel_loop3A_1880 : vector<16xf32> to vector<16xi32>
        %parallel_loop3A_1882 = arith.constant 15480 : i32
        %parallel_loop3A_1883 = vector.broadcast %parallel_loop3A_1882 : i32 to vector<16xi32>
        %parallel_loop3A_1884 = arith.addi %parallel_loop3A_1881, %parallel_loop3A_1883 : vector<16xi32>
        tpu.vector_store_idx %arg11[%parallel_loop3A_1884], %broadcast_in_dim3A_6 {add = true} : memref<39216xf32, #tpu.memory_space<vmem>>[vector<16xi32>], vector<16xf32>,
        %parallel_loop3A_1885 = arith.mulf %parallel_loop3A_1626, %parallel_loop3A_1644 : vector<16xf32>
        %parallel_loop3A_1886 = arith.constant 16 : i32
        %parallel_loop3A_1887 = vector.broadcast %parallel_loop3A_1886 : i32 to vector<16xi32>
        %parallel_loop3A_1888 = arith.cmpi eq, %parallel_loop3A_1509, %parallel_loop3A_1887 : vector<16xi32>
        %parallel_loop3A_1889 = arith.constant 1.000000e+00 : f32
        %parallel_loop3A_1890 = vector.broadcast %parallel_loop3A_1889 : f32 to vector<16xf32>
        %parallel_loop3A_1891 = arith.subf %parallel_loop3A_1890, %parallel_loop3A_1885 : vector<16xf32>
        %parallel_loop3A_1892 = arith.select %parallel_loop3A_1888, %parallel_loop3A_1891, %parallel_loop3A_1885 : vector<16xi1>, vector<16xf32>
        %parallel_loop3A_1893 = arith.constant 1.024000e+03 : f32
        %parallel_loop3A_1894 = vector.broadcast %parallel_loop3A_1893 : f32 to vector<16xf32>
        %parallel_loop3A_1895 = arith.mulf %parallel_loop3A_1892, %parallel_loop3A_1894 : vector<16xf32>
        %parallel_loop3A_1896 = arith.fptosi %parallel_loop3A_1895 : vector<16xf32> to vector<16xi32>
        %parallel_loop3A_1897 = arith.constant 16512 : i32
        %parallel_loop3A_1898 = vector.broadcast %parallel_loop3A_1897 : i32 to vector<16xi32>
        %parallel_loop3A_1899 = arith.addi %parallel_loop3A_1896, %parallel_loop3A_1898 : vector<16xi32>
        tpu.vector_store_idx %arg11[%parallel_loop3A_1899], %broadcast_in_dim3A_6 {add = true} : memref<39216xf32, #tpu.memory_space<vmem>>[vector<16xi32>], vector<16xf32>,
        %parallel_loop3A_1900 = arith.mulf %parallel_loop3A_1633, %parallel_loop3A_1644 : vector<16xf32>
        %parallel_loop3A_1901 = arith.constant 17 : i32
        %parallel_loop3A_1902 = vector.broadcast %parallel_loop3A_1901 : i32 to vector<16xi32>
        %parallel_loop3A_1903 = arith.cmpi eq, %parallel_loop3A_1509, %parallel_loop3A_1902 : vector<16xi32>
        %parallel_loop3A_1904 = arith.constant 1.000000e+00 : f32
        %parallel_loop3A_1905 = vector.broadcast %parallel_loop3A_1904 : f32 to vector<16xf32>
        %parallel_loop3A_1906 = arith.subf %parallel_loop3A_1905, %parallel_loop3A_1900 : vector<16xf32>
        %parallel_loop3A_1907 = arith.select %parallel_loop3A_1903, %parallel_loop3A_1906, %parallel_loop3A_1900 : vector<16xi1>, vector<16xf32>
        %parallel_loop3A_1908 = arith.constant 1.024000e+03 : f32
        %parallel_loop3A_1909 = vector.broadcast %parallel_loop3A_1908 : f32 to vector<16xf32>
        %parallel_loop3A_1910 = arith.mulf %parallel_loop3A_1907, %parallel_loop3A_1909 : vector<16xf32>
        %parallel_loop3A_1911 = arith.fptosi %parallel_loop3A_1910 : vector<16xf32> to vector<16xi32>
        %parallel_loop3A_1912 = arith.constant 17544 : i32
        %parallel_loop3A_1913 = vector.broadcast %parallel_loop3A_1912 : i32 to vector<16xi32>
        %parallel_loop3A_1914 = arith.addi %parallel_loop3A_1911, %parallel_loop3A_1913 : vector<16xi32>
        tpu.vector_store_idx %arg11[%parallel_loop3A_1914], %broadcast_in_dim3A_6 {add = true} : memref<39216xf32, #tpu.memory_space<vmem>>[vector<16xi32>], vector<16xf32>,
        %parallel_loop3A_1915 = arith.mulf %parallel_loop3A_1640, %parallel_loop3A_1644 : vector<16xf32>
        %parallel_loop3A_1916 = arith.constant 18 : i32
        %parallel_loop3A_1917 = vector.broadcast %parallel_loop3A_1916 : i32 to vector<16xi32>
        %parallel_loop3A_1918 = arith.cmpi eq, %parallel_loop3A_1509, %parallel_loop3A_1917 : vector<16xi32>
        %parallel_loop3A_1919 = arith.constant 1.000000e+00 : f32
        %parallel_loop3A_1920 = vector.broadcast %parallel_loop3A_1919 : f32 to vector<16xf32>
        %parallel_loop3A_1921 = arith.subf %parallel_loop3A_1920, %parallel_loop3A_1915 : vector<16xf32>
        %parallel_loop3A_1922 = arith.select %parallel_loop3A_1918, %parallel_loop3A_1921, %parallel_loop3A_1915 : vector<16xi1>, vector<16xf32>
        %parallel_loop3A_1923 = arith.constant 1.024000e+03 : f32
        %parallel_loop3A_1924 = vector.broadcast %parallel_loop3A_1923 : f32 to vector<16xf32>
        %parallel_loop3A_1925 = arith.mulf %parallel_loop3A_1922, %parallel_loop3A_1924 : vector<16xf32>
        %parallel_loop3A_1926 = arith.fptosi %parallel_loop3A_1925 : vector<16xf32> to vector<16xi32>
        %parallel_loop3A_1927 = arith.constant 18576 : i32
        %parallel_loop3A_1928 = vector.broadcast %parallel_loop3A_1927 : i32 to vector<16xi32>
        %parallel_loop3A_1929 = arith.addi %parallel_loop3A_1926, %parallel_loop3A_1928 : vector<16xi32>
        tpu.vector_store_idx %arg11[%parallel_loop3A_1929], %broadcast_in_dim3A_6 {add = true} : memref<39216xf32, #tpu.memory_space<vmem>>[vector<16xi32>], vector<16xf32>,
        %parallel_loop3A_1930 = vector.broadcast %parallel_loop3A_1488 : i32 to vector<16xi32>
        %parallel_loop3A_1931 = vector.broadcast %parallel_loop3A_1506 : i32 to vector<16xi32>
        %parallel_loop3A_1932 = arith.addi %parallel_loop3A_1931, %iota3A : vector<16xi32>
        %parallel_loop3A_1933 = tpu.vector_load_idx %arg5[%parallel_loop3A_1509, %parallel_loop3A_1930, %parallel_loop3A_1932] : memref<19x4x512xf32, #tpu.memory_space<vmem>>[vector<16xi32>, vector<16xi32>, vector<16xi32>], vector<16xf32>,
        %parallel_loop3A_1934 = math.exp %parallel_loop3A_1933 : vector<16xf32>
        %parallel_loop3A_1935 = arith.mulf %parallel_loop3A_1934, %parallel_loop3A_1644 : vector<16xf32>
        %parallel_loop3A_1936 = arith.constant 1.000000e+00 : f32
        %parallel_loop3A_1937 = vector.broadcast %parallel_loop3A_1936 : f32 to vector<16xf32>
        %parallel_loop3A_1938 = arith.subf %parallel_loop3A_1937, %parallel_loop3A_1935 : vector<16xf32>
        %parallel_loop3A_1939 = arith.constant 1.024000e+03 : f32
        %parallel_loop3A_1940 = vector.broadcast %parallel_loop3A_1939 : f32 to vector<16xf32>
        %parallel_loop3A_1941 = arith.mulf %parallel_loop3A_1938, %parallel_loop3A_1940 : vector<16xf32>
        %parallel_loop3A_1942 = arith.fptosi %parallel_loop3A_1941 : vector<16xf32> to vector<16xi32>
        %parallel_loop3A_1943 = arith.constant 1032 : i32
        %parallel_loop3A_1944 = vector.broadcast %parallel_loop3A_1943 : i32 to vector<16xi32>
        %parallel_loop3A_1945 = arith.muli %parallel_loop3A_1509, %parallel_loop3A_1944 : vector<16xi32>
        %parallel_loop3A_1946 = arith.addi %parallel_loop3A_1942, %parallel_loop3A_1945 : vector<16xi32>
        %parallel_loop3A_1947 = arith.constant 19608 : i32
        %parallel_loop3A_1948 = vector.broadcast %parallel_loop3A_1947 : i32 to vector<16xi32>
        %parallel_loop3A_1949 = arith.addi %parallel_loop3A_1946, %parallel_loop3A_1948 : vector<16xi32>
        tpu.vector_store_idx %arg11[%parallel_loop3A_1949], %broadcast_in_dim3A_6 {add = true} : memref<39216xf32, #tpu.memory_space<vmem>>[vector<16xi32>], vector<16xf32>,
      } {sc.loop_unroll_factor = 1 : i64, sc.parallel_access}
      %add3A_1085 = arith.constant 1 : i32
      %add3A_1086 = arith.addi %scan3A_356, %add3A_1085 : i32
      %lt3A_1087 = arith.constant 16 : i32
      %lt3A_1088 = arith.cmpi slt, %add3A_1086, %lt3A_1087 : i32
      %convert_element_type3A = arith.extui %lt3A_1088 : i1 to i32
      %cond3A = arith.constant 0 : i32
      %cond3A_1089 = arith.cmpi ne, %convert_element_type3A, %cond3A : i32
      scf.if %cond3A_1089 {
        %add3A_1464 = arith.constant 2 : i32
        %add3A_1465 = arith.addi %add3A_359, %add3A_1464 : i32
        %jit3A_1466 = arith.constant 128 : i32
        %div3A_1467 = arith.divsi %add3A_1465, %jit3A_1466 : i32
        %sign3A_1468 = arith.constant 0 : i32
        %sign3A_1469 = arith.cmpi sgt, %add3A_1465, %sign3A_1468 : i32
        %sign3A_1470 = arith.extui %sign3A_1469 : i1 to i32
        %sign3A_1471 = arith.constant 0 : i32
        %sign3A_1472 = arith.cmpi slt, %add3A_1465, %sign3A_1471 : i32
        %sign3A_1473 = arith.extui %sign3A_1472 : i1 to i32
        %sign3A_1474 = arith.subi %sign3A_1470, %sign3A_1473 : i32
        %sign3A_1475 = arith.constant 0 : i32
        %sign3A_1476 = arith.cmpi sgt, %jit3A_1466, %sign3A_1475 : i32
        %sign3A_1477 = arith.extui %sign3A_1476 : i1 to i32
        %sign3A_1478 = arith.constant 0 : i32
        %sign3A_1479 = arith.cmpi slt, %jit3A_1466, %sign3A_1478 : i32
        %sign3A_1480 = arith.extui %sign3A_1479 : i1 to i32
        %sign3A_1481 = arith.subi %sign3A_1477, %sign3A_1480 : i32
        %ne3A_1482 = arith.cmpi ne, %sign3A_1474, %sign3A_1481 : i32
        %rem3A_1483 = arith.remsi %add3A_1465, %jit3A_1466 : i32
        %ne3A_1484 = arith.constant 0 : i32
        %ne3A_1485 = arith.cmpi ne, %rem3A_1483, %ne3A_1484 : i32
        %and3A_1486 = arith.andi %ne3A_1482, %ne3A_1485 : i1
        %sub3A_1487 = arith.constant 1 : i32
        %sub3A_1488 = arith.subi %div3A_1467, %sub3A_1487 : i32
        %select_n3A_1489 = arith.select %and3A_1486, %sub3A_1488, %div3A_1467 : i32
        %jit3A_1490 = arith.constant 128 : i32
        %eq3A_1491 = arith.constant 0 : i32
        %eq3A_1492 = arith.cmpi eq, %jit3A_1490, %eq3A_1491 : i32
        %jit3A_1493 = arith.constant 1 : i32
        %select_n3A_1494 = arith.select %eq3A_1492, %jit3A_1493, %jit3A_1490 : i32
        %rem3A_1495 = arith.remsi %add3A_1465, %select_n3A_1494 : i32
        %ne3A_1496 = arith.constant 0 : i32
        %ne3A_1497 = arith.cmpi ne, %rem3A_1495, %ne3A_1496 : i32
        %lt3A_1498 = arith.constant 0 : i32
        %lt3A_1499 = arith.cmpi slt, %rem3A_1495, %lt3A_1498 : i32
        %lt3A_1500 = arith.constant 0 : i32
        %lt3A_1501 = arith.cmpi slt, %select_n3A_1494, %lt3A_1500 : i32
        %ne3A_1502 = arith.xori %lt3A_1499, %lt3A_1501 : i1
        %and3A_1503 = arith.andi %ne3A_1502, %ne3A_1497 : i1
        %add3A_1504 = arith.addi %rem3A_1495, %select_n3A_1494 : i32
        %select_n3A_1505 = arith.select %and3A_1503, %add3A_1504, %rem3A_1495 : i32
        %mul3A_1506 = arith.constant 4 : i32
        %mul3A_1507 = arith.muli %select_n3A_1505, %mul3A_1506 : i32
        %dma_start3A_1508 = arith.constant 0 : i32
        %dma_start3A_1509 = arith.constant 0 : i32
        %dma_start3A_1510 = arith.constant 0 : i32
        %dma_start3A_1511 = arith.constant 0 : i32
        %dma_start3A_1512 = tpu.memref_slice %arg5[%dma_start3A_1509, %dma_start3A_1510, %dma_start3A_1511] : memref<19x4x512xf32, #tpu.memory_space<vmem>> -> memref<1x4x512xf32, #tpu.memory_space<vmem>>
        %dma_start3A_1513 = tpu.memref_squeeze %dma_start3A_1512 : memref<1x4x512xf32, #tpu.memory_space<vmem>> -> memref<4x512xf32, #tpu.memory_space<vmem>>
        %dma_start3A_1514 = arith.constant 0 : i32
        %dma_start3A_1515 = tpu.memref_slice %arg2[%select_n3A_1489, %dma_start3A_1508, %mul3A_1507, %dma_start3A_1514] : memref<8x19x512x512xf32, #tpu.memory_space<hbm>> -> memref<1x1x4x512xf32, #tpu.memory_space<hbm>>
        %dma_start3A_1516 = tpu.memref_squeeze %dma_start3A_1515 : memref<1x1x4x512xf32, #tpu.memory_space<hbm>> -> memref<4x512xf32, #tpu.memory_space<hbm>>
        %dma_start3A_1517 = arith.constant 0 : i32
        %dma_start3A_1518 = arith.constant 0 : i32
        %dma_start3A_1519 = tpu.memref_slice %arg5[%dma_start3A_1509, %dma_start3A_1517, %dma_start3A_1518] : memref<19x4x512xf32, #tpu.memory_space<vmem>> -> memref<1x4x512xf32, #tpu.memory_space<vmem>>
        %dma_start3A_1520 = tpu.memref_squeeze %dma_start3A_1519 : memref<1x4x512xf32, #tpu.memory_space<vmem>> -> memref<4x512xf32, #tpu.memory_space<vmem>>
        %dma_start3A_1521 = arith.constant 0 : i32
        %dma_start3A_1522 = tpu.memref_slice %arg2[%select_n3A_1489, %dma_start3A_1508, %mul3A_1507, %dma_start3A_1521] : memref<8x19x512x512xf32, #tpu.memory_space<hbm>> -> memref<1x1x4x512xf32, #tpu.memory_space<hbm>>
        %dma_start3A_1523 = tpu.memref_squeeze %dma_start3A_1522 : memref<1x1x4x512xf32, #tpu.memory_space<hbm>> -> memref<4x512xf32, #tpu.memory_space<hbm>>
        tpu.enqueue_dma source(%dma_start3A_1523 : memref<4x512xf32, #tpu.memory_space<hbm>>) target(%dma_start3A_1520 : memref<4x512xf32, #tpu.memory_space<vmem>>) target_semaphore(%arg9 : memref<!tpu.dma_semaphore, #tpu.memory_space<semaphore_mem>>)
        %dma_start3A_1524 = arith.constant 1 : i32
        %dma_start3A_1525 = arith.constant 1 : i32
        %dma_start3A_1526 = arith.constant 0 : i32
        %dma_start3A_1527 = arith.constant 0 : i32
        %dma_start3A_1528 = tpu.memref_slice %arg5[%dma_start3A_1525, %dma_start3A_1526, %dma_start3A_1527] : memref<19x4x512xf32, #tpu.memory_space<vmem>> -> memref<1x4x512xf32, #tpu.memory_space<vmem>>
        %dma_start3A_1529 = tpu.memref_squeeze %dma_start3A_1528 : memref<1x4x512xf32, #tpu.memory_space<vmem>> -> memref<4x512xf32, #tpu.memory_space<vmem>>
        %dma_start3A_1530 = arith.constant 0 : i32
        %dma_start3A_1531 = tpu.memref_slice %arg2[%select_n3A_1489, %dma_start3A_1524, %mul3A_1507, %dma_start3A_1530] : memref<8x19x512x512xf32, #tpu.memory_space<hbm>> -> memref<1x1x4x512xf32, #tpu.memory_space<hbm>>
        %dma_start3A_1532 = tpu.memref_squeeze %dma_start3A_1531 : memref<1x1x4x512xf32, #tpu.memory_space<hbm>> -> memref<4x512xf32, #tpu.memory_space<hbm>>
        %dma_start3A_1533 = arith.constant 0 : i32
        %dma_start3A_1534 = arith.constant 0 : i32
        %dma_start3A_1535 = tpu.memref_slice %arg5[%dma_start3A_1525, %dma_start3A_1533, %dma_start3A_1534] : memref<19x4x512xf32, #tpu.memory_space<vmem>> -> memref<1x4x512xf32, #tpu.memory_space<vmem>>
        %dma_start3A_1536 = tpu.memref_squeeze %dma_start3A_1535 : memref<1x4x512xf32, #tpu.memory_space<vmem>> -> memref<4x512xf32, #tpu.memory_space<vmem>>
        %dma_start3A_1537 = arith.constant 0 : i32
        %dma_start3A_1538 = tpu.memref_slice %arg2[%select_n3A_1489, %dma_start3A_1524, %mul3A_1507, %dma_start3A_1537] : memref<8x19x512x512xf32, #tpu.memory_space<hbm>> -> memref<1x1x4x512xf32, #tpu.memory_space<hbm>>
        %dma_start3A_1539 = tpu.memref_squeeze %dma_start3A_1538 : memref<1x1x4x512xf32, #tpu.memory_space<hbm>> -> memref<4x512xf32, #tpu.memory_space<hbm>>
        tpu.enqueue_dma source(%dma_start3A_1539 : memref<4x512xf32, #tpu.memory_space<hbm>>) target(%dma_start3A_1536 : memref<4x512xf32, #tpu.memory_space<vmem>>) target_semaphore(%arg9 : memref<!tpu.dma_semaphore, #tpu.memory_space<semaphore_mem>>)
        %dma_start3A_1540 = arith.constant 2 : i32
        %dma_start3A_1541 = arith.constant 2 : i32
        %dma_start3A_1542 = arith.constant 0 : i32
        %dma_start3A_1543 = arith.constant 0 : i32
        %dma_start3A_1544 = tpu.memref_slice %arg5[%dma_start3A_1541, %dma_start3A_1542, %dma_start3A_1543] : memref<19x4x512xf32, #tpu.memory_space<vmem>> -> memref<1x4x512xf32, #tpu.memory_space<vmem>>
        %dma_start3A_1545 = tpu.memref_squeeze %dma_start3A_1544 : memref<1x4x512xf32, #tpu.memory_space<vmem>> -> memref<4x512xf32, #tpu.memory_space<vmem>>
        %dma_start3A_1546 = arith.constant 0 : i32
        %dma_start3A_1547 = tpu.memref_slice %arg2[%select_n3A_1489, %dma_start3A_1540, %mul3A_1507, %dma_start3A_1546] : memref<8x19x512x512xf32, #tpu.memory_space<hbm>> -> memref<1x1x4x512xf32, #tpu.memory_space<hbm>>
        %dma_start3A_1548 = tpu.memref_squeeze %dma_start3A_1547 : memref<1x1x4x512xf32, #tpu.memory_space<hbm>> -> memref<4x512xf32, #tpu.memory_space<hbm>>
        %dma_start3A_1549 = arith.constant 0 : i32
        %dma_start3A_1550 = arith.constant 0 : i32
        %dma_start3A_1551 = tpu.memref_slice %arg5[%dma_start3A_1541, %dma_start3A_1549, %dma_start3A_1550] : memref<19x4x512xf32, #tpu.memory_space<vmem>> -> memref<1x4x512xf32, #tpu.memory_space<vmem>>
        %dma_start3A_1552 = tpu.memref_squeeze %dma_start3A_1551 : memref<1x4x512xf32, #tpu.memory_space<vmem>> -> memref<4x512xf32, #tpu.memory_space<vmem>>
        %dma_start3A_1553 = arith.constant 0 : i32
        %dma_start3A_1554 = tpu.memref_slice %arg2[%select_n3A_1489, %dma_start3A_1540, %mul3A_1507, %dma_start3A_1553] : memref<8x19x512x512xf32, #tpu.memory_space<hbm>> -> memref<1x1x4x512xf32, #tpu.memory_space<hbm>>
        %dma_start3A_1555 = tpu.memref_squeeze %dma_start3A_1554 : memref<1x1x4x512xf32, #tpu.memory_space<hbm>> -> memref<4x512xf32, #tpu.memory_space<hbm>>
        tpu.enqueue_dma source(%dma_start3A_1555 : memref<4x512xf32, #tpu.memory_space<hbm>>) target(%dma_start3A_1552 : memref<4x512xf32, #tpu.memory_space<vmem>>) target_semaphore(%arg9 : memref<!tpu.dma_semaphore, #tpu.memory_space<semaphore_mem>>)
        %dma_start3A_1556 = arith.constant 3 : i32
        %dma_start3A_1557 = arith.constant 3 : i32
        %dma_start3A_1558 = arith.constant 0 : i32
        %dma_start3A_1559 = arith.constant 0 : i32
        %dma_start3A_1560 = tpu.memref_slice %arg5[%dma_start3A_1557, %dma_start3A_1558, %dma_start3A_1559] : memref<19x4x512xf32, #tpu.memory_space<vmem>> -> memref<1x4x512xf32, #tpu.memory_space<vmem>>
        %dma_start3A_1561 = tpu.memref_squeeze %dma_start3A_1560 : memref<1x4x512xf32, #tpu.memory_space<vmem>> -> memref<4x512xf32, #tpu.memory_space<vmem>>
        %dma_start3A_1562 = arith.constant 0 : i32
        %dma_start3A_1563 = tpu.memref_slice %arg2[%select_n3A_1489, %dma_start3A_1556, %mul3A_1507, %dma_start3A_1562] : memref<8x19x512x512xf32, #tpu.memory_space<hbm>> -> memref<1x1x4x512xf32, #tpu.memory_space<hbm>>
        %dma_start3A_1564 = tpu.memref_squeeze %dma_start3A_1563 : memref<1x1x4x512xf32, #tpu.memory_space<hbm>> -> memref<4x512xf32, #tpu.memory_space<hbm>>
        %dma_start3A_1565 = arith.constant 0 : i32
        %dma_start3A_1566 = arith.constant 0 : i32
        %dma_start3A_1567 = tpu.memref_slice %arg5[%dma_start3A_1557, %dma_start3A_1565, %dma_start3A_1566] : memref<19x4x512xf32, #tpu.memory_space<vmem>> -> memref<1x4x512xf32, #tpu.memory_space<vmem>>
        %dma_start3A_1568 = tpu.memref_squeeze %dma_start3A_1567 : memref<1x4x512xf32, #tpu.memory_space<vmem>> -> memref<4x512xf32, #tpu.memory_space<vmem>>
        %dma_start3A_1569 = arith.constant 0 : i32
        %dma_start3A_1570 = tpu.memref_slice %arg2[%select_n3A_1489, %dma_start3A_1556, %mul3A_1507, %dma_start3A_1569] : memref<8x19x512x512xf32, #tpu.memory_space<hbm>> -> memref<1x1x4x512xf32, #tpu.memory_space<hbm>>
        %dma_start3A_1571 = tpu.memref_squeeze %dma_start3A_1570 : memref<1x1x4x512xf32, #tpu.memory_space<hbm>> -> memref<4x512xf32, #tpu.memory_space<hbm>>
        tpu.enqueue_dma source(%dma_start3A_1571 : memref<4x512xf32, #tpu.memory_space<hbm>>) target(%dma_start3A_1568 : memref<4x512xf32, #tpu.memory_space<vmem>>) target_semaphore(%arg9 : memref<!tpu.dma_semaphore, #tpu.memory_space<semaphore_mem>>)
        %dma_start3A_1572 = arith.constant 4 : i32
        %dma_start3A_1573 = arith.constant 4 : i32
        %dma_start3A_1574 = arith.constant 0 : i32
        %dma_start3A_1575 = arith.constant 0 : i32
        %dma_start3A_1576 = tpu.memref_slice %arg5[%dma_start3A_1573, %dma_start3A_1574, %dma_start3A_1575] : memref<19x4x512xf32, #tpu.memory_space<vmem>> -> memref<1x4x512xf32, #tpu.memory_space<vmem>>
        %dma_start3A_1577 = tpu.memref_squeeze %dma_start3A_1576 : memref<1x4x512xf32, #tpu.memory_space<vmem>> -> memref<4x512xf32, #tpu.memory_space<vmem>>
        %dma_start3A_1578 = arith.constant 0 : i32
        %dma_start3A_1579 = tpu.memref_slice %arg2[%select_n3A_1489, %dma_start3A_1572, %mul3A_1507, %dma_start3A_1578] : memref<8x19x512x512xf32, #tpu.memory_space<hbm>> -> memref<1x1x4x512xf32, #tpu.memory_space<hbm>>
        %dma_start3A_1580 = tpu.memref_squeeze %dma_start3A_1579 : memref<1x1x4x512xf32, #tpu.memory_space<hbm>> -> memref<4x512xf32, #tpu.memory_space<hbm>>
        %dma_start3A_1581 = arith.constant 0 : i32
        %dma_start3A_1582 = arith.constant 0 : i32
        %dma_start3A_1583 = tpu.memref_slice %arg5[%dma_start3A_1573, %dma_start3A_1581, %dma_start3A_1582] : memref<19x4x512xf32, #tpu.memory_space<vmem>> -> memref<1x4x512xf32, #tpu.memory_space<vmem>>
        %dma_start3A_1584 = tpu.memref_squeeze %dma_start3A_1583 : memref<1x4x512xf32, #tpu.memory_space<vmem>> -> memref<4x512xf32, #tpu.memory_space<vmem>>
        %dma_start3A_1585 = arith.constant 0 : i32
        %dma_start3A_1586 = tpu.memref_slice %arg2[%select_n3A_1489, %dma_start3A_1572, %mul3A_1507, %dma_start3A_1585] : memref<8x19x512x512xf32, #tpu.memory_space<hbm>> -> memref<1x1x4x512xf32, #tpu.memory_space<hbm>>
        %dma_start3A_1587 = tpu.memref_squeeze %dma_start3A_1586 : memref<1x1x4x512xf32, #tpu.memory_space<hbm>> -> memref<4x512xf32, #tpu.memory_space<hbm>>
        tpu.enqueue_dma source(%dma_start3A_1587 : memref<4x512xf32, #tpu.memory_space<hbm>>) target(%dma_start3A_1584 : memref<4x512xf32, #tpu.memory_space<vmem>>) target_semaphore(%arg9 : memref<!tpu.dma_semaphore, #tpu.memory_space<semaphore_mem>>)
        %dma_start3A_1588 = arith.constant 5 : i32
        %dma_start3A_1589 = arith.constant 5 : i32
        %dma_start3A_1590 = arith.constant 0 : i32
        %dma_start3A_1591 = arith.constant 0 : i32
        %dma_start3A_1592 = tpu.memref_slice %arg5[%dma_start3A_1589, %dma_start3A_1590, %dma_start3A_1591] : memref<19x4x512xf32, #tpu.memory_space<vmem>> -> memref<1x4x512xf32, #tpu.memory_space<vmem>>
        %dma_start3A_1593 = tpu.memref_squeeze %dma_start3A_1592 : memref<1x4x512xf32, #tpu.memory_space<vmem>> -> memref<4x512xf32, #tpu.memory_space<vmem>>
        %dma_start3A_1594 = arith.constant 0 : i32
        %dma_start3A_1595 = tpu.memref_slice %arg2[%select_n3A_1489, %dma_start3A_1588, %mul3A_1507, %dma_start3A_1594] : memref<8x19x512x512xf32, #tpu.memory_space<hbm>> -> memref<1x1x4x512xf32, #tpu.memory_space<hbm>>
        %dma_start3A_1596 = tpu.memref_squeeze %dma_start3A_1595 : memref<1x1x4x512xf32, #tpu.memory_space<hbm>> -> memref<4x512xf32, #tpu.memory_space<hbm>>
        %dma_start3A_1597 = arith.constant 0 : i32
        %dma_start3A_1598 = arith.constant 0 : i32
        %dma_start3A_1599 = tpu.memref_slice %arg5[%dma_start3A_1589, %dma_start3A_1597, %dma_start3A_1598] : memref<19x4x512xf32, #tpu.memory_space<vmem>> -> memref<1x4x512xf32, #tpu.memory_space<vmem>>
        %dma_start3A_1600 = tpu.memref_squeeze %dma_start3A_1599 : memref<1x4x512xf32, #tpu.memory_space<vmem>> -> memref<4x512xf32, #tpu.memory_space<vmem>>
        %dma_start3A_1601 = arith.constant 0 : i32
        %dma_start3A_1602 = tpu.memref_slice %arg2[%select_n3A_1489, %dma_start3A_1588, %mul3A_1507, %dma_start3A_1601] : memref<8x19x512x512xf32, #tpu.memory_space<hbm>> -> memref<1x1x4x512xf32, #tpu.memory_space<hbm>>
        %dma_start3A_1603 = tpu.memref_squeeze %dma_start3A_1602 : memref<1x1x4x512xf32, #tpu.memory_space<hbm>> -> memref<4x512xf32, #tpu.memory_space<hbm>>
        tpu.enqueue_dma source(%dma_start3A_1603 : memref<4x512xf32, #tpu.memory_space<hbm>>) target(%dma_start3A_1600 : memref<4x512xf32, #tpu.memory_space<vmem>>) target_semaphore(%arg9 : memref<!tpu.dma_semaphore, #tpu.memory_space<semaphore_mem>>)
        %dma_start3A_1604 = arith.constant 6 : i32
        %dma_start3A_1605 = arith.constant 6 : i32
        %dma_start3A_1606 = arith.constant 0 : i32
        %dma_start3A_1607 = arith.constant 0 : i32
        %dma_start3A_1608 = tpu.memref_slice %arg5[%dma_start3A_1605, %dma_start3A_1606, %dma_start3A_1607] : memref<19x4x512xf32, #tpu.memory_space<vmem>> -> memref<1x4x512xf32, #tpu.memory_space<vmem>>
        %dma_start3A_1609 = tpu.memref_squeeze %dma_start3A_1608 : memref<1x4x512xf32, #tpu.memory_space<vmem>> -> memref<4x512xf32, #tpu.memory_space<vmem>>
        %dma_start3A_1610 = arith.constant 0 : i32
        %dma_start3A_1611 = tpu.memref_slice %arg2[%select_n3A_1489, %dma_start3A_1604, %mul3A_1507, %dma_start3A_1610] : memref<8x19x512x512xf32, #tpu.memory_space<hbm>> -> memref<1x1x4x512xf32, #tpu.memory_space<hbm>>
        %dma_start3A_1612 = tpu.memref_squeeze %dma_start3A_1611 : memref<1x1x4x512xf32, #tpu.memory_space<hbm>> -> memref<4x512xf32, #tpu.memory_space<hbm>>
        %dma_start3A_1613 = arith.constant 0 : i32
        %dma_start3A_1614 = arith.constant 0 : i32
        %dma_start3A_1615 = tpu.memref_slice %arg5[%dma_start3A_1605, %dma_start3A_1613, %dma_start3A_1614] : memref<19x4x512xf32, #tpu.memory_space<vmem>> -> memref<1x4x512xf32, #tpu.memory_space<vmem>>
        %dma_start3A_1616 = tpu.memref_squeeze %dma_start3A_1615 : memref<1x4x512xf32, #tpu.memory_space<vmem>> -> memref<4x512xf32, #tpu.memory_space<vmem>>
        %dma_start3A_1617 = arith.constant 0 : i32
        %dma_start3A_1618 = tpu.memref_slice %arg2[%select_n3A_1489, %dma_start3A_1604, %mul3A_1507, %dma_start3A_1617] : memref<8x19x512x512xf32, #tpu.memory_space<hbm>> -> memref<1x1x4x512xf32, #tpu.memory_space<hbm>>
        %dma_start3A_1619 = tpu.memref_squeeze %dma_start3A_1618 : memref<1x1x4x512xf32, #tpu.memory_space<hbm>> -> memref<4x512xf32, #tpu.memory_space<hbm>>
        tpu.enqueue_dma source(%dma_start3A_1619 : memref<4x512xf32, #tpu.memory_space<hbm>>) target(%dma_start3A_1616 : memref<4x512xf32, #tpu.memory_space<vmem>>) target_semaphore(%arg9 : memref<!tpu.dma_semaphore, #tpu.memory_space<semaphore_mem>>)
        %dma_start3A_1620 = arith.constant 7 : i32
        %dma_start3A_1621 = arith.constant 7 : i32
        %dma_start3A_1622 = arith.constant 0 : i32
        %dma_start3A_1623 = arith.constant 0 : i32
        %dma_start3A_1624 = tpu.memref_slice %arg5[%dma_start3A_1621, %dma_start3A_1622, %dma_start3A_1623] : memref<19x4x512xf32, #tpu.memory_space<vmem>> -> memref<1x4x512xf32, #tpu.memory_space<vmem>>
        %dma_start3A_1625 = tpu.memref_squeeze %dma_start3A_1624 : memref<1x4x512xf32, #tpu.memory_space<vmem>> -> memref<4x512xf32, #tpu.memory_space<vmem>>
        %dma_start3A_1626 = arith.constant 0 : i32
        %dma_start3A_1627 = tpu.memref_slice %arg2[%select_n3A_1489, %dma_start3A_1620, %mul3A_1507, %dma_start3A_1626] : memref<8x19x512x512xf32, #tpu.memory_space<hbm>> -> memref<1x1x4x512xf32, #tpu.memory_space<hbm>>
        %dma_start3A_1628 = tpu.memref_squeeze %dma_start3A_1627 : memref<1x1x4x512xf32, #tpu.memory_space<hbm>> -> memref<4x512xf32, #tpu.memory_space<hbm>>
        %dma_start3A_1629 = arith.constant 0 : i32
        %dma_start3A_1630 = arith.constant 0 : i32
        %dma_start3A_1631 = tpu.memref_slice %arg5[%dma_start3A_1621, %dma_start3A_1629, %dma_start3A_1630] : memref<19x4x512xf32, #tpu.memory_space<vmem>> -> memref<1x4x512xf32, #tpu.memory_space<vmem>>
        %dma_start3A_1632 = tpu.memref_squeeze %dma_start3A_1631 : memref<1x4x512xf32, #tpu.memory_space<vmem>> -> memref<4x512xf32, #tpu.memory_space<vmem>>
        %dma_start3A_1633 = arith.constant 0 : i32
        %dma_start3A_1634 = tpu.memref_slice %arg2[%select_n3A_1489, %dma_start3A_1620, %mul3A_1507, %dma_start3A_1633] : memref<8x19x512x512xf32, #tpu.memory_space<hbm>> -> memref<1x1x4x512xf32, #tpu.memory_space<hbm>>
        %dma_start3A_1635 = tpu.memref_squeeze %dma_start3A_1634 : memref<1x1x4x512xf32, #tpu.memory_space<hbm>> -> memref<4x512xf32, #tpu.memory_space<hbm>>
        tpu.enqueue_dma source(%dma_start3A_1635 : memref<4x512xf32, #tpu.memory_space<hbm>>) target(%dma_start3A_1632 : memref<4x512xf32, #tpu.memory_space<vmem>>) target_semaphore(%arg9 : memref<!tpu.dma_semaphore, #tpu.memory_space<semaphore_mem>>)
        %dma_start3A_1636 = arith.constant 8 : i32
        %dma_start3A_1637 = arith.constant 8 : i32
        %dma_start3A_1638 = arith.constant 0 : i32
        %dma_start3A_1639 = arith.constant 0 : i32
        %dma_start3A_1640 = tpu.memref_slice %arg5[%dma_start3A_1637, %dma_start3A_1638, %dma_start3A_1639] : memref<19x4x512xf32, #tpu.memory_space<vmem>> -> memref<1x4x512xf32, #tpu.memory_space<vmem>>
        %dma_start3A_1641 = tpu.memref_squeeze %dma_start3A_1640 : memref<1x4x512xf32, #tpu.memory_space<vmem>> -> memref<4x512xf32, #tpu.memory_space<vmem>>
        %dma_start3A_1642 = arith.constant 0 : i32
        %dma_start3A_1643 = tpu.memref_slice %arg2[%select_n3A_1489, %dma_start3A_1636, %mul3A_1507, %dma_start3A_1642] : memref<8x19x512x512xf32, #tpu.memory_space<hbm>> -> memref<1x1x4x512xf32, #tpu.memory_space<hbm>>
        %dma_start3A_1644 = tpu.memref_squeeze %dma_start3A_1643 : memref<1x1x4x512xf32, #tpu.memory_space<hbm>> -> memref<4x512xf32, #tpu.memory_space<hbm>>
        %dma_start3A_1645 = arith.constant 0 : i32
        %dma_start3A_1646 = arith.constant 0 : i32
        %dma_start3A_1647 = tpu.memref_slice %arg5[%dma_start3A_1637, %dma_start3A_1645, %dma_start3A_1646] : memref<19x4x512xf32, #tpu.memory_space<vmem>> -> memref<1x4x512xf32, #tpu.memory_space<vmem>>
        %dma_start3A_1648 = tpu.memref_squeeze %dma_start3A_1647 : memref<1x4x512xf32, #tpu.memory_space<vmem>> -> memref<4x512xf32, #tpu.memory_space<vmem>>
        %dma_start3A_1649 = arith.constant 0 : i32
        %dma_start3A_1650 = tpu.memref_slice %arg2[%select_n3A_1489, %dma_start3A_1636, %mul3A_1507, %dma_start3A_1649] : memref<8x19x512x512xf32, #tpu.memory_space<hbm>> -> memref<1x1x4x512xf32, #tpu.memory_space<hbm>>
        %dma_start3A_1651 = tpu.memref_squeeze %dma_start3A_1650 : memref<1x1x4x512xf32, #tpu.memory_space<hbm>> -> memref<4x512xf32, #tpu.memory_space<hbm>>
        tpu.enqueue_dma source(%dma_start3A_1651 : memref<4x512xf32, #tpu.memory_space<hbm>>) target(%dma_start3A_1648 : memref<4x512xf32, #tpu.memory_space<vmem>>) target_semaphore(%arg9 : memref<!tpu.dma_semaphore, #tpu.memory_space<semaphore_mem>>)
        %dma_start3A_1652 = arith.constant 9 : i32
        %dma_start3A_1653 = arith.constant 9 : i32
        %dma_start3A_1654 = arith.constant 0 : i32
        %dma_start3A_1655 = arith.constant 0 : i32
        %dma_start3A_1656 = tpu.memref_slice %arg5[%dma_start3A_1653, %dma_start3A_1654, %dma_start3A_1655] : memref<19x4x512xf32, #tpu.memory_space<vmem>> -> memref<1x4x512xf32, #tpu.memory_space<vmem>>
        %dma_start3A_1657 = tpu.memref_squeeze %dma_start3A_1656 : memref<1x4x512xf32, #tpu.memory_space<vmem>> -> memref<4x512xf32, #tpu.memory_space<vmem>>
        %dma_start3A_1658 = arith.constant 0 : i32
        %dma_start3A_1659 = tpu.memref_slice %arg2[%select_n3A_1489, %dma_start3A_1652, %mul3A_1507, %dma_start3A_1658] : memref<8x19x512x512xf32, #tpu.memory_space<hbm>> -> memref<1x1x4x512xf32, #tpu.memory_space<hbm>>
        %dma_start3A_1660 = tpu.memref_squeeze %dma_start3A_1659 : memref<1x1x4x512xf32, #tpu.memory_space<hbm>> -> memref<4x512xf32, #tpu.memory_space<hbm>>
        %dma_start3A_1661 = arith.constant 0 : i32
        %dma_start3A_1662 = arith.constant 0 : i32
        %dma_start3A_1663 = tpu.memref_slice %arg5[%dma_start3A_1653, %dma_start3A_1661, %dma_start3A_1662] : memref<19x4x512xf32, #tpu.memory_space<vmem>> -> memref<1x4x512xf32, #tpu.memory_space<vmem>>
        %dma_start3A_1664 = tpu.memref_squeeze %dma_start3A_1663 : memref<1x4x512xf32, #tpu.memory_space<vmem>> -> memref<4x512xf32, #tpu.memory_space<vmem>>
        %dma_start3A_1665 = arith.constant 0 : i32
        %dma_start3A_1666 = tpu.memref_slice %arg2[%select_n3A_1489, %dma_start3A_1652, %mul3A_1507, %dma_start3A_1665] : memref<8x19x512x512xf32, #tpu.memory_space<hbm>> -> memref<1x1x4x512xf32, #tpu.memory_space<hbm>>
        %dma_start3A_1667 = tpu.memref_squeeze %dma_start3A_1666 : memref<1x1x4x512xf32, #tpu.memory_space<hbm>> -> memref<4x512xf32, #tpu.memory_space<hbm>>
        tpu.enqueue_dma source(%dma_start3A_1667 : memref<4x512xf32, #tpu.memory_space<hbm>>) target(%dma_start3A_1664 : memref<4x512xf32, #tpu.memory_space<vmem>>) target_semaphore(%arg9 : memref<!tpu.dma_semaphore, #tpu.memory_space<semaphore_mem>>)
        %dma_start3A_1668 = arith.constant 10 : i32
        %dma_start3A_1669 = arith.constant 10 : i32
        %dma_start3A_1670 = arith.constant 0 : i32
        %dma_start3A_1671 = arith.constant 0 : i32
        %dma_start3A_1672 = tpu.memref_slice %arg5[%dma_start3A_1669, %dma_start3A_1670, %dma_start3A_1671] : memref<19x4x512xf32, #tpu.memory_space<vmem>> -> memref<1x4x512xf32, #tpu.memory_space<vmem>>
        %dma_start3A_1673 = tpu.memref_squeeze %dma_start3A_1672 : memref<1x4x512xf32, #tpu.memory_space<vmem>> -> memref<4x512xf32, #tpu.memory_space<vmem>>
        %dma_start3A_1674 = arith.constant 0 : i32
        %dma_start3A_1675 = tpu.memref_slice %arg2[%select_n3A_1489, %dma_start3A_1668, %mul3A_1507, %dma_start3A_1674] : memref<8x19x512x512xf32, #tpu.memory_space<hbm>> -> memref<1x1x4x512xf32, #tpu.memory_space<hbm>>
        %dma_start3A_1676 = tpu.memref_squeeze %dma_start3A_1675 : memref<1x1x4x512xf32, #tpu.memory_space<hbm>> -> memref<4x512xf32, #tpu.memory_space<hbm>>
        %dma_start3A_1677 = arith.constant 0 : i32
        %dma_start3A_1678 = arith.constant 0 : i32
        %dma_start3A_1679 = tpu.memref_slice %arg5[%dma_start3A_1669, %dma_start3A_1677, %dma_start3A_1678] : memref<19x4x512xf32, #tpu.memory_space<vmem>> -> memref<1x4x512xf32, #tpu.memory_space<vmem>>
        %dma_start3A_1680 = tpu.memref_squeeze %dma_start3A_1679 : memref<1x4x512xf32, #tpu.memory_space<vmem>> -> memref<4x512xf32, #tpu.memory_space<vmem>>
        %dma_start3A_1681 = arith.constant 0 : i32
        %dma_start3A_1682 = tpu.memref_slice %arg2[%select_n3A_1489, %dma_start3A_1668, %mul3A_1507, %dma_start3A_1681] : memref<8x19x512x512xf32, #tpu.memory_space<hbm>> -> memref<1x1x4x512xf32, #tpu.memory_space<hbm>>
        %dma_start3A_1683 = tpu.memref_squeeze %dma_start3A_1682 : memref<1x1x4x512xf32, #tpu.memory_space<hbm>> -> memref<4x512xf32, #tpu.memory_space<hbm>>
        tpu.enqueue_dma source(%dma_start3A_1683 : memref<4x512xf32, #tpu.memory_space<hbm>>) target(%dma_start3A_1680 : memref<4x512xf32, #tpu.memory_space<vmem>>) target_semaphore(%arg9 : memref<!tpu.dma_semaphore, #tpu.memory_space<semaphore_mem>>)
        %dma_start3A_1684 = arith.constant 11 : i32
        %dma_start3A_1685 = arith.constant 11 : i32
        %dma_start3A_1686 = arith.constant 0 : i32
        %dma_start3A_1687 = arith.constant 0 : i32
        %dma_start3A_1688 = tpu.memref_slice %arg5[%dma_start3A_1685, %dma_start3A_1686, %dma_start3A_1687] : memref<19x4x512xf32, #tpu.memory_space<vmem>> -> memref<1x4x512xf32, #tpu.memory_space<vmem>>
        %dma_start3A_1689 = tpu.memref_squeeze %dma_start3A_1688 : memref<1x4x512xf32, #tpu.memory_space<vmem>> -> memref<4x512xf32, #tpu.memory_space<vmem>>
        %dma_start3A_1690 = arith.constant 0 : i32
        %dma_start3A_1691 = tpu.memref_slice %arg2[%select_n3A_1489, %dma_start3A_1684, %mul3A_1507, %dma_start3A_1690] : memref<8x19x512x512xf32, #tpu.memory_space<hbm>> -> memref<1x1x4x512xf32, #tpu.memory_space<hbm>>
        %dma_start3A_1692 = tpu.memref_squeeze %dma_start3A_1691 : memref<1x1x4x512xf32, #tpu.memory_space<hbm>> -> memref<4x512xf32, #tpu.memory_space<hbm>>
        %dma_start3A_1693 = arith.constant 0 : i32
        %dma_start3A_1694 = arith.constant 0 : i32
        %dma_start3A_1695 = tpu.memref_slice %arg5[%dma_start3A_1685, %dma_start3A_1693, %dma_start3A_1694] : memref<19x4x512xf32, #tpu.memory_space<vmem>> -> memref<1x4x512xf32, #tpu.memory_space<vmem>>
        %dma_start3A_1696 = tpu.memref_squeeze %dma_start3A_1695 : memref<1x4x512xf32, #tpu.memory_space<vmem>> -> memref<4x512xf32, #tpu.memory_space<vmem>>
        %dma_start3A_1697 = arith.constant 0 : i32
        %dma_start3A_1698 = tpu.memref_slice %arg2[%select_n3A_1489, %dma_start3A_1684, %mul3A_1507, %dma_start3A_1697] : memref<8x19x512x512xf32, #tpu.memory_space<hbm>> -> memref<1x1x4x512xf32, #tpu.memory_space<hbm>>
        %dma_start3A_1699 = tpu.memref_squeeze %dma_start3A_1698 : memref<1x1x4x512xf32, #tpu.memory_space<hbm>> -> memref<4x512xf32, #tpu.memory_space<hbm>>
        tpu.enqueue_dma source(%dma_start3A_1699 : memref<4x512xf32, #tpu.memory_space<hbm>>) target(%dma_start3A_1696 : memref<4x512xf32, #tpu.memory_space<vmem>>) target_semaphore(%arg9 : memref<!tpu.dma_semaphore, #tpu.memory_space<semaphore_mem>>)
        %dma_start3A_1700 = arith.constant 12 : i32
        %dma_start3A_1701 = arith.constant 12 : i32
        %dma_start3A_1702 = arith.constant 0 : i32
        %dma_start3A_1703 = arith.constant 0 : i32
        %dma_start3A_1704 = tpu.memref_slice %arg5[%dma_start3A_1701, %dma_start3A_1702, %dma_start3A_1703] : memref<19x4x512xf32, #tpu.memory_space<vmem>> -> memref<1x4x512xf32, #tpu.memory_space<vmem>>
        %dma_start3A_1705 = tpu.memref_squeeze %dma_start3A_1704 : memref<1x4x512xf32, #tpu.memory_space<vmem>> -> memref<4x512xf32, #tpu.memory_space<vmem>>
        %dma_start3A_1706 = arith.constant 0 : i32
        %dma_start3A_1707 = tpu.memref_slice %arg2[%select_n3A_1489, %dma_start3A_1700, %mul3A_1507, %dma_start3A_1706] : memref<8x19x512x512xf32, #tpu.memory_space<hbm>> -> memref<1x1x4x512xf32, #tpu.memory_space<hbm>>
        %dma_start3A_1708 = tpu.memref_squeeze %dma_start3A_1707 : memref<1x1x4x512xf32, #tpu.memory_space<hbm>> -> memref<4x512xf32, #tpu.memory_space<hbm>>
        %dma_start3A_1709 = arith.constant 0 : i32
        %dma_start3A_1710 = arith.constant 0 : i32
        %dma_start3A_1711 = tpu.memref_slice %arg5[%dma_start3A_1701, %dma_start3A_1709, %dma_start3A_1710] : memref<19x4x512xf32, #tpu.memory_space<vmem>> -> memref<1x4x512xf32, #tpu.memory_space<vmem>>
        %dma_start3A_1712 = tpu.memref_squeeze %dma_start3A_1711 : memref<1x4x512xf32, #tpu.memory_space<vmem>> -> memref<4x512xf32, #tpu.memory_space<vmem>>
        %dma_start3A_1713 = arith.constant 0 : i32
        %dma_start3A_1714 = tpu.memref_slice %arg2[%select_n3A_1489, %dma_start3A_1700, %mul3A_1507, %dma_start3A_1713] : memref<8x19x512x512xf32, #tpu.memory_space<hbm>> -> memref<1x1x4x512xf32, #tpu.memory_space<hbm>>
        %dma_start3A_1715 = tpu.memref_squeeze %dma_start3A_1714 : memref<1x1x4x512xf32, #tpu.memory_space<hbm>> -> memref<4x512xf32, #tpu.memory_space<hbm>>
        tpu.enqueue_dma source(%dma_start3A_1715 : memref<4x512xf32, #tpu.memory_space<hbm>>) target(%dma_start3A_1712 : memref<4x512xf32, #tpu.memory_space<vmem>>) target_semaphore(%arg9 : memref<!tpu.dma_semaphore, #tpu.memory_space<semaphore_mem>>)
        %dma_start3A_1716 = arith.constant 13 : i32
        %dma_start3A_1717 = arith.constant 13 : i32
        %dma_start3A_1718 = arith.constant 0 : i32
        %dma_start3A_1719 = arith.constant 0 : i32
        %dma_start3A_1720 = tpu.memref_slice %arg5[%dma_start3A_1717, %dma_start3A_1718, %dma_start3A_1719] : memref<19x4x512xf32, #tpu.memory_space<vmem>> -> memref<1x4x512xf32, #tpu.memory_space<vmem>>
        %dma_start3A_1721 = tpu.memref_squeeze %dma_start3A_1720 : memref<1x4x512xf32, #tpu.memory_space<vmem>> -> memref<4x512xf32, #tpu.memory_space<vmem>>
        %dma_start3A_1722 = arith.constant 0 : i32
        %dma_start3A_1723 = tpu.memref_slice %arg2[%select_n3A_1489, %dma_start3A_1716, %mul3A_1507, %dma_start3A_1722] : memref<8x19x512x512xf32, #tpu.memory_space<hbm>> -> memref<1x1x4x512xf32, #tpu.memory_space<hbm>>
        %dma_start3A_1724 = tpu.memref_squeeze %dma_start3A_1723 : memref<1x1x4x512xf32, #tpu.memory_space<hbm>> -> memref<4x512xf32, #tpu.memory_space<hbm>>
        %dma_start3A_1725 = arith.constant 0 : i32
        %dma_start3A_1726 = arith.constant 0 : i32
        %dma_start3A_1727 = tpu.memref_slice %arg5[%dma_start3A_1717, %dma_start3A_1725, %dma_start3A_1726] : memref<19x4x512xf32, #tpu.memory_space<vmem>> -> memref<1x4x512xf32, #tpu.memory_space<vmem>>
        %dma_start3A_1728 = tpu.memref_squeeze %dma_start3A_1727 : memref<1x4x512xf32, #tpu.memory_space<vmem>> -> memref<4x512xf32, #tpu.memory_space<vmem>>
        %dma_start3A_1729 = arith.constant 0 : i32
        %dma_start3A_1730 = tpu.memref_slice %arg2[%select_n3A_1489, %dma_start3A_1716, %mul3A_1507, %dma_start3A_1729] : memref<8x19x512x512xf32, #tpu.memory_space<hbm>> -> memref<1x1x4x512xf32, #tpu.memory_space<hbm>>
        %dma_start3A_1731 = tpu.memref_squeeze %dma_start3A_1730 : memref<1x1x4x512xf32, #tpu.memory_space<hbm>> -> memref<4x512xf32, #tpu.memory_space<hbm>>
        tpu.enqueue_dma source(%dma_start3A_1731 : memref<4x512xf32, #tpu.memory_space<hbm>>) target(%dma_start3A_1728 : memref<4x512xf32, #tpu.memory_space<vmem>>) target_semaphore(%arg9 : memref<!tpu.dma_semaphore, #tpu.memory_space<semaphore_mem>>)
        %dma_start3A_1732 = arith.constant 14 : i32
        %dma_start3A_1733 = arith.constant 14 : i32
        %dma_start3A_1734 = arith.constant 0 : i32
        %dma_start3A_1735 = arith.constant 0 : i32
        %dma_start3A_1736 = tpu.memref_slice %arg5[%dma_start3A_1733, %dma_start3A_1734, %dma_start3A_1735] : memref<19x4x512xf32, #tpu.memory_space<vmem>> -> memref<1x4x512xf32, #tpu.memory_space<vmem>>
        %dma_start3A_1737 = tpu.memref_squeeze %dma_start3A_1736 : memref<1x4x512xf32, #tpu.memory_space<vmem>> -> memref<4x512xf32, #tpu.memory_space<vmem>>
        %dma_start3A_1738 = arith.constant 0 : i32
        %dma_start3A_1739 = tpu.memref_slice %arg2[%select_n3A_1489, %dma_start3A_1732, %mul3A_1507, %dma_start3A_1738] : memref<8x19x512x512xf32, #tpu.memory_space<hbm>> -> memref<1x1x4x512xf32, #tpu.memory_space<hbm>>
        %dma_start3A_1740 = tpu.memref_squeeze %dma_start3A_1739 : memref<1x1x4x512xf32, #tpu.memory_space<hbm>> -> memref<4x512xf32, #tpu.memory_space<hbm>>
        %dma_start3A_1741 = arith.constant 0 : i32
        %dma_start3A_1742 = arith.constant 0 : i32
        %dma_start3A_1743 = tpu.memref_slice %arg5[%dma_start3A_1733, %dma_start3A_1741, %dma_start3A_1742] : memref<19x4x512xf32, #tpu.memory_space<vmem>> -> memref<1x4x512xf32, #tpu.memory_space<vmem>>
        %dma_start3A_1744 = tpu.memref_squeeze %dma_start3A_1743 : memref<1x4x512xf32, #tpu.memory_space<vmem>> -> memref<4x512xf32, #tpu.memory_space<vmem>>
        %dma_start3A_1745 = arith.constant 0 : i32
        %dma_start3A_1746 = tpu.memref_slice %arg2[%select_n3A_1489, %dma_start3A_1732, %mul3A_1507, %dma_start3A_1745] : memref<8x19x512x512xf32, #tpu.memory_space<hbm>> -> memref<1x1x4x512xf32, #tpu.memory_space<hbm>>
        %dma_start3A_1747 = tpu.memref_squeeze %dma_start3A_1746 : memref<1x1x4x512xf32, #tpu.memory_space<hbm>> -> memref<4x512xf32, #tpu.memory_space<hbm>>
        tpu.enqueue_dma source(%dma_start3A_1747 : memref<4x512xf32, #tpu.memory_space<hbm>>) target(%dma_start3A_1744 : memref<4x512xf32, #tpu.memory_space<vmem>>) target_semaphore(%arg9 : memref<!tpu.dma_semaphore, #tpu.memory_space<semaphore_mem>>)
        %dma_start3A_1748 = arith.constant 15 : i32
        %dma_start3A_1749 = arith.constant 15 : i32
        %dma_start3A_1750 = arith.constant 0 : i32
        %dma_start3A_1751 = arith.constant 0 : i32
        %dma_start3A_1752 = tpu.memref_slice %arg5[%dma_start3A_1749, %dma_start3A_1750, %dma_start3A_1751] : memref<19x4x512xf32, #tpu.memory_space<vmem>> -> memref<1x4x512xf32, #tpu.memory_space<vmem>>
        %dma_start3A_1753 = tpu.memref_squeeze %dma_start3A_1752 : memref<1x4x512xf32, #tpu.memory_space<vmem>> -> memref<4x512xf32, #tpu.memory_space<vmem>>
        %dma_start3A_1754 = arith.constant 0 : i32
        %dma_start3A_1755 = tpu.memref_slice %arg2[%select_n3A_1489, %dma_start3A_1748, %mul3A_1507, %dma_start3A_1754] : memref<8x19x512x512xf32, #tpu.memory_space<hbm>> -> memref<1x1x4x512xf32, #tpu.memory_space<hbm>>
        %dma_start3A_1756 = tpu.memref_squeeze %dma_start3A_1755 : memref<1x1x4x512xf32, #tpu.memory_space<hbm>> -> memref<4x512xf32, #tpu.memory_space<hbm>>
        %dma_start3A_1757 = arith.constant 0 : i32
        %dma_start3A_1758 = arith.constant 0 : i32
        %dma_start3A_1759 = tpu.memref_slice %arg5[%dma_start3A_1749, %dma_start3A_1757, %dma_start3A_1758] : memref<19x4x512xf32, #tpu.memory_space<vmem>> -> memref<1x4x512xf32, #tpu.memory_space<vmem>>
        %dma_start3A_1760 = tpu.memref_squeeze %dma_start3A_1759 : memref<1x4x512xf32, #tpu.memory_space<vmem>> -> memref<4x512xf32, #tpu.memory_space<vmem>>
        %dma_start3A_1761 = arith.constant 0 : i32
        %dma_start3A_1762 = tpu.memref_slice %arg2[%select_n3A_1489, %dma_start3A_1748, %mul3A_1507, %dma_start3A_1761] : memref<8x19x512x512xf32, #tpu.memory_space<hbm>> -> memref<1x1x4x512xf32, #tpu.memory_space<hbm>>
        %dma_start3A_1763 = tpu.memref_squeeze %dma_start3A_1762 : memref<1x1x4x512xf32, #tpu.memory_space<hbm>> -> memref<4x512xf32, #tpu.memory_space<hbm>>
        tpu.enqueue_dma source(%dma_start3A_1763 : memref<4x512xf32, #tpu.memory_space<hbm>>) target(%dma_start3A_1760 : memref<4x512xf32, #tpu.memory_space<vmem>>) target_semaphore(%arg9 : memref<!tpu.dma_semaphore, #tpu.memory_space<semaphore_mem>>)
        %dma_start3A_1764 = arith.constant 16 : i32
        %dma_start3A_1765 = arith.constant 16 : i32
        %dma_start3A_1766 = arith.constant 0 : i32
        %dma_start3A_1767 = arith.constant 0 : i32
        %dma_start3A_1768 = tpu.memref_slice %arg5[%dma_start3A_1765, %dma_start3A_1766, %dma_start3A_1767] : memref<19x4x512xf32, #tpu.memory_space<vmem>> -> memref<1x4x512xf32, #tpu.memory_space<vmem>>
        %dma_start3A_1769 = tpu.memref_squeeze %dma_start3A_1768 : memref<1x4x512xf32, #tpu.memory_space<vmem>> -> memref<4x512xf32, #tpu.memory_space<vmem>>
        %dma_start3A_1770 = arith.constant 0 : i32
        %dma_start3A_1771 = tpu.memref_slice %arg2[%select_n3A_1489, %dma_start3A_1764, %mul3A_1507, %dma_start3A_1770] : memref<8x19x512x512xf32, #tpu.memory_space<hbm>> -> memref<1x1x4x512xf32, #tpu.memory_space<hbm>>
        %dma_start3A_1772 = tpu.memref_squeeze %dma_start3A_1771 : memref<1x1x4x512xf32, #tpu.memory_space<hbm>> -> memref<4x512xf32, #tpu.memory_space<hbm>>
        %dma_start3A_1773 = arith.constant 0 : i32
        %dma_start3A_1774 = arith.constant 0 : i32
        %dma_start3A_1775 = tpu.memref_slice %arg5[%dma_start3A_1765, %dma_start3A_1773, %dma_start3A_1774] : memref<19x4x512xf32, #tpu.memory_space<vmem>> -> memref<1x4x512xf32, #tpu.memory_space<vmem>>
        %dma_start3A_1776 = tpu.memref_squeeze %dma_start3A_1775 : memref<1x4x512xf32, #tpu.memory_space<vmem>> -> memref<4x512xf32, #tpu.memory_space<vmem>>
        %dma_start3A_1777 = arith.constant 0 : i32
        %dma_start3A_1778 = tpu.memref_slice %arg2[%select_n3A_1489, %dma_start3A_1764, %mul3A_1507, %dma_start3A_1777] : memref<8x19x512x512xf32, #tpu.memory_space<hbm>> -> memref<1x1x4x512xf32, #tpu.memory_space<hbm>>
        %dma_start3A_1779 = tpu.memref_squeeze %dma_start3A_1778 : memref<1x1x4x512xf32, #tpu.memory_space<hbm>> -> memref<4x512xf32, #tpu.memory_space<hbm>>
        tpu.enqueue_dma source(%dma_start3A_1779 : memref<4x512xf32, #tpu.memory_space<hbm>>) target(%dma_start3A_1776 : memref<4x512xf32, #tpu.memory_space<vmem>>) target_semaphore(%arg9 : memref<!tpu.dma_semaphore, #tpu.memory_space<semaphore_mem>>)
        %dma_start3A_1780 = arith.constant 17 : i32
        %dma_start3A_1781 = arith.constant 17 : i32
        %dma_start3A_1782 = arith.constant 0 : i32
        %dma_start3A_1783 = arith.constant 0 : i32
        %dma_start3A_1784 = tpu.memref_slice %arg5[%dma_start3A_1781, %dma_start3A_1782, %dma_start3A_1783] : memref<19x4x512xf32, #tpu.memory_space<vmem>> -> memref<1x4x512xf32, #tpu.memory_space<vmem>>
        %dma_start3A_1785 = tpu.memref_squeeze %dma_start3A_1784 : memref<1x4x512xf32, #tpu.memory_space<vmem>> -> memref<4x512xf32, #tpu.memory_space<vmem>>
        %dma_start3A_1786 = arith.constant 0 : i32
        %dma_start3A_1787 = tpu.memref_slice %arg2[%select_n3A_1489, %dma_start3A_1780, %mul3A_1507, %dma_start3A_1786] : memref<8x19x512x512xf32, #tpu.memory_space<hbm>> -> memref<1x1x4x512xf32, #tpu.memory_space<hbm>>
        %dma_start3A_1788 = tpu.memref_squeeze %dma_start3A_1787 : memref<1x1x4x512xf32, #tpu.memory_space<hbm>> -> memref<4x512xf32, #tpu.memory_space<hbm>>
        %dma_start3A_1789 = arith.constant 0 : i32
        %dma_start3A_1790 = arith.constant 0 : i32
        %dma_start3A_1791 = tpu.memref_slice %arg5[%dma_start3A_1781, %dma_start3A_1789, %dma_start3A_1790] : memref<19x4x512xf32, #tpu.memory_space<vmem>> -> memref<1x4x512xf32, #tpu.memory_space<vmem>>
        %dma_start3A_1792 = tpu.memref_squeeze %dma_start3A_1791 : memref<1x4x512xf32, #tpu.memory_space<vmem>> -> memref<4x512xf32, #tpu.memory_space<vmem>>
        %dma_start3A_1793 = arith.constant 0 : i32
        %dma_start3A_1794 = tpu.memref_slice %arg2[%select_n3A_1489, %dma_start3A_1780, %mul3A_1507, %dma_start3A_1793] : memref<8x19x512x512xf32, #tpu.memory_space<hbm>> -> memref<1x1x4x512xf32, #tpu.memory_space<hbm>>
        %dma_start3A_1795 = tpu.memref_squeeze %dma_start3A_1794 : memref<1x1x4x512xf32, #tpu.memory_space<hbm>> -> memref<4x512xf32, #tpu.memory_space<hbm>>
        tpu.enqueue_dma source(%dma_start3A_1795 : memref<4x512xf32, #tpu.memory_space<hbm>>) target(%dma_start3A_1792 : memref<4x512xf32, #tpu.memory_space<vmem>>) target_semaphore(%arg9 : memref<!tpu.dma_semaphore, #tpu.memory_space<semaphore_mem>>)
        %dma_start3A_1796 = arith.constant 18 : i32
        %dma_start3A_1797 = arith.constant 18 : i32
        %dma_start3A_1798 = arith.constant 0 : i32
        %dma_start3A_1799 = arith.constant 0 : i32
        %dma_start3A_1800 = tpu.memref_slice %arg5[%dma_start3A_1797, %dma_start3A_1798, %dma_start3A_1799] : memref<19x4x512xf32, #tpu.memory_space<vmem>> -> memref<1x4x512xf32, #tpu.memory_space<vmem>>
        %dma_start3A_1801 = tpu.memref_squeeze %dma_start3A_1800 : memref<1x4x512xf32, #tpu.memory_space<vmem>> -> memref<4x512xf32, #tpu.memory_space<vmem>>
        %dma_start3A_1802 = arith.constant 0 : i32
        %dma_start3A_1803 = tpu.memref_slice %arg2[%select_n3A_1489, %dma_start3A_1796, %mul3A_1507, %dma_start3A_1802] : memref<8x19x512x512xf32, #tpu.memory_space<hbm>> -> memref<1x1x4x512xf32, #tpu.memory_space<hbm>>
        %dma_start3A_1804 = tpu.memref_squeeze %dma_start3A_1803 : memref<1x1x4x512xf32, #tpu.memory_space<hbm>> -> memref<4x512xf32, #tpu.memory_space<hbm>>
        %dma_start3A_1805 = arith.constant 0 : i32
        %dma_start3A_1806 = arith.constant 0 : i32
        %dma_start3A_1807 = tpu.memref_slice %arg5[%dma_start3A_1797, %dma_start3A_1805, %dma_start3A_1806] : memref<19x4x512xf32, #tpu.memory_space<vmem>> -> memref<1x4x512xf32, #tpu.memory_space<vmem>>
        %dma_start3A_1808 = tpu.memref_squeeze %dma_start3A_1807 : memref<1x4x512xf32, #tpu.memory_space<vmem>> -> memref<4x512xf32, #tpu.memory_space<vmem>>
        %dma_start3A_1809 = arith.constant 0 : i32
        %dma_start3A_1810 = tpu.memref_slice %arg2[%select_n3A_1489, %dma_start3A_1796, %mul3A_1507, %dma_start3A_1809] : memref<8x19x512x512xf32, #tpu.memory_space<hbm>> -> memref<1x1x4x512xf32, #tpu.memory_space<hbm>>
        %dma_start3A_1811 = tpu.memref_squeeze %dma_start3A_1810 : memref<1x1x4x512xf32, #tpu.memory_space<hbm>> -> memref<4x512xf32, #tpu.memory_space<hbm>>
        tpu.enqueue_dma source(%dma_start3A_1811 : memref<4x512xf32, #tpu.memory_space<hbm>>) target(%dma_start3A_1808 : memref<4x512xf32, #tpu.memory_space<vmem>>) target_semaphore(%arg9 : memref<!tpu.dma_semaphore, #tpu.memory_space<semaphore_mem>>)
        %dma_start3A_1812 = arith.constant 0 : i32
        %dma_start3A_1813 = tpu.memref_slice %arg3[%select_n3A_1489, %mul3A_1507, %dma_start3A_1812] : memref<8x512x512xi32, #tpu.memory_space<hbm>> -> memref<1x4x512xi32, #tpu.memory_space<hbm>>
        %dma_start3A_1814 = tpu.memref_squeeze %dma_start3A_1813 : memref<1x4x512xi32, #tpu.memory_space<hbm>> -> memref<4x512xi32, #tpu.memory_space<hbm>>
        %dma_start3A_1815 = arith.constant 0 : i32
        %dma_start3A_1816 = tpu.memref_slice %arg3[%select_n3A_1489, %mul3A_1507, %dma_start3A_1815] : memref<8x512x512xi32, #tpu.memory_space<hbm>> -> memref<1x4x512xi32, #tpu.memory_space<hbm>>
        %dma_start3A_1817 = tpu.memref_squeeze %dma_start3A_1816 : memref<1x4x512xi32, #tpu.memory_space<hbm>> -> memref<4x512xi32, #tpu.memory_space<hbm>>
        tpu.enqueue_dma source(%dma_start3A_1817 : memref<4x512xi32, #tpu.memory_space<hbm>>) target(%arg6 : memref<4x512xi32, #tpu.memory_space<vmem>>) target_semaphore(%arg9 : memref<!tpu.dma_semaphore, #tpu.memory_space<semaphore_mem>>)
      } else {
      }
      %dma_wait3A_1090 = arith.constant 0 : i32
      %dma_wait3A_1091 = arith.constant 0 : i32
      %dma_wait3A_1092 = arith.constant 0 : i32
      %dma_wait3A_1093 = arith.constant 0 : i32
      %dma_wait3A_1094 = arith.constant 0 : i32
      %dma_wait3A_1095 = tpu.memref_slice %arg7[%dma_wait3A_1092, %dma_wait3A_1093, %dma_wait3A_1094] : memref<19x4x512xf32, #tpu.memory_space<vmem>> -> memref<1x4x512xf32, #tpu.memory_space<vmem>>
      %dma_wait3A_1096 = tpu.memref_squeeze %dma_wait3A_1095 : memref<1x4x512xf32, #tpu.memory_space<vmem>> -> memref<4x512xf32, #tpu.memory_space<vmem>>
      %dma_wait3A_1097 = arith.constant 0 : i32
      %dma_wait3A_1098 = arith.constant 0 : i32
      %dma_wait3A_1099 = tpu.memref_slice %arg2[%dma_wait3A_1090, %dma_wait3A_1091, %dma_wait3A_1097, %dma_wait3A_1098] : memref<8x19x512x512xf32, #tpu.memory_space<hbm>> -> memref<1x1x4x512xf32, #tpu.memory_space<hbm>>
      %dma_wait3A_1100 = tpu.memref_squeeze %dma_wait3A_1099 : memref<1x1x4x512xf32, #tpu.memory_space<hbm>> -> memref<4x512xf32, #tpu.memory_space<hbm>>
      %dma_wait3A_1101 = arith.constant 0 : i32
      %dma_wait3A_1102 = arith.constant 0 : i32
      %dma_wait3A_1103 = tpu.memref_slice %arg7[%dma_wait3A_1092, %dma_wait3A_1101, %dma_wait3A_1102] : memref<19x4x512xf32, #tpu.memory_space<vmem>> -> memref<1x4x512xf32, #tpu.memory_space<vmem>>
      %dma_wait3A_1104 = tpu.memref_squeeze %dma_wait3A_1103 : memref<1x4x512xf32, #tpu.memory_space<vmem>> -> memref<4x512xf32, #tpu.memory_space<vmem>>
      %dma_wait3A_1105 = arith.constant 0 : i32
      %dma_wait3A_1106 = arith.constant 0 : i32
      %dma_wait3A_1107 = tpu.memref_slice %arg2[%dma_wait3A_1090, %dma_wait3A_1091, %dma_wait3A_1105, %dma_wait3A_1106] : memref<8x19x512x512xf32, #tpu.memory_space<hbm>> -> memref<1x1x4x512xf32, #tpu.memory_space<hbm>>
      %dma_wait3A_1108 = tpu.memref_squeeze %dma_wait3A_1107 : memref<1x1x4x512xf32, #tpu.memory_space<hbm>> -> memref<4x512xf32, #tpu.memory_space<hbm>>
      tpu.wait_dma2 semaphore(%arg10 : memref<!tpu.dma_semaphore, #tpu.memory_space<semaphore_mem>>) src(%dma_wait3A_1108 : memref<4x512xf32, #tpu.memory_space<hbm>>) dst(%dma_wait3A_1104 : memref<4x512xf32, #tpu.memory_space<vmem>>)
      %dma_wait3A_1109 = arith.constant 0 : i32
      %dma_wait3A_1110 = arith.constant 1 : i32
      %dma_wait3A_1111 = arith.constant 1 : i32
      %dma_wait3A_1112 = arith.constant 0 : i32
      %dma_wait3A_1113 = arith.constant 0 : i32
      %dma_wait3A_1114 = tpu.memref_slice %arg7[%dma_wait3A_1111, %dma_wait3A_1112, %dma_wait3A_1113] : memref<19x4x512xf32, #tpu.memory_space<vmem>> -> memref<1x4x512xf32, #tpu.memory_space<vmem>>
      %dma_wait3A_1115 = tpu.memref_squeeze %dma_wait3A_1114 : memref<1x4x512xf32, #tpu.memory_space<vmem>> -> memref<4x512xf32, #tpu.memory_space<vmem>>
      %dma_wait3A_1116 = arith.constant 0 : i32
      %dma_wait3A_1117 = arith.constant 0 : i32
      %dma_wait3A_1118 = tpu.memref_slice %arg2[%dma_wait3A_1109, %dma_wait3A_1110, %dma_wait3A_1116, %dma_wait3A_1117] : memref<8x19x512x512xf32, #tpu.memory_space<hbm>> -> memref<1x1x4x512xf32, #tpu.memory_space<hbm>>
      %dma_wait3A_1119 = tpu.memref_squeeze %dma_wait3A_1118 : memref<1x1x4x512xf32, #tpu.memory_space<hbm>> -> memref<4x512xf32, #tpu.memory_space<hbm>>
      %dma_wait3A_1120 = arith.constant 0 : i32
      %dma_wait3A_1121 = arith.constant 0 : i32
      %dma_wait3A_1122 = tpu.memref_slice %arg7[%dma_wait3A_1111, %dma_wait3A_1120, %dma_wait3A_1121] : memref<19x4x512xf32, #tpu.memory_space<vmem>> -> memref<1x4x512xf32, #tpu.memory_space<vmem>>
      %dma_wait3A_1123 = tpu.memref_squeeze %dma_wait3A_1122 : memref<1x4x512xf32, #tpu.memory_space<vmem>> -> memref<4x512xf32, #tpu.memory_space<vmem>>
      %dma_wait3A_1124 = arith.constant 0 : i32
      %dma_wait3A_1125 = arith.constant 0 : i32
      %dma_wait3A_1126 = tpu.memref_slice %arg2[%dma_wait3A_1109, %dma_wait3A_1110, %dma_wait3A_1124, %dma_wait3A_1125] : memref<8x19x512x512xf32, #tpu.memory_space<hbm>> -> memref<1x1x4x512xf32, #tpu.memory_space<hbm>>
      %dma_wait3A_1127 = tpu.memref_squeeze %dma_wait3A_1126 : memref<1x1x4x512xf32, #tpu.memory_space<hbm>> -> memref<4x512xf32, #tpu.memory_space<hbm>>
      tpu.wait_dma2 semaphore(%arg10 : memref<!tpu.dma_semaphore, #tpu.memory_space<semaphore_mem>>) src(%dma_wait3A_1127 : memref<4x512xf32, #tpu.memory_space<hbm>>) dst(%dma_wait3A_1123 : memref<4x512xf32, #tpu.memory_space<vmem>>)
      %dma_wait3A_1128 = arith.constant 0 : i32
      %dma_wait3A_1129 = arith.constant 2 : i32
      %dma_wait3A_1130 = arith.constant 2 : i32
      %dma_wait3A_1131 = arith.constant 0 : i32
      %dma_wait3A_1132 = arith.constant 0 : i32
      %dma_wait3A_1133 = tpu.memref_slice %arg7[%dma_wait3A_1130, %dma_wait3A_1131, %dma_wait3A_1132] : memref<19x4x512xf32, #tpu.memory_space<vmem>> -> memref<1x4x512xf32, #tpu.memory_space<vmem>>
      %dma_wait3A_1134 = tpu.memref_squeeze %dma_wait3A_1133 : memref<1x4x512xf32, #tpu.memory_space<vmem>> -> memref<4x512xf32, #tpu.memory_space<vmem>>
      %dma_wait3A_1135 = arith.constant 0 : i32
      %dma_wait3A_1136 = arith.constant 0 : i32
      %dma_wait3A_1137 = tpu.memref_slice %arg2[%dma_wait3A_1128, %dma_wait3A_1129, %dma_wait3A_1135, %dma_wait3A_1136] : memref<8x19x512x512xf32, #tpu.memory_space<hbm>> -> memref<1x1x4x512xf32, #tpu.memory_space<hbm>>
      %dma_wait3A_1138 = tpu.memref_squeeze %dma_wait3A_1137 : memref<1x1x4x512xf32, #tpu.memory_space<hbm>> -> memref<4x512xf32, #tpu.memory_space<hbm>>
      %dma_wait3A_1139 = arith.constant 0 : i32
      %dma_wait3A_1140 = arith.constant 0 : i32
      %dma_wait3A_1141 = tpu.memref_slice %arg7[%dma_wait3A_1130, %dma_wait3A_1139, %dma_wait3A_1140] : memref<19x4x512xf32, #tpu.memory_space<vmem>> -> memref<1x4x512xf32, #tpu.memory_space<vmem>>
      %dma_wait3A_1142 = tpu.memref_squeeze %dma_wait3A_1141 : memref<1x4x512xf32, #tpu.memory_space<vmem>> -> memref<4x512xf32, #tpu.memory_space<vmem>>
      %dma_wait3A_1143 = arith.constant 0 : i32
      %dma_wait3A_1144 = arith.constant 0 : i32
      %dma_wait3A_1145 = tpu.memref_slice %arg2[%dma_wait3A_1128, %dma_wait3A_1129, %dma_wait3A_1143, %dma_wait3A_1144] : memref<8x19x512x512xf32, #tpu.memory_space<hbm>> -> memref<1x1x4x512xf32, #tpu.memory_space<hbm>>
      %dma_wait3A_1146 = tpu.memref_squeeze %dma_wait3A_1145 : memref<1x1x4x512xf32, #tpu.memory_space<hbm>> -> memref<4x512xf32, #tpu.memory_space<hbm>>
      tpu.wait_dma2 semaphore(%arg10 : memref<!tpu.dma_semaphore, #tpu.memory_space<semaphore_mem>>) src(%dma_wait3A_1146 : memref<4x512xf32, #tpu.memory_space<hbm>>) dst(%dma_wait3A_1142 : memref<4x512xf32, #tpu.memory_space<vmem>>)
      %dma_wait3A_1147 = arith.constant 0 : i32
      %dma_wait3A_1148 = arith.constant 3 : i32
      %dma_wait3A_1149 = arith.constant 3 : i32
      %dma_wait3A_1150 = arith.constant 0 : i32
      %dma_wait3A_1151 = arith.constant 0 : i32
      %dma_wait3A_1152 = tpu.memref_slice %arg7[%dma_wait3A_1149, %dma_wait3A_1150, %dma_wait3A_1151] : memref<19x4x512xf32, #tpu.memory_space<vmem>> -> memref<1x4x512xf32, #tpu.memory_space<vmem>>
      %dma_wait3A_1153 = tpu.memref_squeeze %dma_wait3A_1152 : memref<1x4x512xf32, #tpu.memory_space<vmem>> -> memref<4x512xf32, #tpu.memory_space<vmem>>
      %dma_wait3A_1154 = arith.constant 0 : i32
      %dma_wait3A_1155 = arith.constant 0 : i32
      %dma_wait3A_1156 = tpu.memref_slice %arg2[%dma_wait3A_1147, %dma_wait3A_1148, %dma_wait3A_1154, %dma_wait3A_1155] : memref<8x19x512x512xf32, #tpu.memory_space<hbm>> -> memref<1x1x4x512xf32, #tpu.memory_space<hbm>>
      %dma_wait3A_1157 = tpu.memref_squeeze %dma_wait3A_1156 : memref<1x1x4x512xf32, #tpu.memory_space<hbm>> -> memref<4x512xf32, #tpu.memory_space<hbm>>
      %dma_wait3A_1158 = arith.constant 0 : i32
      %dma_wait3A_1159 = arith.constant 0 : i32
      %dma_wait3A_1160 = tpu.memref_slice %arg7[%dma_wait3A_1149, %dma_wait3A_1158, %dma_wait3A_1159] : memref<19x4x512xf32, #tpu.memory_space<vmem>> -> memref<1x4x512xf32, #tpu.memory_space<vmem>>
      %dma_wait3A_1161 = tpu.memref_squeeze %dma_wait3A_1160 : memref<1x4x512xf32, #tpu.memory_space<vmem>> -> memref<4x512xf32, #tpu.memory_space<vmem>>
      %dma_wait3A_1162 = arith.constant 0 : i32
      %dma_wait3A_1163 = arith.constant 0 : i32
      %dma_wait3A_1164 = tpu.memref_slice %arg2[%dma_wait3A_1147, %dma_wait3A_1148, %dma_wait3A_1162, %dma_wait3A_1163] : memref<8x19x512x512xf32, #tpu.memory_space<hbm>> -> memref<1x1x4x512xf32, #tpu.memory_space<hbm>>
      %dma_wait3A_1165 = tpu.memref_squeeze %dma_wait3A_1164 : memref<1x1x4x512xf32, #tpu.memory_space<hbm>> -> memref<4x512xf32, #tpu.memory_space<hbm>>
      tpu.wait_dma2 semaphore(%arg10 : memref<!tpu.dma_semaphore, #tpu.memory_space<semaphore_mem>>) src(%dma_wait3A_1165 : memref<4x512xf32, #tpu.memory_space<hbm>>) dst(%dma_wait3A_1161 : memref<4x512xf32, #tpu.memory_space<vmem>>)
      %dma_wait3A_1166 = arith.constant 0 : i32
      %dma_wait3A_1167 = arith.constant 4 : i32
      %dma_wait3A_1168 = arith.constant 4 : i32
      %dma_wait3A_1169 = arith.constant 0 : i32
      %dma_wait3A_1170 = arith.constant 0 : i32
      %dma_wait3A_1171 = tpu.memref_slice %arg7[%dma_wait3A_1168, %dma_wait3A_1169, %dma_wait3A_1170] : memref<19x4x512xf32, #tpu.memory_space<vmem>> -> memref<1x4x512xf32, #tpu.memory_space<vmem>>
      %dma_wait3A_1172 = tpu.memref_squeeze %dma_wait3A_1171 : memref<1x4x512xf32, #tpu.memory_space<vmem>> -> memref<4x512xf32, #tpu.memory_space<vmem>>
      %dma_wait3A_1173 = arith.constant 0 : i32
      %dma_wait3A_1174 = arith.constant 0 : i32
      %dma_wait3A_1175 = tpu.memref_slice %arg2[%dma_wait3A_1166, %dma_wait3A_1167, %dma_wait3A_1173, %dma_wait3A_1174] : memref<8x19x512x512xf32, #tpu.memory_space<hbm>> -> memref<1x1x4x512xf32, #tpu.memory_space<hbm>>
      %dma_wait3A_1176 = tpu.memref_squeeze %dma_wait3A_1175 : memref<1x1x4x512xf32, #tpu.memory_space<hbm>> -> memref<4x512xf32, #tpu.memory_space<hbm>>
      %dma_wait3A_1177 = arith.constant 0 : i32
      %dma_wait3A_1178 = arith.constant 0 : i32
      %dma_wait3A_1179 = tpu.memref_slice %arg7[%dma_wait3A_1168, %dma_wait3A_1177, %dma_wait3A_1178] : memref<19x4x512xf32, #tpu.memory_space<vmem>> -> memref<1x4x512xf32, #tpu.memory_space<vmem>>
      %dma_wait3A_1180 = tpu.memref_squeeze %dma_wait3A_1179 : memref<1x4x512xf32, #tpu.memory_space<vmem>> -> memref<4x512xf32, #tpu.memory_space<vmem>>
      %dma_wait3A_1181 = arith.constant 0 : i32
      %dma_wait3A_1182 = arith.constant 0 : i32
      %dma_wait3A_1183 = tpu.memref_slice %arg2[%dma_wait3A_1166, %dma_wait3A_1167, %dma_wait3A_1181, %dma_wait3A_1182] : memref<8x19x512x512xf32, #tpu.memory_space<hbm>> -> memref<1x1x4x512xf32, #tpu.memory_space<hbm>>
      %dma_wait3A_1184 = tpu.memref_squeeze %dma_wait3A_1183 : memref<1x1x4x512xf32, #tpu.memory_space<hbm>> -> memref<4x512xf32, #tpu.memory_space<hbm>>
      tpu.wait_dma2 semaphore(%arg10 : memref<!tpu.dma_semaphore, #tpu.memory_space<semaphore_mem>>) src(%dma_wait3A_1184 : memref<4x512xf32, #tpu.memory_space<hbm>>) dst(%dma_wait3A_1180 : memref<4x512xf32, #tpu.memory_space<vmem>>)
      %dma_wait3A_1185 = arith.constant 0 : i32
      %dma_wait3A_1186 = arith.constant 5 : i32
      %dma_wait3A_1187 = arith.constant 5 : i32
      %dma_wait3A_1188 = arith.constant 0 : i32
      %dma_wait3A_1189 = arith.constant 0 : i32
      %dma_wait3A_1190 = tpu.memref_slice %arg7[%dma_wait3A_1187, %dma_wait3A_1188, %dma_wait3A_1189] : memref<19x4x512xf32, #tpu.memory_space<vmem>> -> memref<1x4x512xf32, #tpu.memory_space<vmem>>
      %dma_wait3A_1191 = tpu.memref_squeeze %dma_wait3A_1190 : memref<1x4x512xf32, #tpu.memory_space<vmem>> -> memref<4x512xf32, #tpu.memory_space<vmem>>
      %dma_wait3A_1192 = arith.constant 0 : i32
      %dma_wait3A_1193 = arith.constant 0 : i32
      %dma_wait3A_1194 = tpu.memref_slice %arg2[%dma_wait3A_1185, %dma_wait3A_1186, %dma_wait3A_1192, %dma_wait3A_1193] : memref<8x19x512x512xf32, #tpu.memory_space<hbm>> -> memref<1x1x4x512xf32, #tpu.memory_space<hbm>>
      %dma_wait3A_1195 = tpu.memref_squeeze %dma_wait3A_1194 : memref<1x1x4x512xf32, #tpu.memory_space<hbm>> -> memref<4x512xf32, #tpu.memory_space<hbm>>
      %dma_wait3A_1196 = arith.constant 0 : i32
      %dma_wait3A_1197 = arith.constant 0 : i32
      %dma_wait3A_1198 = tpu.memref_slice %arg7[%dma_wait3A_1187, %dma_wait3A_1196, %dma_wait3A_1197] : memref<19x4x512xf32, #tpu.memory_space<vmem>> -> memref<1x4x512xf32, #tpu.memory_space<vmem>>
      %dma_wait3A_1199 = tpu.memref_squeeze %dma_wait3A_1198 : memref<1x4x512xf32, #tpu.memory_space<vmem>> -> memref<4x512xf32, #tpu.memory_space<vmem>>
      %dma_wait3A_1200 = arith.constant 0 : i32
      %dma_wait3A_1201 = arith.constant 0 : i32
      %dma_wait3A_1202 = tpu.memref_slice %arg2[%dma_wait3A_1185, %dma_wait3A_1186, %dma_wait3A_1200, %dma_wait3A_1201] : memref<8x19x512x512xf32, #tpu.memory_space<hbm>> -> memref<1x1x4x512xf32, #tpu.memory_space<hbm>>
      %dma_wait3A_1203 = tpu.memref_squeeze %dma_wait3A_1202 : memref<1x1x4x512xf32, #tpu.memory_space<hbm>> -> memref<4x512xf32, #tpu.memory_space<hbm>>
      tpu.wait_dma2 semaphore(%arg10 : memref<!tpu.dma_semaphore, #tpu.memory_space<semaphore_mem>>) src(%dma_wait3A_1203 : memref<4x512xf32, #tpu.memory_space<hbm>>) dst(%dma_wait3A_1199 : memref<4x512xf32, #tpu.memory_space<vmem>>)
      %dma_wait3A_1204 = arith.constant 0 : i32
      %dma_wait3A_1205 = arith.constant 6 : i32
      %dma_wait3A_1206 = arith.constant 6 : i32
      %dma_wait3A_1207 = arith.constant 0 : i32
      %dma_wait3A_1208 = arith.constant 0 : i32
      %dma_wait3A_1209 = tpu.memref_slice %arg7[%dma_wait3A_1206, %dma_wait3A_1207, %dma_wait3A_1208] : memref<19x4x512xf32, #tpu.memory_space<vmem>> -> memref<1x4x512xf32, #tpu.memory_space<vmem>>
      %dma_wait3A_1210 = tpu.memref_squeeze %dma_wait3A_1209 : memref<1x4x512xf32, #tpu.memory_space<vmem>> -> memref<4x512xf32, #tpu.memory_space<vmem>>
      %dma_wait3A_1211 = arith.constant 0 : i32
      %dma_wait3A_1212 = arith.constant 0 : i32
      %dma_wait3A_1213 = tpu.memref_slice %arg2[%dma_wait3A_1204, %dma_wait3A_1205, %dma_wait3A_1211, %dma_wait3A_1212] : memref<8x19x512x512xf32, #tpu.memory_space<hbm>> -> memref<1x1x4x512xf32, #tpu.memory_space<hbm>>
      %dma_wait3A_1214 = tpu.memref_squeeze %dma_wait3A_1213 : memref<1x1x4x512xf32, #tpu.memory_space<hbm>> -> memref<4x512xf32, #tpu.memory_space<hbm>>
      %dma_wait3A_1215 = arith.constant 0 : i32
      %dma_wait3A_1216 = arith.constant 0 : i32
      %dma_wait3A_1217 = tpu.memref_slice %arg7[%dma_wait3A_1206, %dma_wait3A_1215, %dma_wait3A_1216] : memref<19x4x512xf32, #tpu.memory_space<vmem>> -> memref<1x4x512xf32, #tpu.memory_space<vmem>>
      %dma_wait3A_1218 = tpu.memref_squeeze %dma_wait3A_1217 : memref<1x4x512xf32, #tpu.memory_space<vmem>> -> memref<4x512xf32, #tpu.memory_space<vmem>>
      %dma_wait3A_1219 = arith.constant 0 : i32
      %dma_wait3A_1220 = arith.constant 0 : i32
      %dma_wait3A_1221 = tpu.memref_slice %arg2[%dma_wait3A_1204, %dma_wait3A_1205, %dma_wait3A_1219, %dma_wait3A_1220] : memref<8x19x512x512xf32, #tpu.memory_space<hbm>> -> memref<1x1x4x512xf32, #tpu.memory_space<hbm>>
      %dma_wait3A_1222 = tpu.memref_squeeze %dma_wait3A_1221 : memref<1x1x4x512xf32, #tpu.memory_space<hbm>> -> memref<4x512xf32, #tpu.memory_space<hbm>>
      tpu.wait_dma2 semaphore(%arg10 : memref<!tpu.dma_semaphore, #tpu.memory_space<semaphore_mem>>) src(%dma_wait3A_1222 : memref<4x512xf32, #tpu.memory_space<hbm>>) dst(%dma_wait3A_1218 : memref<4x512xf32, #tpu.memory_space<vmem>>)
      %dma_wait3A_1223 = arith.constant 0 : i32
      %dma_wait3A_1224 = arith.constant 7 : i32
      %dma_wait3A_1225 = arith.constant 7 : i32
      %dma_wait3A_1226 = arith.constant 0 : i32
      %dma_wait3A_1227 = arith.constant 0 : i32
      %dma_wait3A_1228 = tpu.memref_slice %arg7[%dma_wait3A_1225, %dma_wait3A_1226, %dma_wait3A_1227] : memref<19x4x512xf32, #tpu.memory_space<vmem>> -> memref<1x4x512xf32, #tpu.memory_space<vmem>>
      %dma_wait3A_1229 = tpu.memref_squeeze %dma_wait3A_1228 : memref<1x4x512xf32, #tpu.memory_space<vmem>> -> memref<4x512xf32, #tpu.memory_space<vmem>>
      %dma_wait3A_1230 = arith.constant 0 : i32
      %dma_wait3A_1231 = arith.constant 0 : i32
      %dma_wait3A_1232 = tpu.memref_slice %arg2[%dma_wait3A_1223, %dma_wait3A_1224, %dma_wait3A_1230, %dma_wait3A_1231] : memref<8x19x512x512xf32, #tpu.memory_space<hbm>> -> memref<1x1x4x512xf32, #tpu.memory_space<hbm>>
      %dma_wait3A_1233 = tpu.memref_squeeze %dma_wait3A_1232 : memref<1x1x4x512xf32, #tpu.memory_space<hbm>> -> memref<4x512xf32, #tpu.memory_space<hbm>>
      %dma_wait3A_1234 = arith.constant 0 : i32
      %dma_wait3A_1235 = arith.constant 0 : i32
      %dma_wait3A_1236 = tpu.memref_slice %arg7[%dma_wait3A_1225, %dma_wait3A_1234, %dma_wait3A_1235] : memref<19x4x512xf32, #tpu.memory_space<vmem>> -> memref<1x4x512xf32, #tpu.memory_space<vmem>>
      %dma_wait3A_1237 = tpu.memref_squeeze %dma_wait3A_1236 : memref<1x4x512xf32, #tpu.memory_space<vmem>> -> memref<4x512xf32, #tpu.memory_space<vmem>>
      %dma_wait3A_1238 = arith.constant 0 : i32
      %dma_wait3A_1239 = arith.constant 0 : i32
      %dma_wait3A_1240 = tpu.memref_slice %arg2[%dma_wait3A_1223, %dma_wait3A_1224, %dma_wait3A_1238, %dma_wait3A_1239] : memref<8x19x512x512xf32, #tpu.memory_space<hbm>> -> memref<1x1x4x512xf32, #tpu.memory_space<hbm>>
      %dma_wait3A_1241 = tpu.memref_squeeze %dma_wait3A_1240 : memref<1x1x4x512xf32, #tpu.memory_space<hbm>> -> memref<4x512xf32, #tpu.memory_space<hbm>>
      tpu.wait_dma2 semaphore(%arg10 : memref<!tpu.dma_semaphore, #tpu.memory_space<semaphore_mem>>) src(%dma_wait3A_1241 : memref<4x512xf32, #tpu.memory_space<hbm>>) dst(%dma_wait3A_1237 : memref<4x512xf32, #tpu.memory_space<vmem>>)
      %dma_wait3A_1242 = arith.constant 0 : i32
      %dma_wait3A_1243 = arith.constant 8 : i32
      %dma_wait3A_1244 = arith.constant 8 : i32
      %dma_wait3A_1245 = arith.constant 0 : i32
      %dma_wait3A_1246 = arith.constant 0 : i32
      %dma_wait3A_1247 = tpu.memref_slice %arg7[%dma_wait3A_1244, %dma_wait3A_1245, %dma_wait3A_1246] : memref<19x4x512xf32, #tpu.memory_space<vmem>> -> memref<1x4x512xf32, #tpu.memory_space<vmem>>
      %dma_wait3A_1248 = tpu.memref_squeeze %dma_wait3A_1247 : memref<1x4x512xf32, #tpu.memory_space<vmem>> -> memref<4x512xf32, #tpu.memory_space<vmem>>
      %dma_wait3A_1249 = arith.constant 0 : i32
      %dma_wait3A_1250 = arith.constant 0 : i32
      %dma_wait3A_1251 = tpu.memref_slice %arg2[%dma_wait3A_1242, %dma_wait3A_1243, %dma_wait3A_1249, %dma_wait3A_1250] : memref<8x19x512x512xf32, #tpu.memory_space<hbm>> -> memref<1x1x4x512xf32, #tpu.memory_space<hbm>>
      %dma_wait3A_1252 = tpu.memref_squeeze %dma_wait3A_1251 : memref<1x1x4x512xf32, #tpu.memory_space<hbm>> -> memref<4x512xf32, #tpu.memory_space<hbm>>
      %dma_wait3A_1253 = arith.constant 0 : i32
      %dma_wait3A_1254 = arith.constant 0 : i32
      %dma_wait3A_1255 = tpu.memref_slice %arg7[%dma_wait3A_1244, %dma_wait3A_1253, %dma_wait3A_1254] : memref<19x4x512xf32, #tpu.memory_space<vmem>> -> memref<1x4x512xf32, #tpu.memory_space<vmem>>
      %dma_wait3A_1256 = tpu.memref_squeeze %dma_wait3A_1255 : memref<1x4x512xf32, #tpu.memory_space<vmem>> -> memref<4x512xf32, #tpu.memory_space<vmem>>
      %dma_wait3A_1257 = arith.constant 0 : i32
      %dma_wait3A_1258 = arith.constant 0 : i32
      %dma_wait3A_1259 = tpu.memref_slice %arg2[%dma_wait3A_1242, %dma_wait3A_1243, %dma_wait3A_1257, %dma_wait3A_1258] : memref<8x19x512x512xf32, #tpu.memory_space<hbm>> -> memref<1x1x4x512xf32, #tpu.memory_space<hbm>>
      %dma_wait3A_1260 = tpu.memref_squeeze %dma_wait3A_1259 : memref<1x1x4x512xf32, #tpu.memory_space<hbm>> -> memref<4x512xf32, #tpu.memory_space<hbm>>
      tpu.wait_dma2 semaphore(%arg10 : memref<!tpu.dma_semaphore, #tpu.memory_space<semaphore_mem>>) src(%dma_wait3A_1260 : memref<4x512xf32, #tpu.memory_space<hbm>>) dst(%dma_wait3A_1256 : memref<4x512xf32, #tpu.memory_space<vmem>>)
      %dma_wait3A_1261 = arith.constant 0 : i32
      %dma_wait3A_1262 = arith.constant 9 : i32
      %dma_wait3A_1263 = arith.constant 9 : i32
      %dma_wait3A_1264 = arith.constant 0 : i32
      %dma_wait3A_1265 = arith.constant 0 : i32
      %dma_wait3A_1266 = tpu.memref_slice %arg7[%dma_wait3A_1263, %dma_wait3A_1264, %dma_wait3A_1265] : memref<19x4x512xf32, #tpu.memory_space<vmem>> -> memref<1x4x512xf32, #tpu.memory_space<vmem>>
      %dma_wait3A_1267 = tpu.memref_squeeze %dma_wait3A_1266 : memref<1x4x512xf32, #tpu.memory_space<vmem>> -> memref<4x512xf32, #tpu.memory_space<vmem>>
      %dma_wait3A_1268 = arith.constant 0 : i32
      %dma_wait3A_1269 = arith.constant 0 : i32
      %dma_wait3A_1270 = tpu.memref_slice %arg2[%dma_wait3A_1261, %dma_wait3A_1262, %dma_wait3A_1268, %dma_wait3A_1269] : memref<8x19x512x512xf32, #tpu.memory_space<hbm>> -> memref<1x1x4x512xf32, #tpu.memory_space<hbm>>
      %dma_wait3A_1271 = tpu.memref_squeeze %dma_wait3A_1270 : memref<1x1x4x512xf32, #tpu.memory_space<hbm>> -> memref<4x512xf32, #tpu.memory_space<hbm>>
      %dma_wait3A_1272 = arith.constant 0 : i32
      %dma_wait3A_1273 = arith.constant 0 : i32
      %dma_wait3A_1274 = tpu.memref_slice %arg7[%dma_wait3A_1263, %dma_wait3A_1272, %dma_wait3A_1273] : memref<19x4x512xf32, #tpu.memory_space<vmem>> -> memref<1x4x512xf32, #tpu.memory_space<vmem>>
      %dma_wait3A_1275 = tpu.memref_squeeze %dma_wait3A_1274 : memref<1x4x512xf32, #tpu.memory_space<vmem>> -> memref<4x512xf32, #tpu.memory_space<vmem>>
      %dma_wait3A_1276 = arith.constant 0 : i32
      %dma_wait3A_1277 = arith.constant 0 : i32
      %dma_wait3A_1278 = tpu.memref_slice %arg2[%dma_wait3A_1261, %dma_wait3A_1262, %dma_wait3A_1276, %dma_wait3A_1277] : memref<8x19x512x512xf32, #tpu.memory_space<hbm>> -> memref<1x1x4x512xf32, #tpu.memory_space<hbm>>
      %dma_wait3A_1279 = tpu.memref_squeeze %dma_wait3A_1278 : memref<1x1x4x512xf32, #tpu.memory_space<hbm>> -> memref<4x512xf32, #tpu.memory_space<hbm>>
      tpu.wait_dma2 semaphore(%arg10 : memref<!tpu.dma_semaphore, #tpu.memory_space<semaphore_mem>>) src(%dma_wait3A_1279 : memref<4x512xf32, #tpu.memory_space<hbm>>) dst(%dma_wait3A_1275 : memref<4x512xf32, #tpu.memory_space<vmem>>)
      %dma_wait3A_1280 = arith.constant 0 : i32
      %dma_wait3A_1281 = arith.constant 10 : i32
      %dma_wait3A_1282 = arith.constant 10 : i32
      %dma_wait3A_1283 = arith.constant 0 : i32
      %dma_wait3A_1284 = arith.constant 0 : i32
      %dma_wait3A_1285 = tpu.memref_slice %arg7[%dma_wait3A_1282, %dma_wait3A_1283, %dma_wait3A_1284] : memref<19x4x512xf32, #tpu.memory_space<vmem>> -> memref<1x4x512xf32, #tpu.memory_space<vmem>>
      %dma_wait3A_1286 = tpu.memref_squeeze %dma_wait3A_1285 : memref<1x4x512xf32, #tpu.memory_space<vmem>> -> memref<4x512xf32, #tpu.memory_space<vmem>>
      %dma_wait3A_1287 = arith.constant 0 : i32
      %dma_wait3A_1288 = arith.constant 0 : i32
      %dma_wait3A_1289 = tpu.memref_slice %arg2[%dma_wait3A_1280, %dma_wait3A_1281, %dma_wait3A_1287, %dma_wait3A_1288] : memref<8x19x512x512xf32, #tpu.memory_space<hbm>> -> memref<1x1x4x512xf32, #tpu.memory_space<hbm>>
      %dma_wait3A_1290 = tpu.memref_squeeze %dma_wait3A_1289 : memref<1x1x4x512xf32, #tpu.memory_space<hbm>> -> memref<4x512xf32, #tpu.memory_space<hbm>>
      %dma_wait3A_1291 = arith.constant 0 : i32
      %dma_wait3A_1292 = arith.constant 0 : i32
      %dma_wait3A_1293 = tpu.memref_slice %arg7[%dma_wait3A_1282, %dma_wait3A_1291, %dma_wait3A_1292] : memref<19x4x512xf32, #tpu.memory_space<vmem>> -> memref<1x4x512xf32, #tpu.memory_space<vmem>>
      %dma_wait3A_1294 = tpu.memref_squeeze %dma_wait3A_1293 : memref<1x4x512xf32, #tpu.memory_space<vmem>> -> memref<4x512xf32, #tpu.memory_space<vmem>>
      %dma_wait3A_1295 = arith.constant 0 : i32
      %dma_wait3A_1296 = arith.constant 0 : i32
      %dma_wait3A_1297 = tpu.memref_slice %arg2[%dma_wait3A_1280, %dma_wait3A_1281, %dma_wait3A_1295, %dma_wait3A_1296] : memref<8x19x512x512xf32, #tpu.memory_space<hbm>> -> memref<1x1x4x512xf32, #tpu.memory_space<hbm>>
      %dma_wait3A_1298 = tpu.memref_squeeze %dma_wait3A_1297 : memref<1x1x4x512xf32, #tpu.memory_space<hbm>> -> memref<4x512xf32, #tpu.memory_space<hbm>>
      tpu.wait_dma2 semaphore(%arg10 : memref<!tpu.dma_semaphore, #tpu.memory_space<semaphore_mem>>) src(%dma_wait3A_1298 : memref<4x512xf32, #tpu.memory_space<hbm>>) dst(%dma_wait3A_1294 : memref<4x512xf32, #tpu.memory_space<vmem>>)
      %dma_wait3A_1299 = arith.constant 0 : i32
      %dma_wait3A_1300 = arith.constant 11 : i32
      %dma_wait3A_1301 = arith.constant 11 : i32
      %dma_wait3A_1302 = arith.constant 0 : i32
      %dma_wait3A_1303 = arith.constant 0 : i32
      %dma_wait3A_1304 = tpu.memref_slice %arg7[%dma_wait3A_1301, %dma_wait3A_1302, %dma_wait3A_1303] : memref<19x4x512xf32, #tpu.memory_space<vmem>> -> memref<1x4x512xf32, #tpu.memory_space<vmem>>
      %dma_wait3A_1305 = tpu.memref_squeeze %dma_wait3A_1304 : memref<1x4x512xf32, #tpu.memory_space<vmem>> -> memref<4x512xf32, #tpu.memory_space<vmem>>
      %dma_wait3A_1306 = arith.constant 0 : i32
      %dma_wait3A_1307 = arith.constant 0 : i32
      %dma_wait3A_1308 = tpu.memref_slice %arg2[%dma_wait3A_1299, %dma_wait3A_1300, %dma_wait3A_1306, %dma_wait3A_1307] : memref<8x19x512x512xf32, #tpu.memory_space<hbm>> -> memref<1x1x4x512xf32, #tpu.memory_space<hbm>>
      %dma_wait3A_1309 = tpu.memref_squeeze %dma_wait3A_1308 : memref<1x1x4x512xf32, #tpu.memory_space<hbm>> -> memref<4x512xf32, #tpu.memory_space<hbm>>
      %dma_wait3A_1310 = arith.constant 0 : i32
      %dma_wait3A_1311 = arith.constant 0 : i32
      %dma_wait3A_1312 = tpu.memref_slice %arg7[%dma_wait3A_1301, %dma_wait3A_1310, %dma_wait3A_1311] : memref<19x4x512xf32, #tpu.memory_space<vmem>> -> memref<1x4x512xf32, #tpu.memory_space<vmem>>
      %dma_wait3A_1313 = tpu.memref_squeeze %dma_wait3A_1312 : memref<1x4x512xf32, #tpu.memory_space<vmem>> -> memref<4x512xf32, #tpu.memory_space<vmem>>
      %dma_wait3A_1314 = arith.constant 0 : i32
      %dma_wait3A_1315 = arith.constant 0 : i32
      %dma_wait3A_1316 = tpu.memref_slice %arg2[%dma_wait3A_1299, %dma_wait3A_1300, %dma_wait3A_1314, %dma_wait3A_1315] : memref<8x19x512x512xf32, #tpu.memory_space<hbm>> -> memref<1x1x4x512xf32, #tpu.memory_space<hbm>>
      %dma_wait3A_1317 = tpu.memref_squeeze %dma_wait3A_1316 : memref<1x1x4x512xf32, #tpu.memory_space<hbm>> -> memref<4x512xf32, #tpu.memory_space<hbm>>
      tpu.wait_dma2 semaphore(%arg10 : memref<!tpu.dma_semaphore, #tpu.memory_space<semaphore_mem>>) src(%dma_wait3A_1317 : memref<4x512xf32, #tpu.memory_space<hbm>>) dst(%dma_wait3A_1313 : memref<4x512xf32, #tpu.memory_space<vmem>>)
      %dma_wait3A_1318 = arith.constant 0 : i32
      %dma_wait3A_1319 = arith.constant 12 : i32
      %dma_wait3A_1320 = arith.constant 12 : i32
      %dma_wait3A_1321 = arith.constant 0 : i32
      %dma_wait3A_1322 = arith.constant 0 : i32
      %dma_wait3A_1323 = tpu.memref_slice %arg7[%dma_wait3A_1320, %dma_wait3A_1321, %dma_wait3A_1322] : memref<19x4x512xf32, #tpu.memory_space<vmem>> -> memref<1x4x512xf32, #tpu.memory_space<vmem>>
      %dma_wait3A_1324 = tpu.memref_squeeze %dma_wait3A_1323 : memref<1x4x512xf32, #tpu.memory_space<vmem>> -> memref<4x512xf32, #tpu.memory_space<vmem>>
      %dma_wait3A_1325 = arith.constant 0 : i32
      %dma_wait3A_1326 = arith.constant 0 : i32
      %dma_wait3A_1327 = tpu.memref_slice %arg2[%dma_wait3A_1318, %dma_wait3A_1319, %dma_wait3A_1325, %dma_wait3A_1326] : memref<8x19x512x512xf32, #tpu.memory_space<hbm>> -> memref<1x1x4x512xf32, #tpu.memory_space<hbm>>
      %dma_wait3A_1328 = tpu.memref_squeeze %dma_wait3A_1327 : memref<1x1x4x512xf32, #tpu.memory_space<hbm>> -> memref<4x512xf32, #tpu.memory_space<hbm>>
      %dma_wait3A_1329 = arith.constant 0 : i32
      %dma_wait3A_1330 = arith.constant 0 : i32
      %dma_wait3A_1331 = tpu.memref_slice %arg7[%dma_wait3A_1320, %dma_wait3A_1329, %dma_wait3A_1330] : memref<19x4x512xf32, #tpu.memory_space<vmem>> -> memref<1x4x512xf32, #tpu.memory_space<vmem>>
      %dma_wait3A_1332 = tpu.memref_squeeze %dma_wait3A_1331 : memref<1x4x512xf32, #tpu.memory_space<vmem>> -> memref<4x512xf32, #tpu.memory_space<vmem>>
      %dma_wait3A_1333 = arith.constant 0 : i32
      %dma_wait3A_1334 = arith.constant 0 : i32
      %dma_wait3A_1335 = tpu.memref_slice %arg2[%dma_wait3A_1318, %dma_wait3A_1319, %dma_wait3A_1333, %dma_wait3A_1334] : memref<8x19x512x512xf32, #tpu.memory_space<hbm>> -> memref<1x1x4x512xf32, #tpu.memory_space<hbm>>
      %dma_wait3A_1336 = tpu.memref_squeeze %dma_wait3A_1335 : memref<1x1x4x512xf32, #tpu.memory_space<hbm>> -> memref<4x512xf32, #tpu.memory_space<hbm>>
      tpu.wait_dma2 semaphore(%arg10 : memref<!tpu.dma_semaphore, #tpu.memory_space<semaphore_mem>>) src(%dma_wait3A_1336 : memref<4x512xf32, #tpu.memory_space<hbm>>) dst(%dma_wait3A_1332 : memref<4x512xf32, #tpu.memory_space<vmem>>)
      %dma_wait3A_1337 = arith.constant 0 : i32
      %dma_wait3A_1338 = arith.constant 13 : i32
      %dma_wait3A_1339 = arith.constant 13 : i32
      %dma_wait3A_1340 = arith.constant 0 : i32
      %dma_wait3A_1341 = arith.constant 0 : i32
      %dma_wait3A_1342 = tpu.memref_slice %arg7[%dma_wait3A_1339, %dma_wait3A_1340, %dma_wait3A_1341] : memref<19x4x512xf32, #tpu.memory_space<vmem>> -> memref<1x4x512xf32, #tpu.memory_space<vmem>>
      %dma_wait3A_1343 = tpu.memref_squeeze %dma_wait3A_1342 : memref<1x4x512xf32, #tpu.memory_space<vmem>> -> memref<4x512xf32, #tpu.memory_space<vmem>>
      %dma_wait3A_1344 = arith.constant 0 : i32
      %dma_wait3A_1345 = arith.constant 0 : i32
      %dma_wait3A_1346 = tpu.memref_slice %arg2[%dma_wait3A_1337, %dma_wait3A_1338, %dma_wait3A_1344, %dma_wait3A_1345] : memref<8x19x512x512xf32, #tpu.memory_space<hbm>> -> memref<1x1x4x512xf32, #tpu.memory_space<hbm>>
      %dma_wait3A_1347 = tpu.memref_squeeze %dma_wait3A_1346 : memref<1x1x4x512xf32, #tpu.memory_space<hbm>> -> memref<4x512xf32, #tpu.memory_space<hbm>>
      %dma_wait3A_1348 = arith.constant 0 : i32
      %dma_wait3A_1349 = arith.constant 0 : i32
      %dma_wait3A_1350 = tpu.memref_slice %arg7[%dma_wait3A_1339, %dma_wait3A_1348, %dma_wait3A_1349] : memref<19x4x512xf32, #tpu.memory_space<vmem>> -> memref<1x4x512xf32, #tpu.memory_space<vmem>>
      %dma_wait3A_1351 = tpu.memref_squeeze %dma_wait3A_1350 : memref<1x4x512xf32, #tpu.memory_space<vmem>> -> memref<4x512xf32, #tpu.memory_space<vmem>>
      %dma_wait3A_1352 = arith.constant 0 : i32
      %dma_wait3A_1353 = arith.constant 0 : i32
      %dma_wait3A_1354 = tpu.memref_slice %arg2[%dma_wait3A_1337, %dma_wait3A_1338, %dma_wait3A_1352, %dma_wait3A_1353] : memref<8x19x512x512xf32, #tpu.memory_space<hbm>> -> memref<1x1x4x512xf32, #tpu.memory_space<hbm>>
      %dma_wait3A_1355 = tpu.memref_squeeze %dma_wait3A_1354 : memref<1x1x4x512xf32, #tpu.memory_space<hbm>> -> memref<4x512xf32, #tpu.memory_space<hbm>>
      tpu.wait_dma2 semaphore(%arg10 : memref<!tpu.dma_semaphore, #tpu.memory_space<semaphore_mem>>) src(%dma_wait3A_1355 : memref<4x512xf32, #tpu.memory_space<hbm>>) dst(%dma_wait3A_1351 : memref<4x512xf32, #tpu.memory_space<vmem>>)
      %dma_wait3A_1356 = arith.constant 0 : i32
      %dma_wait3A_1357 = arith.constant 14 : i32
      %dma_wait3A_1358 = arith.constant 14 : i32
      %dma_wait3A_1359 = arith.constant 0 : i32
      %dma_wait3A_1360 = arith.constant 0 : i32
      %dma_wait3A_1361 = tpu.memref_slice %arg7[%dma_wait3A_1358, %dma_wait3A_1359, %dma_wait3A_1360] : memref<19x4x512xf32, #tpu.memory_space<vmem>> -> memref<1x4x512xf32, #tpu.memory_space<vmem>>
      %dma_wait3A_1362 = tpu.memref_squeeze %dma_wait3A_1361 : memref<1x4x512xf32, #tpu.memory_space<vmem>> -> memref<4x512xf32, #tpu.memory_space<vmem>>
      %dma_wait3A_1363 = arith.constant 0 : i32
      %dma_wait3A_1364 = arith.constant 0 : i32
      %dma_wait3A_1365 = tpu.memref_slice %arg2[%dma_wait3A_1356, %dma_wait3A_1357, %dma_wait3A_1363, %dma_wait3A_1364] : memref<8x19x512x512xf32, #tpu.memory_space<hbm>> -> memref<1x1x4x512xf32, #tpu.memory_space<hbm>>
      %dma_wait3A_1366 = tpu.memref_squeeze %dma_wait3A_1365 : memref<1x1x4x512xf32, #tpu.memory_space<hbm>> -> memref<4x512xf32, #tpu.memory_space<hbm>>
      %dma_wait3A_1367 = arith.constant 0 : i32
      %dma_wait3A_1368 = arith.constant 0 : i32
      %dma_wait3A_1369 = tpu.memref_slice %arg7[%dma_wait3A_1358, %dma_wait3A_1367, %dma_wait3A_1368] : memref<19x4x512xf32, #tpu.memory_space<vmem>> -> memref<1x4x512xf32, #tpu.memory_space<vmem>>
      %dma_wait3A_1370 = tpu.memref_squeeze %dma_wait3A_1369 : memref<1x4x512xf32, #tpu.memory_space<vmem>> -> memref<4x512xf32, #tpu.memory_space<vmem>>
      %dma_wait3A_1371 = arith.constant 0 : i32
      %dma_wait3A_1372 = arith.constant 0 : i32
      %dma_wait3A_1373 = tpu.memref_slice %arg2[%dma_wait3A_1356, %dma_wait3A_1357, %dma_wait3A_1371, %dma_wait3A_1372] : memref<8x19x512x512xf32, #tpu.memory_space<hbm>> -> memref<1x1x4x512xf32, #tpu.memory_space<hbm>>
      %dma_wait3A_1374 = tpu.memref_squeeze %dma_wait3A_1373 : memref<1x1x4x512xf32, #tpu.memory_space<hbm>> -> memref<4x512xf32, #tpu.memory_space<hbm>>
      tpu.wait_dma2 semaphore(%arg10 : memref<!tpu.dma_semaphore, #tpu.memory_space<semaphore_mem>>) src(%dma_wait3A_1374 : memref<4x512xf32, #tpu.memory_space<hbm>>) dst(%dma_wait3A_1370 : memref<4x512xf32, #tpu.memory_space<vmem>>)
      %dma_wait3A_1375 = arith.constant 0 : i32
      %dma_wait3A_1376 = arith.constant 15 : i32
      %dma_wait3A_1377 = arith.constant 15 : i32
      %dma_wait3A_1378 = arith.constant 0 : i32
      %dma_wait3A_1379 = arith.constant 0 : i32
      %dma_wait3A_1380 = tpu.memref_slice %arg7[%dma_wait3A_1377, %dma_wait3A_1378, %dma_wait3A_1379] : memref<19x4x512xf32, #tpu.memory_space<vmem>> -> memref<1x4x512xf32, #tpu.memory_space<vmem>>
      %dma_wait3A_1381 = tpu.memref_squeeze %dma_wait3A_1380 : memref<1x4x512xf32, #tpu.memory_space<vmem>> -> memref<4x512xf32, #tpu.memory_space<vmem>>
      %dma_wait3A_1382 = arith.constant 0 : i32
      %dma_wait3A_1383 = arith.constant 0 : i32
      %dma_wait3A_1384 = tpu.memref_slice %arg2[%dma_wait3A_1375, %dma_wait3A_1376, %dma_wait3A_1382, %dma_wait3A_1383] : memref<8x19x512x512xf32, #tpu.memory_space<hbm>> -> memref<1x1x4x512xf32, #tpu.memory_space<hbm>>
      %dma_wait3A_1385 = tpu.memref_squeeze %dma_wait3A_1384 : memref<1x1x4x512xf32, #tpu.memory_space<hbm>> -> memref<4x512xf32, #tpu.memory_space<hbm>>
      %dma_wait3A_1386 = arith.constant 0 : i32
      %dma_wait3A_1387 = arith.constant 0 : i32
      %dma_wait3A_1388 = tpu.memref_slice %arg7[%dma_wait3A_1377, %dma_wait3A_1386, %dma_wait3A_1387] : memref<19x4x512xf32, #tpu.memory_space<vmem>> -> memref<1x4x512xf32, #tpu.memory_space<vmem>>
      %dma_wait3A_1389 = tpu.memref_squeeze %dma_wait3A_1388 : memref<1x4x512xf32, #tpu.memory_space<vmem>> -> memref<4x512xf32, #tpu.memory_space<vmem>>
      %dma_wait3A_1390 = arith.constant 0 : i32
      %dma_wait3A_1391 = arith.constant 0 : i32
      %dma_wait3A_1392 = tpu.memref_slice %arg2[%dma_wait3A_1375, %dma_wait3A_1376, %dma_wait3A_1390, %dma_wait3A_1391] : memref<8x19x512x512xf32, #tpu.memory_space<hbm>> -> memref<1x1x4x512xf32, #tpu.memory_space<hbm>>
      %dma_wait3A_1393 = tpu.memref_squeeze %dma_wait3A_1392 : memref<1x1x4x512xf32, #tpu.memory_space<hbm>> -> memref<4x512xf32, #tpu.memory_space<hbm>>
      tpu.wait_dma2 semaphore(%arg10 : memref<!tpu.dma_semaphore, #tpu.memory_space<semaphore_mem>>) src(%dma_wait3A_1393 : memref<4x512xf32, #tpu.memory_space<hbm>>) dst(%dma_wait3A_1389 : memref<4x512xf32, #tpu.memory_space<vmem>>)
      %dma_wait3A_1394 = arith.constant 0 : i32
      %dma_wait3A_1395 = arith.constant 16 : i32
      %dma_wait3A_1396 = arith.constant 16 : i32
      %dma_wait3A_1397 = arith.constant 0 : i32
      %dma_wait3A_1398 = arith.constant 0 : i32
      %dma_wait3A_1399 = tpu.memref_slice %arg7[%dma_wait3A_1396, %dma_wait3A_1397, %dma_wait3A_1398] : memref<19x4x512xf32, #tpu.memory_space<vmem>> -> memref<1x4x512xf32, #tpu.memory_space<vmem>>
      %dma_wait3A_1400 = tpu.memref_squeeze %dma_wait3A_1399 : memref<1x4x512xf32, #tpu.memory_space<vmem>> -> memref<4x512xf32, #tpu.memory_space<vmem>>
      %dma_wait3A_1401 = arith.constant 0 : i32
      %dma_wait3A_1402 = arith.constant 0 : i32
      %dma_wait3A_1403 = tpu.memref_slice %arg2[%dma_wait3A_1394, %dma_wait3A_1395, %dma_wait3A_1401, %dma_wait3A_1402] : memref<8x19x512x512xf32, #tpu.memory_space<hbm>> -> memref<1x1x4x512xf32, #tpu.memory_space<hbm>>
      %dma_wait3A_1404 = tpu.memref_squeeze %dma_wait3A_1403 : memref<1x1x4x512xf32, #tpu.memory_space<hbm>> -> memref<4x512xf32, #tpu.memory_space<hbm>>
      %dma_wait3A_1405 = arith.constant 0 : i32
      %dma_wait3A_1406 = arith.constant 0 : i32
      %dma_wait3A_1407 = tpu.memref_slice %arg7[%dma_wait3A_1396, %dma_wait3A_1405, %dma_wait3A_1406] : memref<19x4x512xf32, #tpu.memory_space<vmem>> -> memref<1x4x512xf32, #tpu.memory_space<vmem>>
      %dma_wait3A_1408 = tpu.memref_squeeze %dma_wait3A_1407 : memref<1x4x512xf32, #tpu.memory_space<vmem>> -> memref<4x512xf32, #tpu.memory_space<vmem>>
      %dma_wait3A_1409 = arith.constant 0 : i32
      %dma_wait3A_1410 = arith.constant 0 : i32
      %dma_wait3A_1411 = tpu.memref_slice %arg2[%dma_wait3A_1394, %dma_wait3A_1395, %dma_wait3A_1409, %dma_wait3A_1410] : memref<8x19x512x512xf32, #tpu.memory_space<hbm>> -> memref<1x1x4x512xf32, #tpu.memory_space<hbm>>
      %dma_wait3A_1412 = tpu.memref_squeeze %dma_wait3A_1411 : memref<1x1x4x512xf32, #tpu.memory_space<hbm>> -> memref<4x512xf32, #tpu.memory_space<hbm>>
      tpu.wait_dma2 semaphore(%arg10 : memref<!tpu.dma_semaphore, #tpu.memory_space<semaphore_mem>>) src(%dma_wait3A_1412 : memref<4x512xf32, #tpu.memory_space<hbm>>) dst(%dma_wait3A_1408 : memref<4x512xf32, #tpu.memory_space<vmem>>)
      %dma_wait3A_1413 = arith.constant 0 : i32
      %dma_wait3A_1414 = arith.constant 17 : i32
      %dma_wait3A_1415 = arith.constant 17 : i32
      %dma_wait3A_1416 = arith.constant 0 : i32
      %dma_wait3A_1417 = arith.constant 0 : i32
      %dma_wait3A_1418 = tpu.memref_slice %arg7[%dma_wait3A_1415, %dma_wait3A_1416, %dma_wait3A_1417] : memref<19x4x512xf32, #tpu.memory_space<vmem>> -> memref<1x4x512xf32, #tpu.memory_space<vmem>>
      %dma_wait3A_1419 = tpu.memref_squeeze %dma_wait3A_1418 : memref<1x4x512xf32, #tpu.memory_space<vmem>> -> memref<4x512xf32, #tpu.memory_space<vmem>>
      %dma_wait3A_1420 = arith.constant 0 : i32
      %dma_wait3A_1421 = arith.constant 0 : i32
      %dma_wait3A_1422 = tpu.memref_slice %arg2[%dma_wait3A_1413, %dma_wait3A_1414, %dma_wait3A_1420, %dma_wait3A_1421] : memref<8x19x512x512xf32, #tpu.memory_space<hbm>> -> memref<1x1x4x512xf32, #tpu.memory_space<hbm>>
      %dma_wait3A_1423 = tpu.memref_squeeze %dma_wait3A_1422 : memref<1x1x4x512xf32, #tpu.memory_space<hbm>> -> memref<4x512xf32, #tpu.memory_space<hbm>>
      %dma_wait3A_1424 = arith.constant 0 : i32
      %dma_wait3A_1425 = arith.constant 0 : i32
      %dma_wait3A_1426 = tpu.memref_slice %arg7[%dma_wait3A_1415, %dma_wait3A_1424, %dma_wait3A_1425] : memref<19x4x512xf32, #tpu.memory_space<vmem>> -> memref<1x4x512xf32, #tpu.memory_space<vmem>>
      %dma_wait3A_1427 = tpu.memref_squeeze %dma_wait3A_1426 : memref<1x4x512xf32, #tpu.memory_space<vmem>> -> memref<4x512xf32, #tpu.memory_space<vmem>>
      %dma_wait3A_1428 = arith.constant 0 : i32
      %dma_wait3A_1429 = arith.constant 0 : i32
      %dma_wait3A_1430 = tpu.memref_slice %arg2[%dma_wait3A_1413, %dma_wait3A_1414, %dma_wait3A_1428, %dma_wait3A_1429] : memref<8x19x512x512xf32, #tpu.memory_space<hbm>> -> memref<1x1x4x512xf32, #tpu.memory_space<hbm>>
      %dma_wait3A_1431 = tpu.memref_squeeze %dma_wait3A_1430 : memref<1x1x4x512xf32, #tpu.memory_space<hbm>> -> memref<4x512xf32, #tpu.memory_space<hbm>>
      tpu.wait_dma2 semaphore(%arg10 : memref<!tpu.dma_semaphore, #tpu.memory_space<semaphore_mem>>) src(%dma_wait3A_1431 : memref<4x512xf32, #tpu.memory_space<hbm>>) dst(%dma_wait3A_1427 : memref<4x512xf32, #tpu.memory_space<vmem>>)
      %dma_wait3A_1432 = arith.constant 0 : i32
      %dma_wait3A_1433 = arith.constant 18 : i32
      %dma_wait3A_1434 = arith.constant 18 : i32
      %dma_wait3A_1435 = arith.constant 0 : i32
      %dma_wait3A_1436 = arith.constant 0 : i32
      %dma_wait3A_1437 = tpu.memref_slice %arg7[%dma_wait3A_1434, %dma_wait3A_1435, %dma_wait3A_1436] : memref<19x4x512xf32, #tpu.memory_space<vmem>> -> memref<1x4x512xf32, #tpu.memory_space<vmem>>
      %dma_wait3A_1438 = tpu.memref_squeeze %dma_wait3A_1437 : memref<1x4x512xf32, #tpu.memory_space<vmem>> -> memref<4x512xf32, #tpu.memory_space<vmem>>
      %dma_wait3A_1439 = arith.constant 0 : i32
      %dma_wait3A_1440 = arith.constant 0 : i32
      %dma_wait3A_1441 = tpu.memref_slice %arg2[%dma_wait3A_1432, %dma_wait3A_1433, %dma_wait3A_1439, %dma_wait3A_1440] : memref<8x19x512x512xf32, #tpu.memory_space<hbm>> -> memref<1x1x4x512xf32, #tpu.memory_space<hbm>>
      %dma_wait3A_1442 = tpu.memref_squeeze %dma_wait3A_1441 : memref<1x1x4x512xf32, #tpu.memory_space<hbm>> -> memref<4x512xf32, #tpu.memory_space<hbm>>
      %dma_wait3A_1443 = arith.constant 0 : i32
      %dma_wait3A_1444 = arith.constant 0 : i32
      %dma_wait3A_1445 = tpu.memref_slice %arg7[%dma_wait3A_1434, %dma_wait3A_1443, %dma_wait3A_1444] : memref<19x4x512xf32, #tpu.memory_space<vmem>> -> memref<1x4x512xf32, #tpu.memory_space<vmem>>
      %dma_wait3A_1446 = tpu.memref_squeeze %dma_wait3A_1445 : memref<1x4x512xf32, #tpu.memory_space<vmem>> -> memref<4x512xf32, #tpu.memory_space<vmem>>
      %dma_wait3A_1447 = arith.constant 0 : i32
      %dma_wait3A_1448 = arith.constant 0 : i32
      %dma_wait3A_1449 = tpu.memref_slice %arg2[%dma_wait3A_1432, %dma_wait3A_1433, %dma_wait3A_1447, %dma_wait3A_1448] : memref<8x19x512x512xf32, #tpu.memory_space<hbm>> -> memref<1x1x4x512xf32, #tpu.memory_space<hbm>>
      %dma_wait3A_1450 = tpu.memref_squeeze %dma_wait3A_1449 : memref<1x1x4x512xf32, #tpu.memory_space<hbm>> -> memref<4x512xf32, #tpu.memory_space<hbm>>
      tpu.wait_dma2 semaphore(%arg10 : memref<!tpu.dma_semaphore, #tpu.memory_space<semaphore_mem>>) src(%dma_wait3A_1450 : memref<4x512xf32, #tpu.memory_space<hbm>>) dst(%dma_wait3A_1446 : memref<4x512xf32, #tpu.memory_space<vmem>>)
      %dma_wait3A_1451 = arith.constant 0 : i32
      %dma_wait3A_1452 = arith.constant 0 : i32
      %dma_wait3A_1453 = arith.constant 0 : i32
      %dma_wait3A_1454 = tpu.memref_slice %arg3[%dma_wait3A_1451, %dma_wait3A_1452, %dma_wait3A_1453] : memref<8x512x512xi32, #tpu.memory_space<hbm>> -> memref<1x4x512xi32, #tpu.memory_space<hbm>>
      %dma_wait3A_1455 = tpu.memref_squeeze %dma_wait3A_1454 : memref<1x4x512xi32, #tpu.memory_space<hbm>> -> memref<4x512xi32, #tpu.memory_space<hbm>>
      %dma_wait3A_1456 = arith.constant 0 : i32
      %dma_wait3A_1457 = arith.constant 0 : i32
      %dma_wait3A_1458 = tpu.memref_slice %arg3[%dma_wait3A_1451, %dma_wait3A_1456, %dma_wait3A_1457] : memref<8x512x512xi32, #tpu.memory_space<hbm>> -> memref<1x4x512xi32, #tpu.memory_space<hbm>>
      %dma_wait3A_1459 = tpu.memref_squeeze %dma_wait3A_1458 : memref<1x4x512xi32, #tpu.memory_space<hbm>> -> memref<4x512xi32, #tpu.memory_space<hbm>>
      tpu.wait_dma2 semaphore(%arg10 : memref<!tpu.dma_semaphore, #tpu.memory_space<semaphore_mem>>) src(%dma_wait3A_1459 : memref<4x512xi32, #tpu.memory_space<hbm>>) dst(%arg8 : memref<4x512xi32, #tpu.memory_space<vmem>>)
      %iota3A_1460 = tpu.iota {dimensions = array<i32: 0>} : vector<16xi32>
      %parallel_loop3A_1461 = arith.constant 0 : i32
      %parallel_loop3A_1462 = arith.constant 128 : i32
      %parallel_loop3A_1463 = arith.constant 1 : i32
      scf.for %parallel_loop3A_1464 = %parallel_loop3A_1461 to %parallel_loop3A_1462 step %parallel_loop3A_1463  : i32 {
        %parallel_loop3A_1465 = arith.constant 32 : i32
        %parallel_loop3A_1466 = arith.divsi %parallel_loop3A_1464, %parallel_loop3A_1465 : i32
        %parallel_loop3A_1467 = arith.constant 0 : i32
        %parallel_loop3A_1468 = arith.cmpi sgt, %parallel_loop3A_1464, %parallel_loop3A_1467 : i32
        %parallel_loop3A_1469 = arith.extui %parallel_loop3A_1468 : i1 to i32
        %parallel_loop3A_1470 = arith.constant 0 : i32
        %parallel_loop3A_1471 = arith.cmpi slt, %parallel_loop3A_1464, %parallel_loop3A_1470 : i32
        %parallel_loop3A_1472 = arith.extui %parallel_loop3A_1471 : i1 to i32
        %parallel_loop3A_1473 = arith.subi %parallel_loop3A_1469, %parallel_loop3A_1472 : i32
        %parallel_loop3A_1474 = arith.constant 0 : i32
        %parallel_loop3A_1475 = arith.cmpi sgt, %parallel_loop3A_1465, %parallel_loop3A_1474 : i32
        %parallel_loop3A_1476 = arith.extui %parallel_loop3A_1475 : i1 to i32
        %parallel_loop3A_1477 = arith.constant 0 : i32
        %parallel_loop3A_1478 = arith.cmpi slt, %parallel_loop3A_1465, %parallel_loop3A_1477 : i32
        %parallel_loop3A_1479 = arith.extui %parallel_loop3A_1478 : i1 to i32
        %parallel_loop3A_1480 = arith.subi %parallel_loop3A_1476, %parallel_loop3A_1479 : i32
        %parallel_loop3A_1481 = arith.cmpi ne, %parallel_loop3A_1473, %parallel_loop3A_1480 : i32
        %parallel_loop3A_1482 = arith.remsi %parallel_loop3A_1464, %parallel_loop3A_1465 : i32
        %parallel_loop3A_1483 = arith.constant 0 : i32
        %parallel_loop3A_1484 = arith.cmpi ne, %parallel_loop3A_1482, %parallel_loop3A_1483 : i32
        %parallel_loop3A_1485 = arith.andi %parallel_loop3A_1481, %parallel_loop3A_1484 : i1
        %parallel_loop3A_1486 = arith.constant 1 : i32
        %parallel_loop3A_1487 = arith.subi %parallel_loop3A_1466, %parallel_loop3A_1486 : i32
        %parallel_loop3A_1488 = arith.select %parallel_loop3A_1485, %parallel_loop3A_1487, %parallel_loop3A_1466 : i32
        %parallel_loop3A_1489 = arith.constant 32 : i32
        %parallel_loop3A_1490 = arith.constant 0 : i32
        %parallel_loop3A_1491 = arith.cmpi eq, %parallel_loop3A_1489, %parallel_loop3A_1490 : i32
        %parallel_loop3A_1492 = arith.constant 1 : i32
        %parallel_loop3A_1493 = arith.select %parallel_loop3A_1491, %parallel_loop3A_1492, %parallel_loop3A_1489 : i32
        %parallel_loop3A_1494 = arith.remsi %parallel_loop3A_1464, %parallel_loop3A_1493 : i32
        %parallel_loop3A_1495 = arith.constant 0 : i32
        %parallel_loop3A_1496 = arith.cmpi ne, %parallel_loop3A_1494, %parallel_loop3A_1495 : i32
        %parallel_loop3A_1497 = arith.constant 0 : i32
        %parallel_loop3A_1498 = arith.cmpi slt, %parallel_loop3A_1494, %parallel_loop3A_1497 : i32
        %parallel_loop3A_1499 = arith.constant 0 : i32
        %parallel_loop3A_1500 = arith.cmpi slt, %parallel_loop3A_1493, %parallel_loop3A_1499 : i32
        %parallel_loop3A_1501 = arith.xori %parallel_loop3A_1498, %parallel_loop3A_1500 : i1
        %parallel_loop3A_1502 = arith.andi %parallel_loop3A_1501, %parallel_loop3A_1496 : i1
        %parallel_loop3A_1503 = arith.addi %parallel_loop3A_1494, %parallel_loop3A_1493 : i32
        %parallel_loop3A_1504 = arith.select %parallel_loop3A_1502, %parallel_loop3A_1503, %parallel_loop3A_1494 : i32
        %parallel_loop3A_1505 = arith.constant 16 : i32
        %parallel_loop3A_1506 = arith.muli %parallel_loop3A_1504, %parallel_loop3A_1505 : i32
        %parallel_loop3A_1507 = arith.index_cast %parallel_loop3A_1488 : i32 to index
        %parallel_loop3A_1508 = arith.index_cast %parallel_loop3A_1506 : i32 to index
        %parallel_loop3A_1509 = tpu.vector_load %arg8[%parallel_loop3A_1507, %parallel_loop3A_1508] {strides = array<i32>} : memref<4x512xi32, #tpu.memory_space<vmem>>, vector<16xi32>,
        %parallel_loop3A_1510 = arith.constant 0 : i32
        %parallel_loop3A_1511 = arith.index_cast %parallel_loop3A_1510 : i32 to index
        %parallel_loop3A_1512 = arith.index_cast %parallel_loop3A_1488 : i32 to index
        %parallel_loop3A_1513 = arith.index_cast %parallel_loop3A_1506 : i32 to index
        %parallel_loop3A_1514 = tpu.vector_load %arg7[%parallel_loop3A_1511, %parallel_loop3A_1512, %parallel_loop3A_1513] {strides = array<i32>} : memref<19x4x512xf32, #tpu.memory_space<vmem>>, vector<16xf32>,
        %parallel_loop3A_1515 = math.exp %parallel_loop3A_1514 : vector<16xf32>
        %parallel_loop3A_1516 = arith.constant 1 : i32
        %parallel_loop3A_1517 = arith.index_cast %parallel_loop3A_1516 : i32 to index
        %parallel_loop3A_1518 = arith.index_cast %parallel_loop3A_1488 : i32 to index
        %parallel_loop3A_1519 = arith.index_cast %parallel_loop3A_1506 : i32 to index
        %parallel_loop3A_1520 = tpu.vector_load %arg7[%parallel_loop3A_1517, %parallel_loop3A_1518, %parallel_loop3A_1519] {strides = array<i32>} : memref<19x4x512xf32, #tpu.memory_space<vmem>>, vector<16xf32>,
        %parallel_loop3A_1521 = math.exp %parallel_loop3A_1520 : vector<16xf32>
        %parallel_loop3A_1522 = arith.addf %parallel_loop3A_1515, %parallel_loop3A_1521 : vector<16xf32>
        %parallel_loop3A_1523 = arith.constant 2 : i32
        %parallel_loop3A_1524 = arith.index_cast %parallel_loop3A_1523 : i32 to index
        %parallel_loop3A_1525 = arith.index_cast %parallel_loop3A_1488 : i32 to index
        %parallel_loop3A_1526 = arith.index_cast %parallel_loop3A_1506 : i32 to index
        %parallel_loop3A_1527 = tpu.vector_load %arg7[%parallel_loop3A_1524, %parallel_loop3A_1525, %parallel_loop3A_1526] {strides = array<i32>} : memref<19x4x512xf32, #tpu.memory_space<vmem>>, vector<16xf32>,
        %parallel_loop3A_1528 = math.exp %parallel_loop3A_1527 : vector<16xf32>
        %parallel_loop3A_1529 = arith.addf %parallel_loop3A_1522, %parallel_loop3A_1528 : vector<16xf32>
        %parallel_loop3A_1530 = arith.constant 3 : i32
        %parallel_loop3A_1531 = arith.index_cast %parallel_loop3A_1530 : i32 to index
        %parallel_loop3A_1532 = arith.index_cast %parallel_loop3A_1488 : i32 to index
        %parallel_loop3A_1533 = arith.index_cast %parallel_loop3A_1506 : i32 to index
        %parallel_loop3A_1534 = tpu.vector_load %arg7[%parallel_loop3A_1531, %parallel_loop3A_1532, %parallel_loop3A_1533] {strides = array<i32>} : memref<19x4x512xf32, #tpu.memory_space<vmem>>, vector<16xf32>,
        %parallel_loop3A_1535 = math.exp %parallel_loop3A_1534 : vector<16xf32>
        %parallel_loop3A_1536 = arith.addf %parallel_loop3A_1529, %parallel_loop3A_1535 : vector<16xf32>
        %parallel_loop3A_1537 = arith.constant 4 : i32
        %parallel_loop3A_1538 = arith.index_cast %parallel_loop3A_1537 : i32 to index
        %parallel_loop3A_1539 = arith.index_cast %parallel_loop3A_1488 : i32 to index
        %parallel_loop3A_1540 = arith.index_cast %parallel_loop3A_1506 : i32 to index
        %parallel_loop3A_1541 = tpu.vector_load %arg7[%parallel_loop3A_1538, %parallel_loop3A_1539, %parallel_loop3A_1540] {strides = array<i32>} : memref<19x4x512xf32, #tpu.memory_space<vmem>>, vector<16xf32>,
        %parallel_loop3A_1542 = math.exp %parallel_loop3A_1541 : vector<16xf32>
        %parallel_loop3A_1543 = arith.addf %parallel_loop3A_1536, %parallel_loop3A_1542 : vector<16xf32>
        %parallel_loop3A_1544 = arith.constant 5 : i32
        %parallel_loop3A_1545 = arith.index_cast %parallel_loop3A_1544 : i32 to index
        %parallel_loop3A_1546 = arith.index_cast %parallel_loop3A_1488 : i32 to index
        %parallel_loop3A_1547 = arith.index_cast %parallel_loop3A_1506 : i32 to index
        %parallel_loop3A_1548 = tpu.vector_load %arg7[%parallel_loop3A_1545, %parallel_loop3A_1546, %parallel_loop3A_1547] {strides = array<i32>} : memref<19x4x512xf32, #tpu.memory_space<vmem>>, vector<16xf32>,
        %parallel_loop3A_1549 = math.exp %parallel_loop3A_1548 : vector<16xf32>
        %parallel_loop3A_1550 = arith.addf %parallel_loop3A_1543, %parallel_loop3A_1549 : vector<16xf32>
        %parallel_loop3A_1551 = arith.constant 6 : i32
        %parallel_loop3A_1552 = arith.index_cast %parallel_loop3A_1551 : i32 to index
        %parallel_loop3A_1553 = arith.index_cast %parallel_loop3A_1488 : i32 to index
        %parallel_loop3A_1554 = arith.index_cast %parallel_loop3A_1506 : i32 to index
        %parallel_loop3A_1555 = tpu.vector_load %arg7[%parallel_loop3A_1552, %parallel_loop3A_1553, %parallel_loop3A_1554] {strides = array<i32>} : memref<19x4x512xf32, #tpu.memory_space<vmem>>, vector<16xf32>,
        %parallel_loop3A_1556 = math.exp %parallel_loop3A_1555 : vector<16xf32>
        %parallel_loop3A_1557 = arith.addf %parallel_loop3A_1550, %parallel_loop3A_1556 : vector<16xf32>
        %parallel_loop3A_1558 = arith.constant 7 : i32
        %parallel_loop3A_1559 = arith.index_cast %parallel_loop3A_1558 : i32 to index
        %parallel_loop3A_1560 = arith.index_cast %parallel_loop3A_1488 : i32 to index
        %parallel_loop3A_1561 = arith.index_cast %parallel_loop3A_1506 : i32 to index
        %parallel_loop3A_1562 = tpu.vector_load %arg7[%parallel_loop3A_1559, %parallel_loop3A_1560, %parallel_loop3A_1561] {strides = array<i32>} : memref<19x4x512xf32, #tpu.memory_space<vmem>>, vector<16xf32>,
        %parallel_loop3A_1563 = math.exp %parallel_loop3A_1562 : vector<16xf32>
        %parallel_loop3A_1564 = arith.addf %parallel_loop3A_1557, %parallel_loop3A_1563 : vector<16xf32>
        %parallel_loop3A_1565 = arith.constant 8 : i32
        %parallel_loop3A_1566 = arith.index_cast %parallel_loop3A_1565 : i32 to index
        %parallel_loop3A_1567 = arith.index_cast %parallel_loop3A_1488 : i32 to index
        %parallel_loop3A_1568 = arith.index_cast %parallel_loop3A_1506 : i32 to index
        %parallel_loop3A_1569 = tpu.vector_load %arg7[%parallel_loop3A_1566, %parallel_loop3A_1567, %parallel_loop3A_1568] {strides = array<i32>} : memref<19x4x512xf32, #tpu.memory_space<vmem>>, vector<16xf32>,
        %parallel_loop3A_1570 = math.exp %parallel_loop3A_1569 : vector<16xf32>
        %parallel_loop3A_1571 = arith.addf %parallel_loop3A_1564, %parallel_loop3A_1570 : vector<16xf32>
        %parallel_loop3A_1572 = arith.constant 9 : i32
        %parallel_loop3A_1573 = arith.index_cast %parallel_loop3A_1572 : i32 to index
        %parallel_loop3A_1574 = arith.index_cast %parallel_loop3A_1488 : i32 to index
        %parallel_loop3A_1575 = arith.index_cast %parallel_loop3A_1506 : i32 to index
        %parallel_loop3A_1576 = tpu.vector_load %arg7[%parallel_loop3A_1573, %parallel_loop3A_1574, %parallel_loop3A_1575] {strides = array<i32>} : memref<19x4x512xf32, #tpu.memory_space<vmem>>, vector<16xf32>,
        %parallel_loop3A_1577 = math.exp %parallel_loop3A_1576 : vector<16xf32>
        %parallel_loop3A_1578 = arith.addf %parallel_loop3A_1571, %parallel_loop3A_1577 : vector<16xf32>
        %parallel_loop3A_1579 = arith.constant 10 : i32
        %parallel_loop3A_1580 = arith.index_cast %parallel_loop3A_1579 : i32 to index
        %parallel_loop3A_1581 = arith.index_cast %parallel_loop3A_1488 : i32 to index
        %parallel_loop3A_1582 = arith.index_cast %parallel_loop3A_1506 : i32 to index
        %parallel_loop3A_1583 = tpu.vector_load %arg7[%parallel_loop3A_1580, %parallel_loop3A_1581, %parallel_loop3A_1582] {strides = array<i32>} : memref<19x4x512xf32, #tpu.memory_space<vmem>>, vector<16xf32>,
        %parallel_loop3A_1584 = math.exp %parallel_loop3A_1583 : vector<16xf32>
        %parallel_loop3A_1585 = arith.addf %parallel_loop3A_1578, %parallel_loop3A_1584 : vector<16xf32>
        %parallel_loop3A_1586 = arith.constant 11 : i32
        %parallel_loop3A_1587 = arith.index_cast %parallel_loop3A_1586 : i32 to index
        %parallel_loop3A_1588 = arith.index_cast %parallel_loop3A_1488 : i32 to index
        %parallel_loop3A_1589 = arith.index_cast %parallel_loop3A_1506 : i32 to index
        %parallel_loop3A_1590 = tpu.vector_load %arg7[%parallel_loop3A_1587, %parallel_loop3A_1588, %parallel_loop3A_1589] {strides = array<i32>} : memref<19x4x512xf32, #tpu.memory_space<vmem>>, vector<16xf32>,
        %parallel_loop3A_1591 = math.exp %parallel_loop3A_1590 : vector<16xf32>
        %parallel_loop3A_1592 = arith.addf %parallel_loop3A_1585, %parallel_loop3A_1591 : vector<16xf32>
        %parallel_loop3A_1593 = arith.constant 12 : i32
        %parallel_loop3A_1594 = arith.index_cast %parallel_loop3A_1593 : i32 to index
        %parallel_loop3A_1595 = arith.index_cast %parallel_loop3A_1488 : i32 to index
        %parallel_loop3A_1596 = arith.index_cast %parallel_loop3A_1506 : i32 to index
        %parallel_loop3A_1597 = tpu.vector_load %arg7[%parallel_loop3A_1594, %parallel_loop3A_1595, %parallel_loop3A_1596] {strides = array<i32>} : memref<19x4x512xf32, #tpu.memory_space<vmem>>, vector<16xf32>,
        %parallel_loop3A_1598 = math.exp %parallel_loop3A_1597 : vector<16xf32>
        %parallel_loop3A_1599 = arith.addf %parallel_loop3A_1592, %parallel_loop3A_1598 : vector<16xf32>
        %parallel_loop3A_1600 = arith.constant 13 : i32
        %parallel_loop3A_1601 = arith.index_cast %parallel_loop3A_1600 : i32 to index
        %parallel_loop3A_1602 = arith.index_cast %parallel_loop3A_1488 : i32 to index
        %parallel_loop3A_1603 = arith.index_cast %parallel_loop3A_1506 : i32 to index
        %parallel_loop3A_1604 = tpu.vector_load %arg7[%parallel_loop3A_1601, %parallel_loop3A_1602, %parallel_loop3A_1603] {strides = array<i32>} : memref<19x4x512xf32, #tpu.memory_space<vmem>>, vector<16xf32>,
        %parallel_loop3A_1605 = math.exp %parallel_loop3A_1604 : vector<16xf32>
        %parallel_loop3A_1606 = arith.addf %parallel_loop3A_1599, %parallel_loop3A_1605 : vector<16xf32>
        %parallel_loop3A_1607 = arith.constant 14 : i32
        %parallel_loop3A_1608 = arith.index_cast %parallel_loop3A_1607 : i32 to index
        %parallel_loop3A_1609 = arith.index_cast %parallel_loop3A_1488 : i32 to index
        %parallel_loop3A_1610 = arith.index_cast %parallel_loop3A_1506 : i32 to index
        %parallel_loop3A_1611 = tpu.vector_load %arg7[%parallel_loop3A_1608, %parallel_loop3A_1609, %parallel_loop3A_1610] {strides = array<i32>} : memref<19x4x512xf32, #tpu.memory_space<vmem>>, vector<16xf32>,
        %parallel_loop3A_1612 = math.exp %parallel_loop3A_1611 : vector<16xf32>
        %parallel_loop3A_1613 = arith.addf %parallel_loop3A_1606, %parallel_loop3A_1612 : vector<16xf32>
        %parallel_loop3A_1614 = arith.constant 15 : i32
        %parallel_loop3A_1615 = arith.index_cast %parallel_loop3A_1614 : i32 to index
        %parallel_loop3A_1616 = arith.index_cast %parallel_loop3A_1488 : i32 to index
        %parallel_loop3A_1617 = arith.index_cast %parallel_loop3A_1506 : i32 to index
        %parallel_loop3A_1618 = tpu.vector_load %arg7[%parallel_loop3A_1615, %parallel_loop3A_1616, %parallel_loop3A_1617] {strides = array<i32>} : memref<19x4x512xf32, #tpu.memory_space<vmem>>, vector<16xf32>,
        %parallel_loop3A_1619 = math.exp %parallel_loop3A_1618 : vector<16xf32>
        %parallel_loop3A_1620 = arith.addf %parallel_loop3A_1613, %parallel_loop3A_1619 : vector<16xf32>
        %parallel_loop3A_1621 = arith.constant 16 : i32
        %parallel_loop3A_1622 = arith.index_cast %parallel_loop3A_1621 : i32 to index
        %parallel_loop3A_1623 = arith.index_cast %parallel_loop3A_1488 : i32 to index
        %parallel_loop3A_1624 = arith.index_cast %parallel_loop3A_1506 : i32 to index
        %parallel_loop3A_1625 = tpu.vector_load %arg7[%parallel_loop3A_1622, %parallel_loop3A_1623, %parallel_loop3A_1624] {strides = array<i32>} : memref<19x4x512xf32, #tpu.memory_space<vmem>>, vector<16xf32>,
        %parallel_loop3A_1626 = math.exp %parallel_loop3A_1625 : vector<16xf32>
        %parallel_loop3A_1627 = arith.addf %parallel_loop3A_1620, %parallel_loop3A_1626 : vector<16xf32>
        %parallel_loop3A_1628 = arith.constant 17 : i32
        %parallel_loop3A_1629 = arith.index_cast %parallel_loop3A_1628 : i32 to index
        %parallel_loop3A_1630 = arith.index_cast %parallel_loop3A_1488 : i32 to index
        %parallel_loop3A_1631 = arith.index_cast %parallel_loop3A_1506 : i32 to index
        %parallel_loop3A_1632 = tpu.vector_load %arg7[%parallel_loop3A_1629, %parallel_loop3A_1630, %parallel_loop3A_1631] {strides = array<i32>} : memref<19x4x512xf32, #tpu.memory_space<vmem>>, vector<16xf32>,
        %parallel_loop3A_1633 = math.exp %parallel_loop3A_1632 : vector<16xf32>
        %parallel_loop3A_1634 = arith.addf %parallel_loop3A_1627, %parallel_loop3A_1633 : vector<16xf32>
        %parallel_loop3A_1635 = arith.constant 18 : i32
        %parallel_loop3A_1636 = arith.index_cast %parallel_loop3A_1635 : i32 to index
        %parallel_loop3A_1637 = arith.index_cast %parallel_loop3A_1488 : i32 to index
        %parallel_loop3A_1638 = arith.index_cast %parallel_loop3A_1506 : i32 to index
        %parallel_loop3A_1639 = tpu.vector_load %arg7[%parallel_loop3A_1636, %parallel_loop3A_1637, %parallel_loop3A_1638] {strides = array<i32>} : memref<19x4x512xf32, #tpu.memory_space<vmem>>, vector<16xf32>,
        %parallel_loop3A_1640 = math.exp %parallel_loop3A_1639 : vector<16xf32>
        %parallel_loop3A_1641 = arith.addf %parallel_loop3A_1634, %parallel_loop3A_1640 : vector<16xf32>
        %parallel_loop3A_1642 = arith.constant 1.000000e+00 : f32
        %parallel_loop3A_1643 = vector.broadcast %parallel_loop3A_1642 : f32 to vector<16xf32>
        %parallel_loop3A_1644 = arith.divf %parallel_loop3A_1643, %parallel_loop3A_1641 : vector<16xf32>
        %parallel_loop3A_1645 = arith.mulf %parallel_loop3A_1515, %parallel_loop3A_1644 : vector<16xf32>
        %parallel_loop3A_1646 = arith.constant 0 : i32
        %parallel_loop3A_1647 = vector.broadcast %parallel_loop3A_1646 : i32 to vector<16xi32>
        %parallel_loop3A_1648 = arith.cmpi eq, %parallel_loop3A_1509, %parallel_loop3A_1647 : vector<16xi32>
        %parallel_loop3A_1649 = arith.constant 1.000000e+00 : f32
        %parallel_loop3A_1650 = vector.broadcast %parallel_loop3A_1649 : f32 to vector<16xf32>
        %parallel_loop3A_1651 = arith.subf %parallel_loop3A_1650, %parallel_loop3A_1645 : vector<16xf32>
        %parallel_loop3A_1652 = arith.select %parallel_loop3A_1648, %parallel_loop3A_1651, %parallel_loop3A_1645 : vector<16xi1>, vector<16xf32>
        %parallel_loop3A_1653 = arith.constant 1.024000e+03 : f32
        %parallel_loop3A_1654 = vector.broadcast %parallel_loop3A_1653 : f32 to vector<16xf32>
        %parallel_loop3A_1655 = arith.mulf %parallel_loop3A_1652, %parallel_loop3A_1654 : vector<16xf32>
        %parallel_loop3A_1656 = arith.fptosi %parallel_loop3A_1655 : vector<16xf32> to vector<16xi32>
        %parallel_loop3A_1657 = arith.constant 0 : i32
        %parallel_loop3A_1658 = vector.broadcast %parallel_loop3A_1657 : i32 to vector<16xi32>
        %parallel_loop3A_1659 = arith.addi %parallel_loop3A_1656, %parallel_loop3A_1658 : vector<16xi32>
        tpu.vector_store_idx %arg11[%parallel_loop3A_1659], %broadcast_in_dim3A_6 {add = true} : memref<39216xf32, #tpu.memory_space<vmem>>[vector<16xi32>], vector<16xf32>,
        %parallel_loop3A_1660 = arith.mulf %parallel_loop3A_1521, %parallel_loop3A_1644 : vector<16xf32>
        %parallel_loop3A_1661 = arith.constant 1 : i32
        %parallel_loop3A_1662 = vector.broadcast %parallel_loop3A_1661 : i32 to vector<16xi32>
        %parallel_loop3A_1663 = arith.cmpi eq, %parallel_loop3A_1509, %parallel_loop3A_1662 : vector<16xi32>
        %parallel_loop3A_1664 = arith.constant 1.000000e+00 : f32
        %parallel_loop3A_1665 = vector.broadcast %parallel_loop3A_1664 : f32 to vector<16xf32>
        %parallel_loop3A_1666 = arith.subf %parallel_loop3A_1665, %parallel_loop3A_1660 : vector<16xf32>
        %parallel_loop3A_1667 = arith.select %parallel_loop3A_1663, %parallel_loop3A_1666, %parallel_loop3A_1660 : vector<16xi1>, vector<16xf32>
        %parallel_loop3A_1668 = arith.constant 1.024000e+03 : f32
        %parallel_loop3A_1669 = vector.broadcast %parallel_loop3A_1668 : f32 to vector<16xf32>
        %parallel_loop3A_1670 = arith.mulf %parallel_loop3A_1667, %parallel_loop3A_1669 : vector<16xf32>
        %parallel_loop3A_1671 = arith.fptosi %parallel_loop3A_1670 : vector<16xf32> to vector<16xi32>
        %parallel_loop3A_1672 = arith.constant 1032 : i32
        %parallel_loop3A_1673 = vector.broadcast %parallel_loop3A_1672 : i32 to vector<16xi32>
        %parallel_loop3A_1674 = arith.addi %parallel_loop3A_1671, %parallel_loop3A_1673 : vector<16xi32>
        tpu.vector_store_idx %arg11[%parallel_loop3A_1674], %broadcast_in_dim3A_6 {add = true} : memref<39216xf32, #tpu.memory_space<vmem>>[vector<16xi32>], vector<16xf32>,
        %parallel_loop3A_1675 = arith.mulf %parallel_loop3A_1528, %parallel_loop3A_1644 : vector<16xf32>
        %parallel_loop3A_1676 = arith.constant 2 : i32
        %parallel_loop3A_1677 = vector.broadcast %parallel_loop3A_1676 : i32 to vector<16xi32>
        %parallel_loop3A_1678 = arith.cmpi eq, %parallel_loop3A_1509, %parallel_loop3A_1677 : vector<16xi32>
        %parallel_loop3A_1679 = arith.constant 1.000000e+00 : f32
        %parallel_loop3A_1680 = vector.broadcast %parallel_loop3A_1679 : f32 to vector<16xf32>
        %parallel_loop3A_1681 = arith.subf %parallel_loop3A_1680, %parallel_loop3A_1675 : vector<16xf32>
        %parallel_loop3A_1682 = arith.select %parallel_loop3A_1678, %parallel_loop3A_1681, %parallel_loop3A_1675 : vector<16xi1>, vector<16xf32>
        %parallel_loop3A_1683 = arith.constant 1.024000e+03 : f32
        %parallel_loop3A_1684 = vector.broadcast %parallel_loop3A_1683 : f32 to vector<16xf32>
        %parallel_loop3A_1685 = arith.mulf %parallel_loop3A_1682, %parallel_loop3A_1684 : vector<16xf32>
        %parallel_loop3A_1686 = arith.fptosi %parallel_loop3A_1685 : vector<16xf32> to vector<16xi32>
        %parallel_loop3A_1687 = arith.constant 2064 : i32
        %parallel_loop3A_1688 = vector.broadcast %parallel_loop3A_1687 : i32 to vector<16xi32>
        %parallel_loop3A_1689 = arith.addi %parallel_loop3A_1686, %parallel_loop3A_1688 : vector<16xi32>
        tpu.vector_store_idx %arg11[%parallel_loop3A_1689], %broadcast_in_dim3A_6 {add = true} : memref<39216xf32, #tpu.memory_space<vmem>>[vector<16xi32>], vector<16xf32>,
        %parallel_loop3A_1690 = arith.mulf %parallel_loop3A_1535, %parallel_loop3A_1644 : vector<16xf32>
        %parallel_loop3A_1691 = arith.constant 3 : i32
        %parallel_loop3A_1692 = vector.broadcast %parallel_loop3A_1691 : i32 to vector<16xi32>
        %parallel_loop3A_1693 = arith.cmpi eq, %parallel_loop3A_1509, %parallel_loop3A_1692 : vector<16xi32>
        %parallel_loop3A_1694 = arith.constant 1.000000e+00 : f32
        %parallel_loop3A_1695 = vector.broadcast %parallel_loop3A_1694 : f32 to vector<16xf32>
        %parallel_loop3A_1696 = arith.subf %parallel_loop3A_1695, %parallel_loop3A_1690 : vector<16xf32>
        %parallel_loop3A_1697 = arith.select %parallel_loop3A_1693, %parallel_loop3A_1696, %parallel_loop3A_1690 : vector<16xi1>, vector<16xf32>
        %parallel_loop3A_1698 = arith.constant 1.024000e+03 : f32
        %parallel_loop3A_1699 = vector.broadcast %parallel_loop3A_1698 : f32 to vector<16xf32>
        %parallel_loop3A_1700 = arith.mulf %parallel_loop3A_1697, %parallel_loop3A_1699 : vector<16xf32>
        %parallel_loop3A_1701 = arith.fptosi %parallel_loop3A_1700 : vector<16xf32> to vector<16xi32>
        %parallel_loop3A_1702 = arith.constant 3096 : i32
        %parallel_loop3A_1703 = vector.broadcast %parallel_loop3A_1702 : i32 to vector<16xi32>
        %parallel_loop3A_1704 = arith.addi %parallel_loop3A_1701, %parallel_loop3A_1703 : vector<16xi32>
        tpu.vector_store_idx %arg11[%parallel_loop3A_1704], %broadcast_in_dim3A_6 {add = true} : memref<39216xf32, #tpu.memory_space<vmem>>[vector<16xi32>], vector<16xf32>,
        %parallel_loop3A_1705 = arith.mulf %parallel_loop3A_1542, %parallel_loop3A_1644 : vector<16xf32>
        %parallel_loop3A_1706 = arith.constant 4 : i32
        %parallel_loop3A_1707 = vector.broadcast %parallel_loop3A_1706 : i32 to vector<16xi32>
        %parallel_loop3A_1708 = arith.cmpi eq, %parallel_loop3A_1509, %parallel_loop3A_1707 : vector<16xi32>
        %parallel_loop3A_1709 = arith.constant 1.000000e+00 : f32
        %parallel_loop3A_1710 = vector.broadcast %parallel_loop3A_1709 : f32 to vector<16xf32>
        %parallel_loop3A_1711 = arith.subf %parallel_loop3A_1710, %parallel_loop3A_1705 : vector<16xf32>
        %parallel_loop3A_1712 = arith.select %parallel_loop3A_1708, %parallel_loop3A_1711, %parallel_loop3A_1705 : vector<16xi1>, vector<16xf32>
        %parallel_loop3A_1713 = arith.constant 1.024000e+03 : f32
        %parallel_loop3A_1714 = vector.broadcast %parallel_loop3A_1713 : f32 to vector<16xf32>
        %parallel_loop3A_1715 = arith.mulf %parallel_loop3A_1712, %parallel_loop3A_1714 : vector<16xf32>
        %parallel_loop3A_1716 = arith.fptosi %parallel_loop3A_1715 : vector<16xf32> to vector<16xi32>
        %parallel_loop3A_1717 = arith.constant 4128 : i32
        %parallel_loop3A_1718 = vector.broadcast %parallel_loop3A_1717 : i32 to vector<16xi32>
        %parallel_loop3A_1719 = arith.addi %parallel_loop3A_1716, %parallel_loop3A_1718 : vector<16xi32>
        tpu.vector_store_idx %arg11[%parallel_loop3A_1719], %broadcast_in_dim3A_6 {add = true} : memref<39216xf32, #tpu.memory_space<vmem>>[vector<16xi32>], vector<16xf32>,
        %parallel_loop3A_1720 = arith.mulf %parallel_loop3A_1549, %parallel_loop3A_1644 : vector<16xf32>
        %parallel_loop3A_1721 = arith.constant 5 : i32
        %parallel_loop3A_1722 = vector.broadcast %parallel_loop3A_1721 : i32 to vector<16xi32>
        %parallel_loop3A_1723 = arith.cmpi eq, %parallel_loop3A_1509, %parallel_loop3A_1722 : vector<16xi32>
        %parallel_loop3A_1724 = arith.constant 1.000000e+00 : f32
        %parallel_loop3A_1725 = vector.broadcast %parallel_loop3A_1724 : f32 to vector<16xf32>
        %parallel_loop3A_1726 = arith.subf %parallel_loop3A_1725, %parallel_loop3A_1720 : vector<16xf32>
        %parallel_loop3A_1727 = arith.select %parallel_loop3A_1723, %parallel_loop3A_1726, %parallel_loop3A_1720 : vector<16xi1>, vector<16xf32>
        %parallel_loop3A_1728 = arith.constant 1.024000e+03 : f32
        %parallel_loop3A_1729 = vector.broadcast %parallel_loop3A_1728 : f32 to vector<16xf32>
        %parallel_loop3A_1730 = arith.mulf %parallel_loop3A_1727, %parallel_loop3A_1729 : vector<16xf32>
        %parallel_loop3A_1731 = arith.fptosi %parallel_loop3A_1730 : vector<16xf32> to vector<16xi32>
        %parallel_loop3A_1732 = arith.constant 5160 : i32
        %parallel_loop3A_1733 = vector.broadcast %parallel_loop3A_1732 : i32 to vector<16xi32>
        %parallel_loop3A_1734 = arith.addi %parallel_loop3A_1731, %parallel_loop3A_1733 : vector<16xi32>
        tpu.vector_store_idx %arg11[%parallel_loop3A_1734], %broadcast_in_dim3A_6 {add = true} : memref<39216xf32, #tpu.memory_space<vmem>>[vector<16xi32>], vector<16xf32>,
        %parallel_loop3A_1735 = arith.mulf %parallel_loop3A_1556, %parallel_loop3A_1644 : vector<16xf32>
        %parallel_loop3A_1736 = arith.constant 6 : i32
        %parallel_loop3A_1737 = vector.broadcast %parallel_loop3A_1736 : i32 to vector<16xi32>
        %parallel_loop3A_1738 = arith.cmpi eq, %parallel_loop3A_1509, %parallel_loop3A_1737 : vector<16xi32>
        %parallel_loop3A_1739 = arith.constant 1.000000e+00 : f32
        %parallel_loop3A_1740 = vector.broadcast %parallel_loop3A_1739 : f32 to vector<16xf32>
        %parallel_loop3A_1741 = arith.subf %parallel_loop3A_1740, %parallel_loop3A_1735 : vector<16xf32>
        %parallel_loop3A_1742 = arith.select %parallel_loop3A_1738, %parallel_loop3A_1741, %parallel_loop3A_1735 : vector<16xi1>, vector<16xf32>
        %parallel_loop3A_1743 = arith.constant 1.024000e+03 : f32
        %parallel_loop3A_1744 = vector.broadcast %parallel_loop3A_1743 : f32 to vector<16xf32>
        %parallel_loop3A_1745 = arith.mulf %parallel_loop3A_1742, %parallel_loop3A_1744 : vector<16xf32>
        %parallel_loop3A_1746 = arith.fptosi %parallel_loop3A_1745 : vector<16xf32> to vector<16xi32>
        %parallel_loop3A_1747 = arith.constant 6192 : i32
        %parallel_loop3A_1748 = vector.broadcast %parallel_loop3A_1747 : i32 to vector<16xi32>
        %parallel_loop3A_1749 = arith.addi %parallel_loop3A_1746, %parallel_loop3A_1748 : vector<16xi32>
        tpu.vector_store_idx %arg11[%parallel_loop3A_1749], %broadcast_in_dim3A_6 {add = true} : memref<39216xf32, #tpu.memory_space<vmem>>[vector<16xi32>], vector<16xf32>,
        %parallel_loop3A_1750 = arith.mulf %parallel_loop3A_1563, %parallel_loop3A_1644 : vector<16xf32>
        %parallel_loop3A_1751 = arith.constant 7 : i32
        %parallel_loop3A_1752 = vector.broadcast %parallel_loop3A_1751 : i32 to vector<16xi32>
        %parallel_loop3A_1753 = arith.cmpi eq, %parallel_loop3A_1509, %parallel_loop3A_1752 : vector<16xi32>
        %parallel_loop3A_1754 = arith.constant 1.000000e+00 : f32
        %parallel_loop3A_1755 = vector.broadcast %parallel_loop3A_1754 : f32 to vector<16xf32>
        %parallel_loop3A_1756 = arith.subf %parallel_loop3A_1755, %parallel_loop3A_1750 : vector<16xf32>
        %parallel_loop3A_1757 = arith.select %parallel_loop3A_1753, %parallel_loop3A_1756, %parallel_loop3A_1750 : vector<16xi1>, vector<16xf32>
        %parallel_loop3A_1758 = arith.constant 1.024000e+03 : f32
        %parallel_loop3A_1759 = vector.broadcast %parallel_loop3A_1758 : f32 to vector<16xf32>
        %parallel_loop3A_1760 = arith.mulf %parallel_loop3A_1757, %parallel_loop3A_1759 : vector<16xf32>
        %parallel_loop3A_1761 = arith.fptosi %parallel_loop3A_1760 : vector<16xf32> to vector<16xi32>
        %parallel_loop3A_1762 = arith.constant 7224 : i32
        %parallel_loop3A_1763 = vector.broadcast %parallel_loop3A_1762 : i32 to vector<16xi32>
        %parallel_loop3A_1764 = arith.addi %parallel_loop3A_1761, %parallel_loop3A_1763 : vector<16xi32>
        tpu.vector_store_idx %arg11[%parallel_loop3A_1764], %broadcast_in_dim3A_6 {add = true} : memref<39216xf32, #tpu.memory_space<vmem>>[vector<16xi32>], vector<16xf32>,
        %parallel_loop3A_1765 = arith.mulf %parallel_loop3A_1570, %parallel_loop3A_1644 : vector<16xf32>
        %parallel_loop3A_1766 = arith.constant 8 : i32
        %parallel_loop3A_1767 = vector.broadcast %parallel_loop3A_1766 : i32 to vector<16xi32>
        %parallel_loop3A_1768 = arith.cmpi eq, %parallel_loop3A_1509, %parallel_loop3A_1767 : vector<16xi32>
        %parallel_loop3A_1769 = arith.constant 1.000000e+00 : f32
        %parallel_loop3A_1770 = vector.broadcast %parallel_loop3A_1769 : f32 to vector<16xf32>
        %parallel_loop3A_1771 = arith.subf %parallel_loop3A_1770, %parallel_loop3A_1765 : vector<16xf32>
        %parallel_loop3A_1772 = arith.select %parallel_loop3A_1768, %parallel_loop3A_1771, %parallel_loop3A_1765 : vector<16xi1>, vector<16xf32>
        %parallel_loop3A_1773 = arith.constant 1.024000e+03 : f32
        %parallel_loop3A_1774 = vector.broadcast %parallel_loop3A_1773 : f32 to vector<16xf32>
        %parallel_loop3A_1775 = arith.mulf %parallel_loop3A_1772, %parallel_loop3A_1774 : vector<16xf32>
        %parallel_loop3A_1776 = arith.fptosi %parallel_loop3A_1775 : vector<16xf32> to vector<16xi32>
        %parallel_loop3A_1777 = arith.constant 8256 : i32
        %parallel_loop3A_1778 = vector.broadcast %parallel_loop3A_1777 : i32 to vector<16xi32>
        %parallel_loop3A_1779 = arith.addi %parallel_loop3A_1776, %parallel_loop3A_1778 : vector<16xi32>
        tpu.vector_store_idx %arg11[%parallel_loop3A_1779], %broadcast_in_dim3A_6 {add = true} : memref<39216xf32, #tpu.memory_space<vmem>>[vector<16xi32>], vector<16xf32>,
        %parallel_loop3A_1780 = arith.mulf %parallel_loop3A_1577, %parallel_loop3A_1644 : vector<16xf32>
        %parallel_loop3A_1781 = arith.constant 9 : i32
        %parallel_loop3A_1782 = vector.broadcast %parallel_loop3A_1781 : i32 to vector<16xi32>
        %parallel_loop3A_1783 = arith.cmpi eq, %parallel_loop3A_1509, %parallel_loop3A_1782 : vector<16xi32>
        %parallel_loop3A_1784 = arith.constant 1.000000e+00 : f32
        %parallel_loop3A_1785 = vector.broadcast %parallel_loop3A_1784 : f32 to vector<16xf32>
        %parallel_loop3A_1786 = arith.subf %parallel_loop3A_1785, %parallel_loop3A_1780 : vector<16xf32>
        %parallel_loop3A_1787 = arith.select %parallel_loop3A_1783, %parallel_loop3A_1786, %parallel_loop3A_1780 : vector<16xi1>, vector<16xf32>
        %parallel_loop3A_1788 = arith.constant 1.024000e+03 : f32
        %parallel_loop3A_1789 = vector.broadcast %parallel_loop3A_1788 : f32 to vector<16xf32>
        %parallel_loop3A_1790 = arith.mulf %parallel_loop3A_1787, %parallel_loop3A_1789 : vector<16xf32>
        %parallel_loop3A_1791 = arith.fptosi %parallel_loop3A_1790 : vector<16xf32> to vector<16xi32>
        %parallel_loop3A_1792 = arith.constant 9288 : i32
        %parallel_loop3A_1793 = vector.broadcast %parallel_loop3A_1792 : i32 to vector<16xi32>
        %parallel_loop3A_1794 = arith.addi %parallel_loop3A_1791, %parallel_loop3A_1793 : vector<16xi32>
        tpu.vector_store_idx %arg11[%parallel_loop3A_1794], %broadcast_in_dim3A_6 {add = true} : memref<39216xf32, #tpu.memory_space<vmem>>[vector<16xi32>], vector<16xf32>,
        %parallel_loop3A_1795 = arith.mulf %parallel_loop3A_1584, %parallel_loop3A_1644 : vector<16xf32>
        %parallel_loop3A_1796 = arith.constant 10 : i32
        %parallel_loop3A_1797 = vector.broadcast %parallel_loop3A_1796 : i32 to vector<16xi32>
        %parallel_loop3A_1798 = arith.cmpi eq, %parallel_loop3A_1509, %parallel_loop3A_1797 : vector<16xi32>
        %parallel_loop3A_1799 = arith.constant 1.000000e+00 : f32
        %parallel_loop3A_1800 = vector.broadcast %parallel_loop3A_1799 : f32 to vector<16xf32>
        %parallel_loop3A_1801 = arith.subf %parallel_loop3A_1800, %parallel_loop3A_1795 : vector<16xf32>
        %parallel_loop3A_1802 = arith.select %parallel_loop3A_1798, %parallel_loop3A_1801, %parallel_loop3A_1795 : vector<16xi1>, vector<16xf32>
        %parallel_loop3A_1803 = arith.constant 1.024000e+03 : f32
        %parallel_loop3A_1804 = vector.broadcast %parallel_loop3A_1803 : f32 to vector<16xf32>
        %parallel_loop3A_1805 = arith.mulf %parallel_loop3A_1802, %parallel_loop3A_1804 : vector<16xf32>
        %parallel_loop3A_1806 = arith.fptosi %parallel_loop3A_1805 : vector<16xf32> to vector<16xi32>
        %parallel_loop3A_1807 = arith.constant 10320 : i32
        %parallel_loop3A_1808 = vector.broadcast %parallel_loop3A_1807 : i32 to vector<16xi32>
        %parallel_loop3A_1809 = arith.addi %parallel_loop3A_1806, %parallel_loop3A_1808 : vector<16xi32>
        tpu.vector_store_idx %arg11[%parallel_loop3A_1809], %broadcast_in_dim3A_6 {add = true} : memref<39216xf32, #tpu.memory_space<vmem>>[vector<16xi32>], vector<16xf32>,
        %parallel_loop3A_1810 = arith.mulf %parallel_loop3A_1591, %parallel_loop3A_1644 : vector<16xf32>
        %parallel_loop3A_1811 = arith.constant 11 : i32
        %parallel_loop3A_1812 = vector.broadcast %parallel_loop3A_1811 : i32 to vector<16xi32>
        %parallel_loop3A_1813 = arith.cmpi eq, %parallel_loop3A_1509, %parallel_loop3A_1812 : vector<16xi32>
        %parallel_loop3A_1814 = arith.constant 1.000000e+00 : f32
        %parallel_loop3A_1815 = vector.broadcast %parallel_loop3A_1814 : f32 to vector<16xf32>
        %parallel_loop3A_1816 = arith.subf %parallel_loop3A_1815, %parallel_loop3A_1810 : vector<16xf32>
        %parallel_loop3A_1817 = arith.select %parallel_loop3A_1813, %parallel_loop3A_1816, %parallel_loop3A_1810 : vector<16xi1>, vector<16xf32>
        %parallel_loop3A_1818 = arith.constant 1.024000e+03 : f32
        %parallel_loop3A_1819 = vector.broadcast %parallel_loop3A_1818 : f32 to vector<16xf32>
        %parallel_loop3A_1820 = arith.mulf %parallel_loop3A_1817, %parallel_loop3A_1819 : vector<16xf32>
        %parallel_loop3A_1821 = arith.fptosi %parallel_loop3A_1820 : vector<16xf32> to vector<16xi32>
        %parallel_loop3A_1822 = arith.constant 11352 : i32
        %parallel_loop3A_1823 = vector.broadcast %parallel_loop3A_1822 : i32 to vector<16xi32>
        %parallel_loop3A_1824 = arith.addi %parallel_loop3A_1821, %parallel_loop3A_1823 : vector<16xi32>
        tpu.vector_store_idx %arg11[%parallel_loop3A_1824], %broadcast_in_dim3A_6 {add = true} : memref<39216xf32, #tpu.memory_space<vmem>>[vector<16xi32>], vector<16xf32>,
        %parallel_loop3A_1825 = arith.mulf %parallel_loop3A_1598, %parallel_loop3A_1644 : vector<16xf32>
        %parallel_loop3A_1826 = arith.constant 12 : i32
        %parallel_loop3A_1827 = vector.broadcast %parallel_loop3A_1826 : i32 to vector<16xi32>
        %parallel_loop3A_1828 = arith.cmpi eq, %parallel_loop3A_1509, %parallel_loop3A_1827 : vector<16xi32>
        %parallel_loop3A_1829 = arith.constant 1.000000e+00 : f32
        %parallel_loop3A_1830 = vector.broadcast %parallel_loop3A_1829 : f32 to vector<16xf32>
        %parallel_loop3A_1831 = arith.subf %parallel_loop3A_1830, %parallel_loop3A_1825 : vector<16xf32>
        %parallel_loop3A_1832 = arith.select %parallel_loop3A_1828, %parallel_loop3A_1831, %parallel_loop3A_1825 : vector<16xi1>, vector<16xf32>
        %parallel_loop3A_1833 = arith.constant 1.024000e+03 : f32
        %parallel_loop3A_1834 = vector.broadcast %parallel_loop3A_1833 : f32 to vector<16xf32>
        %parallel_loop3A_1835 = arith.mulf %parallel_loop3A_1832, %parallel_loop3A_1834 : vector<16xf32>
        %parallel_loop3A_1836 = arith.fptosi %parallel_loop3A_1835 : vector<16xf32> to vector<16xi32>
        %parallel_loop3A_1837 = arith.constant 12384 : i32
        %parallel_loop3A_1838 = vector.broadcast %parallel_loop3A_1837 : i32 to vector<16xi32>
        %parallel_loop3A_1839 = arith.addi %parallel_loop3A_1836, %parallel_loop3A_1838 : vector<16xi32>
        tpu.vector_store_idx %arg11[%parallel_loop3A_1839], %broadcast_in_dim3A_6 {add = true} : memref<39216xf32, #tpu.memory_space<vmem>>[vector<16xi32>], vector<16xf32>,
        %parallel_loop3A_1840 = arith.mulf %parallel_loop3A_1605, %parallel_loop3A_1644 : vector<16xf32>
        %parallel_loop3A_1841 = arith.constant 13 : i32
        %parallel_loop3A_1842 = vector.broadcast %parallel_loop3A_1841 : i32 to vector<16xi32>
        %parallel_loop3A_1843 = arith.cmpi eq, %parallel_loop3A_1509, %parallel_loop3A_1842 : vector<16xi32>
        %parallel_loop3A_1844 = arith.constant 1.000000e+00 : f32
        %parallel_loop3A_1845 = vector.broadcast %parallel_loop3A_1844 : f32 to vector<16xf32>
        %parallel_loop3A_1846 = arith.subf %parallel_loop3A_1845, %parallel_loop3A_1840 : vector<16xf32>
        %parallel_loop3A_1847 = arith.select %parallel_loop3A_1843, %parallel_loop3A_1846, %parallel_loop3A_1840 : vector<16xi1>, vector<16xf32>
        %parallel_loop3A_1848 = arith.constant 1.024000e+03 : f32
        %parallel_loop3A_1849 = vector.broadcast %parallel_loop3A_1848 : f32 to vector<16xf32>
        %parallel_loop3A_1850 = arith.mulf %parallel_loop3A_1847, %parallel_loop3A_1849 : vector<16xf32>
        %parallel_loop3A_1851 = arith.fptosi %parallel_loop3A_1850 : vector<16xf32> to vector<16xi32>
        %parallel_loop3A_1852 = arith.constant 13416 : i32
        %parallel_loop3A_1853 = vector.broadcast %parallel_loop3A_1852 : i32 to vector<16xi32>
        %parallel_loop3A_1854 = arith.addi %parallel_loop3A_1851, %parallel_loop3A_1853 : vector<16xi32>
        tpu.vector_store_idx %arg11[%parallel_loop3A_1854], %broadcast_in_dim3A_6 {add = true} : memref<39216xf32, #tpu.memory_space<vmem>>[vector<16xi32>], vector<16xf32>,
        %parallel_loop3A_1855 = arith.mulf %parallel_loop3A_1612, %parallel_loop3A_1644 : vector<16xf32>
        %parallel_loop3A_1856 = arith.constant 14 : i32
        %parallel_loop3A_1857 = vector.broadcast %parallel_loop3A_1856 : i32 to vector<16xi32>
        %parallel_loop3A_1858 = arith.cmpi eq, %parallel_loop3A_1509, %parallel_loop3A_1857 : vector<16xi32>
        %parallel_loop3A_1859 = arith.constant 1.000000e+00 : f32
        %parallel_loop3A_1860 = vector.broadcast %parallel_loop3A_1859 : f32 to vector<16xf32>
        %parallel_loop3A_1861 = arith.subf %parallel_loop3A_1860, %parallel_loop3A_1855 : vector<16xf32>
        %parallel_loop3A_1862 = arith.select %parallel_loop3A_1858, %parallel_loop3A_1861, %parallel_loop3A_1855 : vector<16xi1>, vector<16xf32>
        %parallel_loop3A_1863 = arith.constant 1.024000e+03 : f32
        %parallel_loop3A_1864 = vector.broadcast %parallel_loop3A_1863 : f32 to vector<16xf32>
        %parallel_loop3A_1865 = arith.mulf %parallel_loop3A_1862, %parallel_loop3A_1864 : vector<16xf32>
        %parallel_loop3A_1866 = arith.fptosi %parallel_loop3A_1865 : vector<16xf32> to vector<16xi32>
        %parallel_loop3A_1867 = arith.constant 14448 : i32
        %parallel_loop3A_1868 = vector.broadcast %parallel_loop3A_1867 : i32 to vector<16xi32>
        %parallel_loop3A_1869 = arith.addi %parallel_loop3A_1866, %parallel_loop3A_1868 : vector<16xi32>
        tpu.vector_store_idx %arg11[%parallel_loop3A_1869], %broadcast_in_dim3A_6 {add = true} : memref<39216xf32, #tpu.memory_space<vmem>>[vector<16xi32>], vector<16xf32>,
        %parallel_loop3A_1870 = arith.mulf %parallel_loop3A_1619, %parallel_loop3A_1644 : vector<16xf32>
        %parallel_loop3A_1871 = arith.constant 15 : i32
        %parallel_loop3A_1872 = vector.broadcast %parallel_loop3A_1871 : i32 to vector<16xi32>
        %parallel_loop3A_1873 = arith.cmpi eq, %parallel_loop3A_1509, %parallel_loop3A_1872 : vector<16xi32>
        %parallel_loop3A_1874 = arith.constant 1.000000e+00 : f32
        %parallel_loop3A_1875 = vector.broadcast %parallel_loop3A_1874 : f32 to vector<16xf32>
        %parallel_loop3A_1876 = arith.subf %parallel_loop3A_1875, %parallel_loop3A_1870 : vector<16xf32>
        %parallel_loop3A_1877 = arith.select %parallel_loop3A_1873, %parallel_loop3A_1876, %parallel_loop3A_1870 : vector<16xi1>, vector<16xf32>
        %parallel_loop3A_1878 = arith.constant 1.024000e+03 : f32
        %parallel_loop3A_1879 = vector.broadcast %parallel_loop3A_1878 : f32 to vector<16xf32>
        %parallel_loop3A_1880 = arith.mulf %parallel_loop3A_1877, %parallel_loop3A_1879 : vector<16xf32>
        %parallel_loop3A_1881 = arith.fptosi %parallel_loop3A_1880 : vector<16xf32> to vector<16xi32>
        %parallel_loop3A_1882 = arith.constant 15480 : i32
        %parallel_loop3A_1883 = vector.broadcast %parallel_loop3A_1882 : i32 to vector<16xi32>
        %parallel_loop3A_1884 = arith.addi %parallel_loop3A_1881, %parallel_loop3A_1883 : vector<16xi32>
        tpu.vector_store_idx %arg11[%parallel_loop3A_1884], %broadcast_in_dim3A_6 {add = true} : memref<39216xf32, #tpu.memory_space<vmem>>[vector<16xi32>], vector<16xf32>,
        %parallel_loop3A_1885 = arith.mulf %parallel_loop3A_1626, %parallel_loop3A_1644 : vector<16xf32>
        %parallel_loop3A_1886 = arith.constant 16 : i32
        %parallel_loop3A_1887 = vector.broadcast %parallel_loop3A_1886 : i32 to vector<16xi32>
        %parallel_loop3A_1888 = arith.cmpi eq, %parallel_loop3A_1509, %parallel_loop3A_1887 : vector<16xi32>
        %parallel_loop3A_1889 = arith.constant 1.000000e+00 : f32
        %parallel_loop3A_1890 = vector.broadcast %parallel_loop3A_1889 : f32 to vector<16xf32>
        %parallel_loop3A_1891 = arith.subf %parallel_loop3A_1890, %parallel_loop3A_1885 : vector<16xf32>
        %parallel_loop3A_1892 = arith.select %parallel_loop3A_1888, %parallel_loop3A_1891, %parallel_loop3A_1885 : vector<16xi1>, vector<16xf32>
        %parallel_loop3A_1893 = arith.constant 1.024000e+03 : f32
        %parallel_loop3A_1894 = vector.broadcast %parallel_loop3A_1893 : f32 to vector<16xf32>
        %parallel_loop3A_1895 = arith.mulf %parallel_loop3A_1892, %parallel_loop3A_1894 : vector<16xf32>
        %parallel_loop3A_1896 = arith.fptosi %parallel_loop3A_1895 : vector<16xf32> to vector<16xi32>
        %parallel_loop3A_1897 = arith.constant 16512 : i32
        %parallel_loop3A_1898 = vector.broadcast %parallel_loop3A_1897 : i32 to vector<16xi32>
        %parallel_loop3A_1899 = arith.addi %parallel_loop3A_1896, %parallel_loop3A_1898 : vector<16xi32>
        tpu.vector_store_idx %arg11[%parallel_loop3A_1899], %broadcast_in_dim3A_6 {add = true} : memref<39216xf32, #tpu.memory_space<vmem>>[vector<16xi32>], vector<16xf32>,
        %parallel_loop3A_1900 = arith.mulf %parallel_loop3A_1633, %parallel_loop3A_1644 : vector<16xf32>
        %parallel_loop3A_1901 = arith.constant 17 : i32
        %parallel_loop3A_1902 = vector.broadcast %parallel_loop3A_1901 : i32 to vector<16xi32>
        %parallel_loop3A_1903 = arith.cmpi eq, %parallel_loop3A_1509, %parallel_loop3A_1902 : vector<16xi32>
        %parallel_loop3A_1904 = arith.constant 1.000000e+00 : f32
        %parallel_loop3A_1905 = vector.broadcast %parallel_loop3A_1904 : f32 to vector<16xf32>
        %parallel_loop3A_1906 = arith.subf %parallel_loop3A_1905, %parallel_loop3A_1900 : vector<16xf32>
        %parallel_loop3A_1907 = arith.select %parallel_loop3A_1903, %parallel_loop3A_1906, %parallel_loop3A_1900 : vector<16xi1>, vector<16xf32>
        %parallel_loop3A_1908 = arith.constant 1.024000e+03 : f32
        %parallel_loop3A_1909 = vector.broadcast %parallel_loop3A_1908 : f32 to vector<16xf32>
        %parallel_loop3A_1910 = arith.mulf %parallel_loop3A_1907, %parallel_loop3A_1909 : vector<16xf32>
        %parallel_loop3A_1911 = arith.fptosi %parallel_loop3A_1910 : vector<16xf32> to vector<16xi32>
        %parallel_loop3A_1912 = arith.constant 17544 : i32
        %parallel_loop3A_1913 = vector.broadcast %parallel_loop3A_1912 : i32 to vector<16xi32>
        %parallel_loop3A_1914 = arith.addi %parallel_loop3A_1911, %parallel_loop3A_1913 : vector<16xi32>
        tpu.vector_store_idx %arg11[%parallel_loop3A_1914], %broadcast_in_dim3A_6 {add = true} : memref<39216xf32, #tpu.memory_space<vmem>>[vector<16xi32>], vector<16xf32>,
        %parallel_loop3A_1915 = arith.mulf %parallel_loop3A_1640, %parallel_loop3A_1644 : vector<16xf32>
        %parallel_loop3A_1916 = arith.constant 18 : i32
        %parallel_loop3A_1917 = vector.broadcast %parallel_loop3A_1916 : i32 to vector<16xi32>
        %parallel_loop3A_1918 = arith.cmpi eq, %parallel_loop3A_1509, %parallel_loop3A_1917 : vector<16xi32>
        %parallel_loop3A_1919 = arith.constant 1.000000e+00 : f32
        %parallel_loop3A_1920 = vector.broadcast %parallel_loop3A_1919 : f32 to vector<16xf32>
        %parallel_loop3A_1921 = arith.subf %parallel_loop3A_1920, %parallel_loop3A_1915 : vector<16xf32>
        %parallel_loop3A_1922 = arith.select %parallel_loop3A_1918, %parallel_loop3A_1921, %parallel_loop3A_1915 : vector<16xi1>, vector<16xf32>
        %parallel_loop3A_1923 = arith.constant 1.024000e+03 : f32
        %parallel_loop3A_1924 = vector.broadcast %parallel_loop3A_1923 : f32 to vector<16xf32>
        %parallel_loop3A_1925 = arith.mulf %parallel_loop3A_1922, %parallel_loop3A_1924 : vector<16xf32>
        %parallel_loop3A_1926 = arith.fptosi %parallel_loop3A_1925 : vector<16xf32> to vector<16xi32>
        %parallel_loop3A_1927 = arith.constant 18576 : i32
        %parallel_loop3A_1928 = vector.broadcast %parallel_loop3A_1927 : i32 to vector<16xi32>
        %parallel_loop3A_1929 = arith.addi %parallel_loop3A_1926, %parallel_loop3A_1928 : vector<16xi32>
        tpu.vector_store_idx %arg11[%parallel_loop3A_1929], %broadcast_in_dim3A_6 {add = true} : memref<39216xf32, #tpu.memory_space<vmem>>[vector<16xi32>], vector<16xf32>,
        %parallel_loop3A_1930 = vector.broadcast %parallel_loop3A_1488 : i32 to vector<16xi32>
        %parallel_loop3A_1931 = vector.broadcast %parallel_loop3A_1506 : i32 to vector<16xi32>
        %parallel_loop3A_1932 = arith.addi %parallel_loop3A_1931, %iota3A_1460 : vector<16xi32>
        %parallel_loop3A_1933 = tpu.vector_load_idx %arg7[%parallel_loop3A_1509, %parallel_loop3A_1930, %parallel_loop3A_1932] : memref<19x4x512xf32, #tpu.memory_space<vmem>>[vector<16xi32>, vector<16xi32>, vector<16xi32>], vector<16xf32>,
        %parallel_loop3A_1934 = math.exp %parallel_loop3A_1933 : vector<16xf32>
        %parallel_loop3A_1935 = arith.mulf %parallel_loop3A_1934, %parallel_loop3A_1644 : vector<16xf32>
        %parallel_loop3A_1936 = arith.constant 1.000000e+00 : f32
        %parallel_loop3A_1937 = vector.broadcast %parallel_loop3A_1936 : f32 to vector<16xf32>
        %parallel_loop3A_1938 = arith.subf %parallel_loop3A_1937, %parallel_loop3A_1935 : vector<16xf32>
        %parallel_loop3A_1939 = arith.constant 1.024000e+03 : f32
        %parallel_loop3A_1940 = vector.broadcast %parallel_loop3A_1939 : f32 to vector<16xf32>
        %parallel_loop3A_1941 = arith.mulf %parallel_loop3A_1938, %parallel_loop3A_1940 : vector<16xf32>
        %parallel_loop3A_1942 = arith.fptosi %parallel_loop3A_1941 : vector<16xf32> to vector<16xi32>
        %parallel_loop3A_1943 = arith.constant 1032 : i32
        %parallel_loop3A_1944 = vector.broadcast %parallel_loop3A_1943 : i32 to vector<16xi32>
        %parallel_loop3A_1945 = arith.muli %parallel_loop3A_1509, %parallel_loop3A_1944 : vector<16xi32>
        %parallel_loop3A_1946 = arith.addi %parallel_loop3A_1942, %parallel_loop3A_1945 : vector<16xi32>
        %parallel_loop3A_1947 = arith.constant 19608 : i32
        %parallel_loop3A_1948 = vector.broadcast %parallel_loop3A_1947 : i32 to vector<16xi32>
        %parallel_loop3A_1949 = arith.addi %parallel_loop3A_1946, %parallel_loop3A_1948 : vector<16xi32>
        tpu.vector_store_idx %arg11[%parallel_loop3A_1949], %broadcast_in_dim3A_6 {add = true} : memref<39216xf32, #tpu.memory_space<vmem>>[vector<16xi32>], vector<16xf32>,
      } {sc.loop_unroll_factor = 1 : i64, sc.parallel_access}
    }
    %scan3A_355 = arith.constant 16 : i32
    "tpu.region"() ({
      %run_scoped3A = tpu.sem_alloc : memref<!tpu.dma_semaphore, #tpu.memory_space<semaphore_mem>>
      %dma_start3A_356 = arith.constant 0 : i32
      %dma_start3A_357 = tpu.memref_slice %arg4[%add3A, %dma_start3A_356] : memref<32x39216xf32, #tpu.memory_space<hbm>> -> memref<1x39216xf32, #tpu.memory_space<hbm>>
      %dma_start3A_358 = tpu.memref_squeeze %dma_start3A_357 : memref<1x39216xf32, #tpu.memory_space<hbm>> -> memref<39216xf32, #tpu.memory_space<hbm>>
      %dma_start3A_359 = arith.constant 0 : i32
      %dma_start3A_360 = tpu.memref_slice %arg4[%add3A, %dma_start3A_359] : memref<32x39216xf32, #tpu.memory_space<hbm>> -> memref<1x39216xf32, #tpu.memory_space<hbm>>
      %dma_start3A_361 = tpu.memref_squeeze %dma_start3A_360 : memref<1x39216xf32, #tpu.memory_space<hbm>> -> memref<39216xf32, #tpu.memory_space<hbm>>
      tpu.enqueue_dma source(%arg11 : memref<39216xf32, #tpu.memory_space<vmem>>) target(%dma_start3A_361 : memref<39216xf32, #tpu.memory_space<hbm>>) target_semaphore(%run_scoped3A : memref<!tpu.dma_semaphore, #tpu.memory_space<semaphore_mem>>)
      %dma_wait3A = arith.constant 0 : i32
      %dma_wait3A_362 = tpu.memref_slice %arg4[%add3A, %dma_wait3A] : memref<32x39216xf32, #tpu.memory_space<hbm>> -> memref<1x39216xf32, #tpu.memory_space<hbm>>
      %dma_wait3A_363 = tpu.memref_squeeze %dma_wait3A_362 : memref<1x39216xf32, #tpu.memory_space<hbm>> -> memref<39216xf32, #tpu.memory_space<hbm>>
      %dma_wait3A_364 = arith.constant 0 : i32
      %dma_wait3A_365 = tpu.memref_slice %arg4[%add3A, %dma_wait3A_364] : memref<32x39216xf32, #tpu.memory_space<hbm>> -> memref<1x39216xf32, #tpu.memory_space<hbm>>
      %dma_wait3A_366 = tpu.memref_squeeze %dma_wait3A_365 : memref<1x39216xf32, #tpu.memory_space<hbm>> -> memref<39216xf32, #tpu.memory_space<hbm>>
      tpu.wait_dma2 semaphore(%run_scoped3A : memref<!tpu.dma_semaphore, #tpu.memory_space<semaphore_mem>>) src(%arg11 : memref<39216xf32, #tpu.memory_space<vmem>>) dst(%dma_wait3A_366 : memref<39216xf32, #tpu.memory_space<hbm>>)
      tpu.yield
    }) : () -> ()
    return
  }
}

module attributes {stable_mosaic.version = 14 : i64} {
  func.func @_post_body(%arg0: memref<32x38x1032xf32, #tpu.memory_space<vmem>>, %arg1: memref<1024x1024xf32, #tpu.memory_space<vmem>>, %arg2: memref<1x1xf32, #tpu.memory_space<vmem>>) attributes {dimension_semantics = [], scalar_prefetch = 0 : i64, scratch_operands = 0 : i64, tpu.core_type = #tpu.core_type<tc>} {
    %get3A = arith.constant 0 : index
    %get3A_0 = arith.constant 0 : index
    %get3A_1 = arith.constant 0 : index
    %get3A_2 = vector.load %arg0[%get3A, %get3A_0, %get3A_1] : memref<32x38x1032xf32, #tpu.memory_space<vmem>>, vector<32x38x1032xf32>
    %reduce_sum3A = arith.constant dense<0.000000e+00> : vector<38x1032xf32>
    %reduce_sum3A_3 = vector.multi_reduction <add>, %get3A_2, %reduce_sum3A [0] : vector<32x38x1032xf32> to vector<38x1032xf32>
    %slice3A = vector.extract_strided_slice %reduce_sum3A_3 {offsets = [0, 0], sizes = [38, 1023], strides = [1, 1]} : vector<38x1032xf32> to vector<38x1023xf32>
    %slice3A_4 = vector.extract_strided_slice %reduce_sum3A_3 {offsets = [0, 1023], sizes = [38, 1], strides = [1, 1]} : vector<38x1032xf32> to vector<38x1xf32>
    %slice3A_5 = vector.extract_strided_slice %reduce_sum3A_3 {offsets = [0, 1024], sizes = [38, 1], strides = [1, 1]} : vector<38x1032xf32> to vector<38x1xf32>
    %add3A = arith.addf %slice3A_4, %slice3A_5 : vector<38x1xf32>
    %concatenate3A = tpu.concatenate %slice3A, %add3A in 1 : vector<38x1023xf32>, vector<38x1xf32> -> vector<38x1024xf32>
    %slice3A_6 = vector.extract_strided_slice %concatenate3A {offsets = [0, 0], sizes = [19, 1024], strides = [1, 1]} : vector<38x1024xf32> to vector<19x1024xf32>
    %slice3A_7 = vector.extract_strided_slice %concatenate3A {offsets = [19, 0], sizes = [19, 1024], strides = [1, 1]} : vector<38x1024xf32> to vector<19x1024xf32>
    %get3A_8 = arith.constant 0 : index
    %get3A_9 = arith.constant 0 : index
    %get3A_10 = vector.load %arg1[%get3A_8, %get3A_9] : memref<1024x1024xf32, #tpu.memory_space<vmem>>, vector<1024x1024xf32>
    %dot_general3A = arith.constant dense<0.000000e+00> : vector<19x1024xf32>
    %dot_general3A_11 = tpu.matmul %slice3A_6, %get3A_10, %dot_general3A {dimension_numbers = #tpu.dot_dimension_numbers<[1], [0], [0], [1], [0, 0, 1, 1], [], []>, precision = #tpu.contract_precision<fp32>, transpose_lhs_hint = false} : vector<19x1024xf32>, vector<1024x1024xf32>, vector<19x1024xf32> -> vector<19x1024xf32>
    %dot_general3A_12 = arith.constant dense<0.000000e+00> : vector<19x1024xf32>
    %dot_general3A_13 = tpu.matmul %slice3A_7, %get3A_10, %dot_general3A_12 {dimension_numbers = #tpu.dot_dimension_numbers<[1], [0], [0], [1], [0, 0, 1, 1], [], []>, precision = #tpu.contract_precision<fp32>, transpose_lhs_hint = false} : vector<19x1024xf32>, vector<1024x1024xf32>, vector<19x1024xf32> -> vector<19x1024xf32>
    %slice3A_14 = vector.extract_strided_slice %dot_general3A_13 {offsets = [0, 0], sizes = [19, 1], strides = [1, 1]} : vector<19x1024xf32> to vector<19x1xf32>
    %add3A_15 = vector.broadcast %slice3A_14 : vector<19x1xf32> to vector<19x1024xf32>
    %add3A_16 = arith.addf %add3A_15, %dot_general3A_11 : vector<19x1024xf32>
    %sub3A = arith.subf %add3A_16, %dot_general3A_13 : vector<19x1024xf32>
    %sub3A_17 = vector.broadcast %slice3A_14 : vector<19x1xf32> to vector<19x1024xf32>
    %sub3A_18 = arith.subf %sub3A_17, %dot_general3A_13 : vector<19x1024xf32>
    %max3A = arith.constant 1.000000e+00 : f32
    %max3A_19 = vector.broadcast %max3A : f32 to vector<19x1024xf32>
    %max3A_20 = arith.maximumf %sub3A, %max3A_19 : vector<19x1024xf32>
    %div3A = arith.divf %sub3A_18, %max3A_20 : vector<19x1024xf32>
    %sub3A_21 = arith.constant 1.000000e+00 : f32
    %sub3A_22 = vector.broadcast %sub3A_21 : f32 to vector<19x1024xf32>
    %sub3A_23 = arith.subf %sub3A_22, %div3A : vector<19x1024xf32>
    %slice3A_24 = vector.extract_strided_slice %sub3A_23 {offsets = [0, 1], sizes = [19, 1023], strides = [1, 1]} : vector<19x1024xf32> to vector<19x1023xf32>
    %broadcast_in_dim3A = arith.constant 0.000000e+00 : f32
    %broadcast_in_dim3A_25 = vector.broadcast %broadcast_in_dim3A : f32 to vector<19x1xf32>
    %concatenate3A_26 = tpu.concatenate %slice3A_24, %broadcast_in_dim3A_25 in 1 : vector<19x1023xf32>, vector<19x1xf32> -> vector<19x1024xf32>
    %sub3A_27 = arith.subf %sub3A_23, %concatenate3A_26 : vector<19x1024xf32>
    %iota3A = tpu.iota {dimensions = array<i32: 1>} : vector<19x1024xi32>
    %convert_element_type3A = arith.sitofp %iota3A : vector<19x1024xi32> to vector<19x1024xf32>
    %add3A_28 = arith.constant 5.000000e-01 : f32
    %add3A_29 = vector.broadcast %add3A_28 : f32 to vector<19x1024xf32>
    %add3A_30 = arith.addf %convert_element_type3A, %add3A_29 : vector<19x1024xf32>
    %div3A_31 = arith.constant 1.024000e+03 : f32
    %div3A_32 = vector.broadcast %div3A_31 : f32 to vector<19x1024xf32>
    %div3A_33 = arith.divf %add3A_30, %div3A_32 : vector<19x1024xf32>
    %mul3A = arith.mulf %div3A_33, %sub3A_27 : vector<19x1024xf32>
    %reduce_sum3A_34 = arith.constant dense<0.000000e+00> : vector<19xf32>
    %reduce_sum3A_35 = vector.multi_reduction <add>, %mul3A, %reduce_sum3A_34 [1] : vector<19x1024xf32> to vector<19xf32>
    %squeeze3A = vector.shape_cast %slice3A_14 : vector<19x1xf32> to vector<19xf32>
    %gt3A = arith.constant 0.000000e+00 : f32
    %gt3A_36 = vector.broadcast %gt3A : f32 to vector<19xf32>
    %gt3A_37 = arith.cmpf ogt, %squeeze3A, %gt3A_36 : vector<19xf32>
    %convert_element_type3A_38 = arith.extui %gt3A_37 : vector<19xi1> to vector<19xi32>
    %convert_element_type3A_39 = arith.sitofp %convert_element_type3A_38 : vector<19xi32> to vector<19xf32>
    %mul3A_40 = arith.mulf %reduce_sum3A_35, %convert_element_type3A_39 : vector<19xf32>
    %reduce_sum3A_41 = vector.shape_cast %mul3A_40 : vector<19xf32> to vector<1x19xf32>
    %reduce_sum3A_42 = arith.constant dense<0.000000e+00> : vector<1xf32>
    %reduce_sum3A_43 = vector.multi_reduction <add>, %reduce_sum3A_41, %reduce_sum3A_42 [1] : vector<1x19xf32> to vector<1xf32>
    %reduce_sum3A_44 = vector.shape_cast %reduce_sum3A_43 : vector<1xf32> to vector<1x1xf32>
    %reduce_sum3A_45 = vector.extract %reduce_sum3A_44[0, 0] : f32 from vector<1x1xf32>
    %reduce_sum3A_46 = vector.shape_cast %convert_element_type3A_39 : vector<19xf32> to vector<1x19xf32>
    %reduce_sum3A_47 = arith.constant dense<0.000000e+00> : vector<1xf32>
    %reduce_sum3A_48 = vector.multi_reduction <add>, %reduce_sum3A_46, %reduce_sum3A_47 [1] : vector<1x19xf32> to vector<1xf32>
    %reduce_sum3A_49 = vector.shape_cast %reduce_sum3A_48 : vector<1xf32> to vector<1x1xf32>
    %reduce_sum3A_50 = vector.extract %reduce_sum3A_49[0, 0] : f32 from vector<1x1xf32>
    %max3A_51 = arith.constant 1.000000e+00 : f32
    %max3A_52 = arith.maximumf %reduce_sum3A_50, %max3A_51 : f32
    %div3A_53 = arith.divf %reduce_sum3A_45, %max3A_52 : f32
    %reshape3A = vector.broadcast %div3A_53 : f32 to vector<1x1xf32>
    %swap3A = arith.constant 0 : index
    %swap3A_54 = arith.constant 0 : index
    %swap3A_55 = vector.load %arg2[%swap3A, %swap3A_54] : memref<1x1xf32, #tpu.memory_space<vmem>>, vector<1x1xf32>
    tpu.vector_store %arg2[%swap3A, %swap3A_54], %reshape3A {strides = array<i32>} : memref<1x1xf32, #tpu.memory_space<vmem>>, vector<1x1xf32>,
    return
  }
}

</mosaic_0001>

<sc_bundles>
// kernel: kernel.4.cloned.1.call-start
scs
__scs_entry_jumppad:
0x0: {  	(pc) =	sbr.rel $0x88, $3  }
0x1: {  	(tag) =	ssettag $0x0;
	lr =	simm.s32 $0x1  }
0x2: {  	[smem:$0x3F9F] =	sst lr;
	_ =	strace $0xD0000000  }
0x3: {  	_ = 	snop  }
0x4: {  	_ = 	snop  }
0x5: {  	_ = 	snop  }
0x6: {  	_ = 	snop  }
0x7: {  	_ = 	snop  }
__scs_overlays_trampoline_lowered:
0x8: {  	[smem:$0x3FAE] =	sst s0  }
0x9: {  	[smem:$0x3FAF] =	sst s1  }
0xa: {  	[smem:$0x3FB0] =	sst s2  }
0xb: {  	[smem:$0x3FB1] =	sst s3  }
0xc: {  	[smem:$0x3FB2] =	sst s4  }
0xd: {  	[smem:$0x3FB3] =	sst s5  }
0xe: {  	[smem:$0x3FB4] =	sst s6  }
0xf: {  	[smem:$0x3FB5] =	sst s7  }
0x10: {  	[smem:$0x3FB6] =	sst s8  }
0x11: {  	[smem:$0x3FB7] =	sst s9;
	s0 =	simm.s32 @!p0 $0x0  }
0x12: {  	s1 =	sld [smem:$0x3F9D];
	s0 =	simm.s32 @p0 $0x1  }
0x13: {  	[smem:$0x3FB8] =	sst s0;
	s0 =	simm.s32 @!p1 $0x0  }
0x14: {  	s2 =	sld [smem:$0x3F9C];
	s0 =	simm.s32 @p1 $0x1  }
0x15: {  	[smem:$0x3FB9] =	sst s0;
	s0 =	simm.s32 @!p2 $0x0  }
0x16: {  	s3 =	sld [smem:$0x3FDB];
	s0 =	simm.s32 @p2 $0x1  }
0x17: {  	s4 =	simm.s32 $0x1BF5;
	[smem:$0x3FBB] =	sst s0  }
0x18: {  	s0 =	sld [smem:$0x3F9E];
	_ =	swait.ge [sflag:s4], $0x0  }
0x19: {  	s7 =	sld [smem:$0x3F9F]  }
0x1a: {  	s8 =	sadd.s32 $0xFFFFE003, lr  }
0x1b: {  	s9 =	sadd.s32 $0xFFFFFEF7, lr;
	s5 =	simm.s32 $0xFFFFFFFF;
	p2 =	slt.u32 s8, $0xFFFFF086  }
0x1c: {  	p1 =	slt.u32 s9, $0xF7A;
	s5 =	simm.s32 @!p2 $0x0  }
0x1d: {  	s5 =	simm.s32 @p1 $0x1;
	p0 =	seq.s32 s7, s2  }
0x1e: {  	s7 =	smul.u32 @!p0 $0xF7A, s2;
	p2 =	seq.s32 @!p0 s5, $0x0  }
0x1f: {  	s9 =	smul.u32 $0xF7A, s1;
	s8 =	simm.s32 @!p0 $0x1BF5;
	p2 =	por !p2, p0  }
0x20: {  	[sflag:s8] =	ssyncset.s32 @!p0 $0xFFFFF086;
	s6 =	sadd.s32 @!p0 s3, s7;
	s7 =	simm.s32 @!p0 $0x108  }
0x21: {  	s3 =	sadd.s32 s3, s9;
	s6 =	sadd.s32 @!p0 $0x88, s6;
	s7 =	simm.s32 @p2 $0x1082  }
0x22: {  	[simem:s7], [sflag:s8] =	dma.local @!p0 [hbm:s6], $0xF7A  }
0x23: {  	s9 =	sor.u32 $0xD0000000, s2;
	s6 =	simm.s32 $0x108;
	_ =	swait.ge @!p0 [sflag:s8], $0x0  }
0x24: {  	s3 =	sadd.s32 $0x88, s3;
	s6 =	simm.s32 @!p1 $0x1082;
	[sflag:s4] =	ssyncset.s32 $0xFFFFF086  }
0x25: {  	[simem:s6], [sflag:s4] =	dma.local [hbm:s3], $0xF7A  }
0x26: {  	[smem:$0x3F9F] =	sst s1;
	(tag) =	ssettag s2;
	_ =	strace s9  }
0x27: {  	s1 =	sld [smem:$0x3FAF]  }
0x28: {  	s2 =	sld [smem:$0x3FB0]  }
0x29: {  	s4 =	sld [smem:$0x3FB2]  }
0x2a: {  	p0 =	seq.s32 s5, $0x0;
	s5 =	sld [smem:$0x3FB3]  }
0x2b: {  	s6 =	sld [smem:$0x3FB4]  }
0x2c: {  	s7 =	sld [smem:$0x3FB5]  }
0x2d: {  	s3 =	simm.s32 $0x108;
	s8 =	sld [smem:$0x3FB6]  }
0x2e: {  	s3 =	simm.s32 @!p0 $0x1082;
	s9 =	sld [smem:$0x3FB7]  }
0x2f: {  	lr =	sadd.s32 s0, s3;
	s0 =	sld [smem:$0x3FAE]  }
0x30: {  	s3 =	sld [smem:$0x3FB1]  }
0x31: {  	[smem:$0x3FBA] =	sst s10  }
0x32: {  	s10 =	sld [smem:$0x3FB8];
	_ =	sdelay $0x3  }
0x33: {  	p0 =	seq.s32 s10, $0x1;
	s10 =	sld [smem:$0x3FBA];
	_ =	sdelay $0x3  }
0x34: {  	[smem:$0x3FBA] =	sst s10  }
0x35: {  	s10 =	sld [smem:$0x3FB9];
	_ =	sdelay $0x3  }
0x36: {  	p1 =	seq.s32 s10, $0x1;
	s10 =	sld [smem:$0x3FBA];
	_ =	sdelay $0x3  }
0x37: {  	[smem:$0x3FBA] =	sst s10  }
0x38: {  	s10 =	sld [smem:$0x3FBB]  }
0x39: {  	_ = 	snop;
	(pc) =	sbr.ind lr, $3  }
0x3a: {  	_ = 	snop  }
0x3b: {  	_ = 	snop  }
0x3c: {  	p2 =	seq.s32 s10, $0x1;
	s10 =	sld [smem:$0x3FBA]  }
0x3d: {  	_ =	shalt  }
0x3e: {  	_ =	shalt  }
0x3f: {  	_ =	shalt  }
0x40: {  	_ =	shalt  }
0x41: {  	_ =	shalt  }
0x42: {  	_ =	shalt  }
0x43: {  	_ =	shalt  }
0x44: {  	_ =	shalt  }
0x45: {  	_ =	shalt  }
0x46: {  	_ =	shalt  }
0x47: {  	_ =	shalt  }
0x48: {  	_ =	shalt  }
0x49: {  	_ =	shalt  }
0x4a: {  	_ =	shalt  }
0x4b: {  	_ =	shalt  }
0x4c: {  	_ =	shalt  }
0x4d: {  	_ =	shalt  }
0x4e: {  	_ =	shalt  }
0x4f: {  	_ =	shalt  }
0x50: {  	_ =	shalt  }
0x51: {  	_ =	shalt  }
0x52: {  	_ =	shalt  }
0x53: {  	_ =	shalt  }
0x54: {  	_ =	shalt  }
0x55: {  	_ =	shalt  }
0x56: {  	_ =	shalt  }
0x57: {  	_ =	shalt  }
0x58: {  	_ =	shalt  }
0x59: {  	_ =	shalt  }
0x5a: {  	_ =	shalt  }
0x5b: {  	_ =	shalt  }
0x5c: {  	_ =	shalt  }
0x5d: {  	_ =	shalt  }
0x5e: {  	_ =	shalt  }
0x5f: {  	_ =	shalt  }
0x60: {  	_ =	shalt  }
0x61: {  	_ =	shalt  }
0x62: {  	_ =	shalt  }
0x63: {  	_ =	shalt  }
0x64: {  	_ =	shalt  }
0x65: {  	_ =	shalt  }
0x66: {  	_ =	shalt  }
0x67: {  	_ =	shalt  }
0x68: {  	_ =	shalt  }
0x69: {  	_ =	shalt  }
0x6a: {  	_ =	shalt  }
0x6b: {  	_ =	shalt  }
0x6c: {  	_ =	shalt  }
0x6d: {  	_ =	shalt  }
0x6e: {  	_ =	shalt  }
0x6f: {  	_ =	shalt  }
0x70: {  	_ =	shalt  }
0x71: {  	_ =	shalt  }
0x72: {  	_ =	shalt  }
0x73: {  	_ =	shalt  }
0x74: {  	_ =	shalt  }
0x75: {  	_ =	shalt  }
0x76: {  	_ =	shalt  }
0x77: {  	_ =	shalt  }
0x78: {  	_ =	shalt  }
0x79: {  	_ =	shalt  }
0x7a: {  	_ =	shalt  }
0x7b: {  	_ =	shalt  }
0x7c: {  	_ =	shalt  }
0x7d: {  	_ =	shalt  }
0x7e: {  	_ =	shalt  }
0x7f: {  	_ =	shalt  }
0x80: {  	_ =	shalt  }
0x81: {  	_ =	shalt  }
0x82: {  	_ =	shalt  }
0x83: {  	_ =	shalt  }
0x84: {  	_ =	shalt  }
0x85: {  	_ =	shalt  }
0x86: {  	_ =	shalt  }
0x87: {  	_ =	shalt  }
.Lfunc_end0:
.L_simem_size_0:
called_computation_lowered:
.L_overlay_start_0:
0x88: {  	s2 =	sld [smem:$0x3FD9]  }
0x89: {  	s3 =	sld [smem:$0x3FFE];
	_ =	sdelay $0x1  }
0x8a: {  	s1 =	srdreg.scid  }
0x8b: {  	s0 =	sand.u32 $0x1, s1  }
0x8c: {  	s17 =	sshll.u32 s0, $0xA;
	s2 =	sadd.s32 s3, s2  }
0x8d: {  	s2 =	sadd.s32 s2, s17  }
0x8e: {  	[smem:$0x3FC6] =	sst s2  }
0x8f: {  	_ = 	snop  }
0x90: {  	s2 =	sld [smem:$0x3FC9]  }
0x91: {  	s18 =	sld [smem:$0x3FC8];
	(tm) =	ssettm $0x1  }
0x92: {  	s4 =	sld [smem:$0x3FFB];
	_ =	sdelay $0x3  }
0x93: {  	_ =	strace s4  }
0x94: {  	s4 =	sld [smem:$0x3FFC];
	_ =	sdelay $0x3  }
0x95: {  	_ =	strace s4  }
0x96: {  	s4 =	sld [smem:$0x3FFD];
	_ =	sdelay $0x3  }
0x97: {  	_ =	strace s4  }
0x98: {  	_ =	strace $0x8FFFFFFF  }
0x99: {  	s19 =	sld [smem:$0x3FDB];
	_ =	sdelay $0x1  }
0x9a: {  	s5 =	simm.s32 $_scs_section_size  }
0x9b: {  	s6 =	simm.s32 $_size__tile_overlayer_lowered;
	s7 =	simm.s32 $_tile_overlayer_lowered  }
0x9c: {  	s22 =	simm.s32 $0x1BFF;
	s21 =	sshll.u32 s7, $0x1;
	s4 =	sadd.s32 s5, s19  }
0x9d: {  	s8 =	simm.s32 $0x0;
	s20 =	sshll.u32 s6, $0x1;
	s6 =	sadd.s32 s21, s4  }
0x9e: {  	[timem:s8], [sflag:s22] =	dma.local [hbm:s6], s20  }
0x9f: {  	_ =	swait.ge [sflag:s22], s20  }
0xa0: {  	s5 =	ssub.s32 $0x0, s20;
	[sflag:s22] =	ssyncset.done $0x0  }
0xa1: {  	[sflag:s22] =	ssyncadd.s32 s5;
	_ =	sdelay $0x1  }
0xa2: {  	s23 =	simm.s32 $0x1B8B  }
0xa3: {  	_ =	swait.ge [sflag:s23], $0x1  }
0xa4: {  	[sflag:s23] =	ssyncset.done $0x0  }
0xa5: {  	s25 =	simm.s32 $0x1B8E;
	s24 =	sld [smem:$0x3FFE];
	[sflag:s23] =	ssyncadd.s32 $0xFFFFFFFF  }
0xa6: {  	s26 =	simm.s32 $execute0_lowered;
	[smem:$0x3FD2] =	sst s25  }
0xa7: {  	s6 =	sshll.u32 s26, $0x1;
	_ =	strace $0x80000046;
	[dreg:$0x1] =	wrdreg $0xFFFFFFFF  }
0xa8: {  	s28 =	simm.s32 $_size_execute0_lowered;
	s4 =	sadd.s32 s4, s6;
	[dreg:$0x0] =	wrdreg $0x0  }
0xa9: {  	s6 =	sshll.u32 s28, $0x1;
	[dreg:$0x2] =	wrdreg s4  }
0xaa: {  	[dreg:$0x3] =	wrdreg s6  }
0xab: {  	[dreg:$0x4] =	wrdreg $0xC0  }
0xac: {  	_ =	task [dreg:s8], $0x5FFFF  }
0xad: {  	[dreg:$0x1] =	wrdreg $0xFFFFFFFF  }
0xae: {  	[dreg:$0x0] =	wrdreg $0x60  }
0xaf: {  	[dreg:$0x2] =	wrdreg s2  }
0xb0: {  	[dreg:$0x3] =	wrdreg s18  }
0xb1: {  	[dreg:$0x4] =	wrdreg s24  }
0xb2: {  	[dreg:$0x5] =	wrdreg $0x9  }
0xb3: {  	_ =	task.clear_ibuf [dreg:s8], $0x6FFFF;
	_ =	strace $0x90000046  }
0xb4: {  	s29 =	simm.s32 $0x9;
	_ =	strace $0x80000048  }
0xb5: {  	_ =	swait.ge [sflag:s29], $0x1  }
0xb6: {  	[sflag:s29] =	ssyncadd.s32 $0xFFFFFFFF  }
0xb7: {  	_ =	strace $0x90000048  }
0xb8: {  	_ =	sfence  }
0xb9: {  	s30 =	sld [smem:$0x0];
	_ =	sdelay $0x2  }
0xba: {  	s31 =	sshll.u32 s1, $0xD;
	s1 =	sshrl.u32 s1, $0x2  }
0xbb: {  	s3 =	sand.u32 $0x4000, s31;
	s1 =	sadd.s32 s1, s30  }
0xbc: {  	s0 =	sor.u32 s3, s0;
	s1 =	sshll.u32 s1, $0x11  }
0xbd: {  	s0 =	sor.u32 s1, s0  }
0xbe: {  	s0 =	sadd.s32 $0x8F2B, s0  }
0xbf: {  	[sflag:s0] =	ssyncadd.remote.s32 $0x1  }
0xc0: {  	_ =	sfence.sel $0xFFFF  }
0xc1: {  	[dreg:$0x0] =	wrdreg $0xFFFFFFFF;
	(pc) =	sbr.abs _section_cstart, $3  }
0xc2: {  	[dreg:$0x1] =	wrdreg $0xFFFFFFFF  }
0xc3: {  	_ =	task.clear_ibuf [dreg:s8], $0x2FFFF;
	_ =	strace $0x9FFFFFFF  }
0xc4: {  	(tm) =	ssettm $0x7FFFFFFF  }
0xc5: {  	_ =	shalt  }
tec
execute0_lowered:
.L_overlay_start_1:
0x0: {  	(tag) =	ssettag $0x1  }
0x1: {  	s0 =	srdreg.scid;
	s5 =	stileid.u32  }
0x2: {  	s2 =	sand.u32 $0x1, s0;
	s20 =	sshll.u32 s5, $0x1  }
0x3: {  	s1 =	rddreg [dreg:$0x0];
	s21 =	sshrl.u32 s5, $0x2;
	s7 =	sor.u32 s2, s20  }
0x4: {  	s11 =	rddreg [dreg:$0x1];
	s0 =	smul.u32 $0x4CC00, s21;
	s3 =	sshll.u32 s7, $0x7  }
0x5: {  	s6 =	rddreg [dreg:$0x2];
	s4 =	simm.s32 $0x0;
	s3 =	sand.u32 $0x380, s3  }
0x6: {  	[smem:$0x7FF] =	sst s4;
	s0 =	sor.u32 s0, s3;
	s3 =	sshrl.u32 s5, $0x1  }
0x7: {  	s28 =	simm.s32 $0x200;
	_ =	strace $0x80000047;
	s5 =	smul.u32 $0x4C0000, s3  }
0x8: {  	s2 =	ssub.s32 $0x2, s2;
	s22 =	sshll.u32 s7, $0x10;
	s7 =	sshll.u32 s7, $0x5  }
0x9: {  	s8 =	sshrl.u32 s2, $0x1;
	[dreg:$0x5] =	wrdreg s7;
	s10 =	sadd.s32 $0x40000, s5  }
0xa: {  	s2 =	ssub.s32 s2, s8;
	s8 =	sadd.s32 $0x80000, s5;
	[dreg:$0x4] =	wrdreg s10  }
0xb: {  	s0 =	sshrl.u32 s0, $0x3;
	s14 =	sadd.s32 $0x140000, s5;
	[dreg:$0x8] =	wrdreg s8  }
0xc: {  	s0 =	sadd.s32 s0, s6;
	s15 =	sadd.s32 $0x180000, s5;
	[dreg:$0xe] =	wrdreg s14  }
0xd: {  	s6 =	sand.u32 $0x30000, s22;
	s16 =	sadd.s32 $0x1C0000, s5;
	[dreg:$0xf] =	wrdreg s15  }
0xe: {  	s9 =	sor.u32 s5, s6;
	s19 =	sadd.s32 $0x200000, s5;
	[dreg:$0x13] =	wrdreg s16  }
0xf: {  	s20 =	sadd.s32 $0x240000, s5;
	s21 =	sadd.s32 $0x280000, s5;
	[dreg:$0x17] =	wrdreg s19  }
0x10: {  	s29 =	smov.u32 s5;
	s0 =	sadd.s32 $0x400, s0;
	[dreg:$0x18] =	wrdreg s20  }
0x11: {  	s10 =	sor.u32 s10, s6;
	s23 =	sshrl.u32 s9, $0x3;
	[dreg:$0x1c] =	wrdreg s21  }
0x12: {  	s9 =	sadd.s32 $0xC0000, s5;
	s7 =	sor.u32 s8, s6;
	[smem:$0x7FC] =	sst s0  }
0x13: {  	s0 =	simm.s32 $0x2;
	s24 =	sshrl.u32 s10, $0x3;
	s25 =	sadd.s32 s1, s23  }
0x14: {  	s10 =	sadd.s32 $0x100000, s5;
	[dreg:$0x9] =	wrdreg s9;
	s8 =	sor.u32 s9, s6  }
0x15: {  	s7 =	sshrl.u32 s7, $0x3;
	[dreg:$0x6] =	wrdreg s25;
	s26 =	sadd.s32 s1, s24  }
0x16: {  	[dreg:$0xa] =	wrdreg s10;
	s9 =	sor.u32 s10, s6;
	s8 =	sshrl.u32 s8, $0x3  }
0x17: {  	s7 =	sadd.s32 s1, s7;
	s10 =	sor.u32 s21, s6;
	s24 =	sadd.s32 $0x2C0000, s5  }
0x18: {  	s25 =	sadd.s32 $0x300000, s5;
	[dreg:$0x7] =	wrdreg s26;
	s9 =	sshrl.u32 s9, $0x3  }
0x19: {  	[dreg:$0xb] =	wrdreg s7;
	s12 =	sadd.s32 s1, s8;
	s7 =	sor.u32 s14, s6  }
0x1a: {  	s8 =	sor.u32 s15, s6;
	s10 =	sshrl.u32 s10, $0x3;
	[smem:$0x7F8] =	sst s24  }
0x1b: {  	s26 =	sadd.s32 $0x340000, s5;
	s15 =	sadd.s32 $0x400000, s5;
	[dreg:$0xc] =	wrdreg s12  }
0x1c: {  	s13 =	sadd.s32 s1, s9;
	s9 =	sor.u32 s16, s6;
	s7 =	sshrl.u32 s7, $0x3  }
0x1d: {  	s8 =	sshrl.u32 s8, $0x3;
	s23 =	sadd.s32 s1, s10;
	s30 =	smov.u32 s26  }
0x1e: {  	s10 =	sor.u32 s26, s6;
	s12 =	sadd.s32 $0x3C0000, s5;
	s21 =	smov.u32 s15  }
0x1f: {  	s26 =	sadd.s32 $0x480000, s5;
	[dreg:$0xd] =	wrdreg s13;
	s9 =	sshrl.u32 s9, $0x3  }
0x20: {  	s7 =	sadd.s32 s1, s7;
	s17 =	sadd.s32 s1, s8;
	[dreg:$0x16] =	wrdreg s23  }
0x21: {  	s8 =	sor.u32 s20, s6;
	s13 =	smov.u32 s25;
	[dreg:$0x10] =	wrdreg s7  }
0x22: {  	s10 =	sshrl.u32 s10, $0x3;
	s20 =	sor.u32 s26, s6;
	[dreg:$0x11] =	wrdreg s17  }
0x23: {  	s18 =	sadd.s32 s1, s9;
	s7 =	sor.u32 s19, s6;
	s8 =	sshrl.u32 s8, $0x3  }
0x24: {  	s9 =	sadd.s32 s1, s10;
	s10 =	sadd.s32 $0x380000, s5;
	[dreg:$0x12] =	wrdreg s18  }
0x25: {  	s7 =	sshrl.u32 s7, $0x3;
	s22 =	sadd.s32 s1, s8;
	s8 =	sor.u32 s25, s6  }
0x26: {  	[dreg:$0x1b] =	wrdreg s9;
	s14 =	smov.u32 s10;
	s9 =	smov.u32 s12  }
0x27: {  	s18 =	sshll.u32 s3, $0x12;
	s25 =	sadd.s32 $0x440000, s5;
	s7 =	sadd.s32 s1, s7  }
0x28: {  	[dreg:$0x15] =	wrdreg s22;
	s8 =	sshrl.u32 s8, $0x3;
	s19 =	sor.u32 s25, s6  }
0x29: {  	s31 =	smov.u32 s18;
	[dreg:$0x14] =	wrdreg s7;
	s7 =	sor.u32 s24, s6  }
0x2a: {  	s8 =	sadd.s32 s1, s8;
	s3 =	sshrl.u32 s19, $0x3;
	s24 =	smax.u32 s2, $0x1  }
0x2b: {  	s19 =	sadd.s32 $0x40, s1;
	s2 =	simm.s32 $0x400;
	[dreg:$0x1a] =	wrdreg s8  }
0x2c: {  	s7 =	sshrl.u32 s7, $0x3;
	s3 =	sadd.s32 s1, s3;
	[smem:$0x7FD] =	sst s24  }
0x2d: {  	s8 =	sor.u32 s12, s6;
	s7 =	sadd.s32 s1, s7;
	[smem:$0x7F9] =	sst s3  }
0x2e: {  	s8 =	sshrl.u32 s8, $0x3;
	s3 =	simm.s32 $0xA000;
	[dreg:$0x19] =	wrdreg s7  }
0x2f: {  	s7 =	sor.u32 s10, s6;
	s10 =	sor.u32 s15, s6;
	s16 =	sadd.s32 s1, s8  }
0x30: {  	s6 =	sor.u32 s18, s6;
	s8 =	simm.s32 $0x1;
	s7 =	sshrl.u32 s7, $0x3  }
0x31: {  	s10 =	sshrl.u32 s10, $0x3;
	[dreg:$0x1e] =	wrdreg s16;
	s7 =	sadd.s32 s1, s7  }
0x32: {  	s6 =	sshrl.u32 s6, $0x3;
	s17 =	sadd.s32 s1, s10;
	[dreg:$0x1d] =	wrdreg s7  }
0x33: {  	s23 =	sadd.s32 s11, s6;
	[dreg:$0x1f] =	wrdreg s17;
	s7 =	sshrl.u32 s20, $0x3  }
0x34: {  	s15 =	simm.s32 $0x14000;
	[smem:$0x7FB] =	sst s23;
	s22 =	sadd.s32 s1, s7  }
0x35: {  	v0 =	vimm.f32 $0.0e+00;
	v1 =	vimm.f32 $1.000000000e+00;
	v2 =	vlaneseq.u32;
	s20 =	sadd.s32 $0x40, s11;
	s7 =	simm.s32 $0x0;
	[smem:$0x7FA] =	sst s22  }
.LBB2_1:
0x36: {  	[smem:$0x7F7] =	sst s7;
	s6 =	simm.s32 $0x40;
	s7 =	simm.s32 $0x0  }
.LBB2_2:
0x37: {  	p0 =	sne.s32 s6, $0x26480;
	[tilespmem:s7+$0x14000] =	vst v0;
	s7 =	smov.u32 s6;
	s6 =	sadd.s32 $0x40, s6  }
.Ltmp0:
0x38: {  	(pc) =	sbr.rel @p0 .LBB2_2-.Ltmp0, $2  }
0x39: {  	_ =	sdelay $0x2  }
0x3a: {  	s7 =	sshra.s32 s7, $0x2  }
0x3b: {  	s5 =	rddreg [dreg:$0x6]  }
0x3c: {  	[tilespmem:s7+$0x14000] =	vst v0;
	s6 =	simm.s32 $0x0;
	s11 =	rddreg [dreg:$0x7]  }
0x3d: {  	[tilespmem:s6], [sflag:$0x1] =	stream.strided.gather [hbm4b:s5+s28], $0x800, s2, s28, $0x38;
	[tilespmem:$0x1D980] =	vst v63  }
0x3e: {  	s12 =	simm.s32 $0x800;
	s16 =	rddreg [dreg:$0xb]  }
0x3f: {  	[tilespmem:s12], [sflag:$0x1] =	stream.strided.gather [hbm4b:s11+s28], $0x800, s2, s28, $0x38;
	[tilespmem:$0x1D980] =	vst v63  }
0x40: {  	s17 =	simm.s32 $0x1000;
	s18 =	rddreg [dreg:$0xc]  }
0x41: {  	[tilespmem:s17], [sflag:$0x1] =	stream.strided.gather [hbm4b:s16+s28], $0x800, s2, s28, $0x38;
	[tilespmem:$0x1D980] =	vst v63  }
0x42: {  	s22 =	simm.s32 $0x1800;
	s23 =	rddreg [dreg:$0xd]  }
0x43: {  	[tilespmem:s22], [sflag:$0x1] =	stream.strided.gather [hbm4b:s18+s28], $0x800, s2, s28, $0x38;
	[tilespmem:$0x1D980] =	vst v63  }
0x44: {  	s24 =	simm.s32 $0x2000;
	s7 =	rddreg [dreg:$0x10]  }
0x45: {  	[tilespmem:s24], [sflag:$0x1] =	stream.strided.gather [hbm4b:s23+s28], $0x800, s2, s28, $0x38;
	[tilespmem:$0x1D980] =	vst v63  }
0x46: {  	s10 =	simm.s32 $0x2800;
	s11 =	rddreg [dreg:$0x11]  }
0x47: {  	[tilespmem:s10], [sflag:$0x1] =	stream.strided.gather [hbm4b:s7+s28], $0x800, s2, s28, $0x38;
	[tilespmem:$0x1D980] =	vst v63  }
0x48: {  	s12 =	simm.s32 $0x3000;
	s16 =	rddreg [dreg:$0x12]  }
0x49: {  	[tilespmem:s12], [sflag:$0x1] =	stream.strided.gather [hbm4b:s11+s28], $0x800, s2, s28, $0x38;
	[tilespmem:$0x1D980] =	vst v63  }
0x4a: {  	s17 =	simm.s32 $0x3800;
	s18 =	rddreg [dreg:$0x14]  }
0x4b: {  	[tilespmem:s17], [sflag:$0x1] =	stream.strided.gather [hbm4b:s16+s28], $0x800, s2, s28, $0x38;
	[tilespmem:$0x1D980] =	vst v63  }
0x4c: {  	s22 =	simm.s32 $0x4000;
	s23 =	rddreg [dreg:$0x15]  }
0x4d: {  	[tilespmem:s22], [sflag:$0x1] =	stream.strided.gather [hbm4b:s18+s28], $0x800, s2, s28, $0x38;
	[tilespmem:$0x1D980] =	vst v63  }
0x4e: {  	s24 =	simm.s32 $0x4800;
	s7 =	rddreg [dreg:$0x16]  }
0x4f: {  	[tilespmem:s24], [sflag:$0x1] =	stream.strided.gather [hbm4b:s23+s28], $0x800, s2, s28, $0x38;
	[tilespmem:$0x1D980] =	vst v63  }
0x50: {  	s10 =	simm.s32 $0x5000;
	s11 =	rddreg [dreg:$0x19]  }
0x51: {  	[tilespmem:s10], [sflag:$0x1] =	stream.strided.gather [hbm4b:s7+s28], $0x800, s2, s28, $0x38;
	[tilespmem:$0x1D980] =	vst v63  }
0x52: {  	s12 =	simm.s32 $0x5800;
	s16 =	rddreg [dreg:$0x1a]  }
0x53: {  	[tilespmem:s12], [sflag:$0x1] =	stream.strided.gather [hbm4b:s11+s28], $0x800, s2, s28, $0x38;
	[tilespmem:$0x1D980] =	vst v63  }
0x54: {  	s17 =	simm.s32 $0x6000;
	s18 =	rddreg [dreg:$0x1b]  }
0x55: {  	[tilespmem:s17], [sflag:$0x1] =	stream.strided.gather [hbm4b:s16+s28], $0x800, s2, s28, $0x38;
	[tilespmem:$0x1D980] =	vst v63  }
0x56: {  	s22 =	simm.s32 $0x6800;
	s23 =	rddreg [dreg:$0x1d]  }
0x57: {  	[tilespmem:s22], [sflag:$0x1] =	stream.strided.gather [hbm4b:s18+s28], $0x800, s2, s28, $0x38;
	[tilespmem:$0x1D980] =	vst v63  }
0x58: {  	s24 =	simm.s32 $0x7000;
	s7 =	rddreg [dreg:$0x1e]  }
0x59: {  	[tilespmem:s24], [sflag:$0x1] =	stream.strided.gather [hbm4b:s23+s28], $0x800, s2, s28, $0x38;
	[tilespmem:$0x1D980] =	vst v63  }
0x5a: {  	s10 =	simm.s32 $0x7800;
	s11 =	rddreg [dreg:$0x1f]  }
0x5b: {  	[tilespmem:s10], [sflag:$0x1] =	stream.strided.gather [hbm4b:s7+s28], $0x800, s2, s28, $0x38;
	[tilespmem:$0x1D980] =	vst v63  }
0x5c: {  	s12 =	simm.s32 $0x8000;
	s16 =	sld [smem:$0x7F9]  }
0x5d: {  	[tilespmem:s12], [sflag:$0x1] =	stream.strided.gather [hbm4b:s11+s28], $0x800, s2, s28, $0x38;
	[tilespmem:$0x1D980] =	vst v63  }
0x5e: {  	s17 =	simm.s32 $0x8800;
	s18 =	sld [smem:$0x7FA]  }
0x5f: {  	[tilespmem:s17], [sflag:$0x1] =	stream.strided.gather [hbm4b:s16+s28], $0x800, s2, s28, $0x38;
	[tilespmem:$0x1D980] =	vst v63  }
0x60: {  	s22 =	simm.s32 $0x9000;
	s23 =	sld [smem:$0x7FB]  }
0x61: {  	[tilespmem:s22], [sflag:$0x1] =	stream.strided.gather [hbm4b:s18+s28], $0x800, s2, s28, $0x38;
	[tilespmem:$0x1D980] =	vst v63  }
0x62: {  	s24 =	simm.s32 $0x9800;
	s7 =	simm.s32 $0x0  }
0x63: {  	[tilespmem:s24], [sflag:$0x1] =	stream.strided.gather [hbm4b:s23+s28], $0x800, s2, s28, $0x38;
	[tilespmem:$0x1D980] =	vst v63  }
.LBB2_5:
0x64: {  	s10 =	sshll.u32 s7, $0x1;
	s5 =	rddreg [dreg:$0x5]  }
0x65: {  	s10 =	sadd.s32 s5, s10  }
0x66: {  	s11 =	sshll.u32 s10, $0xB  }
0x67: {  	s11 =	sand.u32 $0x3F000, s11  }
0x68: {  	s12 =	sor.u32 s29, s11  }
0x69: {  	s16 =	rddreg [dreg:$0x4];
	s12 =	sshrl.u32 s12, $0x3  }
0x6a: {  	s17 =	sor.u32 s16, s11;
	s12 =	sadd.s32 s12, s19  }
0x6b: {  	[tilespmem:s3], [sflag:$0x2] =	stream.strided.gather [hbm4b:s12+s28], $0x800, s2, s28, $0x38;
	[tilespmem:$0x1D980] =	vst v63  }
0x6c: {  	s22 =	rddreg [dreg:$0x8];
	s12 =	sshrl.u32 s17, $0x3  }
0x6d: {  	s18 =	simm.s32 $0xA800;
	s23 =	sor.u32 s22, s11;
	s12 =	sadd.s32 s12, s19  }
0x6e: {  	[tilespmem:s18], [sflag:$0x2] =	stream.strided.gather [hbm4b:s12+s28], $0x800, s2, s28, $0x38;
	[tilespmem:$0x1D980] =	vst v63  }
0x6f: {  	s16 =	rddreg [dreg:$0x9];
	s12 =	sshrl.u32 s23, $0x3  }
0x70: {  	s24 =	simm.s32 $0xB000;
	s17 =	sor.u32 s16, s11;
	s12 =	sadd.s32 s12, s19  }
0x71: {  	[tilespmem:s24], [sflag:$0x2] =	stream.strided.gather [hbm4b:s12+s28], $0x800, s2, s28, $0x38;
	[tilespmem:$0x1D980] =	vst v63  }
0x72: {  	s22 =	rddreg [dreg:$0xa];
	s12 =	sshrl.u32 s17, $0x3  }
0x73: {  	s18 =	simm.s32 $0xB800;
	s23 =	sor.u32 s22, s11;
	s12 =	sadd.s32 s12, s19  }
0x74: {  	[tilespmem:s18], [sflag:$0x2] =	stream.strided.gather [hbm4b:s12+s28], $0x800, s2, s28, $0x38;
	[tilespmem:$0x1D980] =	vst v63  }
0x75: {  	s16 =	rddreg [dreg:$0xe];
	s12 =	sshrl.u32 s23, $0x3  }
0x76: {  	s24 =	simm.s32 $0xC000;
	s17 =	sor.u32 s16, s11;
	s12 =	sadd.s32 s12, s19  }
0x77: {  	[tilespmem:s24], [sflag:$0x2] =	stream.strided.gather [hbm4b:s12+s28], $0x800, s2, s28, $0x38;
	[tilespmem:$0x1D980] =	vst v63  }
0x78: {  	s22 =	rddreg [dreg:$0xf];
	s12 =	sshrl.u32 s17, $0x3  }
0x79: {  	s18 =	simm.s32 $0xC800;
	s23 =	sor.u32 s22, s11;
	s12 =	sadd.s32 s12, s19  }
0x7a: {  	[tilespmem:s18], [sflag:$0x2] =	stream.strided.gather [hbm4b:s12+s28], $0x800, s2, s28, $0x38;
	[tilespmem:$0x1D980] =	vst v63  }
0x7b: {  	s16 =	rddreg [dreg:$0x13];
	s12 =	sshrl.u32 s23, $0x3  }
0x7c: {  	s24 =	simm.s32 $0xD000;
	s17 =	sor.u32 s16, s11;
	s12 =	sadd.s32 s12, s19  }
0x7d: {  	[tilespmem:s24], [sflag:$0x2] =	stream.strided.gather [hbm4b:s12+s28], $0x800, s2, s28, $0x38;
	[tilespmem:$0x1D980] =	vst v63  }
0x7e: {  	s22 =	rddreg [dreg:$0x17];
	s12 =	sshrl.u32 s17, $0x3  }
0x7f: {  	s18 =	simm.s32 $0xD800;
	s23 =	sor.u32 s22, s11;
	s12 =	sadd.s32 s12, s19  }
0x80: {  	[tilespmem:s18], [sflag:$0x2] =	stream.strided.gather [hbm4b:s12+s28], $0x800, s2, s28, $0x38;
	[tilespmem:$0x1D980] =	vst v63  }
0x81: {  	s16 =	rddreg [dreg:$0x18];
	s12 =	sshrl.u32 s23, $0x3  }
0x82: {  	s24 =	simm.s32 $0xE000;
	s17 =	sor.u32 s16, s11;
	s12 =	sadd.s32 s12, s19  }
0x83: {  	[tilespmem:s24], [sflag:$0x2] =	stream.strided.gather [hbm4b:s12+s28], $0x800, s2, s28, $0x38;
	[tilespmem:$0x1D980] =	vst v63  }
0x84: {  	s22 =	rddreg [dreg:$0x1c];
	s12 =	sshrl.u32 s17, $0x3  }
0x85: {  	s18 =	simm.s32 $0xE800;
	s23 =	sor.u32 s22, s11;
	s12 =	sadd.s32 s12, s19  }
0x86: {  	[tilespmem:s18], [sflag:$0x2] =	stream.strided.gather [hbm4b:s12+s28], $0x800, s2, s28, $0x38;
	[tilespmem:$0x1D980] =	vst v63  }
0x87: {  	s12 =	sshrl.u32 s23, $0x3  }
0x88: {  	s24 =	simm.s32 $0xF000;
	s12 =	sadd.s32 s12, s19  }
0x89: {  	[tilespmem:s24], [sflag:$0x2] =	stream.strided.gather [hbm4b:s12+s28], $0x800, s2, s28, $0x38;
	[tilespmem:$0x1D980] =	vst v63  }
0x8a: {  	s12 =	sld [smem:$0x7F8];
	_ =	sdelay $0x2  }
0x8b: {  	s16 =	sor.u32 s12, s11  }
0x8c: {  	s12 =	sshrl.u32 s16, $0x3  }
0x8d: {  	s17 =	simm.s32 $0xF800;
	s18 =	sor.u32 s13, s11;
	s12 =	sadd.s32 s12, s19  }
0x8e: {  	[tilespmem:s17], [sflag:$0x2] =	stream.strided.gather [hbm4b:s12+s28], $0x800, s2, s28, $0x38;
	[tilespmem:$0x1D980] =	vst v63  }
0x8f: {  	s12 =	sshrl.u32 s18, $0x3  }
0x90: {  	s22 =	simm.s32 $0x10000;
	s23 =	sor.u32 s30, s11;
	s12 =	sadd.s32 s12, s19  }
0x91: {  	[tilespmem:s22], [sflag:$0x2] =	stream.strided.gather [hbm4b:s12+s28], $0x800, s2, s28, $0x38;
	[tilespmem:$0x1D980] =	vst v63  }
0x92: {  	s12 =	sshrl.u32 s23, $0x3  }
0x93: {  	s24 =	simm.s32 $0x10800;
	s16 =	sor.u32 s14, s11;
	s12 =	sadd.s32 s12, s19  }
0x94: {  	[tilespmem:s24], [sflag:$0x2] =	stream.strided.gather [hbm4b:s12+s28], $0x800, s2, s28, $0x38;
	[tilespmem:$0x1D980] =	vst v63  }
0x95: {  	s12 =	sshrl.u32 s16, $0x3  }
0x96: {  	s17 =	simm.s32 $0x11000;
	s18 =	sor.u32 s9, s11;
	s12 =	sadd.s32 s12, s19  }
0x97: {  	[tilespmem:s17], [sflag:$0x2] =	stream.strided.gather [hbm4b:s12+s28], $0x800, s2, s28, $0x38;
	[tilespmem:$0x1D980] =	vst v63  }
0x98: {  	s12 =	sshrl.u32 s18, $0x3  }
0x99: {  	s22 =	simm.s32 $0x11800;
	s23 =	sor.u32 s21, s11;
	s12 =	sadd.s32 s12, s19  }
0x9a: {  	[tilespmem:s22], [sflag:$0x2] =	stream.strided.gather [hbm4b:s12+s28], $0x800, s2, s28, $0x38;
	[tilespmem:$0x1D980] =	vst v63  }
0x9b: {  	s12 =	sshrl.u32 s23, $0x3  }
0x9c: {  	s5 =	sor.u32 s25, s11;
	s24 =	simm.s32 $0x12000;
	s12 =	sadd.s32 s12, s19  }
0x9d: {  	[tilespmem:s24], [sflag:$0x2] =	stream.strided.gather [hbm4b:s12+s28], $0x800, s2, s28, $0x38;
	[tilespmem:$0x1D980] =	vst v63  }
0x9e: {  	s12 =	sshrl.u32 s5, $0x3  }
0x9f: {  	s16 =	simm.s32 $0x12800;
	s17 =	sor.u32 s26, s11;
	s12 =	sadd.s32 s12, s19  }
0xa0: {  	[tilespmem:s16], [sflag:$0x2] =	stream.strided.gather [hbm4b:s12+s28], $0x800, s2, s28, $0x38;
	[tilespmem:$0x1D980] =	vst v63  }
0xa1: {  	s11 =	sor.u32 s31, s11;
	s12 =	sshrl.u32 s17, $0x3  }
0xa2: {  	s18 =	simm.s32 $0x13000;
	s11 =	sshrl.u32 s11, $0x3;
	s12 =	sadd.s32 s12, s19  }
0xa3: {  	[tilespmem:s18], [sflag:$0x2] =	stream.strided.gather [hbm4b:s12+s28], $0x800, s2, s28, $0x38;
	[tilespmem:$0x1D980] =	vst v63  }
0xa4: {  	s11 =	sadd.s32 s11, s20;
	s22 =	simm.s32 $0x13800  }
0xa5: {  	[tilespmem:s22], [sflag:$0x2] =	stream.strided.gather [hbm4b:s11+s28], $0x800, s2, s28, $0x38;
	[tilespmem:$0x1D980] =	vst v63  }
0xa6: {  	_ =	swait.ge [sflag:s8], $0x800  }
0xa7: {  	[sflag:s8] =	ssyncset.done $0x0  }
0xa8: {  	[sflag:s8] =	ssyncadd.s32 $0xFFFFF800  }
0xa9: {  	_ =	swait.ge [sflag:s8], $0x800  }
0xaa: {  	[sflag:s8] =	ssyncset.done $0x0  }
0xab: {  	[sflag:s8] =	ssyncadd.s32 $0xFFFFF800  }
0xac: {  	_ =	swait.ge [sflag:s8], $0x800  }
0xad: {  	[sflag:s8] =	ssyncset.done $0x0  }
0xae: {  	[sflag:s8] =	ssyncadd.s32 $0xFFFFF800  }
0xaf: {  	_ =	swait.ge [sflag:s8], $0x800  }
0xb0: {  	[sflag:s8] =	ssyncset.done $0x0  }
0xb1: {  	[sflag:s8] =	ssyncadd.s32 $0xFFFFF800  }
0xb2: {  	_ =	swait.ge [sflag:s8], $0x800  }
0xb3: {  	[sflag:s8] =	ssyncset.done $0x0  }
0xb4: {  	[sflag:s8] =	ssyncadd.s32 $0xFFFFF800  }
0xb5: {  	_ =	swait.ge [sflag:s8], $0x800  }
0xb6: {  	[sflag:s8] =	ssyncset.done $0x0  }
0xb7: {  	[sflag:s8] =	ssyncadd.s32 $0xFFFFF800  }
0xb8: {  	_ =	swait.ge [sflag:s8], $0x800  }
0xb9: {  	[sflag:s8] =	ssyncset.done $0x0  }
0xba: {  	[sflag:s8] =	ssyncadd.s32 $0xFFFFF800  }
0xbb: {  	_ =	swait.ge [sflag:s8], $0x800  }
0xbc: {  	[sflag:s8] =	ssyncset.done $0x0  }
0xbd: {  	[sflag:s8] =	ssyncadd.s32 $0xFFFFF800  }
0xbe: {  	_ =	swait.ge [sflag:s8], $0x800  }
0xbf: {  	[sflag:s8] =	ssyncset.done $0x0  }
0xc0: {  	[sflag:s8] =	ssyncadd.s32 $0xFFFFF800  }
0xc1: {  	_ =	swait.ge [sflag:s8], $0x800  }
0xc2: {  	[sflag:s8] =	ssyncset.done $0x0  }
0xc3: {  	[sflag:s8] =	ssyncadd.s32 $0xFFFFF800  }
0xc4: {  	_ =	swait.ge [sflag:s8], $0x800  }
0xc5: {  	[sflag:s8] =	ssyncset.done $0x0  }
0xc6: {  	[sflag:s8] =	ssyncadd.s32 $0xFFFFF800  }
0xc7: {  	_ =	swait.ge [sflag:s8], $0x800  }
0xc8: {  	[sflag:s8] =	ssyncset.done $0x0  }
0xc9: {  	[sflag:s8] =	ssyncadd.s32 $0xFFFFF800  }
0xca: {  	_ =	swait.ge [sflag:s8], $0x800  }
0xcb: {  	[sflag:s8] =	ssyncset.done $0x0  }
0xcc: {  	[sflag:s8] =	ssyncadd.s32 $0xFFFFF800  }
0xcd: {  	_ =	swait.ge [sflag:s8], $0x800  }
0xce: {  	[sflag:s8] =	ssyncset.done $0x0  }
0xcf: {  	[sflag:s8] =	ssyncadd.s32 $0xFFFFF800  }
0xd0: {  	_ =	swait.ge [sflag:s8], $0x800  }
0xd1: {  	[sflag:s8] =	ssyncset.done $0x0  }
0xd2: {  	[sflag:s8] =	ssyncadd.s32 $0xFFFFF800  }
0xd3: {  	_ =	swait.ge [sflag:s8], $0x800  }
0xd4: {  	[sflag:s8] =	ssyncset.done $0x0  }
0xd5: {  	[sflag:s8] =	ssyncadd.s32 $0xFFFFF800  }
0xd6: {  	_ =	swait.ge [sflag:s8], $0x800  }
0xd7: {  	[sflag:s8] =	ssyncset.done $0x0  }
0xd8: {  	[sflag:s8] =	ssyncadd.s32 $0xFFFFF800  }
0xd9: {  	_ =	swait.ge [sflag:s8], $0x800  }
0xda: {  	[sflag:s8] =	ssyncset.done $0x0  }
0xdb: {  	[sflag:s8] =	ssyncadd.s32 $0xFFFFF800  }
0xdc: {  	_ =	swait.ge [sflag:s8], $0x800  }
0xdd: {  	[sflag:s8] =	ssyncset.done $0x0  }
0xde: {  	[sflag:s8] =	ssyncadd.s32 $0xFFFFF800  }
0xdf: {  	s23 =	sand.u32 $0x600, s6;
	s24 =	simm.s32 $0x0;
	_ =	swait.ge [sflag:s8], $0x800  }
0xe0: {  	s16 =	sand.u32 $0x70, s6;
	s12 =	sor.u32 s24, s23;
	[sflag:s8] =	ssyncset.done $0x0  }
0xe1: {  	s18 =	sor.u32 s16, s12;
	s11 =	sadd.s32 $0x0, s23;
	[sflag:s8] =	ssyncadd.s32 $0xFFFFF800  }
0xe2: {  	s11 =	sor.u32 s16, s11;
	v3 =	vld [tilespmem:s18+$0x0]  }
0xe3: {  	v4 =	vld [tilespmem:s11+$0x800]  }
0xe4: {  	v5 =	vld [tilespmem:s11+$0x1000]  }
0xe5: {  	v6 =	vld [tilespmem:s11+$0x1800]  }
0xe6: {  	v7 =	vld [tilespmem:s11+$0x6800]  }
0xe7: {  	v8 =	vld [tilespmem:s11+$0x2000];
	v3 =	vmul.f32 $1.442695020e+00, v3  }
0xe8: {  	v9 =	vld [tilespmem:s11+$0x6000];
	v4 =	vmul.f32 $1.442695020e+00, v4  }
0xe9: {  	v10 =	vld [tilespmem:s11+$0x5800];
	(erf) = vpow2.f32 v3;
	v3 =	vmul.f32 $1.442695020e+00, v5  }
0xea: {  	v5 =	vld [tilespmem:s11+$0x2800];
	(erf) = vpow2.f32 v4;
	v4 =	vmul.f32 $1.442695020e+00, v6  }
0xeb: {  	v7 =	vmul.f32 $1.442695020e+00, v7;
	v6 =	vld [tilespmem:s11+$0x5000];
	(erf) = vpow2.f32 v3  }
0xec: {  	v3 =	vld [tilespmem:s11+$0x4800];
	(erf) = vpow2.f32 v4;
	v4 =	vmul.f32 $1.442695020e+00, v8  }
0xed: {  	v8 =	vmul.f32 $1.442695020e+00, v9;
	v9 =	vld [tilespmem:s11+$0x4000];
	(erf) = vpow2.f32 v7  }
0xee: {  	v7 =	vmul.f32 $1.442695020e+00, v10;
	v10 =	vld [tilespmem:s11+$0x3800];
	(erf) = vpow2.f32 v4  }
0xef: {  	v4 =	vmul.f32 $1.442695020e+00, v5;
	v5 =	vld [tilespmem:s11+$0x3000];
	(erf) = vpow2.f32 v8  }
0xf0: {  	v6 =	vmul.f32 $1.442695020e+00, v6;
	(erf) = vpow2.f32 v7  }
0xf1: {  	v3 =	vmul.f32 $1.442695020e+00, v3;
	(erf) = vpow2.f32 v4  }
0xf2: {  	v4 =	vmul.f32 $1.442695020e+00, v9;
	v12 =	vpop (erf);
	(erf) = vpow2.f32 v6  }
0xf3: {  	v6 =	vmul.f32 $1.442695020e+00, v10;
	v13 =	vpop (erf);
	(erf) = vpow2.f32 v3  }
0xf4: {  	v3 =	vmul.f32 $1.442695020e+00, v5;
	v14 =	vpop (erf);
	(erf) = vpow2.f32 v4  }
0xf5: {  	v15 =	vpop (erf);
	(erf) = vpow2.f32 v6  }
0xf6: {  	v4 =	vadd.f32 v13, v12;
	v9 =	vpop (erf);
	(erf) = vpow2.f32 v3  }
0xf7: {  	v16 =	vpop (erf)  }
0xf8: {  	v3 =	vadd.f32 v14, v4;
	v10 =	vpop (erf)  }
0xf9: {  	v11 =	vpop (erf)  }
0xfa: {  	v3 =	vadd.f32 v15, v3;
	v17 =	vpop (erf)  }
0xfb: {  	v18 =	vpop (erf)  }
0xfc: {  	v3 =	vadd.f32 v16, v3;
	v19 =	vpop (erf)  }
0xfd: {  	v22 =	vpop (erf)  }
0xfe: {  	v3 =	vadd.f32 v17, v3;
	v21 =	vpop (erf)  }
0xff: {  	v4 =	vld [tilespmem:s11+$0x7000];
	v20 =	vpop (erf)  }
0x100: {  	v3 =	vadd.f32 v20, v3  }
0x101: {  	v5 =	vld [tilespmem:s11+$0x7800]  }
0x102: {  	v3 =	vadd.f32 v21, v3  }
0x103: {  	v6 =	vld [tilespmem:s11+$0x8000]  }
0x104: {  	v4 =	vmul.f32 $1.442695020e+00, v4;
	v3 =	vadd.f32 v22, v3  }
0x105: {  	v7 =	vld [tilespmem:s11+$0x8800]  }
0x106: {  	v5 =	vmul.f32 $1.442695020e+00, v5;
	(erf) = vpow2.f32 v4;
	v3 =	vadd.f32 v19, v3  }
0x107: {  	v4 =	vld [tilespmem:s11+$0x9000]  }
0x108: {  	v6 =	vmul.f32 $1.442695020e+00, v6;
	(erf) = vpow2.f32 v5;
	v3 =	vadd.f32 v18, v3;
	_ =	sdelay $0x1  }
0x109: {  	v5 =	vmul.f32 $1.442695020e+00, v7;
	(erf) = vpow2.f32 v6;
	v3 =	vadd.f32 v11, v3  }
0x10a: {  	s11 =	simm.s32 $0x40  }
0x10b: {  	s17 =	simm.s32 $0x0;
	s12 =	simm.s32 $0x10;
	s5 =	sand.u32 $0x600, s11;
	(erf) = vpow2.f32 v5;
	v4 =	vmul.f32 $1.442695020e+00, v4;
	v3 =	vadd.f32 v10, v3  }
0x10c: {  	s22 =	sand.u32 $0x70, s12;
	s17 =	sor.u32 s17, s5  }
0x10d: {  	s16 =	sadd.s32 $0x0, s5;
	s17 =	sor.u32 s22, s17;
	(erf) = vpow2.f32 v4;
	v3 =	vadd.f32 v9, v3  }
0x10e: {  	s16 =	sor.u32 s22, s16;
	v4 =	vld [tilespmem:s17+$0x0];
	v23 =	vpop (erf)  }
0x10f: {  	v5 =	vld [tilespmem:s16+$0x800];
	v3 =	vadd.f32 v23, v3  }
0x110: {  	v6 =	vld [tilespmem:s16+$0x1000];
	v24 =	vpop (erf)  }
0x111: {  	v7 =	vld [tilespmem:s16+$0x1800];
	v3 =	vadd.f32 v24, v3  }
0x112: {  	v25 =	vpop (erf)  }
0x113: {  	v4 =	vmul.f32 $1.442695020e+00, v4;
	v3 =	vadd.f32 v25, v3  }
0x114: {  	v5 =	vmul.f32 $1.442695020e+00, v5;
	v26 =	vpop (erf)  }
0x115: {  	(erf) = vpow2.f32 v4;
	v4 =	vmul.f32 $1.442695020e+00, v6;
	v3 =	vadd.f32 v26, v3  }
0x116: {  	(erf) = vpow2.f32 v5;
	v5 =	vmul.f32 $1.442695020e+00, v7;
	v27 =	vpop (erf)  }
0x117: {  	(erf) = vpow2.f32 v4;
	v3 =	vadd.f32 v27, v3  }
0x118: {  	(erf) = vpow2.f32 v5  }
0x119: {  	(erf) = vrcp.f32 v3;
	_ =	sdelay $0x1  }
0x11a: {  	v55 =	vld [tilespmem:s16+$0x3800]  }
0x11b: {  	v3 =	vld [tilespmem:s18+$0x9800]  }
0x11c: {  	s24 =	simm.s32 $0x0;
	s23 =	sand.u32 $0x1F0, s6  }
0x11d: {  	v29 =	vmov s24;
	v28 =	vmov s23;
	v7 =	vpop (erf)  }
0x11e: {  	v29 =	vshll.u32 v29, $0x7;
	v28 =	vshll.u32 v28, $0x2;
	v8 =	vpop (erf)  }
0x11f: {  	v29 =	vand.u32 $0x180, v29;
	v28 =	vand.u32 $0x600, v28;
	v5 =	vpop (erf)  }
0x120: {  	v28 =	vor.u32 v29, v28;
	v58 =	vmul.f32 $1.442695020e+00, v55;
	v6 =	vpop (erf);
	vm0 =	veq.s32 v3, $0x0  }
0x121: {  	vm10 =	veq.s32 v3, $0x1;
	vm11 =	veq.s32 v3, $0x2;
	vm12 =	veq.s32 v3, $0x3;
	v4 =	vpop (erf)  }
0x122: {  	v45 =	vld [tilespmem:s16+$0x7000];
	vm13 =	veq.s32 v3, $0x4;
	vm14 =	veq.s32 v3, $0x5;
	v12 =	vmul.f32 v4, v12  }
0x123: {  	vm15 =	veq.s32 v3, $0x6;
	v13 =	vmul.f32 v4, v13;
	v14 =	vmul.f32 v4, v14  }
0x124: {  	vm4 =	veq.s32 v3, $0x7;
	v15 =	vmul.f32 v4, v15;
	v16 =	vmul.f32 v4, v16  }
0x125: {  	vm5 =	veq.s32 v3, $0x8;
	v17 =	vmul.f32 v4, v17;
	v33 =	vmul.f32 v4, v20  }
0x126: {  	vm6 =	veq.s32 v3, $0x9;
	v20 =	vbroadcast v28, $0x0;
	v34 =	vmul.f32 v4, v21  }
0x127: {  	vm7 =	veq.s32 v3, $0xA;
	v21 =	vmul.f32 $1.442695020e+00, v45;
	v22 =	vmul.f32 v4, v22  }
0x128: {  	vm8 =	veq.s32 v3, $0xB;
	v19 =	vmul.f32 v4, v19;
	v18 =	vmul.f32 v4, v18  }
0x129: {  	vm9 =	veq.s32 v3, $0xC;
	v11 =	vmul.f32 v4, v11;
	v10 =	vmul.f32 v4, v10  }
0x12a: {  	v9 =	vmul.f32 v4, v9;
	v30 =	vsub.f32 $1.000000000e+00, v12;
	v31 =	vsub.f32 $1.000000000e+00, v13  }
0x12b: {  	v23 =	vmul.f32 v4, v23;
	v44 =	vsub.f32 $1.000000000e+00, v14;
	v29 =	vsub.f32 $1.000000000e+00, v15  }
0x12c: {  	v24 =	vmul.f32 v4, v24;
	v32 =	vsub.f32 $1.000000000e+00, v16;
	v28 =	vsub.f32 $1.000000000e+00, v17  }
0x12d: {  	v46 =	vld [tilespmem:s16+$0x6800];
	v25 =	vmul.f32 v4, v25;
	v35 =	vsub.f32 $1.000000000e+00, v33;
	v48 =	vsub.f32 $1.000000000e+00, v34  }
0x12e: {  	v47 =	vld [tilespmem:s16+$0x5800];
	v26 =	vmul.f32 v4, v26;
	v36 =	vsub.f32 $1.000000000e+00, v22;
	v51 =	vsub.f32 $1.000000000e+00, v19  }
0x12f: {  	v49 =	vld [tilespmem:s16+$0x5000];
	v27 =	vmul.f32 v4, v27;
	v38 =	vsub.f32 $1.000000000e+00, v18;
	v52 =	vsub.f32 $1.000000000e+00, v11  }
0x130: {  	v50 =	vld [tilespmem:s16+$0x4800];
	v54 =	vsub.f32 $1.000000000e+00, v10;
	v56 =	vsub.f32 $1.000000000e+00, v23;
	v12 =	vsel vm0, v30, v12  }
0x131: {  	v13 =	vsel vm10, v31, v13;
	v14 =	vsel vm11, v44, v14;
	v15 =	vsel vm12, v29, v15  }
0x132: {  	v16 =	vsel vm13, v32, v16;
	v17 =	vsel vm14, v28, v17;
	v33 =	vsel vm15, v35, v33  }
0x133: {  	v30 =	vmul.f32 $1.442695020e+00, v46;
	v31 =	vsel vm4, v48, v34;
	v32 =	vmul.f32 $1.442695020e+00, v47  }
0x134: {  	v22 =	vsel vm5, v36, v22;
	v19 =	vsel vm6, v51, v19;
	v35 =	vmul.f32 $1.442695020e+00, v49  }
0x135: {  	v18 =	vsel vm7, v38, v18;
	v34 =	vmul.f32 $1.442695020e+00, v50;
	v11 =	vsel vm8, v52, v11  }
0x136: {  	vm11 =	veq.s32 v3, $0xE;
	vm14 =	veq.s32 v3, $0x11;
	v59 =	vmul.f32 $1.024000000e+03, v12  }
0x137: {  	vm15 =	veq.s32 v3, $0x12;
	v60 =	vmul.f32 $1.024000000e+03, v13;
	v61 =	vmul.f32 $1.024000000e+03, v15  }
0x138: {  	v23 =	vsel vm11, v56, v23;
	v62 =	vmul.f32 $1.024000000e+03, v16;
	v63 =	vmul.f32 $1.024000000e+03, v17  }
0x139: {  	v28 =	vld [tilespmem:s16+$0x2000];
	v12 =	vsub.f32 $1.000000000e+00, v26;
	v33 =	vmul.f32 $1.024000000e+03, v33;
	v31 =	vmul.f32 $1.024000000e+03, v31  }
0x13a: {  	v29 =	vld [tilespmem:s16+$0x6000];
	v15 =	vsub.f32 $1.000000000e+00, v27;
	v48 =	vmul.f32 $1.024000000e+03, v22;
	v39 =	vmul.f32 $1.024000000e+03, v19  }
0x13b: {  	v40 =	vmul.f32 $1.024000000e+03, v18;
	(erf) = vpow2.f32 v30;
	v30 =	vsel vm9, v54, v10  }
0x13c: {  	v37 =	vld [tilespmem:s16+$0x2800];
	v41 =	vmul.f32 $1.024000000e+03, v11;
	v16 =	vsel vm14, v12, v26;
	v26 =	vmul.f32 $1.024000000e+03, v30  }
0x13d: {  	v18 =	vsel vm15, v15, v27;
	v27 =	vmul.f32 $1.024000000e+03, v23;
	v23 =	vtrunc.f32 v59  }
0x13e: {  	v36 =	vtrunc.f32 v62;
	v28 =	vmul.f32 $1.442695020e+00, v28  }
0x13f: {  	v53 =	vld [tilespmem:s16+$0x4000];
	v33 =	vtrunc.f32 v33;
	v29 =	vmul.f32 $1.442695020e+00, v29  }
0x140: {  	v57 =	vadd.f32 v8, v7;
	v31 =	vtrunc.f32 v31;
	(erf) = vpow2.f32 v28  }
0x141: {  	vm10 =	veq.s32 v3, $0xD;
	v10 =	vld [tilespmem:s16+$0x3000];
	v28 =	vmul.f32 $1.442695020e+00, v37;
	(erf) = vpow2.f32 v29  }
0x142: {  	v38 =	vtrunc.f32 v48;
	v29 =	vsub.f32 $1.000000000e+00, v9;
	(erf) = vpow2.f32 v32  }
0x143: {  	vm12 =	veq.s32 v3, $0xF;
	v39 =	vtrunc.f32 v39;
	(erf) = vpow2.f32 v28  }
0x144: {  	v29 =	vsel vm10, v29, v9;
	v9 =	vmul.f32 $1.442695020e+00, v53;
	(erf) = vpow2.f32 v35  }
0x145: {  	vm13 =	veq.s32 v3, $0x10;
	v56 =	vtrunc.f32 v41;
	(erf) = vpow2.f32 v34  }
0x146: {  	(erf) = vpow2.f32 v9;
	v9 =	vmul.f32 $1.442695020e+00, v10;
	v10 =	vsub.f32 $1.000000000e+00, v25  }
0x147: {  	v22 =	vor.u32 s23, v2;
	v43 =	vcvt.f32.s32 v23;
	v35 =	vtrunc.f32 v61  }
0x148: {  	v34 =	vtrunc.f32 v60;
	v13 =	vsel vm13, v10, v25;
	v25 =	vmul.f32 $1.024000000e+03, v14  }
0x149: {  	v28 =	vsub.f32 $1.000000000e+00, v24;
	v23 =	vcvt.f32.s32 v34;
	(erf) = vpow2.f32 v58  }
0x14a: {  	v42 =	vand.u32 $0x7F, v22;
	(erf) = vpow2.f32 v9;
	v9 =	vpop (erf);
	v25 =	vtrunc.f32 v25  }
0x14b: {  	v24 =	vsel vm12, v28, v24;
	v28 =	vadd.f32 v5, v57;
	v17 =	vpop (erf);
	v25 =	vcvt.f32.s32 v25  }
0x14c: {  	v45 =	vld [tilespmem:s16+$0x8000];
	v49 =	vmul.f32 $1.024000000e+03, v16;
	v35 =	vcvt.f32.s32 v35;
	v44 =	vadd.s32 $0x408, v23;
	v10 =	vpop (erf)  }
0x14d: {  	v46 =	vld [tilespmem:s16+$0x7800];
	v50 =	vmul.f32 $1.024000000e+03, v18;
	v28 =	vadd.f32 v6, v28;
	v14 =	vpop (erf);
	v25 =	vadd.s32 $0x810, v25  }
0x14e: {  	v22 =	vld [tilespmem:s16+$0x9000];
	v36 =	vcvt.f32.s32 v36;
	v37 =	vtrunc.f32 v63;
	v35 =	vadd.s32 $0xC18, v35;
	v12 =	vpop (erf)  }
0x14f: {  	v33 =	vcvt.f32.s32 v33;
	v37 =	vcvt.f32.s32 v37;
	[tilespmem:v43+s15+$0x0] =	vst.idx.add.f32.msk $0xffff, v1;
	v19 =	vadd.f32 v17, v28;
	v15 =	vpop (erf)  }
0x150: {  	v31 =	vcvt.f32.s32 v31;
	v38 =	vcvt.f32.s32 v38;
	v36 =	vadd.s32 $0x1020, v36;
	v23 =	vld [tilespmem:s16+$0x8800];
	v11 =	vpop (erf)  }
0x151: {  	v52 =	vcvt.f32.s32 v39;
	v37 =	vadd.s32 $0x1428, v37;
	v28 =	vmul.f32 $1.024000000e+03, v13;
	[tilespmem:v44+s15+$0x0] =	vst.idx.add.f32.msk $0xffff, v1;
	v13 =	vpop (erf)  }
0x152: {  	v26 =	vtrunc.f32 v26;
	v33 =	vadd.s32 $0x1830, v33;
	v18 =	vadd.f32 v12, v19;
	v16 =	vpop (erf);
	[tilespmem:v25+s15+$0x0] =	vst.idx.add.f32.msk $0xffff, v1  }
0x153: {  	v54 =	vadd.s32 $0x2040, v38;
	v53 =	vtrunc.f32 v40;
	v25 =	vadd.s32 $0x1C38, v31;
	v19 =	vpop (erf);
	[tilespmem:v35+s15+$0x0] =	vst.idx.add.f32.msk $0xffff, v1  }
0x154: {  	v29 =	vmul.f32 $1.024000000e+03, v29;
	v55 =	vcvt.f32.s32 v53;
	v51 =	vadd.f32 v19, v18;
	v18 =	vld [tilespmem:s17+$0x9800]  }
0x155: {  	v26 =	vcvt.f32.s32 v26;
	v57 =	vcvt.f32.s32 v56;
	v31 =	vadd.s32 $0x2448, v52;
	[tilespmem:v36+s15+$0x0] =	vst.idx.add.f32.msk $0xffff, v1  }
0x156: {  	v24 =	vmul.f32 $1.024000000e+03, v24;
	v29 =	vtrunc.f32 v29;
	v58 =	vadd.s32 $0x2850, v55;
	[tilespmem:v37+s15+$0x0] =	vst.idx.add.f32.msk $0xffff, v1  }
0x157: {  	v27 =	vtrunc.f32 v27;
	v59 =	vadd.s32 $0x2C58, v57;
	v29 =	vcvt.f32.s32 v29;
	[tilespmem:v33+s15+$0x0] =	vst.idx.add.f32.msk $0xffff, v1  }
0x158: {  	v26 =	vadd.s32 $0x3060, v26;
	v24 =	vtrunc.f32 v24;
	[tilespmem:v25+s15+$0x0] =	vst.idx.add.f32.msk $0xffff, v1;
	v25 =	vcvt.f32.s32 v27  }
0x159: {  	v63 =	vmul.f32 $1.442695020e+00, v46;
	v29 =	vadd.s32 $0x3468, v29;
	v24 =	vcvt.f32.s32 v24;
	[tilespmem:v54+s15+$0x0] =	vst.idx.add.f32.msk $0xffff, v1  }
0x15a: {  	(erf) = vpow2.f32 v21;
	v34 =	vadd.f32 v16, v51;
	[tilespmem:v31+s15+$0x0] =	vst.idx.add.f32.msk $0xffff, v1;
	v60 =	vadd.s32 $0x3870, v25  }
0x15b: {  	v61 =	vadd.s32 $0x3C78, v24;
	v28 =	vtrunc.f32 v28;
	v27 =	vshll.u32 v3, $0xB;
	[tilespmem:v58+s15+$0x0] =	vst.idx.add.f32.msk $0xffff, v1  }
0x15c: {  	v62 =	vadd.f32 v13, v34;
	v25 =	vcvt.f32.s32 v28;
	v28 =	vtrunc.f32 v49;
	[tilespmem:v59+s15+$0x0] =	vst.idx.add.f32.msk $0xffff, v1  }
0x15d: {  	v20 =	vor.u32 v20, v27;
	v24 =	vcvt.f32.s32 v28;
	v28 =	vtrunc.f32 v50;
	[tilespmem:v26+s15+$0x0] =	vst.idx.add.f32.msk $0xffff, v1  }
0x15e: {  	v25 =	vadd.s32 $0x4080, v25;
	v28 =	vcvt.f32.s32 v28;
	v26 =	vadd.f32 v11, v62;
	[tilespmem:v29+s15+$0x0] =	vst.idx.add.f32.msk $0xffff, v1  }
0x15f: {  	(erf) = vpow2.f32 v63;
	v20 =	vor.u32 v42, v20;
	v24 =	vadd.s32 $0x4488, v24;
	[tilespmem:v60+s15+$0x0] =	vst.idx.add.f32.msk $0xffff, v1  }
0x160: {  	s23 =	sand.u32 $0x1F0, s12;
	s16 =	simm.s32 $0x0;
	s17 =	simm.s32 $0x2;
	v21 =	vadd.s32 $0x4890, v28;
	v27 =	vadd.f32 v15, v26;
	v26 =	vmul.f32 $1.442695020e+00, v45;
	[tilespmem:v61+s15+$0x0] =	vst.idx.add.f32.msk $0xffff, v1  }
.LBB2_6:
0x161: {  	_ = 	snop  }
0x162: {  	v28 =	vmov s16  }
0x163: {  	s16 =	sshrl.u32 s17, $0x5;
	s11 =	sadd.s32 $0x40, s11;
	[tilespmem:v25+s15+$0x0] =	vst.idx.add.f32.msk $0xffff, v1;
	v23 =	vmul.f32 $1.442695020e+00, v23;
	v25 =	vadd.f32 v14, v27;
	(erf) = vpow2.f32 v26  }
0x164: {  	v29 =	vmov s23;
	s12 =	sadd.s32 $0x10, s12;
	v22 =	vmul.f32 $1.442695020e+00, v22;
	s18 =	sand.u32 $0x600, s11;
	s22 =	sshll.u32 s16, $0x7;
	[tilespmem:v24+s15+$0x0] =	vst.idx.add.f32.msk $0xffff, v1  }
0x165: {  	vm0 =	veq.s32 v18, $0x0;
	s24 =	sand.u32 $0x70, s12;
	s5 =	sadd.s32 s22, s18;
	[tilespmem:v21+s15+$0x0] =	vst.idx.add.f32.msk $0xffff, v1;
	s22 =	sor.u32 s22, s18;
	(erf) = vpow2.f32 v23;
	v21 =	vadd.f32 v10, v25  }
0x166: {  	v36 =	vimm.s32 $0x0;
	v24 =	vshll.u32 v29, $0x2;
	v26 =	vshll.u32 v28, $0x7;
	v25 =	vld.idx.msk [tilespmem:v20+s4+$0x0], $0xffff;
	s22 =	sor.u32 s24, s22  }
0x167: {  	s5 =	sor.u32 s24, s5;
	v20 =	vand.u32 $0x600, v24;
	(erf) = vpow2.f32 v22;
	v24 =	vld [tilespmem:s22+$0x0];
	v21 =	vadd.f32 v9, v21  }
0x168: {  	v34 =	vimm.s32 $0x0;
	v29 =	vimm.s32 $0x0;
	v28 =	vand.u32 $0x180, v26;
	v26 =	vld [tilespmem:s5+$0x800];
	v23 =	vpop (erf)  }
0x169: {  	v32 =	vimm.s32 $0x0;
	v29 =	vsel vm0, $0xFFFFFFFF, v29;
	v27 =	vld [tilespmem:s5+$0x7000];
	v21 =	vadd.f32 v23, v21  }
0x16a: {  	v22 =	vor.u32 s23, v2;
	[tilespmem:$0x1FFC0] =	vst v29;
	v29 =	vmul.u32 $0x408, v3;
	v3 =	vmov v18;
	v30 =	vld [tilespmem:s5+$0x1000];
	v18 =	vpop (erf)  }
0x16b: {  	v20 =	vor.u32 v28, v20;
	v41 =	vld [tilespmem:s5+$0x1800];
	v37 =	vmul.f32 $1.442695020e+00, v25;
	v21 =	vadd.f32 v18, v21  }
0x16c: {  	v28 =	vld [tilespmem:s5+$0x6800];
	vm14 =	veq.s32 v3, $0x2;
	vm15 =	veq.s32 v3, $0x3;
	v42 =	vmul.f32 $1.442695020e+00, v24;
	v24 =	vpop (erf)  }
0x16d: {  	v43 =	vld [tilespmem:s5+$0x6000];
	v38 =	vmul.f32 $1.442695020e+00, v26;
	(erf) = vpow2.f32 v37;
	v45 =	vadd.f32 v24, v21  }
0x16e: {  	v46 =	vld [tilespmem:s5+$0x2000];
	v31 =	vsel vm15, $0xFFFFFFFF, v32;
	(erf) = vpow2.f32 v42;
	v25 =	vpop (erf);
	v21 =	vmul.f32 $1.442695020e+00, v27  }
0x16f: {  	v44 =	vld [tilespmem:s5+$0x5800];
	v27 =	vmul.f32 $1.442695020e+00, v30;
	(erf) = vpow2.f32 v38;
	v48 =	vadd.f32 v25, v45  }
0x170: {  	vm13 =	veq.s32 v3, $0x1;
	v50 =	vld [tilespmem:s5+$0x2800];
	v33 =	vsel vm14, $0xFFFFFFFF, v34;
	[tilespmem:$0x1FFF0] =	vst v31;
	v31 =	vmul.f32 $1.442695020e+00, v41;
	v26 =	vpop (erf)  }
0x171: {  	v47 =	vld [tilespmem:s5+$0x5000];
	v28 =	vmul.f32 $1.442695020e+00, v28;
	(erf) = vpow2.f32 v27;
	v27 =	vadd.f32 v26, v48  }
0x172: {  	vm4 =	veq.s32 v3, $0x4;
	[tilespmem:$0x1FFE0] =	vst v33;
	v33 =	vmul.f32 $1.442695020e+00, v43;
	(erf) = vpow2.f32 v31  }
0x173: {  	vm5 =	veq.s32 v3, $0x5;
	v49 =	vld [tilespmem:s5+$0x4800];
	v52 =	vmul.f32 $1.442695020e+00, v46;
	(erf) = vrcp.f32 v27  }
0x174: {  	vm6 =	veq.s32 v3, $0x6;
	v53 =	vld [tilespmem:s5+$0x4000];
	v51 =	vmul.f32 $1.442695020e+00, v44;
	(erf) = vpow2.f32 v28  }
0x175: {  	vm7 =	veq.s32 v3, $0x7;
	v55 =	vmul.f32 $1.442695020e+00, v50;
	v28 =	vld [tilespmem:s5+$0x3800];
	(erf) = vpow2.f32 v52  }
0x176: {  	vm8 =	veq.s32 v3, $0x8;
	v27 =	vmul.f32 $1.442695020e+00, v47;
	v56 =	vpop (erf);
	(erf) = vpow2.f32 v33  }
0x177: {  	v57 =	vld [tilespmem:s5+$0x3000];
	v35 =	vsel vm13, $0xFFFFFFFF, v36;
	v36 =	vpop (erf);
	v4 =	vmul.f32 v56, v4;
	(erf) = vpow2.f32 v51  }
0x178: {  	vm10 =	veq.s32 v3, $0xA;
	v54 =	vmul.f32 $1.442695020e+00, v49;
	v33 =	vpop (erf);
	(erf) = vpow2.f32 v55  }
0x179: {  	v58 =	vmul.f32 $1.442695020e+00, v53;
	v60 =	vsub.f32 $1.000000000e+00, v4;
	(erf) = vpow2.f32 v27  }
0x17a: {  	vm11 =	veq.s32 v3, $0xB;
	v27 =	vmul.f32 $1.442695020e+00, v28;
	v28 =	vpop (erf);
	(erf) = vpow2.f32 v54  }
0x17b: {  	vm12 =	veq.s32 v3, $0xC;
	v37 =	vmul.f32 $1.024000000e+03, v60;
	v31 =	vpop (erf);
	(erf) = vpow2.f32 v58  }
0x17c: {  	vm2 =	veq.s32 v3, $0x10;
	v34 =	vmul.f32 $1.442695020e+00, v57;
	(erf) = vpow2.f32 v27;
	v4 =	vpop (erf)  }
0x17d: {  	vm1 =	veq.s32 v3, $0x11;
	[tilespmem:$0x1FFD0] =	vst v35;
	v35 =	vmul.f32 v4, v7;
	v7 =	vtrunc.f32 v37  }
0x17e: {  	vm0 =	veq.s32 v3, $0x12;
	v37 =	vmul.f32 v4, v8;
	v60 =	vmul.f32 v4, v5  }
0x17f: {  	v59 =	vadd.f32 v33, v36;
	v39 =	vmul.f32 v4, v6;
	v41 =	vmul.f32 v4, v17  }
0x180: {  	vm13 =	veq.s32 v3, $0xD;
	v42 =	vmul.f32 v4, v12;
	v19 =	vmul.f32 v4, v19  }
0x181: {  	v61 =	vadd.f32 v28, v59;
	v45 =	vmul.f32 v4, v13;
	v46 =	vmul.f32 v4, v11  }
0x182: {  	vm14 =	veq.s32 v3, $0xE;
	v48 =	vmul.f32 v4, v15;
	v49 =	vmul.f32 v4, v14  }
0x183: {  	v38 =	vadd.f32 v31, v61;
	v62 =	vpop (erf);
	v52 =	vmul.f32 v4, v10;
	v55 =	vmul.f32 v4, v9  }
0x184: {  	vm15 =	veq.s32 v3, $0xF;
	v23 =	vmul.f32 v4, v23;
	v18 =	vmul.f32 v4, v18;
	v63 =	vpop (erf)  }
0x185: {  	v24 =	vmul.f32 v4, v24;
	v8 =	vadd.f32 v63, v38;
	v47 =	vsub.f32 $1.000000000e+00, v35  }
0x186: {  	v25 =	vmul.f32 v4, v25;
	v50 =	vsub.f32 $1.000000000e+00, v37;
	v51 =	vsub.f32 $1.000000000e+00, v60  }
0x187: {  	v26 =	vmul.f32 v4, v26;
	v53 =	vsub.f32 $1.000000000e+00, v39;
	v54 =	vsub.f32 $1.000000000e+00, v41  }
0x188: {  	v7 =	vcvt.f32.s32 v7;
	v56 =	vsub.f32 $1.000000000e+00, v42;
	v57 =	vsub.f32 $1.000000000e+00, v19  }
0x189: {  	v9 =	vmov v62;
	v27 =	vpop (erf);
	v58 =	vsub.f32 $1.000000000e+00, v45;
	v30 =	vsub.f32 $1.000000000e+00, v49  }
0x18a: {  	v62 =	vsub.f32 $1.000000000e+00, v52;
	v32 =	vsub.f32 $1.000000000e+00, v23;
	v40 =	vpop (erf);
	v5 =	vadd.s32 v7, v29  }
0x18b: {  	v17 =	vmovc v63;
	v63 =	vld [tilespmem:$0x1FFC0];
	v29 =	vmul.f32 v4, v16;
	v10 =	vmovc v27;
	v27 =	vsub.f32 $1.000000000e+00, v55;
	v5 =	vadd.s32 $0x4C98, v5  }
0x18c: {  	v59 =	vld [tilespmem:$0x1FFD0];
	v6 =	vmovc v31;
	v14 =	vmovc v40;
	v40 =	vsub.f32 $1.000000000e+00, v24;
	v41 =	vsel vm4, v54, v41;
	v42 =	vsel vm5, v56, v42  }
0x18d: {  	v12 =	vpop (erf);
	v19 =	vsel vm6, v57, v19;
	v30 =	vsel vm11, v30, v49;
	v31 =	vsel vm12, v62, v52  }
0x18e: {  	v23 =	vsel vm14, v32, v23;
	v43 =	vadd.f32 v12, v8;
	v41 =	vmul.f32 $1.024000000e+03, v41  }
0x18f: {  	v61 =	vsub.f32 $1.000000000e+00, v29;
	v42 =	vmul.f32 $1.024000000e+03, v42;
	v62 =	vmul.f32 $1.024000000e+03, v19  }
0x190: {  	v27 =	vsel vm13, v27, v55;
	v30 =	vmul.f32 $1.024000000e+03, v30;
	vm3 =	vnez.u8 v63  }
0x191: {  	v44 =	vpop (erf);
	v31 =	vmul.f32 $1.024000000e+03, v31;
	v35 =	vsel vm3, v47, v35;
	vm3 =	vnez.u8 v59;
	v59 =	vld [tilespmem:$0x1FFE0]  }
0x192: {  	v11 =	vpop (erf);
	v8 =	vmov v33;
	v33 =	vsub.f32 $1.000000000e+00, v48;
	v24 =	vsel vm2, v40, v24  }
0x193: {  	v15 =	vmovc v44;
	v44 =	vsub.f32 $1.000000000e+00, v25;
	v27 =	vmul.f32 $1.024000000e+03, v27;
	v24 =	vmul.f32 $1.024000000e+03, v24  }
0x194: {  	v13 =	vpop (erf);
	v29 =	vsel vm7, v61, v29;
	v41 =	vtrunc.f32 v41;
	v42 =	vtrunc.f32 v42  }
0x195: {  	v61 =	vsel vm8, v58, v45;
	v45 =	vtrunc.f32 v62;
	v16 =	vpop (erf);
	(erf) = vpow2.f32 v34  }
0x196: {  	v34 =	vsub.f32 $1.000000000e+00, v18;
	v37 =	vsel vm3, v50, v37;
	vm3 =	vnez.u8 v59  }
0x197: {  	v47 =	vsub.f32 $1.000000000e+00, v26;
	v29 =	vmul.f32 $1.024000000e+03, v29;
	v38 =	vsel vm3, v51, v60;
	v60 =	vld [tilespmem:$0x1FFF0]  }
0x198: {  	v7 =	vmovc v36;
	v33 =	vsel vm10, v33, v48;
	v36 =	vmul.f32 $1.024000000e+03, v61;
	v48 =	vmul.f32 $1.024000000e+03, v23  }
0x199: {  	v41 =	vcvt.f32.s32 v41;
	v42 =	vcvt.f32.s32 v42;
	v18 =	vsel vm15, v34, v18  }
0x19a: {  	v35 =	vmul.f32 $1.024000000e+03, v35;
	v34 =	vmul.f32 $1.024000000e+03, v18;
	v18 =	vsel vm1, v44, v25  }
0x19b: {  	v37 =	vmul.f32 $1.024000000e+03, v37;
	v25 =	vmul.f32 $1.024000000e+03, v18;
	v18 =	vsel vm0, v47, v26  }
0x19c: {  	v23 =	vtrunc.f32 v35;
	v26 =	vmul.f32 $1.024000000e+03, v18;
	vm3 =	vnez.u8 v60  }
0x19d: {  	v18 =	vtrunc.f32 v37;
	v38 =	vmul.f32 $1.024000000e+03, v38;
	v39 =	vsel vm3, v53, v39  }
0x19e: {  	vm9 =	veq.s32 v3, $0x9;
	v51 =	vcvt.f32.s32 v23;
	v39 =	vmul.f32 $1.024000000e+03, v39  }
0x19f: {  	v49 =	vand.u32 $0x7F, v22;
	[tilespmem:v5+s15+$0x0] =	vst.idx.add.f32.msk $0xffff, v1;
	v5 =	vmovc v28;
	v23 =	vcvt.f32.s32 v18;
	v50 =	vtrunc.f32 v38  }
0x1a0: {  	v28 =	vsub.f32 $1.000000000e+00, v46;
	v54 =	vld [tilespmem:s5+$0x8000];
	v19 =	vpop (erf);
	v37 =	vcvt.f32.s32 v50;
	v39 =	vtrunc.f32 v39  }
0x1a1: {  	v55 =	vld [tilespmem:s5+$0x7800];
	v22 =	vadd.f32 v19, v43;
	v53 =	vadd.s32 $0x408, v23;
	v39 =	vcvt.f32.s32 v39  }
0x1a2: {  	v45 =	vcvt.f32.s32 v45;
	v63 =	vmul.f32 $1.024000000e+03, v33;
	v18 =	vld [tilespmem:s22+$0x9800];
	v37 =	vadd.s32 $0x810, v37  }
0x1a3: {  	v28 =	vsel vm9, v28, v46;
	v43 =	vadd.f32 v16, v22;
	v22 =	vld [tilespmem:s5+$0x9000];
	v39 =	vadd.s32 $0xC18, v39  }
0x1a4: {  	v41 =	vadd.s32 $0x1020, v41;
	v29 =	vtrunc.f32 v29;
	v28 =	vmul.f32 $1.024000000e+03, v28;
	v23 =	vld [tilespmem:s5+$0x8800]  }
0x1a5: {  	v56 =	vadd.s32 $0x1428, v42;
	v36 =	vtrunc.f32 v36;
	v29 =	vcvt.f32.s32 v29;
	[tilespmem:v51+s15+$0x0] =	vst.idx.add.f32.msk $0xffff, v1  }
0x1a6: {  	v57 =	vadd.s32 $0x1830, v45;
	v36 =	vcvt.f32.s32 v36;
	v28 =	vtrunc.f32 v28;
	[tilespmem:v53+s15+$0x0] =	vst.idx.add.f32.msk $0xffff, v1  }
0x1a7: {  	v32 =	vtrunc.f32 v63;
	v29 =	vadd.s32 $0x1C38, v29;
	v28 =	vcvt.f32.s32 v28;
	[tilespmem:v37+s15+$0x0] =	vst.idx.add.f32.msk $0xffff, v1  }
0x1a8: {  	v30 =	vtrunc.f32 v30;
	v32 =	vcvt.f32.s32 v32;
	v36 =	vadd.s32 $0x2040, v36;
	[tilespmem:v39+s15+$0x0] =	vst.idx.add.f32.msk $0xffff, v1  }
0x1a9: {  	v31 =	vtrunc.f32 v31;
	v30 =	vcvt.f32.s32 v30;
	v28 =	vadd.s32 $0x2448, v28;
	[tilespmem:v41+s15+$0x0] =	vst.idx.add.f32.msk $0xffff, v1  }
0x1aa: {  	v31 =	vcvt.f32.s32 v31;
	v27 =	vtrunc.f32 v27;
	v32 =	vadd.s32 $0x2850, v32;
	[tilespmem:v56+s15+$0x0] =	vst.idx.add.f32.msk $0xffff, v1  }
0x1ab: {  	v27 =	vcvt.f32.s32 v27;
	v30 =	vadd.s32 $0x2C58, v30;
	v33 =	vtrunc.f32 v48;
	[tilespmem:v57+s15+$0x0] =	vst.idx.add.f32.msk $0xffff, v1  }
0x1ac: {  	v58 =	vcvt.f32.s32 v33;
	v59 =	vtrunc.f32 v34;
	[tilespmem:v29+s15+$0x0] =	vst.idx.add.f32.msk $0xffff, v1;
	v29 =	vadd.s32 $0x3060, v31  }
0x1ad: {  	v20 =	vbroadcast v20, $0x0;
	v27 =	vadd.s32 $0x3468, v27;
	v33 =	vcvt.f32.s32 v59;
	[tilespmem:v36+s15+$0x0] =	vst.idx.add.f32.msk $0xffff, v1  }
0x1ae: {  	v52 =	vshll.u32 v3, $0xB;
	v24 =	vtrunc.f32 v24;
	[tilespmem:v28+s15+$0x0] =	vst.idx.add.f32.msk $0xffff, v1;
	v28 =	vadd.s32 $0x3870, v58  }
0x1af: {  	p0 =	sne.s32 s17, $0x7F;
	v20 =	vor.u32 v20, v52;
	v24 =	vcvt.f32.s32 v24;
	v60 =	vadd.s32 $0x3C78, v33;
	[tilespmem:v32+s15+$0x0] =	vst.idx.add.f32.msk $0xffff, v1  }
.Ltmp1:
0x1b0: {  	v25 =	vtrunc.f32 v25;
	v26 =	vtrunc.f32 v26;
	v62 =	vadd.f32 v13, v43;
	[tilespmem:v30+s15+$0x0] =	vst.idx.add.f32.msk $0xffff, v1;
	(pc) =	sbr.rel @p0 .LBB2_6-.Ltmp1, $4  }
0x1b1: {  	v20 =	vor.u32 v49, v20;
	v61 =	vcvt.f32.s32 v25;
	v26 =	vcvt.f32.s32 v26;
	[tilespmem:v29+s15+$0x0] =	vst.idx.add.f32.msk $0xffff, v1  }
0x1b2: {  	v25 =	vadd.s32 $0x4080, v24;
	v63 =	vmul.f32 $1.442695020e+00, v55;
	v29 =	vadd.f32 v11, v62;
	[tilespmem:v27+s15+$0x0] =	vst.idx.add.f32.msk $0xffff, v1  }
0x1b3: {  	v24 =	vadd.s32 $0x4488, v61;
	(erf) = vpow2.f32 v21;
	v21 =	vadd.s32 $0x4890, v26;
	[tilespmem:v28+s15+$0x0] =	vst.idx.add.f32.msk $0xffff, v1  }
0x1b4: {  	s17 =	sadd.s32 $0x1, s17;
	s23 =	sand.u32 $0x1F0, s12;
	v26 =	vmul.f32 $1.442695020e+00, v54;
	(erf) = vpow2.f32 v63;
	v27 =	vadd.f32 v15, v29;
	[tilespmem:v60+s15+$0x0] =	vst.idx.add.f32.msk $0xffff, v1  }
0x1b5: {  	_ =	sdelay $0x1  }
0x1b6: {  	v23 =	vmul.f32 $1.442695020e+00, v23;
	v27 =	vadd.f32 v14, v27;
	(erf) = vpow2.f32 v26;
	_ =	sdelay $0x1  }
0x1b7: {  	v22 =	vmul.f32 $1.442695020e+00, v22;
	(erf) = vpow2.f32 v23;
	v34 =	vadd.f32 v10, v27;
	_ =	sdelay $0x1  }
0x1b8: {  	(erf) = vpow2.f32 v22;
	v35 =	vadd.f32 v9, v34  }
0x1b9: {  	[tilespmem:v25+s15+$0x0] =	vst.idx.add.f32.msk $0xffff, v1;
	v36 =	vpop (erf)  }
0x1ba: {  	[tilespmem:v24+s15+$0x0] =	vst.idx.add.f32.msk $0xffff, v1;
	v23 =	vadd.f32 v36, v35  }
0x1bb: {  	[tilespmem:v21+s15+$0x0] =	vst.idx.add.f32.msk $0xffff, v1;
	v37 =	vpop (erf)  }
0x1bc: {  	v20 =	vld.idx.msk [tilespmem:v20+s4+$0x0], $0xffff;
	v38 =	vadd.f32 v37, v23  }
0x1bd: {  	v39 =	vpop (erf)  }
0x1be: {  	v21 =	vadd.f32 v39, v38  }
0x1bf: {  	v40 =	vpop (erf)  }
0x1c0: {  	v21 =	vadd.f32 v40, v21  }
0x1c1: {  	v20 =	vmul.f32 $1.442695020e+00, v20;
	v41 =	vpop (erf)  }
0x1c2: {  	v21 =	vadd.f32 v41, v21  }
0x1c3: {  	(erf) = vpow2.f32 v20  }
0x1c4: {  	(erf) = vrcp.f32 v21;
	_ =	sdelay $0x5  }
0x1c5: {  	vm0 =	veq.s32 v18, $0x0  }
0x1c6: {  	vm1 =	veq.s32 v18, $0x1;
	vm11 =	veq.s32 v18, $0x2;
	vm12 =	veq.s32 v18, $0x3  }
0x1c7: {  	vm13 =	veq.s32 v18, $0x4;
	vm14 =	veq.s32 v18, $0x5;
	vm15 =	veq.s32 v18, $0x6;
	v21 =	vpop (erf)  }
0x1c8: {  	vm4 =	veq.s32 v18, $0x7;
	vm5 =	veq.s32 v18, $0x8;
	vm6 =	veq.s32 v18, $0x9;
	v20 =	vpop (erf)  }
0x1c9: {  	vm7 =	veq.s32 v18, $0xA;
	v7 =	vmul.f32 v20, v7;
	v8 =	vmul.f32 v20, v8  }
0x1ca: {  	vm8 =	veq.s32 v18, $0xB;
	v5 =	vmul.f32 v20, v5;
	v6 =	vmul.f32 v20, v6  }
0x1cb: {  	vm9 =	veq.s32 v18, $0xC;
	v17 =	vmul.f32 v20, v17;
	v12 =	vmul.f32 v20, v12  }
0x1cc: {  	vm10 =	veq.s32 v18, $0xD;
	v19 =	vmul.f32 v20, v19;
	v16 =	vmul.f32 v20, v16  }
0x1cd: {  	v62 =	vmov s16;
	v13 =	vmul.f32 v20, v13;
	v11 =	vmul.f32 v20, v11  }
0x1ce: {  	v15 =	vmul.f32 v20, v15;
	v49 =	vmul.f32 v20, v14;
	v42 =	vsub.f32 $1.000000000e+00, v7  }
0x1cf: {  	v52 =	vmul.f32 v20, v10;
	v28 =	vsub.f32 $1.000000000e+00, v8;
	v43 =	vsub.f32 $1.000000000e+00, v5  }
0x1d0: {  	v54 =	vmul.f32 v20, v9;
	v44 =	vsub.f32 $1.000000000e+00, v6;
	v45 =	vsub.f32 $1.000000000e+00, v17  }
0x1d1: {  	v22 =	vmul.f32 v20, v36;
	v29 =	vsub.f32 $1.000000000e+00, v12;
	v46 =	vsub.f32 $1.000000000e+00, v19  }
0x1d2: {  	v24 =	vmul.f32 v20, v37;
	v47 =	vsub.f32 $1.000000000e+00, v16;
	v48 =	vsub.f32 $1.000000000e+00, v13  }
0x1d3: {  	v23 =	vmul.f32 v20, v39;
	v50 =	vsub.f32 $1.000000000e+00, v11;
	v51 =	vsub.f32 $1.000000000e+00, v15  }
0x1d4: {  	v25 =	vmul.f32 v20, v40;
	v53 =	vsub.f32 $1.000000000e+00, v49;
	v55 =	vsub.f32 $1.000000000e+00, v52  }
0x1d5: {  	v26 =	vmul.f32 v20, v41;
	v56 =	vsub.f32 $1.000000000e+00, v54;
	v57 =	vsub.f32 $1.000000000e+00, v22  }
0x1d6: {  	v63 =	vmov s23;
	v58 =	vsub.f32 $1.000000000e+00, v24;
	v59 =	vsub.f32 $1.000000000e+00, v23  }
0x1d7: {  	v27 =	vshll.u32 v62, $0x7;
	v60 =	vsub.f32 $1.000000000e+00, v25;
	v61 =	vsub.f32 $1.000000000e+00, v26  }
0x1d8: {  	v7 =	vsel vm0, v42, v7;
	v8 =	vsel vm1, v28, v8;
	v5 =	vsel vm11, v43, v5  }
0x1d9: {  	v6 =	vsel vm12, v44, v6;
	v17 =	vsel vm13, v45, v17;
	v12 =	vsel vm14, v29, v12  }
0x1da: {  	v19 =	vsel vm15, v46, v19;
	v16 =	vsel vm4, v47, v16;
	v13 =	vsel vm5, v48, v13  }
0x1db: {  	v11 =	vsel vm6, v50, v11;
	v15 =	vsel vm7, v51, v15;
	v14 =	vsel vm8, v53, v49  }
0x1dc: {  	v10 =	vsel vm9, v55, v52;
	vm11 =	veq.s32 v18, $0xE;
	v9 =	vsel vm10, v56, v54  }
0x1dd: {  	vm12 =	veq.s32 v18, $0xF;
	v7 =	vmul.f32 $1.024000000e+03, v7;
	v8 =	vmul.f32 $1.024000000e+03, v8  }
0x1de: {  	vm13 =	veq.s32 v18, $0x10;
	v5 =	vmul.f32 $1.024000000e+03, v5;
	v6 =	vmul.f32 $1.024000000e+03, v6  }
0x1df: {  	vm14 =	veq.s32 v18, $0x11;
	v17 =	vmul.f32 $1.024000000e+03, v17;
	v12 =	vmul.f32 $1.024000000e+03, v12  }
0x1e0: {  	vm15 =	veq.s32 v18, $0x12;
	v19 =	vmul.f32 $1.024000000e+03, v19;
	v16 =	vmul.f32 $1.024000000e+03, v16  }
0x1e1: {  	v22 =	vsel vm11, v57, v22;
	v13 =	vmul.f32 $1.024000000e+03, v13;
	v11 =	vmul.f32 $1.024000000e+03, v11  }
0x1e2: {  	v24 =	vsel vm12, v58, v24;
	v15 =	vmul.f32 $1.024000000e+03, v15;
	v14 =	vmul.f32 $1.024000000e+03, v14  }
0x1e3: {  	v23 =	vsel vm13, v59, v23;
	v10 =	vmul.f32 $1.024000000e+03, v10;
	v9 =	vmul.f32 $1.024000000e+03, v9  }
0x1e4: {  	v25 =	vsel vm14, v60, v25;
	v22 =	vmul.f32 $1.024000000e+03, v22;
	v24 =	vmul.f32 $1.024000000e+03, v24  }
0x1e5: {  	v26 =	vsel vm15, v61, v26;
	v23 =	vmul.f32 $1.024000000e+03, v23;
	v25 =	vmul.f32 $1.024000000e+03, v25  }
0x1e6: {  	v27 =	vand.u32 $0x180, v27;
	v26 =	vmul.f32 $1.024000000e+03, v26;
	v7 =	vtrunc.f32 v7  }
0x1e7: {  	v28 =	vshll.u32 v63, $0x2;
	v8 =	vtrunc.f32 v8;
	v5 =	vtrunc.f32 v5  }
0x1e8: {  	v28 =	vand.u32 $0x600, v28;
	v7 =	vcvt.f32.s32 v7;
	v8 =	vcvt.f32.s32 v8  }
0x1e9: {  	v27 =	vor.u32 v27, v28;
	v6 =	vtrunc.f32 v6;
	v5 =	vcvt.f32.s32 v5  }
0x1ea: {  	v17 =	vtrunc.f32 v17;
	v6 =	vcvt.f32.s32 v6;
	v8 =	vadd.s32 $0x408, v8  }
0x1eb: {  	v12 =	vtrunc.f32 v12;
	v17 =	vcvt.f32.s32 v17;
	v5 =	vadd.s32 $0x810, v5  }
0x1ec: {  	v19 =	vtrunc.f32 v19;
	v12 =	vcvt.f32.s32 v12;
	v6 =	vadd.s32 $0xC18, v6  }
0x1ed: {  	v16 =	vtrunc.f32 v16;
	v19 =	vcvt.f32.s32 v19;
	v17 =	vadd.s32 $0x1020, v17  }
0x1ee: {  	v13 =	vtrunc.f32 v13;
	v33 =	vcvt.f32.s32 v16;
	v32 =	vadd.s32 $0x1428, v12;
	[tilespmem:v7+s15+$0x0] =	vst.idx.add.f32.msk $0xffff, v1  }
0x1ef: {  	v11 =	vtrunc.f32 v11;
	v13 =	vcvt.f32.s32 v13;
	v34 =	vadd.s32 $0x1830, v19;
	[tilespmem:v8+s15+$0x0] =	vst.idx.add.f32.msk $0xffff, v1  }
0x1f0: {  	v36 =	vtrunc.f32 v15;
	v11 =	vcvt.f32.s32 v11;
	v35 =	vadd.s32 $0x1C38, v33;
	[tilespmem:v5+s15+$0x0] =	vst.idx.add.f32.msk $0xffff, v1  }
0x1f1: {  	v38 =	vtrunc.f32 v14;
	v37 =	vadd.s32 $0x2040, v13;
	v12 =	vcvt.f32.s32 v36;
	[tilespmem:v6+s15+$0x0] =	vst.idx.add.f32.msk $0xffff, v1  }
0x1f2: {  	v10 =	vtrunc.f32 v10;
	v11 =	vadd.s32 $0x2448, v11;
	v13 =	vcvt.f32.s32 v38;
	[tilespmem:v17+s15+$0x0] =	vst.idx.add.f32.msk $0xffff, v1  }
0x1f3: {  	v9 =	vtrunc.f32 v9;
	v10 =	vcvt.f32.s32 v10;
	v39 =	vadd.s32 $0x2850, v12;
	[tilespmem:v32+s15+$0x0] =	vst.idx.add.f32.msk $0xffff, v1  }
0x1f4: {  	v9 =	vcvt.f32.s32 v9;
	v41 =	vtrunc.f32 v22;
	v40 =	vadd.s32 $0x2C58, v13;
	[tilespmem:v34+s15+$0x0] =	vst.idx.add.f32.msk $0xffff, v1  }
0x1f5: {  	v44 =	vtrunc.f32 v24;
	v43 =	vcvt.f32.s32 v41;
	v42 =	vadd.s32 $0x3060, v10;
	[tilespmem:v35+s15+$0x0] =	vst.idx.add.f32.msk $0xffff, v1  }
0x1f6: {  	v47 =	vtrunc.f32 v23;
	v46 =	vcvt.f32.s32 v44;
	v45 =	vadd.s32 $0x3468, v9;
	[tilespmem:v37+s15+$0x0] =	vst.idx.add.f32.msk $0xffff, v1  }
0x1f7: {  	v49 =	vtrunc.f32 v25;
	v48 =	vcvt.f32.s32 v47;
	v10 =	vadd.s32 $0x3870, v43;
	[tilespmem:v11+s15+$0x0] =	vst.idx.add.f32.msk $0xffff, v1  }
0x1f8: {  	v52 =	vtrunc.f32 v26;
	v51 =	vcvt.f32.s32 v49;
	v50 =	vadd.s32 $0x3C78, v46;
	[tilespmem:v39+s15+$0x0] =	vst.idx.add.f32.msk $0xffff, v1  }
0x1f9: {  	v53 =	vbroadcast v27, $0x0;
	v55 =	vcvt.f32.s32 v52;
	v54 =	vadd.s32 $0x4080, v48;
	[tilespmem:v40+s15+$0x0] =	vst.idx.add.f32.msk $0xffff, v1  }
0x1fa: {  	v56 =	vor.u32 s23, v2;
	v57 =	vshll.u32 v18, $0xB;
	v58 =	vadd.s32 $0x4488, v51;
	[tilespmem:v42+s15+$0x0] =	vst.idx.add.f32.msk $0xffff, v1  }
0x1fb: {  	v59 =	vand.u32 $0x7F, v56;
	v60 =	vor.u32 v53, v57;
	v61 =	vadd.s32 $0x4890, v55;
	[tilespmem:v45+s15+$0x0] =	vst.idx.add.f32.msk $0xffff, v1  }
0x1fc: {  	v9 =	vor.u32 v59, v60;
	[tilespmem:v10+s15+$0x0] =	vst.idx.add.f32.msk $0xffff, v1  }
0x1fd: {  	[tilespmem:v50+s15+$0x0] =	vst.idx.add.f32.msk $0xffff, v1  }
0x1fe: {  	[tilespmem:v54+s15+$0x0] =	vst.idx.add.f32.msk $0xffff, v1  }
0x1ff: {  	[tilespmem:v58+s15+$0x0] =	vst.idx.add.f32.msk $0xffff, v1  }
0x200: {  	[tilespmem:v61+s15+$0x0] =	vst.idx.add.f32.msk $0xffff, v1  }
0x201: {  	v5 =	vld.idx.msk [tilespmem:v9+s4+$0x0], $0xffff;
	_ =	sdelay $0x4  }
0x202: {  	v5 =	vmul.f32 $1.442695020e+00, v5;
	_ =	sdelay $0x1  }
0x203: {  	(erf) = vpow2.f32 v5;
	_ =	sdelay $0x8  }
0x204: {  	v4 =	vmul.f32 v21, v4;
	v5 =	vpop (erf)  }
0x205: {  	v5 =	vmul.f32 v5, v20  }
0x206: {  	v4 =	vsub.f32 $1.000000000e+00, v4  }
0x207: {  	v5 =	vsub.f32 $1.000000000e+00, v5  }
0x208: {  	v4 =	vmul.f32 $1.024000000e+03, v4  }
0x209: {  	v5 =	vmul.f32 $1.024000000e+03, v5  }
0x20a: {  	v4 =	vtrunc.f32 v4  }
0x20b: {  	v3 =	vmul.u32 $0x408, v3;
	v4 =	vcvt.f32.s32 v4;
	v5 =	vtrunc.f32 v5  }
0x20c: {  	v62 =	vmul.u32 $0x408, v18;
	v5 =	vcvt.f32.s32 v5  }
0x20d: {  	v3 =	vadd.s32 v4, v3  }
0x20e: {  	v3 =	vadd.s32 $0x4C98, v3;
	v63 =	vadd.s32 v5, v62  }
0x20f: {  	p0 =	seq.s32 s7, $0xF;
	v4 =	vadd.s32 $0x4C98, v63  }
.Ltmp2:
0x210: {  	_ = 	snop;
	(pc) =	sbr.rel @p0 .LBB2_9-.Ltmp2, $3  }
0x211: {  	_ =	sdelay $0x1  }
0x212: {  	[tilespmem:v3+s15+$0x0] =	vst.idx.add.f32.msk $0xffff, v1  }
0x213: {  	[tilespmem:v4+s15+$0x0] =	vst.idx.add.f32.msk $0xffff, v1  }
0x214: {  	s5 =	sadd.s32 $0x2, s10  }
0x215: {  	s10 =	sshrl.u32 s5, $0x7  }
0x216: {  	s5 =	sshll.u32 s5, $0xB;
	s12 =	smul.u32 $0x4C0000, s10  }
0x217: {  	s11 =	sand.u32 $0x3F000, s5  }
0x218: {  	s12 =	sor.u32 s11, s12  }
0x219: {  	s18 =	sshrl.u32 s12, $0x3  }
0x21a: {  	s22 =	sadd.s32 $0x40000, s12;
	s5 =	sadd.s32 s1, s18  }
0x21b: {  	[tilespmem:s4], [sflag:$0x1] =	stream.strided.gather [hbm4b:s5+s28], $0x800, s2, s28, $0x38;
	[tilespmem:$0x1D980] =	vst v63  }
0x21c: {  	s5 =	sshrl.u32 s22, $0x3  }
0x21d: {  	s16 =	simm.s32 $0x800;
	s23 =	sadd.s32 $0x80000, s12;
	s5 =	sadd.s32 s1, s5  }
0x21e: {  	[tilespmem:s16], [sflag:$0x1] =	stream.strided.gather [hbm4b:s5+s28], $0x800, s2, s28, $0x38;
	[tilespmem:$0x1D980] =	vst v63  }
0x21f: {  	s5 =	sshrl.u32 s23, $0x3  }
0x220: {  	s24 =	simm.s32 $0x1000;
	s16 =	sadd.s32 $0xC0000, s12;
	s5 =	sadd.s32 s1, s5  }
0x221: {  	[tilespmem:s24], [sflag:$0x1] =	stream.strided.gather [hbm4b:s5+s28], $0x800, s2, s28, $0x38;
	[tilespmem:$0x1D980] =	vst v63  }
0x222: {  	s5 =	sshrl.u32 s16, $0x3  }
0x223: {  	s17 =	simm.s32 $0x1800;
	s18 =	sadd.s32 $0x100000, s12;
	s5 =	sadd.s32 s1, s5  }
0x224: {  	[tilespmem:s17], [sflag:$0x1] =	stream.strided.gather [hbm4b:s5+s28], $0x800, s2, s28, $0x38;
	[tilespmem:$0x1D980] =	vst v63  }
0x225: {  	s5 =	sshrl.u32 s18, $0x3  }
0x226: {  	s22 =	simm.s32 $0x2000;
	s23 =	sadd.s32 $0x140000, s12;
	s5 =	sadd.s32 s1, s5  }
0x227: {  	[tilespmem:s22], [sflag:$0x1] =	stream.strided.gather [hbm4b:s5+s28], $0x800, s2, s28, $0x38;
	[tilespmem:$0x1D980] =	vst v63  }
0x228: {  	s5 =	sshrl.u32 s23, $0x3  }
0x229: {  	s24 =	simm.s32 $0x2800;
	s16 =	sadd.s32 $0x180000, s12;
	s5 =	sadd.s32 s1, s5  }
0x22a: {  	[tilespmem:s24], [sflag:$0x1] =	stream.strided.gather [hbm4b:s5+s28], $0x800, s2, s28, $0x38;
	[tilespmem:$0x1D980] =	vst v63  }
0x22b: {  	s5 =	sshrl.u32 s16, $0x3  }
0x22c: {  	s17 =	simm.s32 $0x3000;
	s18 =	sadd.s32 $0x1C0000, s12;
	s5 =	sadd.s32 s1, s5  }
0x22d: {  	[tilespmem:s17], [sflag:$0x1] =	stream.strided.gather [hbm4b:s5+s28], $0x800, s2, s28, $0x38;
	[tilespmem:$0x1D980] =	vst v63  }
0x22e: {  	s5 =	sshrl.u32 s18, $0x3  }
0x22f: {  	s22 =	simm.s32 $0x3800;
	s23 =	sadd.s32 $0x200000, s12;
	s5 =	sadd.s32 s1, s5  }
0x230: {  	[tilespmem:s22], [sflag:$0x1] =	stream.strided.gather [hbm4b:s5+s28], $0x800, s2, s28, $0x38;
	[tilespmem:$0x1D980] =	vst v63  }
0x231: {  	s5 =	sshrl.u32 s23, $0x3  }
0x232: {  	s24 =	simm.s32 $0x4000;
	s16 =	sadd.s32 $0x240000, s12;
	s5 =	sadd.s32 s1, s5  }
0x233: {  	[tilespmem:s24], [sflag:$0x1] =	stream.strided.gather [hbm4b:s5+s28], $0x800, s2, s28, $0x38;
	[tilespmem:$0x1D980] =	vst v63  }
0x234: {  	s5 =	sshrl.u32 s16, $0x3  }
0x235: {  	s17 =	simm.s32 $0x4800;
	s18 =	sadd.s32 $0x280000, s12;
	s5 =	sadd.s32 s1, s5  }
0x236: {  	[tilespmem:s17], [sflag:$0x1] =	stream.strided.gather [hbm4b:s5+s28], $0x800, s2, s28, $0x38;
	[tilespmem:$0x1D980] =	vst v63  }
0x237: {  	s5 =	sshrl.u32 s18, $0x3  }
0x238: {  	s22 =	simm.s32 $0x5000;
	s23 =	sadd.s32 $0x2C0000, s12;
	s5 =	sadd.s32 s1, s5  }
0x239: {  	[tilespmem:s22], [sflag:$0x1] =	stream.strided.gather [hbm4b:s5+s28], $0x800, s2, s28, $0x38;
	[tilespmem:$0x1D980] =	vst v63  }
0x23a: {  	s5 =	sshrl.u32 s23, $0x3  }
0x23b: {  	s24 =	simm.s32 $0x5800;
	s16 =	sadd.s32 $0x300000, s12;
	s5 =	sadd.s32 s1, s5  }
0x23c: {  	[tilespmem:s24], [sflag:$0x1] =	stream.strided.gather [hbm4b:s5+s28], $0x800, s2, s28, $0x38;
	[tilespmem:$0x1D980] =	vst v63  }
0x23d: {  	s5 =	sshrl.u32 s16, $0x3  }
0x23e: {  	s17 =	simm.s32 $0x6000;
	s18 =	sadd.s32 $0x340000, s12;
	s5 =	sadd.s32 s1, s5  }
0x23f: {  	[tilespmem:s17], [sflag:$0x1] =	stream.strided.gather [hbm4b:s5+s28], $0x800, s2, s28, $0x38;
	[tilespmem:$0x1D980] =	vst v63  }
0x240: {  	s5 =	sshrl.u32 s18, $0x3  }
0x241: {  	s22 =	simm.s32 $0x6800;
	s23 =	sadd.s32 $0x380000, s12;
	s5 =	sadd.s32 s1, s5  }
0x242: {  	[tilespmem:s22], [sflag:$0x1] =	stream.strided.gather [hbm4b:s5+s28], $0x800, s2, s28, $0x38;
	[tilespmem:$0x1D980] =	vst v63  }
0x243: {  	s5 =	sshrl.u32 s23, $0x3  }
0x244: {  	s24 =	simm.s32 $0x7000;
	s16 =	sadd.s32 $0x3C0000, s12;
	s5 =	sadd.s32 s1, s5  }
0x245: {  	[tilespmem:s24], [sflag:$0x1] =	stream.strided.gather [hbm4b:s5+s28], $0x800, s2, s28, $0x38;
	[tilespmem:$0x1D980] =	vst v63  }
0x246: {  	s5 =	sshrl.u32 s16, $0x3  }
0x247: {  	s17 =	simm.s32 $0x7800;
	s18 =	sadd.s32 $0x400000, s12;
	s5 =	sadd.s32 s1, s5  }
0x248: {  	[tilespmem:s17], [sflag:$0x1] =	stream.strided.gather [hbm4b:s5+s28], $0x800, s2, s28, $0x38;
	[tilespmem:$0x1D980] =	vst v63  }
0x249: {  	s5 =	sshrl.u32 s18, $0x3  }
0x24a: {  	s22 =	simm.s32 $0x8000;
	s23 =	sadd.s32 $0x440000, s12;
	s5 =	sadd.s32 s1, s5  }
0x24b: {  	[tilespmem:s22], [sflag:$0x1] =	stream.strided.gather [hbm4b:s5+s28], $0x800, s2, s28, $0x38;
	[tilespmem:$0x1D980] =	vst v63  }
0x24c: {  	s5 =	sshrl.u32 s23, $0x3  }
0x24d: {  	s24 =	simm.s32 $0x8800;
	s17 =	sadd.s32 $0x480000, s12;
	s5 =	sadd.s32 s1, s5  }
0x24e: {  	[tilespmem:s24], [sflag:$0x1] =	stream.strided.gather [hbm4b:s5+s28], $0x800, s2, s28, $0x38;
	[tilespmem:$0x1D980] =	vst v63  }
0x24f: {  	s5 =	sshrl.u32 s17, $0x3  }
0x250: {  	s18 =	simm.s32 $0x9000;
	s22 =	sshll.u32 s10, $0x12;
	s5 =	sadd.s32 s1, s5  }
0x251: {  	[tilespmem:s18], [sflag:$0x1] =	stream.strided.gather [hbm4b:s5+s28], $0x800, s2, s28, $0x38;
	[tilespmem:$0x1D980] =	vst v63  }
0x252: {  	s5 =	sor.u32 s11, s22  }
0x253: {  	s23 =	rddreg [dreg:$0x1];
	s5 =	sshrl.u32 s5, $0x3  }
0x254: {  	s24 =	simm.s32 $0x9800;
	s5 =	sadd.s32 s23, s5  }
0x255: {  	[tilespmem:s24], [sflag:$0x1] =	stream.strided.gather [hbm4b:s5+s28], $0x800, s2, s28, $0x38;
	[tilespmem:$0x1D980] =	vst v63  }
.LBB2_9:
0x256: {  	_ =	swait.ge [sflag:s0], $0x800  }
0x257: {  	[sflag:s0] =	ssyncset.done $0x0  }
0x258: {  	[sflag:s0] =	ssyncadd.s32 $0xFFFFF800  }
0x259: {  	_ =	swait.ge [sflag:s0], $0x800  }
0x25a: {  	[sflag:s0] =	ssyncset.done $0x0  }
0x25b: {  	[sflag:s0] =	ssyncadd.s32 $0xFFFFF800  }
0x25c: {  	_ =	swait.ge [sflag:s0], $0x800  }
0x25d: {  	[sflag:s0] =	ssyncset.done $0x0  }
0x25e: {  	[sflag:s0] =	ssyncadd.s32 $0xFFFFF800  }
0x25f: {  	_ =	swait.ge [sflag:s0], $0x800  }
0x260: {  	[sflag:s0] =	ssyncset.done $0x0  }
0x261: {  	[sflag:s0] =	ssyncadd.s32 $0xFFFFF800  }
0x262: {  	_ =	swait.ge [sflag:s0], $0x800  }
0x263: {  	[sflag:s0] =	ssyncset.done $0x0  }
0x264: {  	[sflag:s0] =	ssyncadd.s32 $0xFFFFF800  }
0x265: {  	_ =	swait.ge [sflag:s0], $0x800  }
0x266: {  	[sflag:s0] =	ssyncset.done $0x0  }
0x267: {  	[sflag:s0] =	ssyncadd.s32 $0xFFFFF800  }
0x268: {  	_ =	swait.ge [sflag:s0], $0x800  }
0x269: {  	[sflag:s0] =	ssyncset.done $0x0  }
0x26a: {  	[sflag:s0] =	ssyncadd.s32 $0xFFFFF800  }
0x26b: {  	_ =	swait.ge [sflag:s0], $0x800  }
0x26c: {  	[sflag:s0] =	ssyncset.done $0x0  }
0x26d: {  	[sflag:s0] =	ssyncadd.s32 $0xFFFFF800  }
0x26e: {  	_ =	swait.ge [sflag:s0], $0x800  }
0x26f: {  	[sflag:s0] =	ssyncset.done $0x0  }
0x270: {  	[sflag:s0] =	ssyncadd.s32 $0xFFFFF800  }
0x271: {  	_ =	swait.ge [sflag:s0], $0x800  }
0x272: {  	[sflag:s0] =	ssyncset.done $0x0  }
0x273: {  	[sflag:s0] =	ssyncadd.s32 $0xFFFFF800  }
0x274: {  	_ =	swait.ge [sflag:s0], $0x800  }
0x275: {  	[sflag:s0] =	ssyncset.done $0x0  }
0x276: {  	[sflag:s0] =	ssyncadd.s32 $0xFFFFF800  }
0x277: {  	_ =	swait.ge [sflag:s0], $0x800  }
0x278: {  	[sflag:s0] =	ssyncset.done $0x0  }
0x279: {  	[sflag:s0] =	ssyncadd.s32 $0xFFFFF800  }
0x27a: {  	_ =	swait.ge [sflag:s0], $0x800  }
0x27b: {  	[sflag:s0] =	ssyncset.done $0x0  }
0x27c: {  	[sflag:s0] =	ssyncadd.s32 $0xFFFFF800  }
0x27d: {  	_ =	swait.ge [sflag:s0], $0x800  }
0x27e: {  	[sflag:s0] =	ssyncset.done $0x0  }
0x27f: {  	[sflag:s0] =	ssyncadd.s32 $0xFFFFF800  }
0x280: {  	_ =	swait.ge [sflag:s0], $0x800  }
0x281: {  	[sflag:s0] =	ssyncset.done $0x0  }
0x282: {  	[sflag:s0] =	ssyncadd.s32 $0xFFFFF800  }
0x283: {  	_ =	swait.ge [sflag:s0], $0x800  }
0x284: {  	[sflag:s0] =	ssyncset.done $0x0  }
0x285: {  	[sflag:s0] =	ssyncadd.s32 $0xFFFFF800  }
0x286: {  	_ =	swait.ge [sflag:s0], $0x800  }
0x287: {  	[sflag:s0] =	ssyncset.done $0x0  }
0x288: {  	[sflag:s0] =	ssyncadd.s32 $0xFFFFF800  }
0x289: {  	_ =	swait.ge [sflag:s0], $0x800  }
0x28a: {  	[sflag:s0] =	ssyncset.done $0x0  }
0x28b: {  	[sflag:s0] =	ssyncadd.s32 $0xFFFFF800  }
0x28c: {  	_ =	swait.ge [sflag:s0], $0x800  }
0x28d: {  	[sflag:s0] =	ssyncset.done $0x0  }
0x28e: {  	s17 =	simm.s32 $0x0;
	[sflag:s0] =	ssyncadd.s32 $0xFFFFF800  }
0x28f: {  	s10 =	simm.s32 $0x0;
	s5 =	sand.u32 $0x600, s17;
	_ =	swait.ge [sflag:s0], $0x800  }
0x290: {  	s11 =	sand.u32 $0x70, s17;
	s10 =	sor.u32 s10, s5;
	[sflag:s0] =	ssyncset.done $0x0  }
0x291: {  	s5 =	sadd.s32 $0x0, s5;
	s18 =	sor.u32 s11, s10;
	[sflag:s0] =	ssyncadd.s32 $0xFFFFF800  }
0x292: {  	s12 =	sor.u32 s11, s5;
	v3 =	vld [tilespmem:s18+$0xA000]  }
0x293: {  	v4 =	vld [tilespmem:s12+$0xA800]  }
0x294: {  	v5 =	vld [tilespmem:s12+$0xB000]  }
0x295: {  	v6 =	vld [tilespmem:s12+$0xB800]  }
0x296: {  	v7 =	vld [tilespmem:s12+$0x10800]  }
0x297: {  	v8 =	vld [tilespmem:s12+$0xC000];
	v3 =	vmul.f32 $1.442695020e+00, v3  }
0x298: {  	v9 =	vld [tilespmem:s12+$0x10000];
	v4 =	vmul.f32 $1.442695020e+00, v4  }
0x299: {  	v10 =	vld [tilespmem:s12+$0xF800];
	(erf) = vpow2.f32 v3;
	v3 =	vmul.f32 $1.442695020e+00, v5  }
0x29a: {  	v5 =	vld [tilespmem:s12+$0xC800];
	(erf) = vpow2.f32 v4;
	v4 =	vmul.f32 $1.442695020e+00, v6  }
0x29b: {  	v7 =	vmul.f32 $1.442695020e+00, v7;
	v6 =	vld [tilespmem:s12+$0xF000];
	(erf) = vpow2.f32 v3  }
0x29c: {  	v3 =	vld [tilespmem:s12+$0xE800];
	(erf) = vpow2.f32 v4;
	v4 =	vmul.f32 $1.442695020e+00, v8  }
0x29d: {  	v8 =	vmul.f32 $1.442695020e+00, v9;
	v9 =	vld [tilespmem:s12+$0xE000];
	(erf) = vpow2.f32 v7  }
0x29e: {  	v7 =	vmul.f32 $1.442695020e+00, v10;
	v10 =	vld [tilespmem:s12+$0xD800];
	(erf) = vpow2.f32 v4  }
0x29f: {  	v4 =	vmul.f32 $1.442695020e+00, v5;
	v5 =	vld [tilespmem:s12+$0xD000];
	(erf) = vpow2.f32 v8  }
0x2a0: {  	v6 =	vmul.f32 $1.442695020e+00, v6;
	(erf) = vpow2.f32 v7  }
0x2a1: {  	v3 =	vmul.f32 $1.442695020e+00, v3;
	(erf) = vpow2.f32 v4  }
0x2a2: {  	v4 =	vmul.f32 $1.442695020e+00, v9;
	v12 =	vpop (erf);
	(erf) = vpow2.f32 v6  }
0x2a3: {  	v6 =	vmul.f32 $1.442695020e+00, v10;
	v13 =	vpop (erf);
	(erf) = vpow2.f32 v3  }
0x2a4: {  	v3 =	vmul.f32 $1.442695020e+00, v5;
	v14 =	vpop (erf);
	(erf) = vpow2.f32 v4  }
0x2a5: {  	v15 =	vpop (erf);
	(erf) = vpow2.f32 v6  }
0x2a6: {  	v4 =	vadd.f32 v13, v12;
	v9 =	vpop (erf);
	(erf) = vpow2.f32 v3  }
0x2a7: {  	v16 =	vpop (erf)  }
0x2a8: {  	v3 =	vadd.f32 v14, v4;
	v10 =	vpop (erf)  }
0x2a9: {  	v11 =	vpop (erf)  }
0x2aa: {  	v3 =	vadd.f32 v15, v3;
	v17 =	vpop (erf)  }
0x2ab: {  	v18 =	vpop (erf)  }
0x2ac: {  	v3 =	vadd.f32 v16, v3;
	v19 =	vpop (erf)  }
0x2ad: {  	v22 =	vpop (erf)  }
0x2ae: {  	v3 =	vadd.f32 v17, v3;
	v21 =	vpop (erf)  }
0x2af: {  	v4 =	vld [tilespmem:s12+$0x11000];
	v20 =	vpop (erf)  }
0x2b0: {  	v3 =	vadd.f32 v20, v3  }
0x2b1: {  	v5 =	vld [tilespmem:s12+$0x11800]  }
0x2b2: {  	v3 =	vadd.f32 v21, v3  }
0x2b3: {  	v6 =	vld [tilespmem:s12+$0x12000]  }
0x2b4: {  	v4 =	vmul.f32 $1.442695020e+00, v4;
	v3 =	vadd.f32 v22, v3  }
0x2b5: {  	v7 =	vld [tilespmem:s12+$0x12800]  }
0x2b6: {  	v5 =	vmul.f32 $1.442695020e+00, v5;
	(erf) = vpow2.f32 v4;
	v3 =	vadd.f32 v19, v3  }
0x2b7: {  	v4 =	vld [tilespmem:s12+$0x13000]  }
0x2b8: {  	v6 =	vmul.f32 $1.442695020e+00, v6;
	(erf) = vpow2.f32 v5;
	v3 =	vadd.f32 v18, v3;
	_ =	sdelay $0x1  }
0x2b9: {  	v5 =	vmul.f32 $1.442695020e+00, v7;
	(erf) = vpow2.f32 v6;
	v3 =	vadd.f32 v11, v3  }
0x2ba: {  	s10 =	simm.s32 $0x40  }
0x2bb: {  	s11 =	simm.s32 $0x10;
	s16 =	sand.u32 $0x600, s10;
	s12 =	simm.s32 $0x0;
	(erf) = vpow2.f32 v5;
	v4 =	vmul.f32 $1.442695020e+00, v4;
	v3 =	vadd.f32 v10, v3  }
0x2bc: {  	s22 =	sand.u32 $0x70, s11;
	s12 =	sor.u32 s12, s16  }
0x2bd: {  	s5 =	sadd.s32 $0x0, s16;
	s16 =	sor.u32 s22, s12;
	(erf) = vpow2.f32 v4;
	v3 =	vadd.f32 v9, v3  }
0x2be: {  	s23 =	sor.u32 s22, s5;
	v4 =	vld [tilespmem:s16+$0xA000];
	v23 =	vpop (erf)  }
0x2bf: {  	v5 =	vld [tilespmem:s23+$0xA800];
	v3 =	vadd.f32 v23, v3  }
0x2c0: {  	v6 =	vld [tilespmem:s23+$0xB000];
	v24 =	vpop (erf)  }
0x2c1: {  	v7 =	vld [tilespmem:s23+$0xB800];
	v3 =	vadd.f32 v24, v3  }
0x2c2: {  	v25 =	vpop (erf)  }
0x2c3: {  	v4 =	vmul.f32 $1.442695020e+00, v4;
	v3 =	vadd.f32 v25, v3  }
0x2c4: {  	v5 =	vmul.f32 $1.442695020e+00, v5;
	v26 =	vpop (erf)  }
0x2c5: {  	(erf) = vpow2.f32 v4;
	v4 =	vmul.f32 $1.442695020e+00, v6;
	v3 =	vadd.f32 v26, v3  }
0x2c6: {  	(erf) = vpow2.f32 v5;
	v5 =	vmul.f32 $1.442695020e+00, v7;
	v27 =	vpop (erf)  }
0x2c7: {  	(erf) = vpow2.f32 v4;
	v3 =	vadd.f32 v27, v3  }
0x2c8: {  	(erf) = vpow2.f32 v5  }
0x2c9: {  	(erf) = vrcp.f32 v3;
	_ =	sdelay $0x1  }
0x2ca: {  	v55 =	vld [tilespmem:s23+$0xD800]  }
0x2cb: {  	v3 =	vld [tilespmem:s18+$0x13800]  }
0x2cc: {  	s24 =	simm.s32 $0x0;
	s17 =	sand.u32 $0x1F0, s17  }
0x2cd: {  	v29 =	vmov s24;
	v28 =	vmov s17;
	v7 =	vpop (erf)  }
0x2ce: {  	v29 =	vshll.u32 v29, $0x7;
	v28 =	vshll.u32 v28, $0x2;
	v8 =	vpop (erf)  }
0x2cf: {  	v29 =	vand.u32 $0x180, v29;
	v28 =	vand.u32 $0x600, v28;
	v5 =	vpop (erf)  }
0x2d0: {  	v28 =	vor.u32 v29, v28;
	v58 =	vmul.f32 $1.442695020e+00, v55;
	v6 =	vpop (erf);
	vm0 =	veq.s32 v3, $0x0  }
0x2d1: {  	vm10 =	veq.s32 v3, $0x1;
	vm11 =	veq.s32 v3, $0x2;
	vm12 =	veq.s32 v3, $0x3;
	v4 =	vpop (erf)  }
0x2d2: {  	v45 =	vld [tilespmem:s23+$0x11000];
	vm13 =	veq.s32 v3, $0x4;
	vm14 =	veq.s32 v3, $0x5;
	v12 =	vmul.f32 v4, v12  }
0x2d3: {  	vm15 =	veq.s32 v3, $0x6;
	v13 =	vmul.f32 v4, v13;
	v14 =	vmul.f32 v4, v14  }
0x2d4: {  	vm4 =	veq.s32 v3, $0x7;
	v15 =	vmul.f32 v4, v15;
	v16 =	vmul.f32 v4, v16  }
0x2d5: {  	vm5 =	veq.s32 v3, $0x8;
	v17 =	vmul.f32 v4, v17;
	v33 =	vmul.f32 v4, v20  }
0x2d6: {  	vm6 =	veq.s32 v3, $0x9;
	v20 =	vbroadcast v28, $0x0;
	v34 =	vmul.f32 v4, v21  }
0x2d7: {  	vm7 =	veq.s32 v3, $0xA;
	v21 =	vmul.f32 $1.442695020e+00, v45;
	v22 =	vmul.f32 v4, v22  }
0x2d8: {  	vm8 =	veq.s32 v3, $0xB;
	v19 =	vmul.f32 v4, v19;
	v18 =	vmul.f32 v4, v18  }
0x2d9: {  	vm9 =	veq.s32 v3, $0xC;
	v11 =	vmul.f32 v4, v11;
	v10 =	vmul.f32 v4, v10  }
0x2da: {  	v9 =	vmul.f32 v4, v9;
	v30 =	vsub.f32 $1.000000000e+00, v12;
	v31 =	vsub.f32 $1.000000000e+00, v13  }
0x2db: {  	v23 =	vmul.f32 v4, v23;
	v44 =	vsub.f32 $1.000000000e+00, v14;
	v29 =	vsub.f32 $1.000000000e+00, v15  }
0x2dc: {  	v24 =	vmul.f32 v4, v24;
	v32 =	vsub.f32 $1.000000000e+00, v16;
	v28 =	vsub.f32 $1.000000000e+00, v17  }
0x2dd: {  	v46 =	vld [tilespmem:s23+$0x10800];
	v25 =	vmul.f32 v4, v25;
	v35 =	vsub.f32 $1.000000000e+00, v33;
	v48 =	vsub.f32 $1.000000000e+00, v34  }
0x2de: {  	v47 =	vld [tilespmem:s23+$0xF800];
	v26 =	vmul.f32 v4, v26;
	v36 =	vsub.f32 $1.000000000e+00, v22;
	v51 =	vsub.f32 $1.000000000e+00, v19  }
0x2df: {  	v49 =	vld [tilespmem:s23+$0xF000];
	v27 =	vmul.f32 v4, v27;
	v38 =	vsub.f32 $1.000000000e+00, v18;
	v52 =	vsub.f32 $1.000000000e+00, v11  }
0x2e0: {  	v50 =	vld [tilespmem:s23+$0xE800];
	v54 =	vsub.f32 $1.000000000e+00, v10;
	v56 =	vsub.f32 $1.000000000e+00, v23;
	v12 =	vsel vm0, v30, v12  }
0x2e1: {  	v13 =	vsel vm10, v31, v13;
	v14 =	vsel vm11, v44, v14;
	v15 =	vsel vm12, v29, v15  }
0x2e2: {  	v16 =	vsel vm13, v32, v16;
	v17 =	vsel vm14, v28, v17;
	v33 =	vsel vm15, v35, v33  }
0x2e3: {  	v30 =	vmul.f32 $1.442695020e+00, v46;
	v31 =	vsel vm4, v48, v34;
	v32 =	vmul.f32 $1.442695020e+00, v47  }
0x2e4: {  	v22 =	vsel vm5, v36, v22;
	v19 =	vsel vm6, v51, v19;
	v35 =	vmul.f32 $1.442695020e+00, v49  }
0x2e5: {  	v18 =	vsel vm7, v38, v18;
	v34 =	vmul.f32 $1.442695020e+00, v50;
	v11 =	vsel vm8, v52, v11  }
0x2e6: {  	vm11 =	veq.s32 v3, $0xE;
	vm14 =	veq.s32 v3, $0x11;
	v59 =	vmul.f32 $1.024000000e+03, v12  }
0x2e7: {  	vm15 =	veq.s32 v3, $0x12;
	v60 =	vmul.f32 $1.024000000e+03, v13;
	v61 =	vmul.f32 $1.024000000e+03, v15  }
0x2e8: {  	v23 =	vsel vm11, v56, v23;
	v62 =	vmul.f32 $1.024000000e+03, v16;
	v63 =	vmul.f32 $1.024000000e+03, v17  }
0x2e9: {  	v28 =	vld [tilespmem:s23+$0xC000];
	v12 =	vsub.f32 $1.000000000e+00, v26;
	v33 =	vmul.f32 $1.024000000e+03, v33;
	v31 =	vmul.f32 $1.024000000e+03, v31  }
0x2ea: {  	v29 =	vld [tilespmem:s23+$0x10000];
	v15 =	vsub.f32 $1.000000000e+00, v27;
	v48 =	vmul.f32 $1.024000000e+03, v22;
	v39 =	vmul.f32 $1.024000000e+03, v19  }
0x2eb: {  	v40 =	vmul.f32 $1.024000000e+03, v18;
	(erf) = vpow2.f32 v30;
	v30 =	vsel vm9, v54, v10  }
0x2ec: {  	v37 =	vld [tilespmem:s23+$0xC800];
	v41 =	vmul.f32 $1.024000000e+03, v11;
	v16 =	vsel vm14, v12, v26;
	v26 =	vmul.f32 $1.024000000e+03, v30  }
0x2ed: {  	v18 =	vsel vm15, v15, v27;
	v27 =	vmul.f32 $1.024000000e+03, v23;
	v23 =	vtrunc.f32 v59  }
0x2ee: {  	v36 =	vtrunc.f32 v62;
	v28 =	vmul.f32 $1.442695020e+00, v28  }
0x2ef: {  	v53 =	vld [tilespmem:s23+$0xE000];
	v33 =	vtrunc.f32 v33;
	v29 =	vmul.f32 $1.442695020e+00, v29  }
0x2f0: {  	v57 =	vadd.f32 v8, v7;
	v31 =	vtrunc.f32 v31;
	(erf) = vpow2.f32 v28  }
0x2f1: {  	vm10 =	veq.s32 v3, $0xD;
	v10 =	vld [tilespmem:s23+$0xD000];
	v28 =	vmul.f32 $1.442695020e+00, v37;
	(erf) = vpow2.f32 v29  }
0x2f2: {  	v38 =	vtrunc.f32 v48;
	v29 =	vsub.f32 $1.000000000e+00, v9;
	(erf) = vpow2.f32 v32  }
0x2f3: {  	vm12 =	veq.s32 v3, $0xF;
	v39 =	vtrunc.f32 v39;
	(erf) = vpow2.f32 v28  }
0x2f4: {  	v29 =	vsel vm10, v29, v9;
	v9 =	vmul.f32 $1.442695020e+00, v53;
	(erf) = vpow2.f32 v35  }
0x2f5: {  	vm13 =	veq.s32 v3, $0x10;
	v56 =	vtrunc.f32 v41;
	(erf) = vpow2.f32 v34  }
0x2f6: {  	(erf) = vpow2.f32 v9;
	v9 =	vmul.f32 $1.442695020e+00, v10;
	v10 =	vsub.f32 $1.000000000e+00, v25  }
0x2f7: {  	v22 =	vor.u32 s17, v2;
	v43 =	vcvt.f32.s32 v23;
	v35 =	vtrunc.f32 v61  }
0x2f8: {  	v34 =	vtrunc.f32 v60;
	v13 =	vsel vm13, v10, v25;
	v25 =	vmul.f32 $1.024000000e+03, v14  }
0x2f9: {  	v28 =	vsub.f32 $1.000000000e+00, v24;
	v23 =	vcvt.f32.s32 v34;
	(erf) = vpow2.f32 v58  }
0x2fa: {  	v42 =	vand.u32 $0x7F, v22;
	(erf) = vpow2.f32 v9;
	v9 =	vpop (erf);
	v25 =	vtrunc.f32 v25  }
0x2fb: {  	v24 =	vsel vm12, v28, v24;
	v28 =	vadd.f32 v5, v57;
	v17 =	vpop (erf);
	v25 =	vcvt.f32.s32 v25  }
0x2fc: {  	v45 =	vld [tilespmem:s23+$0x12000];
	v49 =	vmul.f32 $1.024000000e+03, v16;
	v35 =	vcvt.f32.s32 v35;
	v44 =	vadd.s32 $0x408, v23;
	v10 =	vpop (erf)  }
0x2fd: {  	v46 =	vld [tilespmem:s23+$0x11800];
	v50 =	vmul.f32 $1.024000000e+03, v18;
	v28 =	vadd.f32 v6, v28;
	v14 =	vpop (erf);
	v25 =	vadd.s32 $0x810, v25  }
0x2fe: {  	v22 =	vld [tilespmem:s23+$0x13000];
	v36 =	vcvt.f32.s32 v36;
	v37 =	vtrunc.f32 v63;
	v35 =	vadd.s32 $0xC18, v35;
	v12 =	vpop (erf)  }
0x2ff: {  	v33 =	vcvt.f32.s32 v33;
	v37 =	vcvt.f32.s32 v37;
	[tilespmem:v43+s15+$0x0] =	vst.idx.add.f32.msk $0xffff, v1;
	v19 =	vadd.f32 v17, v28;
	v15 =	vpop (erf)  }
0x300: {  	v31 =	vcvt.f32.s32 v31;
	v38 =	vcvt.f32.s32 v38;
	v36 =	vadd.s32 $0x1020, v36;
	v23 =	vld [tilespmem:s23+$0x12800];
	v11 =	vpop (erf)  }
0x301: {  	v52 =	vcvt.f32.s32 v39;
	v37 =	vadd.s32 $0x1428, v37;
	v28 =	vmul.f32 $1.024000000e+03, v13;
	[tilespmem:v44+s15+$0x0] =	vst.idx.add.f32.msk $0xffff, v1;
	v13 =	vpop (erf)  }
0x302: {  	v26 =	vtrunc.f32 v26;
	v33 =	vadd.s32 $0x1830, v33;
	v18 =	vadd.f32 v12, v19;
	v16 =	vpop (erf);
	[tilespmem:v25+s15+$0x0] =	vst.idx.add.f32.msk $0xffff, v1  }
0x303: {  	v54 =	vadd.s32 $0x2040, v38;
	v53 =	vtrunc.f32 v40;
	v25 =	vadd.s32 $0x1C38, v31;
	v19 =	vpop (erf);
	[tilespmem:v35+s15+$0x0] =	vst.idx.add.f32.msk $0xffff, v1  }
0x304: {  	v29 =	vmul.f32 $1.024000000e+03, v29;
	v55 =	vcvt.f32.s32 v53;
	v51 =	vadd.f32 v19, v18;
	v18 =	vld [tilespmem:s16+$0x13800]  }
0x305: {  	v26 =	vcvt.f32.s32 v26;
	v57 =	vcvt.f32.s32 v56;
	v31 =	vadd.s32 $0x2448, v52;
	[tilespmem:v36+s15+$0x0] =	vst.idx.add.f32.msk $0xffff, v1  }
0x306: {  	v24 =	vmul.f32 $1.024000000e+03, v24;
	v29 =	vtrunc.f32 v29;
	v58 =	vadd.s32 $0x2850, v55;
	[tilespmem:v37+s15+$0x0] =	vst.idx.add.f32.msk $0xffff, v1  }
0x307: {  	v27 =	vtrunc.f32 v27;
	v59 =	vadd.s32 $0x2C58, v57;
	v29 =	vcvt.f32.s32 v29;
	[tilespmem:v33+s15+$0x0] =	vst.idx.add.f32.msk $0xffff, v1  }
0x308: {  	v26 =	vadd.s32 $0x3060, v26;
	v24 =	vtrunc.f32 v24;
	[tilespmem:v25+s15+$0x0] =	vst.idx.add.f32.msk $0xffff, v1;
	v25 =	vcvt.f32.s32 v27  }
0x309: {  	v63 =	vmul.f32 $1.442695020e+00, v46;
	v29 =	vadd.s32 $0x3468, v29;
	v24 =	vcvt.f32.s32 v24;
	[tilespmem:v54+s15+$0x0] =	vst.idx.add.f32.msk $0xffff, v1  }
0x30a: {  	(erf) = vpow2.f32 v21;
	v34 =	vadd.f32 v16, v51;
	[tilespmem:v31+s15+$0x0] =	vst.idx.add.f32.msk $0xffff, v1;
	v60 =	vadd.s32 $0x3870, v25  }
0x30b: {  	v61 =	vadd.s32 $0x3C78, v24;
	v28 =	vtrunc.f32 v28;
	v27 =	vshll.u32 v3, $0xB;
	[tilespmem:v58+s15+$0x0] =	vst.idx.add.f32.msk $0xffff, v1  }
0x30c: {  	v62 =	vadd.f32 v13, v34;
	v25 =	vcvt.f32.s32 v28;
	v28 =	vtrunc.f32 v49;
	[tilespmem:v59+s15+$0x0] =	vst.idx.add.f32.msk $0xffff, v1  }
0x30d: {  	v20 =	vor.u32 v20, v27;
	v24 =	vcvt.f32.s32 v28;
	v28 =	vtrunc.f32 v50;
	[tilespmem:v26+s15+$0x0] =	vst.idx.add.f32.msk $0xffff, v1  }
0x30e: {  	v25 =	vadd.s32 $0x4080, v25;
	v28 =	vcvt.f32.s32 v28;
	v26 =	vadd.f32 v11, v62;
	[tilespmem:v29+s15+$0x0] =	vst.idx.add.f32.msk $0xffff, v1  }
0x30f: {  	s7 =	sadd.s32 $0x1, s7;
	(erf) = vpow2.f32 v63;
	v20 =	vor.u32 v42, v20;
	v24 =	vadd.s32 $0x4488, v24;
	[tilespmem:v60+s15+$0x0] =	vst.idx.add.f32.msk $0xffff, v1  }
0x310: {  	s12 =	simm.s32 $0x0;
	s22 =	sand.u32 $0x1F0, s11;
	s16 =	simm.s32 $0x2;
	v21 =	vadd.s32 $0x4890, v28;
	v27 =	vadd.f32 v15, v26;
	v26 =	vmul.f32 $1.442695020e+00, v45;
	[tilespmem:v61+s15+$0x0] =	vst.idx.add.f32.msk $0xffff, v1  }
.LBB2_10:
0x311: {  	_ = 	snop  }
0x312: {  	v28 =	vmov s12  }
0x313: {  	s12 =	sshrl.u32 s16, $0x5;
	s10 =	sadd.s32 $0x40, s10;
	[tilespmem:v25+s15+$0x0] =	vst.idx.add.f32.msk $0xffff, v1;
	v23 =	vmul.f32 $1.442695020e+00, v23;
	v25 =	vadd.f32 v14, v27;
	(erf) = vpow2.f32 v26  }
0x314: {  	v29 =	vmov s22;
	s11 =	sadd.s32 $0x10, s11;
	v22 =	vmul.f32 $1.442695020e+00, v22;
	s5 =	sand.u32 $0x600, s10;
	s17 =	sshll.u32 s12, $0x7;
	[tilespmem:v24+s15+$0x0] =	vst.idx.add.f32.msk $0xffff, v1  }
0x315: {  	vm0 =	veq.s32 v18, $0x0;
	s18 =	sand.u32 $0x70, s11;
	s23 =	sadd.s32 s17, s5;
	[tilespmem:v21+s15+$0x0] =	vst.idx.add.f32.msk $0xffff, v1;
	s5 =	sor.u32 s17, s5;
	(erf) = vpow2.f32 v23;
	v21 =	vadd.f32 v10, v25  }
0x316: {  	v36 =	vimm.s32 $0x0;
	v24 =	vshll.u32 v29, $0x2;
	v26 =	vshll.u32 v28, $0x7;
	s24 =	sor.u32 s18, s23;
	v25 =	vld.idx.msk [tilespmem:v20+s3+$0x0], $0xffff;
	s18 =	sor.u32 s18, s5  }
0x317: {  	v20 =	vand.u32 $0x600, v24;
	(erf) = vpow2.f32 v22;
	v24 =	vld [tilespmem:s18+$0xA000];
	v21 =	vadd.f32 v9, v21  }
0x318: {  	v34 =	vimm.s32 $0x0;
	v29 =	vimm.s32 $0x0;
	v28 =	vand.u32 $0x180, v26;
	v26 =	vld [tilespmem:s24+$0xA800];
	v23 =	vpop (erf)  }
0x319: {  	v32 =	vimm.s32 $0x0;
	v29 =	vsel vm0, $0xFFFFFFFF, v29;
	v27 =	vld [tilespmem:s24+$0x11000];
	v21 =	vadd.f32 v23, v21  }
0x31a: {  	v22 =	vor.u32 s22, v2;
	[tilespmem:$0x1FF80] =	vst v29;
	v29 =	vmul.u32 $0x408, v3;
	v3 =	vmov v18;
	v30 =	vld [tilespmem:s24+$0xB000];
	v18 =	vpop (erf)  }
0x31b: {  	v20 =	vor.u32 v28, v20;
	v41 =	vld [tilespmem:s24+$0xB800];
	v37 =	vmul.f32 $1.442695020e+00, v25;
	v21 =	vadd.f32 v18, v21  }
0x31c: {  	v28 =	vld [tilespmem:s24+$0x10800];
	vm14 =	veq.s32 v3, $0x2;
	vm15 =	veq.s32 v3, $0x3;
	v42 =	vmul.f32 $1.442695020e+00, v24;
	v24 =	vpop (erf)  }
0x31d: {  	v43 =	vld [tilespmem:s24+$0x10000];
	v38 =	vmul.f32 $1.442695020e+00, v26;
	(erf) = vpow2.f32 v37;
	v45 =	vadd.f32 v24, v21  }
0x31e: {  	v46 =	vld [tilespmem:s24+$0xC000];
	v31 =	vsel vm15, $0xFFFFFFFF, v32;
	(erf) = vpow2.f32 v42;
	v25 =	vpop (erf);
	v21 =	vmul.f32 $1.442695020e+00, v27  }
0x31f: {  	v44 =	vld [tilespmem:s24+$0xF800];
	v27 =	vmul.f32 $1.442695020e+00, v30;
	(erf) = vpow2.f32 v38;
	v48 =	vadd.f32 v25, v45  }
0x320: {  	vm13 =	veq.s32 v3, $0x1;
	v50 =	vld [tilespmem:s24+$0xC800];
	v33 =	vsel vm14, $0xFFFFFFFF, v34;
	[tilespmem:$0x1FFB0] =	vst v31;
	v31 =	vmul.f32 $1.442695020e+00, v41;
	v26 =	vpop (erf)  }
0x321: {  	v47 =	vld [tilespmem:s24+$0xF000];
	v28 =	vmul.f32 $1.442695020e+00, v28;
	(erf) = vpow2.f32 v27;
	v27 =	vadd.f32 v26, v48  }
0x322: {  	vm4 =	veq.s32 v3, $0x4;
	[tilespmem:$0x1FFA0] =	vst v33;
	v33 =	vmul.f32 $1.442695020e+00, v43;
	(erf) = vpow2.f32 v31  }
0x323: {  	vm5 =	veq.s32 v3, $0x5;
	v49 =	vld [tilespmem:s24+$0xE800];
	v52 =	vmul.f32 $1.442695020e+00, v46;
	(erf) = vrcp.f32 v27  }
0x324: {  	vm6 =	veq.s32 v3, $0x6;
	v53 =	vld [tilespmem:s24+$0xE000];
	v51 =	vmul.f32 $1.442695020e+00, v44;
	(erf) = vpow2.f32 v28  }
0x325: {  	vm7 =	veq.s32 v3, $0x7;
	v55 =	vmul.f32 $1.442695020e+00, v50;
	v28 =	vld [tilespmem:s24+$0xD800];
	(erf) = vpow2.f32 v52  }
0x326: {  	vm8 =	veq.s32 v3, $0x8;
	v27 =	vmul.f32 $1.442695020e+00, v47;
	v56 =	vpop (erf);
	(erf) = vpow2.f32 v33  }
0x327: {  	v57 =	vld [tilespmem:s24+$0xD000];
	v35 =	vsel vm13, $0xFFFFFFFF, v36;
	v36 =	vpop (erf);
	v4 =	vmul.f32 v56, v4;
	(erf) = vpow2.f32 v51  }
0x328: {  	vm10 =	veq.s32 v3, $0xA;
	v54 =	vmul.f32 $1.442695020e+00, v49;
	v33 =	vpop (erf);
	(erf) = vpow2.f32 v55  }
0x329: {  	v58 =	vmul.f32 $1.442695020e+00, v53;
	v60 =	vsub.f32 $1.000000000e+00, v4;
	(erf) = vpow2.f32 v27  }
0x32a: {  	vm11 =	veq.s32 v3, $0xB;
	v27 =	vmul.f32 $1.442695020e+00, v28;
	v28 =	vpop (erf);
	(erf) = vpow2.f32 v54  }
0x32b: {  	vm12 =	veq.s32 v3, $0xC;
	v37 =	vmul.f32 $1.024000000e+03, v60;
	v31 =	vpop (erf);
	(erf) = vpow2.f32 v58  }
0x32c: {  	vm2 =	veq.s32 v3, $0x10;
	v34 =	vmul.f32 $1.442695020e+00, v57;
	(erf) = vpow2.f32 v27;
	v4 =	vpop (erf)  }
0x32d: {  	vm1 =	veq.s32 v3, $0x11;
	[tilespmem:$0x1FF90] =	vst v35;
	v35 =	vmul.f32 v4, v7;
	v7 =	vtrunc.f32 v37  }
0x32e: {  	vm0 =	veq.s32 v3, $0x12;
	v37 =	vmul.f32 v4, v8;
	v60 =	vmul.f32 v4, v5  }
0x32f: {  	v59 =	vadd.f32 v33, v36;
	v39 =	vmul.f32 v4, v6;
	v41 =	vmul.f32 v4, v17  }
0x330: {  	vm13 =	veq.s32 v3, $0xD;
	v42 =	vmul.f32 v4, v12;
	v19 =	vmul.f32 v4, v19  }
0x331: {  	v61 =	vadd.f32 v28, v59;
	v45 =	vmul.f32 v4, v13;
	v46 =	vmul.f32 v4, v11  }
0x332: {  	vm14 =	veq.s32 v3, $0xE;
	v48 =	vmul.f32 v4, v15;
	v49 =	vmul.f32 v4, v14  }
0x333: {  	v38 =	vadd.f32 v31, v61;
	v62 =	vpop (erf);
	v52 =	vmul.f32 v4, v10;
	v55 =	vmul.f32 v4, v9  }
0x334: {  	vm15 =	veq.s32 v3, $0xF;
	v23 =	vmul.f32 v4, v23;
	v18 =	vmul.f32 v4, v18;
	v63 =	vpop (erf)  }
0x335: {  	v24 =	vmul.f32 v4, v24;
	v8 =	vadd.f32 v63, v38;
	v47 =	vsub.f32 $1.000000000e+00, v35  }
0x336: {  	v25 =	vmul.f32 v4, v25;
	v50 =	vsub.f32 $1.000000000e+00, v37;
	v51 =	vsub.f32 $1.000000000e+00, v60  }
0x337: {  	v26 =	vmul.f32 v4, v26;
	v53 =	vsub.f32 $1.000000000e+00, v39;
	v54 =	vsub.f32 $1.000000000e+00, v41  }
0x338: {  	v7 =	vcvt.f32.s32 v7;
	v56 =	vsub.f32 $1.000000000e+00, v42;
	v57 =	vsub.f32 $1.000000000e+00, v19  }
0x339: {  	v9 =	vmov v62;
	v27 =	vpop (erf);
	v58 =	vsub.f32 $1.000000000e+00, v45;
	v30 =	vsub.f32 $1.000000000e+00, v49  }
0x33a: {  	v62 =	vsub.f32 $1.000000000e+00, v52;
	v32 =	vsub.f32 $1.000000000e+00, v23;
	v40 =	vpop (erf);
	v5 =	vadd.s32 v7, v29  }
0x33b: {  	v17 =	vmovc v63;
	v63 =	vld [tilespmem:$0x1FF80];
	v29 =	vmul.f32 v4, v16;
	v10 =	vmovc v27;
	v27 =	vsub.f32 $1.000000000e+00, v55;
	v5 =	vadd.s32 $0x4C98, v5  }
0x33c: {  	v59 =	vld [tilespmem:$0x1FF90];
	v6 =	vmovc v31;
	v14 =	vmovc v40;
	v40 =	vsub.f32 $1.000000000e+00, v24;
	v41 =	vsel vm4, v54, v41;
	v42 =	vsel vm5, v56, v42  }
0x33d: {  	v12 =	vpop (erf);
	v19 =	vsel vm6, v57, v19;
	v30 =	vsel vm11, v30, v49;
	v31 =	vsel vm12, v62, v52  }
0x33e: {  	v23 =	vsel vm14, v32, v23;
	v43 =	vadd.f32 v12, v8;
	v41 =	vmul.f32 $1.024000000e+03, v41  }
0x33f: {  	v61 =	vsub.f32 $1.000000000e+00, v29;
	v42 =	vmul.f32 $1.024000000e+03, v42;
	v62 =	vmul.f32 $1.024000000e+03, v19  }
0x340: {  	v27 =	vsel vm13, v27, v55;
	v30 =	vmul.f32 $1.024000000e+03, v30;
	vm3 =	vnez.u8 v63  }
0x341: {  	v44 =	vpop (erf);
	v31 =	vmul.f32 $1.024000000e+03, v31;
	v35 =	vsel vm3, v47, v35;
	vm3 =	vnez.u8 v59;
	v59 =	vld [tilespmem:$0x1FFA0]  }
0x342: {  	v11 =	vpop (erf);
	v8 =	vmov v33;
	v33 =	vsub.f32 $1.000000000e+00, v48;
	v24 =	vsel vm2, v40, v24  }
0x343: {  	v15 =	vmovc v44;
	v44 =	vsub.f32 $1.000000000e+00, v25;
	v27 =	vmul.f32 $1.024000000e+03, v27;
	v24 =	vmul.f32 $1.024000000e+03, v24  }
0x344: {  	v13 =	vpop (erf);
	v29 =	vsel vm7, v61, v29;
	v41 =	vtrunc.f32 v41;
	v42 =	vtrunc.f32 v42  }
0x345: {  	v61 =	vsel vm8, v58, v45;
	v45 =	vtrunc.f32 v62;
	v16 =	vpop (erf);
	(erf) = vpow2.f32 v34  }
0x346: {  	v34 =	vsub.f32 $1.000000000e+00, v18;
	v37 =	vsel vm3, v50, v37;
	vm3 =	vnez.u8 v59  }
0x347: {  	v47 =	vsub.f32 $1.000000000e+00, v26;
	v29 =	vmul.f32 $1.024000000e+03, v29;
	v38 =	vsel vm3, v51, v60;
	v60 =	vld [tilespmem:$0x1FFB0]  }
0x348: {  	v7 =	vmovc v36;
	v33 =	vsel vm10, v33, v48;
	v36 =	vmul.f32 $1.024000000e+03, v61;
	v48 =	vmul.f32 $1.024000000e+03, v23  }
0x349: {  	v41 =	vcvt.f32.s32 v41;
	v42 =	vcvt.f32.s32 v42;
	v18 =	vsel vm15, v34, v18  }
0x34a: {  	v35 =	vmul.f32 $1.024000000e+03, v35;
	v34 =	vmul.f32 $1.024000000e+03, v18;
	v18 =	vsel vm1, v44, v25  }
0x34b: {  	v37 =	vmul.f32 $1.024000000e+03, v37;
	v25 =	vmul.f32 $1.024000000e+03, v18;
	v18 =	vsel vm0, v47, v26  }
0x34c: {  	v23 =	vtrunc.f32 v35;
	v26 =	vmul.f32 $1.024000000e+03, v18;
	vm3 =	vnez.u8 v60  }
0x34d: {  	v18 =	vtrunc.f32 v37;
	v38 =	vmul.f32 $1.024000000e+03, v38;
	v39 =	vsel vm3, v53, v39  }
0x34e: {  	vm9 =	veq.s32 v3, $0x9;
	v51 =	vcvt.f32.s32 v23;
	v39 =	vmul.f32 $1.024000000e+03, v39  }
0x34f: {  	v49 =	vand.u32 $0x7F, v22;
	[tilespmem:v5+s15+$0x0] =	vst.idx.add.f32.msk $0xffff, v1;
	v5 =	vmovc v28;
	v23 =	vcvt.f32.s32 v18;
	v50 =	vtrunc.f32 v38  }
0x350: {  	v28 =	vsub.f32 $1.000000000e+00, v46;
	v54 =	vld [tilespmem:s24+$0x12000];
	v19 =	vpop (erf);
	v37 =	vcvt.f32.s32 v50;
	v39 =	vtrunc.f32 v39  }
0x351: {  	v55 =	vld [tilespmem:s24+$0x11800];
	v22 =	vadd.f32 v19, v43;
	v53 =	vadd.s32 $0x408, v23;
	v39 =	vcvt.f32.s32 v39  }
0x352: {  	v45 =	vcvt.f32.s32 v45;
	v63 =	vmul.f32 $1.024000000e+03, v33;
	v18 =	vld [tilespmem:s18+$0x13800];
	v37 =	vadd.s32 $0x810, v37  }
0x353: {  	v28 =	vsel vm9, v28, v46;
	v43 =	vadd.f32 v16, v22;
	v22 =	vld [tilespmem:s24+$0x13000];
	v39 =	vadd.s32 $0xC18, v39  }
0x354: {  	v41 =	vadd.s32 $0x1020, v41;
	v29 =	vtrunc.f32 v29;
	v28 =	vmul.f32 $1.024000000e+03, v28;
	v23 =	vld [tilespmem:s24+$0x12800]  }
0x355: {  	v56 =	vadd.s32 $0x1428, v42;
	v36 =	vtrunc.f32 v36;
	v29 =	vcvt.f32.s32 v29;
	[tilespmem:v51+s15+$0x0] =	vst.idx.add.f32.msk $0xffff, v1  }
0x356: {  	v57 =	vadd.s32 $0x1830, v45;
	v36 =	vcvt.f32.s32 v36;
	v28 =	vtrunc.f32 v28;
	[tilespmem:v53+s15+$0x0] =	vst.idx.add.f32.msk $0xffff, v1  }
0x357: {  	v32 =	vtrunc.f32 v63;
	v29 =	vadd.s32 $0x1C38, v29;
	v28 =	vcvt.f32.s32 v28;
	[tilespmem:v37+s15+$0x0] =	vst.idx.add.f32.msk $0xffff, v1  }
0x358: {  	v30 =	vtrunc.f32 v30;
	v32 =	vcvt.f32.s32 v32;
	v36 =	vadd.s32 $0x2040, v36;
	[tilespmem:v39+s15+$0x0] =	vst.idx.add.f32.msk $0xffff, v1  }
0x359: {  	v31 =	vtrunc.f32 v31;
	v30 =	vcvt.f32.s32 v30;
	v28 =	vadd.s32 $0x2448, v28;
	[tilespmem:v41+s15+$0x0] =	vst.idx.add.f32.msk $0xffff, v1  }
0x35a: {  	v31 =	vcvt.f32.s32 v31;
	v27 =	vtrunc.f32 v27;
	v32 =	vadd.s32 $0x2850, v32;
	[tilespmem:v56+s15+$0x0] =	vst.idx.add.f32.msk $0xffff, v1  }
0x35b: {  	v27 =	vcvt.f32.s32 v27;
	v30 =	vadd.s32 $0x2C58, v30;
	v33 =	vtrunc.f32 v48;
	[tilespmem:v57+s15+$0x0] =	vst.idx.add.f32.msk $0xffff, v1  }
0x35c: {  	v58 =	vcvt.f32.s32 v33;
	v59 =	vtrunc.f32 v34;
	[tilespmem:v29+s15+$0x0] =	vst.idx.add.f32.msk $0xffff, v1;
	v29 =	vadd.s32 $0x3060, v31  }
0x35d: {  	v20 =	vbroadcast v20, $0x0;
	v27 =	vadd.s32 $0x3468, v27;
	v33 =	vcvt.f32.s32 v59;
	[tilespmem:v36+s15+$0x0] =	vst.idx.add.f32.msk $0xffff, v1  }
0x35e: {  	v52 =	vshll.u32 v3, $0xB;
	v24 =	vtrunc.f32 v24;
	[tilespmem:v28+s15+$0x0] =	vst.idx.add.f32.msk $0xffff, v1;
	v28 =	vadd.s32 $0x3870, v58  }
0x35f: {  	p0 =	seq.s32 s16, $0x7F;
	v20 =	vor.u32 v20, v52;
	v24 =	vcvt.f32.s32 v24;
	v60 =	vadd.s32 $0x3C78, v33;
	[tilespmem:v32+s15+$0x0] =	vst.idx.add.f32.msk $0xffff, v1  }
.Ltmp3:
0x360: {  	v25 =	vtrunc.f32 v25;
	v26 =	vtrunc.f32 v26;
	v62 =	vadd.f32 v13, v43;
	[tilespmem:v30+s15+$0x0] =	vst.idx.add.f32.msk $0xffff, v1;
	(pc) =	sbr.rel @!p0 .LBB2_10-.Ltmp3, $4  }
0x361: {  	v20 =	vor.u32 v49, v20;
	v61 =	vcvt.f32.s32 v25;
	v26 =	vcvt.f32.s32 v26;
	[tilespmem:v29+s15+$0x0] =	vst.idx.add.f32.msk $0xffff, v1  }
0x362: {  	v25 =	vadd.s32 $0x4080, v24;
	v63 =	vmul.f32 $1.442695020e+00, v55;
	v29 =	vadd.f32 v11, v62;
	[tilespmem:v27+s15+$0x0] =	vst.idx.add.f32.msk $0xffff, v1  }
0x363: {  	v24 =	vadd.s32 $0x4488, v61;
	(erf) = vpow2.f32 v21;
	v21 =	vadd.s32 $0x4890, v26;
	[tilespmem:v28+s15+$0x0] =	vst.idx.add.f32.msk $0xffff, v1  }
0x364: {  	s16 =	sadd.s32 $0x1, s16;
	s22 =	sand.u32 $0x1F0, s11;
	v26 =	vmul.f32 $1.442695020e+00, v54;
	(erf) = vpow2.f32 v63;
	v27 =	vadd.f32 v15, v29;
	[tilespmem:v60+s15+$0x0] =	vst.idx.add.f32.msk $0xffff, v1  }
0x365: {  	_ =	sdelay $0x1  }
0x366: {  	v23 =	vmul.f32 $1.442695020e+00, v23;
	v27 =	vadd.f32 v14, v27;
	(erf) = vpow2.f32 v26;
	_ =	sdelay $0x1  }
0x367: {  	v22 =	vmul.f32 $1.442695020e+00, v22;
	(erf) = vpow2.f32 v23;
	v34 =	vadd.f32 v10, v27;
	_ =	sdelay $0x1  }
0x368: {  	(erf) = vpow2.f32 v22;
	v35 =	vadd.f32 v9, v34  }
0x369: {  	[tilespmem:v25+s15+$0x0] =	vst.idx.add.f32.msk $0xffff, v1;
	v36 =	vpop (erf)  }
0x36a: {  	[tilespmem:v24+s15+$0x0] =	vst.idx.add.f32.msk $0xffff, v1;
	v23 =	vadd.f32 v36, v35  }
0x36b: {  	[tilespmem:v21+s15+$0x0] =	vst.idx.add.f32.msk $0xffff, v1;
	v37 =	vpop (erf)  }
0x36c: {  	v20 =	vld.idx.msk [tilespmem:v20+s3+$0x0], $0xffff;
	v38 =	vadd.f32 v37, v23  }
0x36d: {  	v39 =	vpop (erf)  }
0x36e: {  	v21 =	vadd.f32 v39, v38  }
0x36f: {  	v40 =	vpop (erf)  }
0x370: {  	v21 =	vadd.f32 v40, v21  }
0x371: {  	v20 =	vmul.f32 $1.442695020e+00, v20;
	v41 =	vpop (erf)  }
0x372: {  	v21 =	vadd.f32 v41, v21  }
0x373: {  	(erf) = vpow2.f32 v20  }
0x374: {  	(erf) = vrcp.f32 v21;
	_ =	sdelay $0x5  }
0x375: {  	vm0 =	veq.s32 v18, $0x0  }
0x376: {  	vm1 =	veq.s32 v18, $0x1;
	vm11 =	veq.s32 v18, $0x2;
	vm12 =	veq.s32 v18, $0x3  }
0x377: {  	vm13 =	veq.s32 v18, $0x4;
	vm14 =	veq.s32 v18, $0x5;
	vm15 =	veq.s32 v18, $0x6;
	v21 =	vpop (erf)  }
0x378: {  	vm4 =	veq.s32 v18, $0x7;
	vm5 =	veq.s32 v18, $0x8;
	vm6 =	veq.s32 v18, $0x9;
	v20 =	vpop (erf)  }
0x379: {  	vm7 =	veq.s32 v18, $0xA;
	v7 =	vmul.f32 v20, v7;
	v8 =	vmul.f32 v20, v8  }
0x37a: {  	vm8 =	veq.s32 v18, $0xB;
	v5 =	vmul.f32 v20, v5;
	v6 =	vmul.f32 v20, v6  }
0x37b: {  	vm9 =	veq.s32 v18, $0xC;
	v17 =	vmul.f32 v20, v17;
	v12 =	vmul.f32 v20, v12  }
0x37c: {  	vm10 =	veq.s32 v18, $0xD;
	v19 =	vmul.f32 v20, v19;
	v16 =	vmul.f32 v20, v16  }
0x37d: {  	v62 =	vmov s12;
	v13 =	vmul.f32 v20, v13;
	v11 =	vmul.f32 v20, v11  }
0x37e: {  	v15 =	vmul.f32 v20, v15;
	v49 =	vmul.f32 v20, v14;
	v42 =	vsub.f32 $1.000000000e+00, v7  }
0x37f: {  	v52 =	vmul.f32 v20, v10;
	v28 =	vsub.f32 $1.000000000e+00, v8;
	v43 =	vsub.f32 $1.000000000e+00, v5  }
0x380: {  	v54 =	vmul.f32 v20, v9;
	v44 =	vsub.f32 $1.000000000e+00, v6;
	v45 =	vsub.f32 $1.000000000e+00, v17  }
0x381: {  	v22 =	vmul.f32 v20, v36;
	v29 =	vsub.f32 $1.000000000e+00, v12;
	v46 =	vsub.f32 $1.000000000e+00, v19  }
0x382: {  	v24 =	vmul.f32 v20, v37;
	v47 =	vsub.f32 $1.000000000e+00, v16;
	v48 =	vsub.f32 $1.000000000e+00, v13  }
0x383: {  	v23 =	vmul.f32 v20, v39;
	v50 =	vsub.f32 $1.000000000e+00, v11;
	v51 =	vsub.f32 $1.000000000e+00, v15  }
0x384: {  	v25 =	vmul.f32 v20, v40;
	v53 =	vsub.f32 $1.000000000e+00, v49;
	v55 =	vsub.f32 $1.000000000e+00, v52  }
0x385: {  	v26 =	vmul.f32 v20, v41;
	v56 =	vsub.f32 $1.000000000e+00, v54;
	v57 =	vsub.f32 $1.000000000e+00, v22  }
0x386: {  	v63 =	vmov s22;
	v58 =	vsub.f32 $1.000000000e+00, v24;
	v59 =	vsub.f32 $1.000000000e+00, v23  }
0x387: {  	v27 =	vshll.u32 v62, $0x7;
	v60 =	vsub.f32 $1.000000000e+00, v25;
	v61 =	vsub.f32 $1.000000000e+00, v26  }
0x388: {  	v7 =	vsel vm0, v42, v7;
	v8 =	vsel vm1, v28, v8;
	v5 =	vsel vm11, v43, v5  }
0x389: {  	v6 =	vsel vm12, v44, v6;
	v17 =	vsel vm13, v45, v17;
	v12 =	vsel vm14, v29, v12  }
0x38a: {  	v19 =	vsel vm15, v46, v19;
	v16 =	vsel vm4, v47, v16;
	v13 =	vsel vm5, v48, v13  }
0x38b: {  	v11 =	vsel vm6, v50, v11;
	v15 =	vsel vm7, v51, v15;
	v14 =	vsel vm8, v53, v49  }
0x38c: {  	v10 =	vsel vm9, v55, v52;
	vm11 =	veq.s32 v18, $0xE;
	v9 =	vsel vm10, v56, v54  }
0x38d: {  	vm12 =	veq.s32 v18, $0xF;
	v7 =	vmul.f32 $1.024000000e+03, v7;
	v8 =	vmul.f32 $1.024000000e+03, v8  }
0x38e: {  	vm13 =	veq.s32 v18, $0x10;
	v5 =	vmul.f32 $1.024000000e+03, v5;
	v6 =	vmul.f32 $1.024000000e+03, v6  }
0x38f: {  	vm14 =	veq.s32 v18, $0x11;
	v17 =	vmul.f32 $1.024000000e+03, v17;
	v12 =	vmul.f32 $1.024000000e+03, v12  }
0x390: {  	vm15 =	veq.s32 v18, $0x12;
	v19 =	vmul.f32 $1.024000000e+03, v19;
	v16 =	vmul.f32 $1.024000000e+03, v16  }
0x391: {  	v22 =	vsel vm11, v57, v22;
	v13 =	vmul.f32 $1.024000000e+03, v13;
	v11 =	vmul.f32 $1.024000000e+03, v11  }
0x392: {  	v24 =	vsel vm12, v58, v24;
	v15 =	vmul.f32 $1.024000000e+03, v15;
	v14 =	vmul.f32 $1.024000000e+03, v14  }
0x393: {  	v23 =	vsel vm13, v59, v23;
	v10 =	vmul.f32 $1.024000000e+03, v10;
	v9 =	vmul.f32 $1.024000000e+03, v9  }
0x394: {  	v25 =	vsel vm14, v60, v25;
	v22 =	vmul.f32 $1.024000000e+03, v22;
	v24 =	vmul.f32 $1.024000000e+03, v24  }
0x395: {  	v26 =	vsel vm15, v61, v26;
	v23 =	vmul.f32 $1.024000000e+03, v23;
	v25 =	vmul.f32 $1.024000000e+03, v25  }
0x396: {  	v27 =	vand.u32 $0x180, v27;
	v26 =	vmul.f32 $1.024000000e+03, v26;
	v7 =	vtrunc.f32 v7  }
0x397: {  	v28 =	vshll.u32 v63, $0x2;
	v8 =	vtrunc.f32 v8;
	v5 =	vtrunc.f32 v5  }
0x398: {  	v28 =	vand.u32 $0x600, v28;
	v7 =	vcvt.f32.s32 v7;
	v8 =	vcvt.f32.s32 v8  }
0x399: {  	v27 =	vor.u32 v27, v28;
	v6 =	vtrunc.f32 v6;
	v5 =	vcvt.f32.s32 v5  }
0x39a: {  	v17 =	vtrunc.f32 v17;
	v6 =	vcvt.f32.s32 v6;
	v8 =	vadd.s32 $0x408, v8  }
0x39b: {  	v12 =	vtrunc.f32 v12;
	v17 =	vcvt.f32.s32 v17;
	v5 =	vadd.s32 $0x810, v5  }
0x39c: {  	v19 =	vtrunc.f32 v19;
	v12 =	vcvt.f32.s32 v12;
	v6 =	vadd.s32 $0xC18, v6  }
0x39d: {  	v16 =	vtrunc.f32 v16;
	v19 =	vcvt.f32.s32 v19;
	v17 =	vadd.s32 $0x1020, v17  }
0x39e: {  	v13 =	vtrunc.f32 v13;
	v33 =	vcvt.f32.s32 v16;
	v32 =	vadd.s32 $0x1428, v12;
	[tilespmem:v7+s15+$0x0] =	vst.idx.add.f32.msk $0xffff, v1  }
0x39f: {  	v11 =	vtrunc.f32 v11;
	v13 =	vcvt.f32.s32 v13;
	v34 =	vadd.s32 $0x1830, v19;
	[tilespmem:v8+s15+$0x0] =	vst.idx.add.f32.msk $0xffff, v1  }
0x3a0: {  	v36 =	vtrunc.f32 v15;
	v11 =	vcvt.f32.s32 v11;
	v35 =	vadd.s32 $0x1C38, v33;
	[tilespmem:v5+s15+$0x0] =	vst.idx.add.f32.msk $0xffff, v1  }
0x3a1: {  	v38 =	vtrunc.f32 v14;
	v37 =	vadd.s32 $0x2040, v13;
	v12 =	vcvt.f32.s32 v36;
	[tilespmem:v6+s15+$0x0] =	vst.idx.add.f32.msk $0xffff, v1  }
0x3a2: {  	v10 =	vtrunc.f32 v10;
	v11 =	vadd.s32 $0x2448, v11;
	v13 =	vcvt.f32.s32 v38;
	[tilespmem:v17+s15+$0x0] =	vst.idx.add.f32.msk $0xffff, v1  }
0x3a3: {  	v9 =	vtrunc.f32 v9;
	v10 =	vcvt.f32.s32 v10;
	v39 =	vadd.s32 $0x2850, v12;
	[tilespmem:v32+s15+$0x0] =	vst.idx.add.f32.msk $0xffff, v1  }
0x3a4: {  	v9 =	vcvt.f32.s32 v9;
	v41 =	vtrunc.f32 v22;
	v40 =	vadd.s32 $0x2C58, v13;
	[tilespmem:v34+s15+$0x0] =	vst.idx.add.f32.msk $0xffff, v1  }
0x3a5: {  	v44 =	vtrunc.f32 v24;
	v43 =	vcvt.f32.s32 v41;
	v42 =	vadd.s32 $0x3060, v10;
	[tilespmem:v35+s15+$0x0] =	vst.idx.add.f32.msk $0xffff, v1  }
0x3a6: {  	v47 =	vtrunc.f32 v23;
	v46 =	vcvt.f32.s32 v44;
	v45 =	vadd.s32 $0x3468, v9;
	[tilespmem:v37+s15+$0x0] =	vst.idx.add.f32.msk $0xffff, v1  }
0x3a7: {  	v49 =	vtrunc.f32 v25;
	v48 =	vcvt.f32.s32 v47;
	v10 =	vadd.s32 $0x3870, v43;
	[tilespmem:v11+s15+$0x0] =	vst.idx.add.f32.msk $0xffff, v1  }
0x3a8: {  	v52 =	vtrunc.f32 v26;
	v51 =	vcvt.f32.s32 v49;
	v50 =	vadd.s32 $0x3C78, v46;
	[tilespmem:v39+s15+$0x0] =	vst.idx.add.f32.msk $0xffff, v1  }
0x3a9: {  	v53 =	vbroadcast v27, $0x0;
	v55 =	vcvt.f32.s32 v52;
	v54 =	vadd.s32 $0x4080, v48;
	[tilespmem:v40+s15+$0x0] =	vst.idx.add.f32.msk $0xffff, v1  }
0x3aa: {  	v56 =	vor.u32 s22, v2;
	v57 =	vshll.u32 v18, $0xB;
	v58 =	vadd.s32 $0x4488, v51;
	[tilespmem:v42+s15+$0x0] =	vst.idx.add.f32.msk $0xffff, v1  }
0x3ab: {  	v59 =	vand.u32 $0x7F, v56;
	v60 =	vor.u32 v53, v57;
	v61 =	vadd.s32 $0x4890, v55;
	[tilespmem:v45+s15+$0x0] =	vst.idx.add.f32.msk $0xffff, v1  }
0x3ac: {  	v9 =	vor.u32 v59, v60;
	[tilespmem:v10+s15+$0x0] =	vst.idx.add.f32.msk $0xffff, v1  }
0x3ad: {  	[tilespmem:v50+s15+$0x0] =	vst.idx.add.f32.msk $0xffff, v1  }
0x3ae: {  	[tilespmem:v54+s15+$0x0] =	vst.idx.add.f32.msk $0xffff, v1  }
0x3af: {  	[tilespmem:v58+s15+$0x0] =	vst.idx.add.f32.msk $0xffff, v1  }
0x3b0: {  	[tilespmem:v61+s15+$0x0] =	vst.idx.add.f32.msk $0xffff, v1  }
0x3b1: {  	v5 =	vld.idx.msk [tilespmem:v9+s3+$0x0], $0xffff;
	_ =	sdelay $0x4  }
0x3b2: {  	v5 =	vmul.f32 $1.442695020e+00, v5;
	_ =	sdelay $0x1  }
0x3b3: {  	(erf) = vpow2.f32 v5;
	_ =	sdelay $0x8  }
0x3b4: {  	v4 =	vmul.f32 v21, v4;
	v5 =	vpop (erf)  }
0x3b5: {  	v5 =	vmul.f32 v5, v20  }
0x3b6: {  	v4 =	vsub.f32 $1.000000000e+00, v4  }
0x3b7: {  	v5 =	vsub.f32 $1.000000000e+00, v5  }
0x3b8: {  	v4 =	vmul.f32 $1.024000000e+03, v4  }
0x3b9: {  	v5 =	vmul.f32 $1.024000000e+03, v5  }
0x3ba: {  	v4 =	vtrunc.f32 v4  }
0x3bb: {  	v3 =	vmul.u32 $0x408, v3;
	v4 =	vcvt.f32.s32 v4;
	v5 =	vtrunc.f32 v5  }
0x3bc: {  	v62 =	vmul.u32 $0x408, v18;
	v5 =	vcvt.f32.s32 v5  }
0x3bd: {  	v3 =	vadd.s32 v4, v3  }
0x3be: {  	v3 =	vadd.s32 $0x4C98, v3;
	v63 =	vadd.s32 v5, v62  }
0x3bf: {  	v4 =	vadd.s32 $0x4C98, v63;
	_ =	sdelay $0x3  }
0x3c0: {  	[tilespmem:v3+s15+$0x0] =	vst.idx.add.f32.msk $0xffff, v1  }
0x3c1: {  	[tilespmem:v4+s15+$0x0] =	vst.idx.add.f32.msk $0xffff, v1  }
0x3c2: {  	p0 =	seq.s32 s7, $0x10  }
.Ltmp4:
0x3c3: {  	_ = 	snop;
	(pc) =	sbr.rel @!p0 .LBB2_5-.Ltmp4, $1  }
0x3c4: {  	_ =	sdelay $0x3  }
0x3c5: {  	s5 =	sld [smem:$0x7FC];
	_ =	sdelay $0x1  }
0x3c6: {  	s6 =	simm.s32 $0x80;
	s23 =	simm.s32 $0x3  }
0x3c7: {  	[hbm4b:s5+s6] =	stream.strided.scatter [tilespmem:s15], [sflag:$0x3], $0x9980, s2, s6, $0x38;
	[tilespmem:$0x1D980] =	vst v63  }
0x3c8: {  	_ =	swait.ge [sflag:s23], $0x9980  }
0x3c9: {  	s7 =	sld [smem:$0x7F7]  }
0x3ca: {  	s24 =	sld [smem:$0x7FD];
	_ =	sdelay $0x1  }
0x3cb: {  	s7 =	sadd.s32 $0x1, s7  }
0x3cc: {  	p0 =	sne.s32 s7, s24  }
.Ltmp5:
0x3cd: {  	_ = 	snop;
	(pc) =	sbr.rel @p0 .LBB2_1-.Ltmp5, $3  }
0x3ce: {  	_ =	sdelay $0x1  }
0x3cf: {  	[sflag:s23] =	ssyncset.done $0x0  }
0x3d0: {  	[sflag:s23] =	ssyncadd.s32 $0xFFFF6680  }
0x3d1: {  	_ =	sfence.sel $0x180000  }
0x3d2: {  	[bflag:$0x0] =	sbarrier.arrive $0xFFFF  }
0x3d3: {  	_ =	strace $0x90000047  }
0x3d4: {  	s0 =	stileid.u32;
	[bflag:$0x2] =	sbarrier.arrive $0xFFFF  }
0x3d5: {  	p0 =	sne.s32 s0, $0x0;
	s0 =	rddreg [dreg:$0x3]  }
0x3d6: {  	s0 =	sadd.s32 @!p0 $0x100000, s0  }
0x3d7: {  	[sflag:s0] =	ssyncadd.tile.s32 @!p0 $0x1;
	_ =	shalt  }
.Lfunc_end2:
_tile_overlayer_lowered:
.L_overlay_start_2:
0x3d8: {  	(tag) =	ssettag $0x2  }
0x3d9: {  	s0 =	rddreg [dreg:$0x0];
	s2 =	stileid.u32  }
0x3da: {  	s1 =	rddreg [dreg:$0x1];
	p0 =	sne.s32 s2, $0x0  }
0x3db: {  	s3 =	rddreg [dreg:$0x2];
	[bflag:$0x3] =	sbarrier.arrive $0xFFFF;
	s2 =	simm.s32 @!p0 $0x1C03  }
0x3dc: {  	[timem:s3], [sflag:s2] =	dma.local @!p0 [hbm:s0], s1  }
0x3dd: {  	s0 =	simm.s32 @!p0 $0x3  }
0x3de: {  	_ =	swait.ge @!p0 [sflag:s0], s1  }
0x3df: {  	s1 =	ssub.s32 @!p0 $0x0, s1;
	[sflag:s0] =	ssyncset.done @!p0 $0x0  }
0x3e0: {  	[sflag:s0] =	ssyncadd.s32 @!p0 s1  }
0x3e1: {  	[bflag:$0x3] =	sbarrier.arrive $0xFFFF  }
0x3e2: {  	_ =	shalt  }

</sc_bundles>
